<compile_context>
chip_gen: v7x
topology: tpu7x:2x2x1
jax: 0.10.2.dev20260603
libtpu: 0.0.44.dev20260713+nightly
codegen_flags: <defaults>
</compile_context>

<pallas_src>
import functools

import jax
import jax.numpy as jnp
from jax import lax
from jax.experimental import pallas as pl
from jax.experimental.pallas import tpu as pltpu
from jax.experimental.pallas import tpu_sc as plsc

N = 10000
E = 160000
F = 128
SSG = 16
NSUB = 10000
NSG = NSUB * SSG
ESG = 320000
E2 = 2 * ESG
HL = 128
DEPTH = SSG // 2

NB1 = 10
BN = N // NB1
NB2 = 125
BE = E // NB2
NB3 = 10
BG = NSUB // NB3


def _lrelu(x):
    return jnp.where(x >= 0, x, 0.01 * x)


def _dot(a, b):
    return jax.lax.dot_general(a, b, (((1,), (0,)), ((), ())),
                               preferred_element_type=jnp.float32)


NP = 10240
CP = 128
EB = 512
EBLK = 10
EP = 32 * EBLK * EB


CH1 = NP // 2
AR1 = CH1 + 256


def _sc1_body(xpad_hbm, src_hbm, dst_hbm, zeros_hbm,
              out_hbm, dout_hbm,
              idx_s, idx_d, rows_v, ones_v, dzero, dbuf, sem, acc, dacc):
    c = lax.axis_index("c")
    s = lax.axis_index("s")
    w = c * 16 + s
    for i in range(EB // 16):
        ones_v[pl.ds(i * 16, 16)] = jnp.ones((16,), jnp.float32)
    zlen = AR1 // 16
    for i in range(zlen // 16):
        dzero[pl.ds(i * 16, 16)] = jnp.zeros((16,), jnp.float32)
    for ch in range(2):
        pltpu.sync_copy(zeros_hbm.at[pl.ds(s * (AR1 // 16), AR1 // 16)],
                        acc.at[pl.ds(s * (AR1 // 16), AR1 // 16)])
        pltpu.sync_copy(dzero.at[pl.ds(0, zlen)],
                        dacc.at[pl.ds(s * zlen, zlen)])
        plsc.subcore_barrier()
        for j in range(EBLK):
            pltpu.sync_copy(src_hbm.at[w, pl.ds(j * EB, EB)], idx_s)
            pltpu.sync_copy(dst_hbm.at[ch, w, pl.ds(j * EB, EB)], idx_d)
            pltpu.async_copy(xpad_hbm.at[idx_s], rows_v, sem).wait()
            pltpu.sync_copy(rows_v, acc.at[idx_d], add=True)
            pltpu.sync_copy(ones_v, dacc.at[idx_d], add=True)
        plsc.subcore_barrier()
        pltpu.sync_copy(acc.at[pl.ds(s * (CH1 // 16), CH1 // 16)],
                        out_hbm.at[c, pl.ds(ch * CH1 + s * (CH1 // 16),
                                            CH1 // 16)])

        dseg = CH1 // 16
        pltpu.sync_copy(dacc.at[pl.ds(s * dseg, dseg)],
                        dbuf.at[pl.ds(0, dseg)])
        pltpu.sync_copy(dbuf.at[pl.ds(0, dseg)],
                        dout_hbm.at[pl.ds(c * NP + ch * CH1 + s * dseg, dseg)])
        plsc.subcore_barrier()


@jax.jit
def _sc1(xpad, srcb, dstb, zeros):
    mesh = plsc.VectorSubcoreMesh(core_axis_name="c", subcore_axis_name="s")
    return pl.kernel(
        _sc1_body,
        mesh=mesh,
        out_type=[jax.ShapeDtypeStruct((2, NP, CP), jnp.float32),
                  jax.ShapeDtypeStruct((2 * NP,), jnp.float32)],
        scratch_types=[
            pltpu.VMEM((EB,), jnp.int32),
            pltpu.VMEM((EB,), jnp.int32),
            pltpu.VMEM((EB, CP), jnp.float32),
            pltpu.VMEM((EB,), jnp.float32),
            pltpu.VMEM((AR1 // 16,), jnp.float32),
            pltpu.VMEM((CH1 // 16,), jnp.float32),
            pltpu.SemaphoreType.DMA,
            pltpu.VMEM_SHARED((AR1, CP), jnp.float32),
            pltpu.VMEM_SHARED((AR1,), jnp.float32),
        ],
    )(xpad, srcb, dstb, zeros)


def _k1_body(x_ref, s0_ref, s1_ref, d0_ref, d1_ref,
             ws1, wn1, w0a1, w0b1, b01,
             ws2, wn2, w0a2, w0b2, b02,
             tsrc_ref, tdst_ref):
    x = x_ref[...]
    s = s0_ref[...] + s1_ref[...]
    degc = jnp.maximum(d0_ref[...] + d1_ref[...], 1.0)
    for i, (ws, wn, w0a, w0b, b0) in enumerate(
            ((ws1, wn1, w0a1, w0b1, b01), (ws2, wn2, w0a2, w0b2, b02))):
        h = _lrelu(_dot(x, ws[...]) + _dot(s, wn[...]) / degc)
        tsrc_ref[:, i * HL:(i + 1) * HL] = _dot(h, w0a[...])
        tdst_ref[:, i * HL:(i + 1) * HL] = _dot(h, w0b[...]) + b0[...]


def _k1(x, S0, S1, d0, d1, p1, p2):
    full = pl.BlockSpec((F, F), lambda i: (0, 0))
    vec = pl.BlockSpec((1, HL), lambda i: (0, 0))
    args = []
    specs = []
    for p in (p1, p2):
        args += [p['Ws'], p['Wn'], p['W0'][:F], p['W0'][F:2 * F],
                 p['b0'][None, :]]
        specs += [full, full, full, full, vec]
    return pl.pallas_call(
        _k1_body,
        grid=(NB1,),
        in_specs=[pl.BlockSpec((BN, F), lambda i: (i, 0)),
                  pl.BlockSpec((BN, CP), lambda i: (i, 0)),
                  pl.BlockSpec((BN, CP), lambda i: (i, 0)),
                  pl.BlockSpec((BN, 1), lambda i: (i, 0)),
                  pl.BlockSpec((BN, 1), lambda i: (i, 0))] + specs,
        out_specs=[pl.BlockSpec((BN, 2 * HL), lambda i: (i, 0)),
                   pl.BlockSpec((BN, 2 * HL), lambda i: (i, 0))],
        out_shape=[jax.ShapeDtypeStruct((N, 2 * HL), jnp.float32),
                   jax.ShapeDtypeStruct((N, 2 * HL), jnp.float32)],
    )(x, S0, S1, d0, d1, *args)


def _k2_body(g_ref, ang_ref, act_ref, gt_ref,
             wang1, wact1, w11, b11, wo1, bo1, wh1, bh1,
             wang2, wact2, w12, b12, wo2, bo2, wh2, bh2,
             e1_ref, e2_ref, loss_ref):
    pid = pl.program_id(0)

    @pl.when(pid == 0)
    def _():
        loss_ref[...] = jnp.zeros_like(loss_ref)

    ang = ang_ref[0, 0, :][:, None]
    act = act_ref[0, 0, :][:, None]
    gt = gt_ref[0, 0, :][:, None]
    nets = ((wang1, wact1, w11, b11, wo1, bo1, wh1, bh1, e1_ref, 0),
            (wang2, wact2, w12, b12, wo2, bo2, wh2, bh2, e2_ref, 1))
    losses = []
    for (wang, wact, w1, b1, wo, bo, wh, bh, e_ref, i) in nets:
        z = (g_ref[:, i * HL:(i + 1) * HL]
             + ang * wang[...] + act * wact[...])
        y = _lrelu(_dot(_lrelu(z), w1[...]) + b1[...])
        e = _dot(y, wo[...]) + bo[...]
        e_ref[...] = e
        t = _dot(e, wh[...]) + bh[...]
        p = jax.nn.sigmoid(t)
        losses.append(jnp.sum((p - gt) ** 2))
    loss_ref[...] += jnp.stack(losses)[None, :]


def _k2(gsum, angles, actions, gt, p1, p2):
    full = pl.BlockSpec((F, F), lambda i: (0, 0))
    vec = pl.BlockSpec((1, HL), lambda i: (0, 0))
    col = pl.BlockSpec((F, 1), lambda i: (0, 0))
    one = pl.BlockSpec((1, 1), lambda i: (0, 0))
    args = []
    specs = []
    for p in (p1, p2):
        args += [p['W0'][2 * F][None, :], p['W0'][2 * F + 1][None, :],
                 p['W1'], p['b1'][None, :], p['Wout'], p['bout'][None, :],
                 p['Whead'], p['bhead'][None, :]]
        specs += [vec, vec, full, vec, full, vec, col, one]
    row = pl.BlockSpec((1, 1, BE), lambda i: (i, 0, 0))
    return pl.pallas_call(
        _k2_body,
        grid=(NB2,),
        in_specs=[pl.BlockSpec((BE, 2 * HL), lambda i: (i, 0)),
                  row, row, row] + specs,
        out_specs=[pl.BlockSpec((BE, HL), lambda i: (i, 0)),
                   pl.BlockSpec((BE, HL), lambda i: (i, 0)),
                   pl.BlockSpec((1, 2), lambda i: (0, 0))],
        out_shape=[jax.ShapeDtypeStruct((E, HL), jnp.float32),
                   jax.ShapeDtypeStruct((E, HL), jnp.float32),
                   jax.ShapeDtypeStruct((1, 2), jnp.float32)],
    )(gsum, angles.reshape(NB2, 1, BE), actions.reshape(NB2, 1, BE),
      gt.reshape(NB2, 1, BE), *args)


def _k3_body(x1_ref, x2_ref,
             w01, b01, w11, b11, w21, b21,
             w02, b02, w12, b12, w22, b22,
             q1_ref, q2_ref):
    nets = ((x1_ref, w01, b01, w11, b11, w21, b21, q1_ref),
            (x2_ref, w02, b02, w12, b12, w22, b22, q2_ref))
    for (x_ref, w0, b0, w1, b1, w2, b2, q_ref) in nets:
        m = jnp.mean(x_ref[...], axis=1)
        h = _lrelu(_dot(m, w0[...]) + b0[...])
        h = _lrelu(_dot(h, w1[...]) + b1[...])
        q_ref[...] = _dot(h, w2[...]) + b2[...]


def _k3(X1, X2, v1, v2):
    full = pl.BlockSpec((F, HL), lambda i: (0, 0))
    vec = pl.BlockSpec((1, HL), lambda i: (0, 0))
    col = pl.BlockSpec((HL, 1), lambda i: (0, 0))
    one = pl.BlockSpec((1, 1), lambda i: (0, 0))
    args = []
    specs = []
    for v in (v1, v2):
        args += [v['W0'], v['b0'][None, :], v['W1'], v['b1'][None, :],
                 v['W2'], v['b2'][None, :]]
        specs += [full, vec, full, vec, col, one]
    x_spec = pl.BlockSpec((BG, SSG, F), lambda i: (i, 0, 0))
    return pl.pallas_call(
        _k3_body,
        grid=(NB3,),
        in_specs=[x_spec, x_spec] + specs,
        out_specs=[pl.BlockSpec((BG, 1), lambda i: (i, 0)),
                   pl.BlockSpec((BG, 1), lambda i: (i, 0))],
        out_shape=[jax.ShapeDtypeStruct((NSUB, 1), jnp.float32),
                   jax.ShapeDtypeStruct((NSUB, 1), jnp.float32)],
    )(X1.reshape(NSUB, SSG, F), X2.reshape(NSUB, SSG, F), *args)


def kernel(node_features, actions, edge_index, angles, sub_graphs,
           sep_subgraphs, gt_edges, post_input, p_gcn1_1, p_gcn2_1,
           p_gcn1_2_0, p_gcn2_2_0, p_value1, p_value2):
    x = node_features
    src, dst = edge_index[0], edge_index[1]

    xpad = jnp.zeros((NP, CP), jnp.float32).at[:N].set(x)
    pad_idx = N + (jnp.arange(EP - E, dtype=jnp.int32) % 8)
    srcb = jnp.concatenate([src, pad_idx]).reshape(32, EBLK * EB)
    dst_all = jnp.concatenate([dst, pad_idx])
    dumm = CH1 + (jnp.arange(EP, dtype=jnp.int32) % 8)
    dstb = jnp.stack([
        jnp.where((dst_all >= ch * CH1) & (dst_all < (ch + 1) * CH1),
                  dst_all - ch * CH1, dumm).reshape(32, EBLK * EB)
        for ch in range(2)])
    Sp, Dpf = _sc1(xpad, srcb, dstb, jnp.zeros((AR1, CP), jnp.float32))
    Dp = Dpf.reshape(2, NP)

    tsrc, tdst = _k1(x, Sp[0], Sp[1], Dp[0][:, None], Dp[1][:, None],
                     p_gcn1_1, p_gcn2_1)

    gsum = jnp.take(tsrc, src, axis=0) + jnp.take(tdst, dst, axis=0)

    e1, e2, loss = _k2(gsum, angles, actions, gt_edges, p_gcn1_1, p_gcn2_1)
    side = (loss[0, 0] + loss[0, 1]) / jnp.float32(E)

    X1 = jnp.take(e1, sub_graphs, axis=0)
    X2 = jnp.take(e2, sub_graphs, axis=0)

    src2 = jnp.concatenate([sep_subgraphs[0], sep_subgraphs[1]])
    dst2 = jnp.concatenate([sep_subgraphs[1], sep_subgraphs[0]])
    deg2raw = jax.ops.segment_sum(jnp.ones((E2,), jnp.float32), dst2,
                                  num_segments=NSG)
    deg2 = jnp.maximum(deg2raw, 1.0)[:, None]
    hb = (deg2raw > 0).astype(jnp.float32)[:, None]
    X = jnp.concatenate([X1, X2], axis=1)
    wcat = jnp.concatenate([p_gcn1_2_0['w'], p_gcn2_2_0['w']])
    bcat = jnp.concatenate([p_gcn1_2_0['b'], p_gcn2_2_0['b']])
    for _ in range(DEPTH):
        Ssub = jax.ops.segment_sum(jnp.take(X, src2, axis=0), dst2,
                                   num_segments=NSG)
        X = _lrelu(X + (Ssub * wcat) / deg2 + hb * bcat)

    q1, q2 = _k3(X[:, :F], X[:, F:], p_value1, p_value2)
    return (q1[:, 0], q2[:, 0], side / 4.0)

# --- scband reference (transcript-rebuilt; emitter-appended) ---
"""Pipeline reference for scband-double-qvalue-net-37005438222966 (READ-ONLY COPY).

The authoritative reference and input builder live on the scoring server;
editing this copy changes nothing except your own understanding.
"""

import jax, jax.numpy as jnp
import numpy as np

N = 10000
E = 160000
F = 128
SSG = 16
NSUB = 10000
NSG = NSUB * SSG
ESG = 320000
HL = 128
NCLS = 1
DEPTH = SSG // 2


def _lrelu(x):
    return jax.nn.leaky_relu(x, 0.01)


def _qp(key):
    k = jax.random.split(key, 6)
    return {
        'Wn': jax.random.normal(k[0], (F, F), jnp.float32) * 0.05,
        'Ws': jax.random.normal(k[1], (F, F), jnp.float32) * 0.05,
        'W0': jax.random.normal(k[2], (2 * F + 2, HL), jnp.float32) * 0.05,
        'b0': jnp.zeros((HL,), jnp.float32),
        'W1': jax.random.normal(k[3], (HL, HL), jnp.float32) * 0.05,
        'b1': jnp.zeros((HL,), jnp.float32),
        'Wout': jax.random.normal(k[4], (HL, F), jnp.float32) * 0.05,
        'bout': jnp.zeros((F,), jnp.float32),
        'Whead': jax.random.normal(k[5], (F, 1), jnp.float32) * 0.05,
        'bhead': jnp.zeros((1,), jnp.float32),
    }


def _gp(key):
    k = jax.random.split(key, 2)
    return {'w': jax.random.normal(k[0], (F,), jnp.float32) * 0.05,
            'b': jnp.zeros((F,), jnp.float32)}


def _vp(key):
    k = jax.random.split(key, 3)
    return {'W0': jax.random.normal(k[0], (F, HL), jnp.float32) * 0.05,
            'b0': jnp.zeros((HL,), jnp.float32),
            'W1': jax.random.normal(k[1], (HL, HL), jnp.float32) * 0.05,
            'b1': jnp.zeros((HL,), jnp.float32),
            'W2': jax.random.normal(k[2], (HL, NCLS), jnp.float32) * 0.05,
            'b2': jnp.zeros((NCLS,), jnp.float32)}


def _qgcnn(p, x, edge_index, angles, actions, gt_edges, n_nodes):
    src = edge_index[0]
    dst = edge_index[1]
    msg = jnp.take(x @ p['Wn'], src, axis=0)
    agg = jax.ops.segment_sum(msg, dst, num_segments=n_nodes)
    deg = jax.ops.segment_sum(jnp.ones((src.shape[0],), jnp.float32), dst, num_segments=n_nodes)
    h = _lrelu(x @ p['Ws'] + agg / jnp.maximum(deg, 1.0)[:, None])
    e = jnp.concatenate([jnp.take(h, src, axis=0), jnp.take(h, dst, axis=0), angles[:, None], actions], axis=-1)
    e = _lrelu(e @ p['W0'] + p['b0'])
    e = _lrelu(e @ p['W1'] + p['b1'])
    e = e @ p['Wout'] + p['bout']
    pred = jax.nn.sigmoid(e @ p['Whead'] + p['bhead'])[:, 0]
    side_loss = jnp.mean((pred - gt_edges) ** 2)
    return e, side_loss


def _global_edge_gcnn(p, x, sg_edges, n_nodes):
    src = sg_edges[0]
    dst = sg_edges[1]
    deg = jnp.maximum(jax.ops.segment_sum(jnp.ones((src.shape[0],), jnp.float32), dst, num_segments=n_nodes), 1.0)[:, None]
    for _ in range(DEPTH):
        msg = jnp.take(x, src, axis=0) * p['w'] + p['b']
        agg = jax.ops.segment_sum(msg, dst, num_segments=n_nodes)
        x = _lrelu(x + agg / deg)
    return x, jnp.float32(0.0)


def _value(p, x):
    x = _lrelu(x @ p['W0'] + p['b0'])
    x = _lrelu(x @ p['W1'] + p['b1'])
    return x @ p['W2'] + p['b2']


def setup_inputs(seed: int = 0):
    key = jax.random.key(seed)
    ks = jax.random.split(key, 14)
    return {
        'node_features': jax.random.normal(ks[0], (N, F), jnp.float32),
        'actions': jax.random.uniform(ks[1], (E,), jnp.float32),
        'edge_index': jax.random.randint(ks[2], (2, E), 0, N),
        'angles': jax.random.uniform(ks[3], (E,), jnp.float32),
        'sub_graphs': jax.random.randint(ks[4], (NSG,), 0, E),
        'sep_subgraphs': jax.random.randint(ks[5], (2, ESG), 0, NSG),
        'gt_edges': jax.random.uniform(ks[6], (E,), jnp.float32),
        'post_input': False,
        'p_gcn1_1': _qp(ks[7]),
        'p_gcn2_1': _qp(ks[8]),
        'p_gcn1_2_0': _gp(ks[9]),
        'p_gcn2_2_0': _gp(ks[10]),
        'p_value1': _vp(ks[11]),
        'p_value2': _vp(ks[12]),
    }


def reference(node_features, actions, edge_index, angles, sub_graphs, sep_subgraphs, gt_edges, post_input, p_gcn1_1, p_gcn2_1, p_gcn1_2_0, p_gcn2_2_0, p_value1, p_value2):
    a = actions[:, None]
    e1, sl1 = _qgcnn(p_gcn1_1, node_features, edge_index, angles, a, gt_edges, N)
    e2, sl2 = _qgcnn(p_gcn2_1, node_features, edge_index, angles, a, gt_edges, N)
    side = sl1 + sl2
    sub1 = jnp.take(e1, sub_graphs, axis=0)
    sub2 = jnp.take(e2, sub_graphs, axis=0)
    sg_edges = jnp.concatenate([sep_subgraphs, jnp.stack([sep_subgraphs[1], sep_subgraphs[0]], axis=0)], axis=1)
    sub1, s1 = _global_edge_gcnn(p_gcn1_2_0, sub1, sg_edges, NSG)
    side = side + s1
    sub2, s2 = _global_edge_gcnn(p_gcn2_2_0, sub2, sg_edges, NSG)
    side = side + s2
    q1 = _value(p_value1, sub1.reshape(-1, SSG, F).mean(axis=1))[:, 0]
    q2 = _value(p_value2, sub2.reshape(-1, SSG, F).mean(axis=1))[:, 0]
    return (q1, q2, side / 4.0)

if __name__ == "__main__":
    import jax
    _d = setup_inputs()
    print(jax.jit(kernel)(*tuple(_d.values())))

</pallas_src>

<mosaic_0001>
#map = affine_map<(d0, d1) -> (0, 0)>
#map1 = affine_map<(d0, d1) -> (0, 0, 0)>
#map2 = affine_map<(d0, d1) -> (0)>
module attributes {stable_mosaic.version = 14 : i64} {
  func.func @_sc1_body(%arg0: i32, %arg1: i32, %arg2: memref<10240x128xf32, #tpu.memory_space<hbm>>, %arg3: memref<32x5120xi32, #tpu.memory_space<hbm>>, %arg4: memref<2x32x5120xi32, #tpu.memory_space<hbm>>, %arg5: memref<5376x128xf32, #tpu.memory_space<hbm>>, %arg6: memref<2x10240x128xf32, #tpu.memory_space<hbm>>, %arg7: memref<20480xf32, #tpu.memory_space<hbm>>, %arg8: memref<512xi32, #tpu.memory_space<vmem>>, %arg9: memref<512xi32, #tpu.memory_space<vmem>>, %arg10: memref<512x128xf32, #tpu.memory_space<vmem>>, %arg11: memref<512xf32, #tpu.memory_space<vmem>>, %arg12: memref<336xf32, #tpu.memory_space<vmem>>, %arg13: memref<320xf32, #tpu.memory_space<vmem>>, %arg14: memref<!tpu.dma_semaphore, #tpu.memory_space<semaphore_mem>>, %arg15: memref<5376x128xf32, #tpu.memory_space<vmem_shared>>, %arg16: memref<5376xf32, #tpu.memory_space<vmem_shared>>) attributes {dimension_semantics = [#tpu.dimension_semantics<core_parallel>, #tpu.dimension_semantics<subcore_parallel>], iteration_bounds = array<i64: 2, 16>, scalar_prefetch = 0 : i64, scratch_operands = 9 : i64, tpu.core_type = #tpu.core_type<sc_vector_subcore>, window_params = [{transform_indices = #map}, {transform_indices = #map}, {transform_indices = #map1}, {transform_indices = #map}, {transform_indices = #map1}, {transform_indices = #map2}]} {
    %mul3A = arith.constant 16 : i32
    %mul3A_0 = arith.muli %arg0, %mul3A : i32
    %add3A = arith.addi %mul3A_0, %arg1 : i32
    %broadcast_in_dim3A = arith.constant 1.000000e+00 : f32
    %broadcast_in_dim3A_1 = vector.broadcast %broadcast_in_dim3A : f32 to vector<16xf32>
    %swap3A = arith.constant 0 : index
    %swap3A_2 = tpu.vector_load %arg11[%swap3A] {strides = array<i32>} : memref<512xf32, #tpu.memory_space<vmem>>, vector<16xf32>,
    %swap3A_3 = vector.shape_cast %swap3A_2 : vector<16xf32> to vector<16xf32>
    %swap3A_4 = vector.shape_cast %broadcast_in_dim3A_1 : vector<16xf32> to vector<16xf32>
    tpu.vector_store %arg11[%swap3A], %swap3A_4 {strides = array<i32>} : memref<512xf32, #tpu.memory_space<vmem>>, vector<16xf32>,
    %broadcast_in_dim3A_5 = arith.constant 1.000000e+00 : f32
    %broadcast_in_dim3A_6 = vector.broadcast %broadcast_in_dim3A_5 : f32 to vector<16xf32>
    %swap3A_7 = arith.constant 16 : index
    %swap3A_8 = tpu.vector_load %arg11[%swap3A_7] {strides = array<i32>} : memref<512xf32, #tpu.memory_space<vmem>>, vector<16xf32>,
    %swap3A_9 = vector.shape_cast %swap3A_8 : vector<16xf32> to vector<16xf32>
    %swap3A_10 = vector.shape_cast %broadcast_in_dim3A_6 : vector<16xf32> to vector<16xf32>
    tpu.vector_store %arg11[%swap3A_7], %swap3A_10 {strides = array<i32>} : memref<512xf32, #tpu.memory_space<vmem>>, vector<16xf32>,
    %broadcast_in_dim3A_11 = arith.constant 1.000000e+00 : f32
    %broadcast_in_dim3A_12 = vector.broadcast %broadcast_in_dim3A_11 : f32 to vector<16xf32>
    %swap3A_13 = arith.constant 32 : index
    %swap3A_14 = tpu.vector_load %arg11[%swap3A_13] {strides = array<i32>} : memref<512xf32, #tpu.memory_space<vmem>>, vector<16xf32>,
    %swap3A_15 = vector.shape_cast %swap3A_14 : vector<16xf32> to vector<16xf32>
    %swap3A_16 = vector.shape_cast %broadcast_in_dim3A_12 : vector<16xf32> to vector<16xf32>
    tpu.vector_store %arg11[%swap3A_13], %swap3A_16 {strides = array<i32>} : memref<512xf32, #tpu.memory_space<vmem>>, vector<16xf32>,
    %broadcast_in_dim3A_17 = arith.constant 1.000000e+00 : f32
    %broadcast_in_dim3A_18 = vector.broadcast %broadcast_in_dim3A_17 : f32 to vector<16xf32>
    %swap3A_19 = arith.constant 48 : index
    %swap3A_20 = tpu.vector_load %arg11[%swap3A_19] {strides = array<i32>} : memref<512xf32, #tpu.memory_space<vmem>>, vector<16xf32>,
    %swap3A_21 = vector.shape_cast %swap3A_20 : vector<16xf32> to vector<16xf32>
    %swap3A_22 = vector.shape_cast %broadcast_in_dim3A_18 : vector<16xf32> to vector<16xf32>
    tpu.vector_store %arg11[%swap3A_19], %swap3A_22 {strides = array<i32>} : memref<512xf32, #tpu.memory_space<vmem>>, vector<16xf32>,
    %broadcast_in_dim3A_23 = arith.constant 1.000000e+00 : f32
    %broadcast_in_dim3A_24 = vector.broadcast %broadcast_in_dim3A_23 : f32 to vector<16xf32>
    %swap3A_25 = arith.constant 64 : index
    %swap3A_26 = tpu.vector_load %arg11[%swap3A_25] {strides = array<i32>} : memref<512xf32, #tpu.memory_space<vmem>>, vector<16xf32>,
    %swap3A_27 = vector.shape_cast %swap3A_26 : vector<16xf32> to vector<16xf32>
    %swap3A_28 = vector.shape_cast %broadcast_in_dim3A_24 : vector<16xf32> to vector<16xf32>
    tpu.vector_store %arg11[%swap3A_25], %swap3A_28 {strides = array<i32>} : memref<512xf32, #tpu.memory_space<vmem>>, vector<16xf32>,
    %broadcast_in_dim3A_29 = arith.constant 1.000000e+00 : f32
    %broadcast_in_dim3A_30 = vector.broadcast %broadcast_in_dim3A_29 : f32 to vector<16xf32>
    %swap3A_31 = arith.constant 80 : index
    %swap3A_32 = tpu.vector_load %arg11[%swap3A_31] {strides = array<i32>} : memref<512xf32, #tpu.memory_space<vmem>>, vector<16xf32>,
    %swap3A_33 = vector.shape_cast %swap3A_32 : vector<16xf32> to vector<16xf32>
    %swap3A_34 = vector.shape_cast %broadcast_in_dim3A_30 : vector<16xf32> to vector<16xf32>
    tpu.vector_store %arg11[%swap3A_31], %swap3A_34 {strides = array<i32>} : memref<512xf32, #tpu.memory_space<vmem>>, vector<16xf32>,
    %broadcast_in_dim3A_35 = arith.constant 1.000000e+00 : f32
    %broadcast_in_dim3A_36 = vector.broadcast %broadcast_in_dim3A_35 : f32 to vector<16xf32>
    %swap3A_37 = arith.constant 96 : index
    %swap3A_38 = tpu.vector_load %arg11[%swap3A_37] {strides = array<i32>} : memref<512xf32, #tpu.memory_space<vmem>>, vector<16xf32>,
    %swap3A_39 = vector.shape_cast %swap3A_38 : vector<16xf32> to vector<16xf32>
    %swap3A_40 = vector.shape_cast %broadcast_in_dim3A_36 : vector<16xf32> to vector<16xf32>
    tpu.vector_store %arg11[%swap3A_37], %swap3A_40 {strides = array<i32>} : memref<512xf32, #tpu.memory_space<vmem>>, vector<16xf32>,
    %broadcast_in_dim3A_41 = arith.constant 1.000000e+00 : f32
    %broadcast_in_dim3A_42 = vector.broadcast %broadcast_in_dim3A_41 : f32 to vector<16xf32>
    %swap3A_43 = arith.constant 112 : index
    %swap3A_44 = tpu.vector_load %arg11[%swap3A_43] {strides = array<i32>} : memref<512xf32, #tpu.memory_space<vmem>>, vector<16xf32>,
    %swap3A_45 = vector.shape_cast %swap3A_44 : vector<16xf32> to vector<16xf32>
    %swap3A_46 = vector.shape_cast %broadcast_in_dim3A_42 : vector<16xf32> to vector<16xf32>
    tpu.vector_store %arg11[%swap3A_43], %swap3A_46 {strides = array<i32>} : memref<512xf32, #tpu.memory_space<vmem>>, vector<16xf32>,
    %broadcast_in_dim3A_47 = arith.constant 1.000000e+00 : f32
    %broadcast_in_dim3A_48 = vector.broadcast %broadcast_in_dim3A_47 : f32 to vector<16xf32>
    %swap3A_49 = arith.constant 128 : index
    %swap3A_50 = tpu.vector_load %arg11[%swap3A_49] {strides = array<i32>} : memref<512xf32, #tpu.memory_space<vmem>>, vector<16xf32>,
    %swap3A_51 = vector.shape_cast %swap3A_50 : vector<16xf32> to vector<16xf32>
    %swap3A_52 = vector.shape_cast %broadcast_in_dim3A_48 : vector<16xf32> to vector<16xf32>
    tpu.vector_store %arg11[%swap3A_49], %swap3A_52 {strides = array<i32>} : memref<512xf32, #tpu.memory_space<vmem>>, vector<16xf32>,
    %broadcast_in_dim3A_53 = arith.constant 1.000000e+00 : f32
    %broadcast_in_dim3A_54 = vector.broadcast %broadcast_in_dim3A_53 : f32 to vector<16xf32>
    %swap3A_55 = arith.constant 144 : index
    %swap3A_56 = tpu.vector_load %arg11[%swap3A_55] {strides = array<i32>} : memref<512xf32, #tpu.memory_space<vmem>>, vector<16xf32>,
    %swap3A_57 = vector.shape_cast %swap3A_56 : vector<16xf32> to vector<16xf32>
    %swap3A_58 = vector.shape_cast %broadcast_in_dim3A_54 : vector<16xf32> to vector<16xf32>
    tpu.vector_store %arg11[%swap3A_55], %swap3A_58 {strides = array<i32>} : memref<512xf32, #tpu.memory_space<vmem>>, vector<16xf32>,
    %broadcast_in_dim3A_59 = arith.constant 1.000000e+00 : f32
    %broadcast_in_dim3A_60 = vector.broadcast %broadcast_in_dim3A_59 : f32 to vector<16xf32>
    %swap3A_61 = arith.constant 160 : index
    %swap3A_62 = tpu.vector_load %arg11[%swap3A_61] {strides = array<i32>} : memref<512xf32, #tpu.memory_space<vmem>>, vector<16xf32>,
    %swap3A_63 = vector.shape_cast %swap3A_62 : vector<16xf32> to vector<16xf32>
    %swap3A_64 = vector.shape_cast %broadcast_in_dim3A_60 : vector<16xf32> to vector<16xf32>
    tpu.vector_store %arg11[%swap3A_61], %swap3A_64 {strides = array<i32>} : memref<512xf32, #tpu.memory_space<vmem>>, vector<16xf32>,
    %broadcast_in_dim3A_65 = arith.constant 1.000000e+00 : f32
    %broadcast_in_dim3A_66 = vector.broadcast %broadcast_in_dim3A_65 : f32 to vector<16xf32>
    %swap3A_67 = arith.constant 176 : index
    %swap3A_68 = tpu.vector_load %arg11[%swap3A_67] {strides = array<i32>} : memref<512xf32, #tpu.memory_space<vmem>>, vector<16xf32>,
    %swap3A_69 = vector.shape_cast %swap3A_68 : vector<16xf32> to vector<16xf32>
    %swap3A_70 = vector.shape_cast %broadcast_in_dim3A_66 : vector<16xf32> to vector<16xf32>
    tpu.vector_store %arg11[%swap3A_67], %swap3A_70 {strides = array<i32>} : memref<512xf32, #tpu.memory_space<vmem>>, vector<16xf32>,
    %broadcast_in_dim3A_71 = arith.constant 1.000000e+00 : f32
    %broadcast_in_dim3A_72 = vector.broadcast %broadcast_in_dim3A_71 : f32 to vector<16xf32>
    %swap3A_73 = arith.constant 192 : index
    %swap3A_74 = tpu.vector_load %arg11[%swap3A_73] {strides = array<i32>} : memref<512xf32, #tpu.memory_space<vmem>>, vector<16xf32>,
    %swap3A_75 = vector.shape_cast %swap3A_74 : vector<16xf32> to vector<16xf32>
    %swap3A_76 = vector.shape_cast %broadcast_in_dim3A_72 : vector<16xf32> to vector<16xf32>
    tpu.vector_store %arg11[%swap3A_73], %swap3A_76 {strides = array<i32>} : memref<512xf32, #tpu.memory_space<vmem>>, vector<16xf32>,
    %broadcast_in_dim3A_77 = arith.constant 1.000000e+00 : f32
    %broadcast_in_dim3A_78 = vector.broadcast %broadcast_in_dim3A_77 : f32 to vector<16xf32>
    %swap3A_79 = arith.constant 208 : index
    %swap3A_80 = tpu.vector_load %arg11[%swap3A_79] {strides = array<i32>} : memref<512xf32, #tpu.memory_space<vmem>>, vector<16xf32>,
    %swap3A_81 = vector.shape_cast %swap3A_80 : vector<16xf32> to vector<16xf32>
    %swap3A_82 = vector.shape_cast %broadcast_in_dim3A_78 : vector<16xf32> to vector<16xf32>
    tpu.vector_store %arg11[%swap3A_79], %swap3A_82 {strides = array<i32>} : memref<512xf32, #tpu.memory_space<vmem>>, vector<16xf32>,
    %broadcast_in_dim3A_83 = arith.constant 1.000000e+00 : f32
    %broadcast_in_dim3A_84 = vector.broadcast %broadcast_in_dim3A_83 : f32 to vector<16xf32>
    %swap3A_85 = arith.constant 224 : index
    %swap3A_86 = tpu.vector_load %arg11[%swap3A_85] {strides = array<i32>} : memref<512xf32, #tpu.memory_space<vmem>>, vector<16xf32>,
    %swap3A_87 = vector.shape_cast %swap3A_86 : vector<16xf32> to vector<16xf32>
    %swap3A_88 = vector.shape_cast %broadcast_in_dim3A_84 : vector<16xf32> to vector<16xf32>
    tpu.vector_store %arg11[%swap3A_85], %swap3A_88 {strides = array<i32>} : memref<512xf32, #tpu.memory_space<vmem>>, vector<16xf32>,
    %broadcast_in_dim3A_89 = arith.constant 1.000000e+00 : f32
    %broadcast_in_dim3A_90 = vector.broadcast %broadcast_in_dim3A_89 : f32 to vector<16xf32>
    %swap3A_91 = arith.constant 240 : index
    %swap3A_92 = tpu.vector_load %arg11[%swap3A_91] {strides = array<i32>} : memref<512xf32, #tpu.memory_space<vmem>>, vector<16xf32>,
    %swap3A_93 = vector.shape_cast %swap3A_92 : vector<16xf32> to vector<16xf32>
    %swap3A_94 = vector.shape_cast %broadcast_in_dim3A_90 : vector<16xf32> to vector<16xf32>
    tpu.vector_store %arg11[%swap3A_91], %swap3A_94 {strides = array<i32>} : memref<512xf32, #tpu.memory_space<vmem>>, vector<16xf32>,
    %broadcast_in_dim3A_95 = arith.constant 1.000000e+00 : f32
    %broadcast_in_dim3A_96 = vector.broadcast %broadcast_in_dim3A_95 : f32 to vector<16xf32>
    %swap3A_97 = arith.constant 256 : index
    %swap3A_98 = tpu.vector_load %arg11[%swap3A_97] {strides = array<i32>} : memref<512xf32, #tpu.memory_space<vmem>>, vector<16xf32>,
    %swap3A_99 = vector.shape_cast %swap3A_98 : vector<16xf32> to vector<16xf32>
    %swap3A_100 = vector.shape_cast %broadcast_in_dim3A_96 : vector<16xf32> to vector<16xf32>
    tpu.vector_store %arg11[%swap3A_97], %swap3A_100 {strides = array<i32>} : memref<512xf32, #tpu.memory_space<vmem>>, vector<16xf32>,
    %broadcast_in_dim3A_101 = arith.constant 1.000000e+00 : f32
    %broadcast_in_dim3A_102 = vector.broadcast %broadcast_in_dim3A_101 : f32 to vector<16xf32>
    %swap3A_103 = arith.constant 272 : index
    %swap3A_104 = tpu.vector_load %arg11[%swap3A_103] {strides = array<i32>} : memref<512xf32, #tpu.memory_space<vmem>>, vector<16xf32>,
    %swap3A_105 = vector.shape_cast %swap3A_104 : vector<16xf32> to vector<16xf32>
    %swap3A_106 = vector.shape_cast %broadcast_in_dim3A_102 : vector<16xf32> to vector<16xf32>
    tpu.vector_store %arg11[%swap3A_103], %swap3A_106 {strides = array<i32>} : memref<512xf32, #tpu.memory_space<vmem>>, vector<16xf32>,
    %broadcast_in_dim3A_107 = arith.constant 1.000000e+00 : f32
    %broadcast_in_dim3A_108 = vector.broadcast %broadcast_in_dim3A_107 : f32 to vector<16xf32>
    %swap3A_109 = arith.constant 288 : index
    %swap3A_110 = tpu.vector_load %arg11[%swap3A_109] {strides = array<i32>} : memref<512xf32, #tpu.memory_space<vmem>>, vector<16xf32>,
    %swap3A_111 = vector.shape_cast %swap3A_110 : vector<16xf32> to vector<16xf32>
    %swap3A_112 = vector.shape_cast %broadcast_in_dim3A_108 : vector<16xf32> to vector<16xf32>
    tpu.vector_store %arg11[%swap3A_109], %swap3A_112 {strides = array<i32>} : memref<512xf32, #tpu.memory_space<vmem>>, vector<16xf32>,
    %broadcast_in_dim3A_113 = arith.constant 1.000000e+00 : f32
    %broadcast_in_dim3A_114 = vector.broadcast %broadcast_in_dim3A_113 : f32 to vector<16xf32>
    %swap3A_115 = arith.constant 304 : index
    %swap3A_116 = tpu.vector_load %arg11[%swap3A_115] {strides = array<i32>} : memref<512xf32, #tpu.memory_space<vmem>>, vector<16xf32>,
    %swap3A_117 = vector.shape_cast %swap3A_116 : vector<16xf32> to vector<16xf32>
    %swap3A_118 = vector.shape_cast %broadcast_in_dim3A_114 : vector<16xf32> to vector<16xf32>
    tpu.vector_store %arg11[%swap3A_115], %swap3A_118 {strides = array<i32>} : memref<512xf32, #tpu.memory_space<vmem>>, vector<16xf32>,
    %broadcast_in_dim3A_119 = arith.constant 1.000000e+00 : f32
    %broadcast_in_dim3A_120 = vector.broadcast %broadcast_in_dim3A_119 : f32 to vector<16xf32>
    %swap3A_121 = arith.constant 320 : index
    %swap3A_122 = tpu.vector_load %arg11[%swap3A_121] {strides = array<i32>} : memref<512xf32, #tpu.memory_space<vmem>>, vector<16xf32>,
    %swap3A_123 = vector.shape_cast %swap3A_122 : vector<16xf32> to vector<16xf32>
    %swap3A_124 = vector.shape_cast %broadcast_in_dim3A_120 : vector<16xf32> to vector<16xf32>
    tpu.vector_store %arg11[%swap3A_121], %swap3A_124 {strides = array<i32>} : memref<512xf32, #tpu.memory_space<vmem>>, vector<16xf32>,
    %broadcast_in_dim3A_125 = arith.constant 1.000000e+00 : f32
    %broadcast_in_dim3A_126 = vector.broadcast %broadcast_in_dim3A_125 : f32 to vector<16xf32>
    %swap3A_127 = arith.constant 336 : index
    %swap3A_128 = tpu.vector_load %arg11[%swap3A_127] {strides = array<i32>} : memref<512xf32, #tpu.memory_space<vmem>>, vector<16xf32>,
    %swap3A_129 = vector.shape_cast %swap3A_128 : vector<16xf32> to vector<16xf32>
    %swap3A_130 = vector.shape_cast %broadcast_in_dim3A_126 : vector<16xf32> to vector<16xf32>
    tpu.vector_store %arg11[%swap3A_127], %swap3A_130 {strides = array<i32>} : memref<512xf32, #tpu.memory_space<vmem>>, vector<16xf32>,
    %broadcast_in_dim3A_131 = arith.constant 1.000000e+00 : f32
    %broadcast_in_dim3A_132 = vector.broadcast %broadcast_in_dim3A_131 : f32 to vector<16xf32>
    %swap3A_133 = arith.constant 352 : index
    %swap3A_134 = tpu.vector_load %arg11[%swap3A_133] {strides = array<i32>} : memref<512xf32, #tpu.memory_space<vmem>>, vector<16xf32>,
    %swap3A_135 = vector.shape_cast %swap3A_134 : vector<16xf32> to vector<16xf32>
    %swap3A_136 = vector.shape_cast %broadcast_in_dim3A_132 : vector<16xf32> to vector<16xf32>
    tpu.vector_store %arg11[%swap3A_133], %swap3A_136 {strides = array<i32>} : memref<512xf32, #tpu.memory_space<vmem>>, vector<16xf32>,
    %broadcast_in_dim3A_137 = arith.constant 1.000000e+00 : f32
    %broadcast_in_dim3A_138 = vector.broadcast %broadcast_in_dim3A_137 : f32 to vector<16xf32>
    %swap3A_139 = arith.constant 368 : index
    %swap3A_140 = tpu.vector_load %arg11[%swap3A_139] {strides = array<i32>} : memref<512xf32, #tpu.memory_space<vmem>>, vector<16xf32>,
    %swap3A_141 = vector.shape_cast %swap3A_140 : vector<16xf32> to vector<16xf32>
    %swap3A_142 = vector.shape_cast %broadcast_in_dim3A_138 : vector<16xf32> to vector<16xf32>
    tpu.vector_store %arg11[%swap3A_139], %swap3A_142 {strides = array<i32>} : memref<512xf32, #tpu.memory_space<vmem>>, vector<16xf32>,
    %broadcast_in_dim3A_143 = arith.constant 1.000000e+00 : f32
    %broadcast_in_dim3A_144 = vector.broadcast %broadcast_in_dim3A_143 : f32 to vector<16xf32>
    %swap3A_145 = arith.constant 384 : index
    %swap3A_146 = tpu.vector_load %arg11[%swap3A_145] {strides = array<i32>} : memref<512xf32, #tpu.memory_space<vmem>>, vector<16xf32>,
    %swap3A_147 = vector.shape_cast %swap3A_146 : vector<16xf32> to vector<16xf32>
    %swap3A_148 = vector.shape_cast %broadcast_in_dim3A_144 : vector<16xf32> to vector<16xf32>
    tpu.vector_store %arg11[%swap3A_145], %swap3A_148 {strides = array<i32>} : memref<512xf32, #tpu.memory_space<vmem>>, vector<16xf32>,
    %broadcast_in_dim3A_149 = arith.constant 1.000000e+00 : f32
    %broadcast_in_dim3A_150 = vector.broadcast %broadcast_in_dim3A_149 : f32 to vector<16xf32>
    %swap3A_151 = arith.constant 400 : index
    %swap3A_152 = tpu.vector_load %arg11[%swap3A_151] {strides = array<i32>} : memref<512xf32, #tpu.memory_space<vmem>>, vector<16xf32>,
    %swap3A_153 = vector.shape_cast %swap3A_152 : vector<16xf32> to vector<16xf32>
    %swap3A_154 = vector.shape_cast %broadcast_in_dim3A_150 : vector<16xf32> to vector<16xf32>
    tpu.vector_store %arg11[%swap3A_151], %swap3A_154 {strides = array<i32>} : memref<512xf32, #tpu.memory_space<vmem>>, vector<16xf32>,
    %broadcast_in_dim3A_155 = arith.constant 1.000000e+00 : f32
    %broadcast_in_dim3A_156 = vector.broadcast %broadcast_in_dim3A_155 : f32 to vector<16xf32>
    %swap3A_157 = arith.constant 416 : index
    %swap3A_158 = tpu.vector_load %arg11[%swap3A_157] {strides = array<i32>} : memref<512xf32, #tpu.memory_space<vmem>>, vector<16xf32>,
    %swap3A_159 = vector.shape_cast %swap3A_158 : vector<16xf32> to vector<16xf32>
    %swap3A_160 = vector.shape_cast %broadcast_in_dim3A_156 : vector<16xf32> to vector<16xf32>
    tpu.vector_store %arg11[%swap3A_157], %swap3A_160 {strides = array<i32>} : memref<512xf32, #tpu.memory_space<vmem>>, vector<16xf32>,
    %broadcast_in_dim3A_161 = arith.constant 1.000000e+00 : f32
    %broadcast_in_dim3A_162 = vector.broadcast %broadcast_in_dim3A_161 : f32 to vector<16xf32>
    %swap3A_163 = arith.constant 432 : index
    %swap3A_164 = tpu.vector_load %arg11[%swap3A_163] {strides = array<i32>} : memref<512xf32, #tpu.memory_space<vmem>>, vector<16xf32>,
    %swap3A_165 = vector.shape_cast %swap3A_164 : vector<16xf32> to vector<16xf32>
    %swap3A_166 = vector.shape_cast %broadcast_in_dim3A_162 : vector<16xf32> to vector<16xf32>
    tpu.vector_store %arg11[%swap3A_163], %swap3A_166 {strides = array<i32>} : memref<512xf32, #tpu.memory_space<vmem>>, vector<16xf32>,
    %broadcast_in_dim3A_167 = arith.constant 1.000000e+00 : f32
    %broadcast_in_dim3A_168 = vector.broadcast %broadcast_in_dim3A_167 : f32 to vector<16xf32>
    %swap3A_169 = arith.constant 448 : index
    %swap3A_170 = tpu.vector_load %arg11[%swap3A_169] {strides = array<i32>} : memref<512xf32, #tpu.memory_space<vmem>>, vector<16xf32>,
    %swap3A_171 = vector.shape_cast %swap3A_170 : vector<16xf32> to vector<16xf32>
    %swap3A_172 = vector.shape_cast %broadcast_in_dim3A_168 : vector<16xf32> to vector<16xf32>
    tpu.vector_store %arg11[%swap3A_169], %swap3A_172 {strides = array<i32>} : memref<512xf32, #tpu.memory_space<vmem>>, vector<16xf32>,
    %broadcast_in_dim3A_173 = arith.constant 1.000000e+00 : f32
    %broadcast_in_dim3A_174 = vector.broadcast %broadcast_in_dim3A_173 : f32 to vector<16xf32>
    %swap3A_175 = arith.constant 464 : index
    %swap3A_176 = tpu.vector_load %arg11[%swap3A_175] {strides = array<i32>} : memref<512xf32, #tpu.memory_space<vmem>>, vector<16xf32>,
    %swap3A_177 = vector.shape_cast %swap3A_176 : vector<16xf32> to vector<16xf32>
    %swap3A_178 = vector.shape_cast %broadcast_in_dim3A_174 : vector<16xf32> to vector<16xf32>
    tpu.vector_store %arg11[%swap3A_175], %swap3A_178 {strides = array<i32>} : memref<512xf32, #tpu.memory_space<vmem>>, vector<16xf32>,
    %broadcast_in_dim3A_179 = arith.constant 1.000000e+00 : f32
    %broadcast_in_dim3A_180 = vector.broadcast %broadcast_in_dim3A_179 : f32 to vector<16xf32>
    %swap3A_181 = arith.constant 480 : index
    %swap3A_182 = tpu.vector_load %arg11[%swap3A_181] {strides = array<i32>} : memref<512xf32, #tpu.memory_space<vmem>>, vector<16xf32>,
    %swap3A_183 = vector.shape_cast %swap3A_182 : vector<16xf32> to vector<16xf32>
    %swap3A_184 = vector.shape_cast %broadcast_in_dim3A_180 : vector<16xf32> to vector<16xf32>
    tpu.vector_store %arg11[%swap3A_181], %swap3A_184 {strides = array<i32>} : memref<512xf32, #tpu.memory_space<vmem>>, vector<16xf32>,
    %broadcast_in_dim3A_185 = arith.constant 1.000000e+00 : f32
    %broadcast_in_dim3A_186 = vector.broadcast %broadcast_in_dim3A_185 : f32 to vector<16xf32>
    %swap3A_187 = arith.constant 496 : index
    %swap3A_188 = tpu.vector_load %arg11[%swap3A_187] {strides = array<i32>} : memref<512xf32, #tpu.memory_space<vmem>>, vector<16xf32>,
    %swap3A_189 = vector.shape_cast %swap3A_188 : vector<16xf32> to vector<16xf32>
    %swap3A_190 = vector.shape_cast %broadcast_in_dim3A_186 : vector<16xf32> to vector<16xf32>
    tpu.vector_store %arg11[%swap3A_187], %swap3A_190 {strides = array<i32>} : memref<512xf32, #tpu.memory_space<vmem>>, vector<16xf32>,
    %broadcast_in_dim3A_191 = arith.constant 0.000000e+00 : f32
    %broadcast_in_dim3A_192 = vector.broadcast %broadcast_in_dim3A_191 : f32 to vector<16xf32>
    %swap3A_193 = arith.constant 0 : index
    %swap3A_194 = tpu.vector_load %arg12[%swap3A_193] {strides = array<i32>} : memref<336xf32, #tpu.memory_space<vmem>>, vector<16xf32>,
    %swap3A_195 = vector.shape_cast %swap3A_194 : vector<16xf32> to vector<16xf32>
    %swap3A_196 = vector.shape_cast %broadcast_in_dim3A_192 : vector<16xf32> to vector<16xf32>
    tpu.vector_store %arg12[%swap3A_193], %swap3A_196 {strides = array<i32>} : memref<336xf32, #tpu.memory_space<vmem>>, vector<16xf32>,
    %broadcast_in_dim3A_197 = arith.constant 0.000000e+00 : f32
    %broadcast_in_dim3A_198 = vector.broadcast %broadcast_in_dim3A_197 : f32 to vector<16xf32>
    %swap3A_199 = arith.constant 16 : index
    %swap3A_200 = tpu.vector_load %arg12[%swap3A_199] {strides = array<i32>} : memref<336xf32, #tpu.memory_space<vmem>>, vector<16xf32>,
    %swap3A_201 = vector.shape_cast %swap3A_200 : vector<16xf32> to vector<16xf32>
    %swap3A_202 = vector.shape_cast %broadcast_in_dim3A_198 : vector<16xf32> to vector<16xf32>
    tpu.vector_store %arg12[%swap3A_199], %swap3A_202 {strides = array<i32>} : memref<336xf32, #tpu.memory_space<vmem>>, vector<16xf32>,
    %broadcast_in_dim3A_203 = arith.constant 0.000000e+00 : f32
    %broadcast_in_dim3A_204 = vector.broadcast %broadcast_in_dim3A_203 : f32 to vector<16xf32>
    %swap3A_205 = arith.constant 32 : index
    %swap3A_206 = tpu.vector_load %arg12[%swap3A_205] {strides = array<i32>} : memref<336xf32, #tpu.memory_space<vmem>>, vector<16xf32>,
    %swap3A_207 = vector.shape_cast %swap3A_206 : vector<16xf32> to vector<16xf32>
    %swap3A_208 = vector.shape_cast %broadcast_in_dim3A_204 : vector<16xf32> to vector<16xf32>
    tpu.vector_store %arg12[%swap3A_205], %swap3A_208 {strides = array<i32>} : memref<336xf32, #tpu.memory_space<vmem>>, vector<16xf32>,
    %broadcast_in_dim3A_209 = arith.constant 0.000000e+00 : f32
    %broadcast_in_dim3A_210 = vector.broadcast %broadcast_in_dim3A_209 : f32 to vector<16xf32>
    %swap3A_211 = arith.constant 48 : index
    %swap3A_212 = tpu.vector_load %arg12[%swap3A_211] {strides = array<i32>} : memref<336xf32, #tpu.memory_space<vmem>>, vector<16xf32>,
    %swap3A_213 = vector.shape_cast %swap3A_212 : vector<16xf32> to vector<16xf32>
    %swap3A_214 = vector.shape_cast %broadcast_in_dim3A_210 : vector<16xf32> to vector<16xf32>
    tpu.vector_store %arg12[%swap3A_211], %swap3A_214 {strides = array<i32>} : memref<336xf32, #tpu.memory_space<vmem>>, vector<16xf32>,
    %broadcast_in_dim3A_215 = arith.constant 0.000000e+00 : f32
    %broadcast_in_dim3A_216 = vector.broadcast %broadcast_in_dim3A_215 : f32 to vector<16xf32>
    %swap3A_217 = arith.constant 64 : index
    %swap3A_218 = tpu.vector_load %arg12[%swap3A_217] {strides = array<i32>} : memref<336xf32, #tpu.memory_space<vmem>>, vector<16xf32>,
    %swap3A_219 = vector.shape_cast %swap3A_218 : vector<16xf32> to vector<16xf32>
    %swap3A_220 = vector.shape_cast %broadcast_in_dim3A_216 : vector<16xf32> to vector<16xf32>
    tpu.vector_store %arg12[%swap3A_217], %swap3A_220 {strides = array<i32>} : memref<336xf32, #tpu.memory_space<vmem>>, vector<16xf32>,
    %broadcast_in_dim3A_221 = arith.constant 0.000000e+00 : f32
    %broadcast_in_dim3A_222 = vector.broadcast %broadcast_in_dim3A_221 : f32 to vector<16xf32>
    %swap3A_223 = arith.constant 80 : index
    %swap3A_224 = tpu.vector_load %arg12[%swap3A_223] {strides = array<i32>} : memref<336xf32, #tpu.memory_space<vmem>>, vector<16xf32>,
    %swap3A_225 = vector.shape_cast %swap3A_224 : vector<16xf32> to vector<16xf32>
    %swap3A_226 = vector.shape_cast %broadcast_in_dim3A_222 : vector<16xf32> to vector<16xf32>
    tpu.vector_store %arg12[%swap3A_223], %swap3A_226 {strides = array<i32>} : memref<336xf32, #tpu.memory_space<vmem>>, vector<16xf32>,
    %broadcast_in_dim3A_227 = arith.constant 0.000000e+00 : f32
    %broadcast_in_dim3A_228 = vector.broadcast %broadcast_in_dim3A_227 : f32 to vector<16xf32>
    %swap3A_229 = arith.constant 96 : index
    %swap3A_230 = tpu.vector_load %arg12[%swap3A_229] {strides = array<i32>} : memref<336xf32, #tpu.memory_space<vmem>>, vector<16xf32>,
    %swap3A_231 = vector.shape_cast %swap3A_230 : vector<16xf32> to vector<16xf32>
    %swap3A_232 = vector.shape_cast %broadcast_in_dim3A_228 : vector<16xf32> to vector<16xf32>
    tpu.vector_store %arg12[%swap3A_229], %swap3A_232 {strides = array<i32>} : memref<336xf32, #tpu.memory_space<vmem>>, vector<16xf32>,
    %broadcast_in_dim3A_233 = arith.constant 0.000000e+00 : f32
    %broadcast_in_dim3A_234 = vector.broadcast %broadcast_in_dim3A_233 : f32 to vector<16xf32>
    %swap3A_235 = arith.constant 112 : index
    %swap3A_236 = tpu.vector_load %arg12[%swap3A_235] {strides = array<i32>} : memref<336xf32, #tpu.memory_space<vmem>>, vector<16xf32>,
    %swap3A_237 = vector.shape_cast %swap3A_236 : vector<16xf32> to vector<16xf32>
    %swap3A_238 = vector.shape_cast %broadcast_in_dim3A_234 : vector<16xf32> to vector<16xf32>
    tpu.vector_store %arg12[%swap3A_235], %swap3A_238 {strides = array<i32>} : memref<336xf32, #tpu.memory_space<vmem>>, vector<16xf32>,
    %broadcast_in_dim3A_239 = arith.constant 0.000000e+00 : f32
    %broadcast_in_dim3A_240 = vector.broadcast %broadcast_in_dim3A_239 : f32 to vector<16xf32>
    %swap3A_241 = arith.constant 128 : index
    %swap3A_242 = tpu.vector_load %arg12[%swap3A_241] {strides = array<i32>} : memref<336xf32, #tpu.memory_space<vmem>>, vector<16xf32>,
    %swap3A_243 = vector.shape_cast %swap3A_242 : vector<16xf32> to vector<16xf32>
    %swap3A_244 = vector.shape_cast %broadcast_in_dim3A_240 : vector<16xf32> to vector<16xf32>
    tpu.vector_store %arg12[%swap3A_241], %swap3A_244 {strides = array<i32>} : memref<336xf32, #tpu.memory_space<vmem>>, vector<16xf32>,
    %broadcast_in_dim3A_245 = arith.constant 0.000000e+00 : f32
    %broadcast_in_dim3A_246 = vector.broadcast %broadcast_in_dim3A_245 : f32 to vector<16xf32>
    %swap3A_247 = arith.constant 144 : index
    %swap3A_248 = tpu.vector_load %arg12[%swap3A_247] {strides = array<i32>} : memref<336xf32, #tpu.memory_space<vmem>>, vector<16xf32>,
    %swap3A_249 = vector.shape_cast %swap3A_248 : vector<16xf32> to vector<16xf32>
    %swap3A_250 = vector.shape_cast %broadcast_in_dim3A_246 : vector<16xf32> to vector<16xf32>
    tpu.vector_store %arg12[%swap3A_247], %swap3A_250 {strides = array<i32>} : memref<336xf32, #tpu.memory_space<vmem>>, vector<16xf32>,
    %broadcast_in_dim3A_251 = arith.constant 0.000000e+00 : f32
    %broadcast_in_dim3A_252 = vector.broadcast %broadcast_in_dim3A_251 : f32 to vector<16xf32>
    %swap3A_253 = arith.constant 160 : index
    %swap3A_254 = tpu.vector_load %arg12[%swap3A_253] {strides = array<i32>} : memref<336xf32, #tpu.memory_space<vmem>>, vector<16xf32>,
    %swap3A_255 = vector.shape_cast %swap3A_254 : vector<16xf32> to vector<16xf32>
    %swap3A_256 = vector.shape_cast %broadcast_in_dim3A_252 : vector<16xf32> to vector<16xf32>
    tpu.vector_store %arg12[%swap3A_253], %swap3A_256 {strides = array<i32>} : memref<336xf32, #tpu.memory_space<vmem>>, vector<16xf32>,
    %broadcast_in_dim3A_257 = arith.constant 0.000000e+00 : f32
    %broadcast_in_dim3A_258 = vector.broadcast %broadcast_in_dim3A_257 : f32 to vector<16xf32>
    %swap3A_259 = arith.constant 176 : index
    %swap3A_260 = tpu.vector_load %arg12[%swap3A_259] {strides = array<i32>} : memref<336xf32, #tpu.memory_space<vmem>>, vector<16xf32>,
    %swap3A_261 = vector.shape_cast %swap3A_260 : vector<16xf32> to vector<16xf32>
    %swap3A_262 = vector.shape_cast %broadcast_in_dim3A_258 : vector<16xf32> to vector<16xf32>
    tpu.vector_store %arg12[%swap3A_259], %swap3A_262 {strides = array<i32>} : memref<336xf32, #tpu.memory_space<vmem>>, vector<16xf32>,
    %broadcast_in_dim3A_263 = arith.constant 0.000000e+00 : f32
    %broadcast_in_dim3A_264 = vector.broadcast %broadcast_in_dim3A_263 : f32 to vector<16xf32>
    %swap3A_265 = arith.constant 192 : index
    %swap3A_266 = tpu.vector_load %arg12[%swap3A_265] {strides = array<i32>} : memref<336xf32, #tpu.memory_space<vmem>>, vector<16xf32>,
    %swap3A_267 = vector.shape_cast %swap3A_266 : vector<16xf32> to vector<16xf32>
    %swap3A_268 = vector.shape_cast %broadcast_in_dim3A_264 : vector<16xf32> to vector<16xf32>
    tpu.vector_store %arg12[%swap3A_265], %swap3A_268 {strides = array<i32>} : memref<336xf32, #tpu.memory_space<vmem>>, vector<16xf32>,
    %broadcast_in_dim3A_269 = arith.constant 0.000000e+00 : f32
    %broadcast_in_dim3A_270 = vector.broadcast %broadcast_in_dim3A_269 : f32 to vector<16xf32>
    %swap3A_271 = arith.constant 208 : index
    %swap3A_272 = tpu.vector_load %arg12[%swap3A_271] {strides = array<i32>} : memref<336xf32, #tpu.memory_space<vmem>>, vector<16xf32>,
    %swap3A_273 = vector.shape_cast %swap3A_272 : vector<16xf32> to vector<16xf32>
    %swap3A_274 = vector.shape_cast %broadcast_in_dim3A_270 : vector<16xf32> to vector<16xf32>
    tpu.vector_store %arg12[%swap3A_271], %swap3A_274 {strides = array<i32>} : memref<336xf32, #tpu.memory_space<vmem>>, vector<16xf32>,
    %broadcast_in_dim3A_275 = arith.constant 0.000000e+00 : f32
    %broadcast_in_dim3A_276 = vector.broadcast %broadcast_in_dim3A_275 : f32 to vector<16xf32>
    %swap3A_277 = arith.constant 224 : index
    %swap3A_278 = tpu.vector_load %arg12[%swap3A_277] {strides = array<i32>} : memref<336xf32, #tpu.memory_space<vmem>>, vector<16xf32>,
    %swap3A_279 = vector.shape_cast %swap3A_278 : vector<16xf32> to vector<16xf32>
    %swap3A_280 = vector.shape_cast %broadcast_in_dim3A_276 : vector<16xf32> to vector<16xf32>
    tpu.vector_store %arg12[%swap3A_277], %swap3A_280 {strides = array<i32>} : memref<336xf32, #tpu.memory_space<vmem>>, vector<16xf32>,
    %broadcast_in_dim3A_281 = arith.constant 0.000000e+00 : f32
    %broadcast_in_dim3A_282 = vector.broadcast %broadcast_in_dim3A_281 : f32 to vector<16xf32>
    %swap3A_283 = arith.constant 240 : index
    %swap3A_284 = tpu.vector_load %arg12[%swap3A_283] {strides = array<i32>} : memref<336xf32, #tpu.memory_space<vmem>>, vector<16xf32>,
    %swap3A_285 = vector.shape_cast %swap3A_284 : vector<16xf32> to vector<16xf32>
    %swap3A_286 = vector.shape_cast %broadcast_in_dim3A_282 : vector<16xf32> to vector<16xf32>
    tpu.vector_store %arg12[%swap3A_283], %swap3A_286 {strides = array<i32>} : memref<336xf32, #tpu.memory_space<vmem>>, vector<16xf32>,
    %broadcast_in_dim3A_287 = arith.constant 0.000000e+00 : f32
    %broadcast_in_dim3A_288 = vector.broadcast %broadcast_in_dim3A_287 : f32 to vector<16xf32>
    %swap3A_289 = arith.constant 256 : index
    %swap3A_290 = tpu.vector_load %arg12[%swap3A_289] {strides = array<i32>} : memref<336xf32, #tpu.memory_space<vmem>>, vector<16xf32>,
    %swap3A_291 = vector.shape_cast %swap3A_290 : vector<16xf32> to vector<16xf32>
    %swap3A_292 = vector.shape_cast %broadcast_in_dim3A_288 : vector<16xf32> to vector<16xf32>
    tpu.vector_store %arg12[%swap3A_289], %swap3A_292 {strides = array<i32>} : memref<336xf32, #tpu.memory_space<vmem>>, vector<16xf32>,
    %broadcast_in_dim3A_293 = arith.constant 0.000000e+00 : f32
    %broadcast_in_dim3A_294 = vector.broadcast %broadcast_in_dim3A_293 : f32 to vector<16xf32>
    %swap3A_295 = arith.constant 272 : index
    %swap3A_296 = tpu.vector_load %arg12[%swap3A_295] {strides = array<i32>} : memref<336xf32, #tpu.memory_space<vmem>>, vector<16xf32>,
    %swap3A_297 = vector.shape_cast %swap3A_296 : vector<16xf32> to vector<16xf32>
    %swap3A_298 = vector.shape_cast %broadcast_in_dim3A_294 : vector<16xf32> to vector<16xf32>
    tpu.vector_store %arg12[%swap3A_295], %swap3A_298 {strides = array<i32>} : memref<336xf32, #tpu.memory_space<vmem>>, vector<16xf32>,
    %broadcast_in_dim3A_299 = arith.constant 0.000000e+00 : f32
    %broadcast_in_dim3A_300 = vector.broadcast %broadcast_in_dim3A_299 : f32 to vector<16xf32>
    %swap3A_301 = arith.constant 288 : index
    %swap3A_302 = tpu.vector_load %arg12[%swap3A_301] {strides = array<i32>} : memref<336xf32, #tpu.memory_space<vmem>>, vector<16xf32>,
    %swap3A_303 = vector.shape_cast %swap3A_302 : vector<16xf32> to vector<16xf32>
    %swap3A_304 = vector.shape_cast %broadcast_in_dim3A_300 : vector<16xf32> to vector<16xf32>
    tpu.vector_store %arg12[%swap3A_301], %swap3A_304 {strides = array<i32>} : memref<336xf32, #tpu.memory_space<vmem>>, vector<16xf32>,
    %broadcast_in_dim3A_305 = arith.constant 0.000000e+00 : f32
    %broadcast_in_dim3A_306 = vector.broadcast %broadcast_in_dim3A_305 : f32 to vector<16xf32>
    %swap3A_307 = arith.constant 304 : index
    %swap3A_308 = tpu.vector_load %arg12[%swap3A_307] {strides = array<i32>} : memref<336xf32, #tpu.memory_space<vmem>>, vector<16xf32>,
    %swap3A_309 = vector.shape_cast %swap3A_308 : vector<16xf32> to vector<16xf32>
    %swap3A_310 = vector.shape_cast %broadcast_in_dim3A_306 : vector<16xf32> to vector<16xf32>
    tpu.vector_store %arg12[%swap3A_307], %swap3A_310 {strides = array<i32>} : memref<336xf32, #tpu.memory_space<vmem>>, vector<16xf32>,
    %broadcast_in_dim3A_311 = arith.constant 0.000000e+00 : f32
    %broadcast_in_dim3A_312 = vector.broadcast %broadcast_in_dim3A_311 : f32 to vector<16xf32>
    %swap3A_313 = arith.constant 320 : index
    %swap3A_314 = tpu.vector_load %arg12[%swap3A_313] {strides = array<i32>} : memref<336xf32, #tpu.memory_space<vmem>>, vector<16xf32>,
    %swap3A_315 = vector.shape_cast %swap3A_314 : vector<16xf32> to vector<16xf32>
    %swap3A_316 = vector.shape_cast %broadcast_in_dim3A_312 : vector<16xf32> to vector<16xf32>
    tpu.vector_store %arg12[%swap3A_313], %swap3A_316 {strides = array<i32>} : memref<336xf32, #tpu.memory_space<vmem>>, vector<16xf32>,
    %mul3A_317 = arith.constant 336 : i32
    %mul3A_318 = arith.muli %arg1, %mul3A_317 : i32
    %mul3A_319 = arith.constant 336 : i32
    %mul3A_320 = arith.muli %arg1, %mul3A_319 : i32
    "tpu.region"() ({
      %run_scoped3A_501 = tpu.sem_alloc : memref<!tpu.dma_semaphore, #tpu.memory_space<semaphore_mem>>
      %dma_start3A_502 = arith.constant 0 : i32
      %dma_start3A_503 = tpu.memref_slice %arg15[%mul3A_320, %dma_start3A_502] : memref<5376x128xf32, #tpu.memory_space<vmem_shared>> -> memref<336x128xf32, #tpu.memory_space<vmem_shared>>
      %dma_start3A_504 = arith.constant 0 : i32
      %dma_start3A_505 = tpu.memref_slice %arg5[%mul3A_318, %dma_start3A_504] : memref<5376x128xf32, #tpu.memory_space<hbm>> -> memref<336x128xf32, #tpu.memory_space<hbm>>
      tpu.enqueue_dma source(%dma_start3A_505 : memref<336x128xf32, #tpu.memory_space<hbm>>) target(%dma_start3A_503 : memref<336x128xf32, #tpu.memory_space<vmem_shared>>) target_semaphore(%run_scoped3A_501 : memref<!tpu.dma_semaphore, #tpu.memory_space<semaphore_mem>>)
      %dma_wait3A_506 = arith.constant 0 : i32
      %dma_wait3A_507 = tpu.memref_slice %arg15[%mul3A_320, %dma_wait3A_506] : memref<5376x128xf32, #tpu.memory_space<vmem_shared>> -> memref<336x128xf32, #tpu.memory_space<vmem_shared>>
      %dma_wait3A_508 = arith.constant 0 : i32
      %dma_wait3A_509 = tpu.memref_slice %arg5[%mul3A_318, %dma_wait3A_508] : memref<5376x128xf32, #tpu.memory_space<hbm>> -> memref<336x128xf32, #tpu.memory_space<hbm>>
      tpu.wait_dma2 semaphore(%run_scoped3A_501 : memref<!tpu.dma_semaphore, #tpu.memory_space<semaphore_mem>>) src(%dma_wait3A_509 : memref<336x128xf32, #tpu.memory_space<hbm>>) dst(%dma_wait3A_507 : memref<336x128xf32, #tpu.memory_space<vmem_shared>>)
      tpu.yield
    }) : () -> ()
    %mul3A_321 = arith.constant 336 : i32
    %mul3A_322 = arith.muli %arg1, %mul3A_321 : i32
    "tpu.region"() ({
      %run_scoped3A_501 = tpu.sem_alloc : memref<!tpu.dma_semaphore, #tpu.memory_space<semaphore_mem>>
      %dma_start3A_502 = arith.constant 0 : i32
      %dma_start3A_503 = tpu.memref_slice %arg12[%dma_start3A_502] : memref<336xf32, #tpu.memory_space<vmem>> -> memref<336xf32, #tpu.memory_space<vmem>>
      %dma_start3A_504 = tpu.memref_slice %arg16[%mul3A_322] : memref<5376xf32, #tpu.memory_space<vmem_shared>> -> memref<336xf32, #tpu.memory_space<vmem_shared>>
      %dma_start3A_505 = tpu.memref_slice %arg16[%mul3A_322] : memref<5376xf32, #tpu.memory_space<vmem_shared>> -> memref<336xf32, #tpu.memory_space<vmem_shared>>
      %dma_start3A_506 = arith.constant 0 : i32
      %dma_start3A_507 = tpu.memref_slice %arg12[%dma_start3A_506] : memref<336xf32, #tpu.memory_space<vmem>> -> memref<336xf32, #tpu.memory_space<vmem>>
      tpu.enqueue_dma source(%dma_start3A_507 : memref<336xf32, #tpu.memory_space<vmem>>) target(%dma_start3A_505 : memref<336xf32, #tpu.memory_space<vmem_shared>>) target_semaphore(%run_scoped3A_501 : memref<!tpu.dma_semaphore, #tpu.memory_space<semaphore_mem>>)
      %dma_wait3A_508 = arith.constant 0 : i32
      %dma_wait3A_509 = tpu.memref_slice %arg12[%dma_wait3A_508] : memref<336xf32, #tpu.memory_space<vmem>> -> memref<336xf32, #tpu.memory_space<vmem>>
      %dma_wait3A_510 = tpu.memref_slice %arg16[%mul3A_322] : memref<5376xf32, #tpu.memory_space<vmem_shared>> -> memref<336xf32, #tpu.memory_space<vmem_shared>>
      %dma_wait3A_511 = tpu.memref_slice %arg16[%mul3A_322] : memref<5376xf32, #tpu.memory_space<vmem_shared>> -> memref<336xf32, #tpu.memory_space<vmem_shared>>
      %dma_wait3A_512 = arith.constant 0 : i32
      %dma_wait3A_513 = tpu.memref_slice %arg12[%dma_wait3A_512] : memref<336xf32, #tpu.memory_space<vmem>> -> memref<336xf32, #tpu.memory_space<vmem>>
      tpu.wait_dma2 semaphore(%run_scoped3A_501 : memref<!tpu.dma_semaphore, #tpu.memory_space<semaphore_mem>>) src(%dma_wait3A_513 : memref<336xf32, #tpu.memory_space<vmem>>) dst(%dma_wait3A_511 : memref<336xf32, #tpu.memory_space<vmem_shared>>)
      tpu.yield
    }) : () -> ()
    %barrier3A = arith.constant 0 : index
    tpu.barrier barrier_id(%barrier3A)
    "tpu.region"() ({
      %run_scoped3A_501 = tpu.sem_alloc : memref<!tpu.dma_semaphore, #tpu.memory_space<semaphore_mem>>
      %dma_start3A_502 = arith.constant 0 : i32
      %dma_start3A_503 = tpu.memref_slice %arg3[%add3A, %dma_start3A_502] : memref<32x5120xi32, #tpu.memory_space<hbm>> -> memref<1x512xi32, #tpu.memory_space<hbm>>
      %dma_start3A_504 = tpu.memref_squeeze %dma_start3A_503 : memref<1x512xi32, #tpu.memory_space<hbm>> -> memref<512xi32, #tpu.memory_space<hbm>>
      %dma_start3A_505 = arith.constant 0 : i32
      %dma_start3A_506 = tpu.memref_slice %arg3[%add3A, %dma_start3A_505] : memref<32x5120xi32, #tpu.memory_space<hbm>> -> memref<1x512xi32, #tpu.memory_space<hbm>>
      %dma_start3A_507 = tpu.memref_squeeze %dma_start3A_506 : memref<1x512xi32, #tpu.memory_space<hbm>> -> memref<512xi32, #tpu.memory_space<hbm>>
      tpu.enqueue_dma source(%dma_start3A_507 : memref<512xi32, #tpu.memory_space<hbm>>) target(%arg8 : memref<512xi32, #tpu.memory_space<vmem>>) target_semaphore(%run_scoped3A_501 : memref<!tpu.dma_semaphore, #tpu.memory_space<semaphore_mem>>)
      %dma_wait3A_508 = arith.constant 0 : i32
      %dma_wait3A_509 = tpu.memref_slice %arg3[%add3A, %dma_wait3A_508] : memref<32x5120xi32, #tpu.memory_space<hbm>> -> memref<1x512xi32, #tpu.memory_space<hbm>>
      %dma_wait3A_510 = tpu.memref_squeeze %dma_wait3A_509 : memref<1x512xi32, #tpu.memory_space<hbm>> -> memref<512xi32, #tpu.memory_space<hbm>>
      %dma_wait3A_511 = arith.constant 0 : i32
      %dma_wait3A_512 = tpu.memref_slice %arg3[%add3A, %dma_wait3A_511] : memref<32x5120xi32, #tpu.memory_space<hbm>> -> memref<1x512xi32, #tpu.memory_space<hbm>>
      %dma_wait3A_513 = tpu.memref_squeeze %dma_wait3A_512 : memref<1x512xi32, #tpu.memory_space<hbm>> -> memref<512xi32, #tpu.memory_space<hbm>>
      tpu.wait_dma2 semaphore(%run_scoped3A_501 : memref<!tpu.dma_semaphore, #tpu.memory_space<semaphore_mem>>) src(%dma_wait3A_513 : memref<512xi32, #tpu.memory_space<hbm>>) dst(%arg8 : memref<512xi32, #tpu.memory_space<vmem>>)
      tpu.yield
    }) : () -> ()
    %run_scoped3A = arith.constant 0 : i32
    "tpu.region"() ({
      %run_scoped3A_501 = tpu.sem_alloc : memref<!tpu.dma_semaphore, #tpu.memory_space<semaphore_mem>>
      %dma_start3A_502 = arith.constant 0 : i32
      %dma_start3A_503 = tpu.memref_slice %arg4[%run_scoped3A, %add3A, %dma_start3A_502] : memref<2x32x5120xi32, #tpu.memory_space<hbm>> -> memref<1x1x512xi32, #tpu.memory_space<hbm>>
      %dma_start3A_504 = tpu.memref_squeeze %dma_start3A_503 : memref<1x1x512xi32, #tpu.memory_space<hbm>> -> memref<512xi32, #tpu.memory_space<hbm>>
      %dma_start3A_505 = arith.constant 0 : i32
      %dma_start3A_506 = tpu.memref_slice %arg4[%run_scoped3A, %add3A, %dma_start3A_505] : memref<2x32x5120xi32, #tpu.memory_space<hbm>> -> memref<1x1x512xi32, #tpu.memory_space<hbm>>
      %dma_start3A_507 = tpu.memref_squeeze %dma_start3A_506 : memref<1x1x512xi32, #tpu.memory_space<hbm>> -> memref<512xi32, #tpu.memory_space<hbm>>
      tpu.enqueue_dma source(%dma_start3A_507 : memref<512xi32, #tpu.memory_space<hbm>>) target(%arg9 : memref<512xi32, #tpu.memory_space<vmem>>) target_semaphore(%run_scoped3A_501 : memref<!tpu.dma_semaphore, #tpu.memory_space<semaphore_mem>>)
      %dma_wait3A_508 = arith.constant 0 : i32
      %dma_wait3A_509 = tpu.memref_slice %arg4[%run_scoped3A, %add3A, %dma_wait3A_508] : memref<2x32x5120xi32, #tpu.memory_space<hbm>> -> memref<1x1x512xi32, #tpu.memory_space<hbm>>
      %dma_wait3A_510 = tpu.memref_squeeze %dma_wait3A_509 : memref<1x1x512xi32, #tpu.memory_space<hbm>> -> memref<512xi32, #tpu.memory_space<hbm>>
      %dma_wait3A_511 = arith.constant 0 : i32
      %dma_wait3A_512 = tpu.memref_slice %arg4[%run_scoped3A, %add3A, %dma_wait3A_511] : memref<2x32x5120xi32, #tpu.memory_space<hbm>> -> memref<1x1x512xi32, #tpu.memory_space<hbm>>
      %dma_wait3A_513 = tpu.memref_squeeze %dma_wait3A_512 : memref<1x1x512xi32, #tpu.memory_space<hbm>> -> memref<512xi32, #tpu.memory_space<hbm>>
      tpu.wait_dma2 semaphore(%run_scoped3A_501 : memref<!tpu.dma_semaphore, #tpu.memory_space<semaphore_mem>>) src(%dma_wait3A_513 : memref<512xi32, #tpu.memory_space<hbm>>) dst(%arg9 : memref<512xi32, #tpu.memory_space<vmem>>)
      tpu.yield
    }) : () -> ()
    %dma_start3A = arith.constant 0 : i32
    %dma_start3A_323 = arith.constant 0 : i32
    %dma_start3A_324 = tpu.memref_slice %arg2[%dma_start3A, %dma_start3A_323] : memref<10240x128xf32, #tpu.memory_space<hbm>> -> memref<10240x128xf32, #tpu.memory_space<hbm>>
    tpu.enqueue_indirect_dma source(%dma_start3A_324 : memref<10240x128xf32, #tpu.memory_space<hbm>>) target(%arg10 : memref<512x128xf32, #tpu.memory_space<vmem>>) offsets(%arg8 : memref<512xi32, #tpu.memory_space<vmem>>) semaphore(%arg14 : memref<!tpu.dma_semaphore, #tpu.memory_space<semaphore_mem>>)
    %dma_wait3A = arith.constant 0 : i32
    %dma_wait3A_325 = arith.constant 0 : i32
    %dma_wait3A_326 = tpu.memref_slice %arg2[%dma_wait3A, %dma_wait3A_325] : memref<10240x128xf32, #tpu.memory_space<hbm>> -> memref<10240x128xf32, #tpu.memory_space<hbm>>
    tpu.wait_indirect_dma semaphore(%arg14 : memref<!tpu.dma_semaphore, #tpu.memory_space<semaphore_mem>>) src(%dma_wait3A_326 : memref<10240x128xf32, #tpu.memory_space<hbm>>) dst(%arg10 : memref<512x128xf32, #tpu.memory_space<vmem>>)
    "tpu.region"() ({
      %run_scoped3A_501 = tpu.sem_alloc : memref<!tpu.dma_semaphore, #tpu.memory_space<semaphore_mem>>
      %dma_start3A_502 = arith.constant 0 : i32
      %dma_start3A_503 = arith.constant 0 : i32
      %dma_start3A_504 = tpu.memref_slice %arg15[%dma_start3A_502, %dma_start3A_503] : memref<5376x128xf32, #tpu.memory_space<vmem_shared>> -> memref<5376x128xf32, #tpu.memory_space<vmem_shared>>
      tpu.enqueue_indirect_dma source(%arg10 : memref<512x128xf32, #tpu.memory_space<vmem>>) target(%dma_start3A_504 : memref<5376x128xf32, #tpu.memory_space<vmem_shared>>) offsets(%arg9 : memref<512xi32, #tpu.memory_space<vmem>>) semaphore(%run_scoped3A_501 : memref<!tpu.dma_semaphore, #tpu.memory_space<semaphore_mem>>) {add = true}
      %dma_wait3A_505 = arith.constant 0 : i32
      %dma_wait3A_506 = arith.constant 0 : i32
      %dma_wait3A_507 = tpu.memref_slice %arg15[%dma_wait3A_505, %dma_wait3A_506] : memref<5376x128xf32, #tpu.memory_space<vmem_shared>> -> memref<5376x128xf32, #tpu.memory_space<vmem_shared>>
      tpu.wait_indirect_dma semaphore(%run_scoped3A_501 : memref<!tpu.dma_semaphore, #tpu.memory_space<semaphore_mem>>) src(%arg10 : memref<512x128xf32, #tpu.memory_space<vmem>>) dst(%dma_wait3A_507 : memref<5376x128xf32, #tpu.memory_space<vmem_shared>>)
      tpu.yield
    }) : () -> ()
    "tpu.region"() ({
      %run_scoped3A_501 = tpu.sem_alloc : memref<!tpu.dma_semaphore, #tpu.memory_space<semaphore_mem>>
      %dma_start3A_502 = arith.constant 0 : i32
      %dma_start3A_503 = tpu.memref_slice %arg16[%dma_start3A_502] : memref<5376xf32, #tpu.memory_space<vmem_shared>> -> memref<5376xf32, #tpu.memory_space<vmem_shared>>
      tpu.enqueue_indirect_dma source(%arg11 : memref<512xf32, #tpu.memory_space<vmem>>) target(%dma_start3A_503 : memref<5376xf32, #tpu.memory_space<vmem_shared>>) offsets(%arg9 : memref<512xi32, #tpu.memory_space<vmem>>) semaphore(%run_scoped3A_501 : memref<!tpu.dma_semaphore, #tpu.memory_space<semaphore_mem>>) {add = true}
      %dma_wait3A_504 = arith.constant 0 : i32
      %dma_wait3A_505 = tpu.memref_slice %arg16[%dma_wait3A_504] : memref<5376xf32, #tpu.memory_space<vmem_shared>> -> memref<5376xf32, #tpu.memory_space<vmem_shared>>
      tpu.wait_indirect_dma semaphore(%run_scoped3A_501 : memref<!tpu.dma_semaphore, #tpu.memory_space<semaphore_mem>>) src(%arg11 : memref<512xf32, #tpu.memory_space<vmem>>) dst(%dma_wait3A_505 : memref<5376xf32, #tpu.memory_space<vmem_shared>>)
      tpu.yield
    }) : () -> ()
    "tpu.region"() ({
      %run_scoped3A_501 = tpu.sem_alloc : memref<!tpu.dma_semaphore, #tpu.memory_space<semaphore_mem>>
      %dma_start3A_502 = arith.constant 512 : i32
      %dma_start3A_503 = tpu.memref_slice %arg3[%add3A, %dma_start3A_502] : memref<32x5120xi32, #tpu.memory_space<hbm>> -> memref<1x512xi32, #tpu.memory_space<hbm>>
      %dma_start3A_504 = tpu.memref_squeeze %dma_start3A_503 : memref<1x512xi32, #tpu.memory_space<hbm>> -> memref<512xi32, #tpu.memory_space<hbm>>
      %dma_start3A_505 = arith.constant 512 : i32
      %dma_start3A_506 = tpu.memref_slice %arg3[%add3A, %dma_start3A_505] : memref<32x5120xi32, #tpu.memory_space<hbm>> -> memref<1x512xi32, #tpu.memory_space<hbm>>
      %dma_start3A_507 = tpu.memref_squeeze %dma_start3A_506 : memref<1x512xi32, #tpu.memory_space<hbm>> -> memref<512xi32, #tpu.memory_space<hbm>>
      tpu.enqueue_dma source(%dma_start3A_507 : memref<512xi32, #tpu.memory_space<hbm>>) target(%arg8 : memref<512xi32, #tpu.memory_space<vmem>>) target_semaphore(%run_scoped3A_501 : memref<!tpu.dma_semaphore, #tpu.memory_space<semaphore_mem>>)
      %dma_wait3A_508 = arith.constant 512 : i32
      %dma_wait3A_509 = tpu.memref_slice %arg3[%add3A, %dma_wait3A_508] : memref<32x5120xi32, #tpu.memory_space<hbm>> -> memref<1x512xi32, #tpu.memory_space<hbm>>
      %dma_wait3A_510 = tpu.memref_squeeze %dma_wait3A_509 : memref<1x512xi32, #tpu.memory_space<hbm>> -> memref<512xi32, #tpu.memory_space<hbm>>
      %dma_wait3A_511 = arith.constant 512 : i32
      %dma_wait3A_512 = tpu.memref_slice %arg3[%add3A, %dma_wait3A_511] : memref<32x5120xi32, #tpu.memory_space<hbm>> -> memref<1x512xi32, #tpu.memory_space<hbm>>
      %dma_wait3A_513 = tpu.memref_squeeze %dma_wait3A_512 : memref<1x512xi32, #tpu.memory_space<hbm>> -> memref<512xi32, #tpu.memory_space<hbm>>
      tpu.wait_dma2 semaphore(%run_scoped3A_501 : memref<!tpu.dma_semaphore, #tpu.memory_space<semaphore_mem>>) src(%dma_wait3A_513 : memref<512xi32, #tpu.memory_space<hbm>>) dst(%arg8 : memref<512xi32, #tpu.memory_space<vmem>>)
      tpu.yield
    }) : () -> ()
    %run_scoped3A_327 = arith.constant 0 : i32
    "tpu.region"() ({
      %run_scoped3A_501 = tpu.sem_alloc : memref<!tpu.dma_semaphore, #tpu.memory_space<semaphore_mem>>
      %dma_start3A_502 = arith.constant 512 : i32
      %dma_start3A_503 = tpu.memref_slice %arg4[%run_scoped3A_327, %add3A, %dma_start3A_502] : memref<2x32x5120xi32, #tpu.memory_space<hbm>> -> memref<1x1x512xi32, #tpu.memory_space<hbm>>
      %dma_start3A_504 = tpu.memref_squeeze %dma_start3A_503 : memref<1x1x512xi32, #tpu.memory_space<hbm>> -> memref<512xi32, #tpu.memory_space<hbm>>
      %dma_start3A_505 = arith.constant 512 : i32
      %dma_start3A_506 = tpu.memref_slice %arg4[%run_scoped3A_327, %add3A, %dma_start3A_505] : memref<2x32x5120xi32, #tpu.memory_space<hbm>> -> memref<1x1x512xi32, #tpu.memory_space<hbm>>
      %dma_start3A_507 = tpu.memref_squeeze %dma_start3A_506 : memref<1x1x512xi32, #tpu.memory_space<hbm>> -> memref<512xi32, #tpu.memory_space<hbm>>
      tpu.enqueue_dma source(%dma_start3A_507 : memref<512xi32, #tpu.memory_space<hbm>>) target(%arg9 : memref<512xi32, #tpu.memory_space<vmem>>) target_semaphore(%run_scoped3A_501 : memref<!tpu.dma_semaphore, #tpu.memory_space<semaphore_mem>>)
      %dma_wait3A_508 = arith.constant 512 : i32
      %dma_wait3A_509 = tpu.memref_slice %arg4[%run_scoped3A_327, %add3A, %dma_wait3A_508] : memref<2x32x5120xi32, #tpu.memory_space<hbm>> -> memref<1x1x512xi32, #tpu.memory_space<hbm>>
      %dma_wait3A_510 = tpu.memref_squeeze %dma_wait3A_509 : memref<1x1x512xi32, #tpu.memory_space<hbm>> -> memref<512xi32, #tpu.memory_space<hbm>>
      %dma_wait3A_511 = arith.constant 512 : i32
      %dma_wait3A_512 = tpu.memref_slice %arg4[%run_scoped3A_327, %add3A, %dma_wait3A_511] : memref<2x32x5120xi32, #tpu.memory_space<hbm>> -> memref<1x1x512xi32, #tpu.memory_space<hbm>>
      %dma_wait3A_513 = tpu.memref_squeeze %dma_wait3A_512 : memref<1x1x512xi32, #tpu.memory_space<hbm>> -> memref<512xi32, #tpu.memory_space<hbm>>
      tpu.wait_dma2 semaphore(%run_scoped3A_501 : memref<!tpu.dma_semaphore, #tpu.memory_space<semaphore_mem>>) src(%dma_wait3A_513 : memref<512xi32, #tpu.memory_space<hbm>>) dst(%arg9 : memref<512xi32, #tpu.memory_space<vmem>>)
      tpu.yield
    }) : () -> ()
    %dma_start3A_328 = arith.constant 0 : i32
    %dma_start3A_329 = arith.constant 0 : i32
    %dma_start3A_330 = tpu.memref_slice %arg2[%dma_start3A_328, %dma_start3A_329] : memref<10240x128xf32, #tpu.memory_space<hbm>> -> memref<10240x128xf32, #tpu.memory_space<hbm>>
    tpu.enqueue_indirect_dma source(%dma_start3A_330 : memref<10240x128xf32, #tpu.memory_space<hbm>>) target(%arg10 : memref<512x128xf32, #tpu.memory_space<vmem>>) offsets(%arg8 : memref<512xi32, #tpu.memory_space<vmem>>) semaphore(%arg14 : memref<!tpu.dma_semaphore, #tpu.memory_space<semaphore_mem>>)
    %dma_wait3A_331 = arith.constant 0 : i32
    %dma_wait3A_332 = arith.constant 0 : i32
    %dma_wait3A_333 = tpu.memref_slice %arg2[%dma_wait3A_331, %dma_wait3A_332] : memref<10240x128xf32, #tpu.memory_space<hbm>> -> memref<10240x128xf32, #tpu.memory_space<hbm>>
    tpu.wait_indirect_dma semaphore(%arg14 : memref<!tpu.dma_semaphore, #tpu.memory_space<semaphore_mem>>) src(%dma_wait3A_333 : memref<10240x128xf32, #tpu.memory_space<hbm>>) dst(%arg10 : memref<512x128xf32, #tpu.memory_space<vmem>>)
    "tpu.region"() ({
      %run_scoped3A_501 = tpu.sem_alloc : memref<!tpu.dma_semaphore, #tpu.memory_space<semaphore_mem>>
      %dma_start3A_502 = arith.constant 0 : i32
      %dma_start3A_503 = arith.constant 0 : i32
      %dma_start3A_504 = tpu.memref_slice %arg15[%dma_start3A_502, %dma_start3A_503] : memref<5376x128xf32, #tpu.memory_space<vmem_shared>> -> memref<5376x128xf32, #tpu.memory_space<vmem_shared>>
      tpu.enqueue_indirect_dma source(%arg10 : memref<512x128xf32, #tpu.memory_space<vmem>>) target(%dma_start3A_504 : memref<5376x128xf32, #tpu.memory_space<vmem_shared>>) offsets(%arg9 : memref<512xi32, #tpu.memory_space<vmem>>) semaphore(%run_scoped3A_501 : memref<!tpu.dma_semaphore, #tpu.memory_space<semaphore_mem>>) {add = true}
      %dma_wait3A_505 = arith.constant 0 : i32
      %dma_wait3A_506 = arith.constant 0 : i32
      %dma_wait3A_507 = tpu.memref_slice %arg15[%dma_wait3A_505, %dma_wait3A_506] : memref<5376x128xf32, #tpu.memory_space<vmem_shared>> -> memref<5376x128xf32, #tpu.memory_space<vmem_shared>>
      tpu.wait_indirect_dma semaphore(%run_scoped3A_501 : memref<!tpu.dma_semaphore, #tpu.memory_space<semaphore_mem>>) src(%arg10 : memref<512x128xf32, #tpu.memory_space<vmem>>) dst(%dma_wait3A_507 : memref<5376x128xf32, #tpu.memory_space<vmem_shared>>)
      tpu.yield
    }) : () -> ()
    "tpu.region"() ({
      %run_scoped3A_501 = tpu.sem_alloc : memref<!tpu.dma_semaphore, #tpu.memory_space<semaphore_mem>>
      %dma_start3A_502 = arith.constant 0 : i32
      %dma_start3A_503 = tpu.memref_slice %arg16[%dma_start3A_502] : memref<5376xf32, #tpu.memory_space<vmem_shared>> -> memref<5376xf32, #tpu.memory_space<vmem_shared>>
      tpu.enqueue_indirect_dma source(%arg11 : memref<512xf32, #tpu.memory_space<vmem>>) target(%dma_start3A_503 : memref<5376xf32, #tpu.memory_space<vmem_shared>>) offsets(%arg9 : memref<512xi32, #tpu.memory_space<vmem>>) semaphore(%run_scoped3A_501 : memref<!tpu.dma_semaphore, #tpu.memory_space<semaphore_mem>>) {add = true}
      %dma_wait3A_504 = arith.constant 0 : i32
      %dma_wait3A_505 = tpu.memref_slice %arg16[%dma_wait3A_504] : memref<5376xf32, #tpu.memory_space<vmem_shared>> -> memref<5376xf32, #tpu.memory_space<vmem_shared>>
      tpu.wait_indirect_dma semaphore(%run_scoped3A_501 : memref<!tpu.dma_semaphore, #tpu.memory_space<semaphore_mem>>) src(%arg11 : memref<512xf32, #tpu.memory_space<vmem>>) dst(%dma_wait3A_505 : memref<5376xf32, #tpu.memory_space<vmem_shared>>)
      tpu.yield
    }) : () -> ()
    "tpu.region"() ({
      %run_scoped3A_501 = tpu.sem_alloc : memref<!tpu.dma_semaphore, #tpu.memory_space<semaphore_mem>>
      %dma_start3A_502 = arith.constant 1024 : i32
      %dma_start3A_503 = tpu.memref_slice %arg3[%add3A, %dma_start3A_502] : memref<32x5120xi32, #tpu.memory_space<hbm>> -> memref<1x512xi32, #tpu.memory_space<hbm>>
      %dma_start3A_504 = tpu.memref_squeeze %dma_start3A_503 : memref<1x512xi32, #tpu.memory_space<hbm>> -> memref<512xi32, #tpu.memory_space<hbm>>
      %dma_start3A_505 = arith.constant 1024 : i32
      %dma_start3A_506 = tpu.memref_slice %arg3[%add3A, %dma_start3A_505] : memref<32x5120xi32, #tpu.memory_space<hbm>> -> memref<1x512xi32, #tpu.memory_space<hbm>>
      %dma_start3A_507 = tpu.memref_squeeze %dma_start3A_506 : memref<1x512xi32, #tpu.memory_space<hbm>> -> memref<512xi32, #tpu.memory_space<hbm>>
      tpu.enqueue_dma source(%dma_start3A_507 : memref<512xi32, #tpu.memory_space<hbm>>) target(%arg8 : memref<512xi32, #tpu.memory_space<vmem>>) target_semaphore(%run_scoped3A_501 : memref<!tpu.dma_semaphore, #tpu.memory_space<semaphore_mem>>)
      %dma_wait3A_508 = arith.constant 1024 : i32
      %dma_wait3A_509 = tpu.memref_slice %arg3[%add3A, %dma_wait3A_508] : memref<32x5120xi32, #tpu.memory_space<hbm>> -> memref<1x512xi32, #tpu.memory_space<hbm>>
      %dma_wait3A_510 = tpu.memref_squeeze %dma_wait3A_509 : memref<1x512xi32, #tpu.memory_space<hbm>> -> memref<512xi32, #tpu.memory_space<hbm>>
      %dma_wait3A_511 = arith.constant 1024 : i32
      %dma_wait3A_512 = tpu.memref_slice %arg3[%add3A, %dma_wait3A_511] : memref<32x5120xi32, #tpu.memory_space<hbm>> -> memref<1x512xi32, #tpu.memory_space<hbm>>
      %dma_wait3A_513 = tpu.memref_squeeze %dma_wait3A_512 : memref<1x512xi32, #tpu.memory_space<hbm>> -> memref<512xi32, #tpu.memory_space<hbm>>
      tpu.wait_dma2 semaphore(%run_scoped3A_501 : memref<!tpu.dma_semaphore, #tpu.memory_space<semaphore_mem>>) src(%dma_wait3A_513 : memref<512xi32, #tpu.memory_space<hbm>>) dst(%arg8 : memref<512xi32, #tpu.memory_space<vmem>>)
      tpu.yield
    }) : () -> ()
    %run_scoped3A_334 = arith.constant 0 : i32
    "tpu.region"() ({
      %run_scoped3A_501 = tpu.sem_alloc : memref<!tpu.dma_semaphore, #tpu.memory_space<semaphore_mem>>
      %dma_start3A_502 = arith.constant 1024 : i32
      %dma_start3A_503 = tpu.memref_slice %arg4[%run_scoped3A_334, %add3A, %dma_start3A_502] : memref<2x32x5120xi32, #tpu.memory_space<hbm>> -> memref<1x1x512xi32, #tpu.memory_space<hbm>>
      %dma_start3A_504 = tpu.memref_squeeze %dma_start3A_503 : memref<1x1x512xi32, #tpu.memory_space<hbm>> -> memref<512xi32, #tpu.memory_space<hbm>>
      %dma_start3A_505 = arith.constant 1024 : i32
      %dma_start3A_506 = tpu.memref_slice %arg4[%run_scoped3A_334, %add3A, %dma_start3A_505] : memref<2x32x5120xi32, #tpu.memory_space<hbm>> -> memref<1x1x512xi32, #tpu.memory_space<hbm>>
      %dma_start3A_507 = tpu.memref_squeeze %dma_start3A_506 : memref<1x1x512xi32, #tpu.memory_space<hbm>> -> memref<512xi32, #tpu.memory_space<hbm>>
      tpu.enqueue_dma source(%dma_start3A_507 : memref<512xi32, #tpu.memory_space<hbm>>) target(%arg9 : memref<512xi32, #tpu.memory_space<vmem>>) target_semaphore(%run_scoped3A_501 : memref<!tpu.dma_semaphore, #tpu.memory_space<semaphore_mem>>)
      %dma_wait3A_508 = arith.constant 1024 : i32
      %dma_wait3A_509 = tpu.memref_slice %arg4[%run_scoped3A_334, %add3A, %dma_wait3A_508] : memref<2x32x5120xi32, #tpu.memory_space<hbm>> -> memref<1x1x512xi32, #tpu.memory_space<hbm>>
      %dma_wait3A_510 = tpu.memref_squeeze %dma_wait3A_509 : memref<1x1x512xi32, #tpu.memory_space<hbm>> -> memref<512xi32, #tpu.memory_space<hbm>>
      %dma_wait3A_511 = arith.constant 1024 : i32
      %dma_wait3A_512 = tpu.memref_slice %arg4[%run_scoped3A_334, %add3A, %dma_wait3A_511] : memref<2x32x5120xi32, #tpu.memory_space<hbm>> -> memref<1x1x512xi32, #tpu.memory_space<hbm>>
      %dma_wait3A_513 = tpu.memref_squeeze %dma_wait3A_512 : memref<1x1x512xi32, #tpu.memory_space<hbm>> -> memref<512xi32, #tpu.memory_space<hbm>>
      tpu.wait_dma2 semaphore(%run_scoped3A_501 : memref<!tpu.dma_semaphore, #tpu.memory_space<semaphore_mem>>) src(%dma_wait3A_513 : memref<512xi32, #tpu.memory_space<hbm>>) dst(%arg9 : memref<512xi32, #tpu.memory_space<vmem>>)
      tpu.yield
    }) : () -> ()
    %dma_start3A_335 = arith.constant 0 : i32
    %dma_start3A_336 = arith.constant 0 : i32
    %dma_start3A_337 = tpu.memref_slice %arg2[%dma_start3A_335, %dma_start3A_336] : memref<10240x128xf32, #tpu.memory_space<hbm>> -> memref<10240x128xf32, #tpu.memory_space<hbm>>
    tpu.enqueue_indirect_dma source(%dma_start3A_337 : memref<10240x128xf32, #tpu.memory_space<hbm>>) target(%arg10 : memref<512x128xf32, #tpu.memory_space<vmem>>) offsets(%arg8 : memref<512xi32, #tpu.memory_space<vmem>>) semaphore(%arg14 : memref<!tpu.dma_semaphore, #tpu.memory_space<semaphore_mem>>)
    %dma_wait3A_338 = arith.constant 0 : i32
    %dma_wait3A_339 = arith.constant 0 : i32
    %dma_wait3A_340 = tpu.memref_slice %arg2[%dma_wait3A_338, %dma_wait3A_339] : memref<10240x128xf32, #tpu.memory_space<hbm>> -> memref<10240x128xf32, #tpu.memory_space<hbm>>
    tpu.wait_indirect_dma semaphore(%arg14 : memref<!tpu.dma_semaphore, #tpu.memory_space<semaphore_mem>>) src(%dma_wait3A_340 : memref<10240x128xf32, #tpu.memory_space<hbm>>) dst(%arg10 : memref<512x128xf32, #tpu.memory_space<vmem>>)
    "tpu.region"() ({
      %run_scoped3A_501 = tpu.sem_alloc : memref<!tpu.dma_semaphore, #tpu.memory_space<semaphore_mem>>
      %dma_start3A_502 = arith.constant 0 : i32
      %dma_start3A_503 = arith.constant 0 : i32
      %dma_start3A_504 = tpu.memref_slice %arg15[%dma_start3A_502, %dma_start3A_503] : memref<5376x128xf32, #tpu.memory_space<vmem_shared>> -> memref<5376x128xf32, #tpu.memory_space<vmem_shared>>
      tpu.enqueue_indirect_dma source(%arg10 : memref<512x128xf32, #tpu.memory_space<vmem>>) target(%dma_start3A_504 : memref<5376x128xf32, #tpu.memory_space<vmem_shared>>) offsets(%arg9 : memref<512xi32, #tpu.memory_space<vmem>>) semaphore(%run_scoped3A_501 : memref<!tpu.dma_semaphore, #tpu.memory_space<semaphore_mem>>) {add = true}
      %dma_wait3A_505 = arith.constant 0 : i32
      %dma_wait3A_506 = arith.constant 0 : i32
      %dma_wait3A_507 = tpu.memref_slice %arg15[%dma_wait3A_505, %dma_wait3A_506] : memref<5376x128xf32, #tpu.memory_space<vmem_shared>> -> memref<5376x128xf32, #tpu.memory_space<vmem_shared>>
      tpu.wait_indirect_dma semaphore(%run_scoped3A_501 : memref<!tpu.dma_semaphore, #tpu.memory_space<semaphore_mem>>) src(%arg10 : memref<512x128xf32, #tpu.memory_space<vmem>>) dst(%dma_wait3A_507 : memref<5376x128xf32, #tpu.memory_space<vmem_shared>>)
      tpu.yield
    }) : () -> ()
    "tpu.region"() ({
      %run_scoped3A_501 = tpu.sem_alloc : memref<!tpu.dma_semaphore, #tpu.memory_space<semaphore_mem>>
      %dma_start3A_502 = arith.constant 0 : i32
      %dma_start3A_503 = tpu.memref_slice %arg16[%dma_start3A_502] : memref<5376xf32, #tpu.memory_space<vmem_shared>> -> memref<5376xf32, #tpu.memory_space<vmem_shared>>
      tpu.enqueue_indirect_dma source(%arg11 : memref<512xf32, #tpu.memory_space<vmem>>) target(%dma_start3A_503 : memref<5376xf32, #tpu.memory_space<vmem_shared>>) offsets(%arg9 : memref<512xi32, #tpu.memory_space<vmem>>) semaphore(%run_scoped3A_501 : memref<!tpu.dma_semaphore, #tpu.memory_space<semaphore_mem>>) {add = true}
      %dma_wait3A_504 = arith.constant 0 : i32
      %dma_wait3A_505 = tpu.memref_slice %arg16[%dma_wait3A_504] : memref<5376xf32, #tpu.memory_space<vmem_shared>> -> memref<5376xf32, #tpu.memory_space<vmem_shared>>
      tpu.wait_indirect_dma semaphore(%run_scoped3A_501 : memref<!tpu.dma_semaphore, #tpu.memory_space<semaphore_mem>>) src(%arg11 : memref<512xf32, #tpu.memory_space<vmem>>) dst(%dma_wait3A_505 : memref<5376xf32, #tpu.memory_space<vmem_shared>>)
      tpu.yield
    }) : () -> ()
    "tpu.region"() ({
      %run_scoped3A_501 = tpu.sem_alloc : memref<!tpu.dma_semaphore, #tpu.memory_space<semaphore_mem>>
      %dma_start3A_502 = arith.constant 1536 : i32
      %dma_start3A_503 = tpu.memref_slice %arg3[%add3A, %dma_start3A_502] : memref<32x5120xi32, #tpu.memory_space<hbm>> -> memref<1x512xi32, #tpu.memory_space<hbm>>
      %dma_start3A_504 = tpu.memref_squeeze %dma_start3A_503 : memref<1x512xi32, #tpu.memory_space<hbm>> -> memref<512xi32, #tpu.memory_space<hbm>>
      %dma_start3A_505 = arith.constant 1536 : i32
      %dma_start3A_506 = tpu.memref_slice %arg3[%add3A, %dma_start3A_505] : memref<32x5120xi32, #tpu.memory_space<hbm>> -> memref<1x512xi32, #tpu.memory_space<hbm>>
      %dma_start3A_507 = tpu.memref_squeeze %dma_start3A_506 : memref<1x512xi32, #tpu.memory_space<hbm>> -> memref<512xi32, #tpu.memory_space<hbm>>
      tpu.enqueue_dma source(%dma_start3A_507 : memref<512xi32, #tpu.memory_space<hbm>>) target(%arg8 : memref<512xi32, #tpu.memory_space<vmem>>) target_semaphore(%run_scoped3A_501 : memref<!tpu.dma_semaphore, #tpu.memory_space<semaphore_mem>>)
      %dma_wait3A_508 = arith.constant 1536 : i32
      %dma_wait3A_509 = tpu.memref_slice %arg3[%add3A, %dma_wait3A_508] : memref<32x5120xi32, #tpu.memory_space<hbm>> -> memref<1x512xi32, #tpu.memory_space<hbm>>
      %dma_wait3A_510 = tpu.memref_squeeze %dma_wait3A_509 : memref<1x512xi32, #tpu.memory_space<hbm>> -> memref<512xi32, #tpu.memory_space<hbm>>
      %dma_wait3A_511 = arith.constant 1536 : i32
      %dma_wait3A_512 = tpu.memref_slice %arg3[%add3A, %dma_wait3A_511] : memref<32x5120xi32, #tpu.memory_space<hbm>> -> memref<1x512xi32, #tpu.memory_space<hbm>>
      %dma_wait3A_513 = tpu.memref_squeeze %dma_wait3A_512 : memref<1x512xi32, #tpu.memory_space<hbm>> -> memref<512xi32, #tpu.memory_space<hbm>>
      tpu.wait_dma2 semaphore(%run_scoped3A_501 : memref<!tpu.dma_semaphore, #tpu.memory_space<semaphore_mem>>) src(%dma_wait3A_513 : memref<512xi32, #tpu.memory_space<hbm>>) dst(%arg8 : memref<512xi32, #tpu.memory_space<vmem>>)
      tpu.yield
    }) : () -> ()
    %run_scoped3A_341 = arith.constant 0 : i32
    "tpu.region"() ({
      %run_scoped3A_501 = tpu.sem_alloc : memref<!tpu.dma_semaphore, #tpu.memory_space<semaphore_mem>>
      %dma_start3A_502 = arith.constant 1536 : i32
      %dma_start3A_503 = tpu.memref_slice %arg4[%run_scoped3A_341, %add3A, %dma_start3A_502] : memref<2x32x5120xi32, #tpu.memory_space<hbm>> -> memref<1x1x512xi32, #tpu.memory_space<hbm>>
      %dma_start3A_504 = tpu.memref_squeeze %dma_start3A_503 : memref<1x1x512xi32, #tpu.memory_space<hbm>> -> memref<512xi32, #tpu.memory_space<hbm>>
      %dma_start3A_505 = arith.constant 1536 : i32
      %dma_start3A_506 = tpu.memref_slice %arg4[%run_scoped3A_341, %add3A, %dma_start3A_505] : memref<2x32x5120xi32, #tpu.memory_space<hbm>> -> memref<1x1x512xi32, #tpu.memory_space<hbm>>
      %dma_start3A_507 = tpu.memref_squeeze %dma_start3A_506 : memref<1x1x512xi32, #tpu.memory_space<hbm>> -> memref<512xi32, #tpu.memory_space<hbm>>
      tpu.enqueue_dma source(%dma_start3A_507 : memref<512xi32, #tpu.memory_space<hbm>>) target(%arg9 : memref<512xi32, #tpu.memory_space<vmem>>) target_semaphore(%run_scoped3A_501 : memref<!tpu.dma_semaphore, #tpu.memory_space<semaphore_mem>>)
      %dma_wait3A_508 = arith.constant 1536 : i32
      %dma_wait3A_509 = tpu.memref_slice %arg4[%run_scoped3A_341, %add3A, %dma_wait3A_508] : memref<2x32x5120xi32, #tpu.memory_space<hbm>> -> memref<1x1x512xi32, #tpu.memory_space<hbm>>
      %dma_wait3A_510 = tpu.memref_squeeze %dma_wait3A_509 : memref<1x1x512xi32, #tpu.memory_space<hbm>> -> memref<512xi32, #tpu.memory_space<hbm>>
      %dma_wait3A_511 = arith.constant 1536 : i32
      %dma_wait3A_512 = tpu.memref_slice %arg4[%run_scoped3A_341, %add3A, %dma_wait3A_511] : memref<2x32x5120xi32, #tpu.memory_space<hbm>> -> memref<1x1x512xi32, #tpu.memory_space<hbm>>
      %dma_wait3A_513 = tpu.memref_squeeze %dma_wait3A_512 : memref<1x1x512xi32, #tpu.memory_space<hbm>> -> memref<512xi32, #tpu.memory_space<hbm>>
      tpu.wait_dma2 semaphore(%run_scoped3A_501 : memref<!tpu.dma_semaphore, #tpu.memory_space<semaphore_mem>>) src(%dma_wait3A_513 : memref<512xi32, #tpu.memory_space<hbm>>) dst(%arg9 : memref<512xi32, #tpu.memory_space<vmem>>)
      tpu.yield
    }) : () -> ()
    %dma_start3A_342 = arith.constant 0 : i32
    %dma_start3A_343 = arith.constant 0 : i32
    %dma_start3A_344 = tpu.memref_slice %arg2[%dma_start3A_342, %dma_start3A_343] : memref<10240x128xf32, #tpu.memory_space<hbm>> -> memref<10240x128xf32, #tpu.memory_space<hbm>>
    tpu.enqueue_indirect_dma source(%dma_start3A_344 : memref<10240x128xf32, #tpu.memory_space<hbm>>) target(%arg10 : memref<512x128xf32, #tpu.memory_space<vmem>>) offsets(%arg8 : memref<512xi32, #tpu.memory_space<vmem>>) semaphore(%arg14 : memref<!tpu.dma_semaphore, #tpu.memory_space<semaphore_mem>>)
    %dma_wait3A_345 = arith.constant 0 : i32
    %dma_wait3A_346 = arith.constant 0 : i32
    %dma_wait3A_347 = tpu.memref_slice %arg2[%dma_wait3A_345, %dma_wait3A_346] : memref<10240x128xf32, #tpu.memory_space<hbm>> -> memref<10240x128xf32, #tpu.memory_space<hbm>>
    tpu.wait_indirect_dma semaphore(%arg14 : memref<!tpu.dma_semaphore, #tpu.memory_space<semaphore_mem>>) src(%dma_wait3A_347 : memref<10240x128xf32, #tpu.memory_space<hbm>>) dst(%arg10 : memref<512x128xf32, #tpu.memory_space<vmem>>)
    "tpu.region"() ({
      %run_scoped3A_501 = tpu.sem_alloc : memref<!tpu.dma_semaphore, #tpu.memory_space<semaphore_mem>>
      %dma_start3A_502 = arith.constant 0 : i32
      %dma_start3A_503 = arith.constant 0 : i32
      %dma_start3A_504 = tpu.memref_slice %arg15[%dma_start3A_502, %dma_start3A_503] : memref<5376x128xf32, #tpu.memory_space<vmem_shared>> -> memref<5376x128xf32, #tpu.memory_space<vmem_shared>>
      tpu.enqueue_indirect_dma source(%arg10 : memref<512x128xf32, #tpu.memory_space<vmem>>) target(%dma_start3A_504 : memref<5376x128xf32, #tpu.memory_space<vmem_shared>>) offsets(%arg9 : memref<512xi32, #tpu.memory_space<vmem>>) semaphore(%run_scoped3A_501 : memref<!tpu.dma_semaphore, #tpu.memory_space<semaphore_mem>>) {add = true}
      %dma_wait3A_505 = arith.constant 0 : i32
      %dma_wait3A_506 = arith.constant 0 : i32
      %dma_wait3A_507 = tpu.memref_slice %arg15[%dma_wait3A_505, %dma_wait3A_506] : memref<5376x128xf32, #tpu.memory_space<vmem_shared>> -> memref<5376x128xf32, #tpu.memory_space<vmem_shared>>
      tpu.wait_indirect_dma semaphore(%run_scoped3A_501 : memref<!tpu.dma_semaphore, #tpu.memory_space<semaphore_mem>>) src(%arg10 : memref<512x128xf32, #tpu.memory_space<vmem>>) dst(%dma_wait3A_507 : memref<5376x128xf32, #tpu.memory_space<vmem_shared>>)
      tpu.yield
    }) : () -> ()
    "tpu.region"() ({
      %run_scoped3A_501 = tpu.sem_alloc : memref<!tpu.dma_semaphore, #tpu.memory_space<semaphore_mem>>
      %dma_start3A_502 = arith.constant 0 : i32
      %dma_start3A_503 = tpu.memref_slice %arg16[%dma_start3A_502] : memref<5376xf32, #tpu.memory_space<vmem_shared>> -> memref<5376xf32, #tpu.memory_space<vmem_shared>>
      tpu.enqueue_indirect_dma source(%arg11 : memref<512xf32, #tpu.memory_space<vmem>>) target(%dma_start3A_503 : memref<5376xf32, #tpu.memory_space<vmem_shared>>) offsets(%arg9 : memref<512xi32, #tpu.memory_space<vmem>>) semaphore(%run_scoped3A_501 : memref<!tpu.dma_semaphore, #tpu.memory_space<semaphore_mem>>) {add = true}
      %dma_wait3A_504 = arith.constant 0 : i32
      %dma_wait3A_505 = tpu.memref_slice %arg16[%dma_wait3A_504] : memref<5376xf32, #tpu.memory_space<vmem_shared>> -> memref<5376xf32, #tpu.memory_space<vmem_shared>>
      tpu.wait_indirect_dma semaphore(%run_scoped3A_501 : memref<!tpu.dma_semaphore, #tpu.memory_space<semaphore_mem>>) src(%arg11 : memref<512xf32, #tpu.memory_space<vmem>>) dst(%dma_wait3A_505 : memref<5376xf32, #tpu.memory_space<vmem_shared>>)
      tpu.yield
    }) : () -> ()
    "tpu.region"() ({
      %run_scoped3A_501 = tpu.sem_alloc : memref<!tpu.dma_semaphore, #tpu.memory_space<semaphore_mem>>
      %dma_start3A_502 = arith.constant 2048 : i32
      %dma_start3A_503 = tpu.memref_slice %arg3[%add3A, %dma_start3A_502] : memref<32x5120xi32, #tpu.memory_space<hbm>> -> memref<1x512xi32, #tpu.memory_space<hbm>>
      %dma_start3A_504 = tpu.memref_squeeze %dma_start3A_503 : memref<1x512xi32, #tpu.memory_space<hbm>> -> memref<512xi32, #tpu.memory_space<hbm>>
      %dma_start3A_505 = arith.constant 2048 : i32
      %dma_start3A_506 = tpu.memref_slice %arg3[%add3A, %dma_start3A_505] : memref<32x5120xi32, #tpu.memory_space<hbm>> -> memref<1x512xi32, #tpu.memory_space<hbm>>
      %dma_start3A_507 = tpu.memref_squeeze %dma_start3A_506 : memref<1x512xi32, #tpu.memory_space<hbm>> -> memref<512xi32, #tpu.memory_space<hbm>>
      tpu.enqueue_dma source(%dma_start3A_507 : memref<512xi32, #tpu.memory_space<hbm>>) target(%arg8 : memref<512xi32, #tpu.memory_space<vmem>>) target_semaphore(%run_scoped3A_501 : memref<!tpu.dma_semaphore, #tpu.memory_space<semaphore_mem>>)
      %dma_wait3A_508 = arith.constant 2048 : i32
      %dma_wait3A_509 = tpu.memref_slice %arg3[%add3A, %dma_wait3A_508] : memref<32x5120xi32, #tpu.memory_space<hbm>> -> memref<1x512xi32, #tpu.memory_space<hbm>>
      %dma_wait3A_510 = tpu.memref_squeeze %dma_wait3A_509 : memref<1x512xi32, #tpu.memory_space<hbm>> -> memref<512xi32, #tpu.memory_space<hbm>>
      %dma_wait3A_511 = arith.constant 2048 : i32
      %dma_wait3A_512 = tpu.memref_slice %arg3[%add3A, %dma_wait3A_511] : memref<32x5120xi32, #tpu.memory_space<hbm>> -> memref<1x512xi32, #tpu.memory_space<hbm>>
      %dma_wait3A_513 = tpu.memref_squeeze %dma_wait3A_512 : memref<1x512xi32, #tpu.memory_space<hbm>> -> memref<512xi32, #tpu.memory_space<hbm>>
      tpu.wait_dma2 semaphore(%run_scoped3A_501 : memref<!tpu.dma_semaphore, #tpu.memory_space<semaphore_mem>>) src(%dma_wait3A_513 : memref<512xi32, #tpu.memory_space<hbm>>) dst(%arg8 : memref<512xi32, #tpu.memory_space<vmem>>)
      tpu.yield
    }) : () -> ()
    %run_scoped3A_348 = arith.constant 0 : i32
    "tpu.region"() ({
      %run_scoped3A_501 = tpu.sem_alloc : memref<!tpu.dma_semaphore, #tpu.memory_space<semaphore_mem>>
      %dma_start3A_502 = arith.constant 2048 : i32
      %dma_start3A_503 = tpu.memref_slice %arg4[%run_scoped3A_348, %add3A, %dma_start3A_502] : memref<2x32x5120xi32, #tpu.memory_space<hbm>> -> memref<1x1x512xi32, #tpu.memory_space<hbm>>
      %dma_start3A_504 = tpu.memref_squeeze %dma_start3A_503 : memref<1x1x512xi32, #tpu.memory_space<hbm>> -> memref<512xi32, #tpu.memory_space<hbm>>
      %dma_start3A_505 = arith.constant 2048 : i32
      %dma_start3A_506 = tpu.memref_slice %arg4[%run_scoped3A_348, %add3A, %dma_start3A_505] : memref<2x32x5120xi32, #tpu.memory_space<hbm>> -> memref<1x1x512xi32, #tpu.memory_space<hbm>>
      %dma_start3A_507 = tpu.memref_squeeze %dma_start3A_506 : memref<1x1x512xi32, #tpu.memory_space<hbm>> -> memref<512xi32, #tpu.memory_space<hbm>>
      tpu.enqueue_dma source(%dma_start3A_507 : memref<512xi32, #tpu.memory_space<hbm>>) target(%arg9 : memref<512xi32, #tpu.memory_space<vmem>>) target_semaphore(%run_scoped3A_501 : memref<!tpu.dma_semaphore, #tpu.memory_space<semaphore_mem>>)
      %dma_wait3A_508 = arith.constant 2048 : i32
      %dma_wait3A_509 = tpu.memref_slice %arg4[%run_scoped3A_348, %add3A, %dma_wait3A_508] : memref<2x32x5120xi32, #tpu.memory_space<hbm>> -> memref<1x1x512xi32, #tpu.memory_space<hbm>>
      %dma_wait3A_510 = tpu.memref_squeeze %dma_wait3A_509 : memref<1x1x512xi32, #tpu.memory_space<hbm>> -> memref<512xi32, #tpu.memory_space<hbm>>
      %dma_wait3A_511 = arith.constant 2048 : i32
      %dma_wait3A_512 = tpu.memref_slice %arg4[%run_scoped3A_348, %add3A, %dma_wait3A_511] : memref<2x32x5120xi32, #tpu.memory_space<hbm>> -> memref<1x1x512xi32, #tpu.memory_space<hbm>>
      %dma_wait3A_513 = tpu.memref_squeeze %dma_wait3A_512 : memref<1x1x512xi32, #tpu.memory_space<hbm>> -> memref<512xi32, #tpu.memory_space<hbm>>
      tpu.wait_dma2 semaphore(%run_scoped3A_501 : memref<!tpu.dma_semaphore, #tpu.memory_space<semaphore_mem>>) src(%dma_wait3A_513 : memref<512xi32, #tpu.memory_space<hbm>>) dst(%arg9 : memref<512xi32, #tpu.memory_space<vmem>>)
      tpu.yield
    }) : () -> ()
    %dma_start3A_349 = arith.constant 0 : i32
    %dma_start3A_350 = arith.constant 0 : i32
    %dma_start3A_351 = tpu.memref_slice %arg2[%dma_start3A_349, %dma_start3A_350] : memref<10240x128xf32, #tpu.memory_space<hbm>> -> memref<10240x128xf32, #tpu.memory_space<hbm>>
    tpu.enqueue_indirect_dma source(%dma_start3A_351 : memref<10240x128xf32, #tpu.memory_space<hbm>>) target(%arg10 : memref<512x128xf32, #tpu.memory_space<vmem>>) offsets(%arg8 : memref<512xi32, #tpu.memory_space<vmem>>) semaphore(%arg14 : memref<!tpu.dma_semaphore, #tpu.memory_space<semaphore_mem>>)
    %dma_wait3A_352 = arith.constant 0 : i32
    %dma_wait3A_353 = arith.constant 0 : i32
    %dma_wait3A_354 = tpu.memref_slice %arg2[%dma_wait3A_352, %dma_wait3A_353] : memref<10240x128xf32, #tpu.memory_space<hbm>> -> memref<10240x128xf32, #tpu.memory_space<hbm>>
    tpu.wait_indirect_dma semaphore(%arg14 : memref<!tpu.dma_semaphore, #tpu.memory_space<semaphore_mem>>) src(%dma_wait3A_354 : memref<10240x128xf32, #tpu.memory_space<hbm>>) dst(%arg10 : memref<512x128xf32, #tpu.memory_space<vmem>>)
    "tpu.region"() ({
      %run_scoped3A_501 = tpu.sem_alloc : memref<!tpu.dma_semaphore, #tpu.memory_space<semaphore_mem>>
      %dma_start3A_502 = arith.constant 0 : i32
      %dma_start3A_503 = arith.constant 0 : i32
      %dma_start3A_504 = tpu.memref_slice %arg15[%dma_start3A_502, %dma_start3A_503] : memref<5376x128xf32, #tpu.memory_space<vmem_shared>> -> memref<5376x128xf32, #tpu.memory_space<vmem_shared>>
      tpu.enqueue_indirect_dma source(%arg10 : memref<512x128xf32, #tpu.memory_space<vmem>>) target(%dma_start3A_504 : memref<5376x128xf32, #tpu.memory_space<vmem_shared>>) offsets(%arg9 : memref<512xi32, #tpu.memory_space<vmem>>) semaphore(%run_scoped3A_501 : memref<!tpu.dma_semaphore, #tpu.memory_space<semaphore_mem>>) {add = true}
      %dma_wait3A_505 = arith.constant 0 : i32
      %dma_wait3A_506 = arith.constant 0 : i32
      %dma_wait3A_507 = tpu.memref_slice %arg15[%dma_wait3A_505, %dma_wait3A_506] : memref<5376x128xf32, #tpu.memory_space<vmem_shared>> -> memref<5376x128xf32, #tpu.memory_space<vmem_shared>>
      tpu.wait_indirect_dma semaphore(%run_scoped3A_501 : memref<!tpu.dma_semaphore, #tpu.memory_space<semaphore_mem>>) src(%arg10 : memref<512x128xf32, #tpu.memory_space<vmem>>) dst(%dma_wait3A_507 : memref<5376x128xf32, #tpu.memory_space<vmem_shared>>)
      tpu.yield
    }) : () -> ()
    "tpu.region"() ({
      %run_scoped3A_501 = tpu.sem_alloc : memref<!tpu.dma_semaphore, #tpu.memory_space<semaphore_mem>>
      %dma_start3A_502 = arith.constant 0 : i32
      %dma_start3A_503 = tpu.memref_slice %arg16[%dma_start3A_502] : memref<5376xf32, #tpu.memory_space<vmem_shared>> -> memref<5376xf32, #tpu.memory_space<vmem_shared>>
      tpu.enqueue_indirect_dma source(%arg11 : memref<512xf32, #tpu.memory_space<vmem>>) target(%dma_start3A_503 : memref<5376xf32, #tpu.memory_space<vmem_shared>>) offsets(%arg9 : memref<512xi32, #tpu.memory_space<vmem>>) semaphore(%run_scoped3A_501 : memref<!tpu.dma_semaphore, #tpu.memory_space<semaphore_mem>>) {add = true}
      %dma_wait3A_504 = arith.constant 0 : i32
      %dma_wait3A_505 = tpu.memref_slice %arg16[%dma_wait3A_504] : memref<5376xf32, #tpu.memory_space<vmem_shared>> -> memref<5376xf32, #tpu.memory_space<vmem_shared>>
      tpu.wait_indirect_dma semaphore(%run_scoped3A_501 : memref<!tpu.dma_semaphore, #tpu.memory_space<semaphore_mem>>) src(%arg11 : memref<512xf32, #tpu.memory_space<vmem>>) dst(%dma_wait3A_505 : memref<5376xf32, #tpu.memory_space<vmem_shared>>)
      tpu.yield
    }) : () -> ()
    "tpu.region"() ({
      %run_scoped3A_501 = tpu.sem_alloc : memref<!tpu.dma_semaphore, #tpu.memory_space<semaphore_mem>>
      %dma_start3A_502 = arith.constant 2560 : i32
      %dma_start3A_503 = tpu.memref_slice %arg3[%add3A, %dma_start3A_502] : memref<32x5120xi32, #tpu.memory_space<hbm>> -> memref<1x512xi32, #tpu.memory_space<hbm>>
      %dma_start3A_504 = tpu.memref_squeeze %dma_start3A_503 : memref<1x512xi32, #tpu.memory_space<hbm>> -> memref<512xi32, #tpu.memory_space<hbm>>
      %dma_start3A_505 = arith.constant 2560 : i32
      %dma_start3A_506 = tpu.memref_slice %arg3[%add3A, %dma_start3A_505] : memref<32x5120xi32, #tpu.memory_space<hbm>> -> memref<1x512xi32, #tpu.memory_space<hbm>>
      %dma_start3A_507 = tpu.memref_squeeze %dma_start3A_506 : memref<1x512xi32, #tpu.memory_space<hbm>> -> memref<512xi32, #tpu.memory_space<hbm>>
      tpu.enqueue_dma source(%dma_start3A_507 : memref<512xi32, #tpu.memory_space<hbm>>) target(%arg8 : memref<512xi32, #tpu.memory_space<vmem>>) target_semaphore(%run_scoped3A_501 : memref<!tpu.dma_semaphore, #tpu.memory_space<semaphore_mem>>)
      %dma_wait3A_508 = arith.constant 2560 : i32
      %dma_wait3A_509 = tpu.memref_slice %arg3[%add3A, %dma_wait3A_508] : memref<32x5120xi32, #tpu.memory_space<hbm>> -> memref<1x512xi32, #tpu.memory_space<hbm>>
      %dma_wait3A_510 = tpu.memref_squeeze %dma_wait3A_509 : memref<1x512xi32, #tpu.memory_space<hbm>> -> memref<512xi32, #tpu.memory_space<hbm>>
      %dma_wait3A_511 = arith.constant 2560 : i32
      %dma_wait3A_512 = tpu.memref_slice %arg3[%add3A, %dma_wait3A_511] : memref<32x5120xi32, #tpu.memory_space<hbm>> -> memref<1x512xi32, #tpu.memory_space<hbm>>
      %dma_wait3A_513 = tpu.memref_squeeze %dma_wait3A_512 : memref<1x512xi32, #tpu.memory_space<hbm>> -> memref<512xi32, #tpu.memory_space<hbm>>
      tpu.wait_dma2 semaphore(%run_scoped3A_501 : memref<!tpu.dma_semaphore, #tpu.memory_space<semaphore_mem>>) src(%dma_wait3A_513 : memref<512xi32, #tpu.memory_space<hbm>>) dst(%arg8 : memref<512xi32, #tpu.memory_space<vmem>>)
      tpu.yield
    }) : () -> ()
    %run_scoped3A_355 = arith.constant 0 : i32
    "tpu.region"() ({
      %run_scoped3A_501 = tpu.sem_alloc : memref<!tpu.dma_semaphore, #tpu.memory_space<semaphore_mem>>
      %dma_start3A_502 = arith.constant 2560 : i32
      %dma_start3A_503 = tpu.memref_slice %arg4[%run_scoped3A_355, %add3A, %dma_start3A_502] : memref<2x32x5120xi32, #tpu.memory_space<hbm>> -> memref<1x1x512xi32, #tpu.memory_space<hbm>>
      %dma_start3A_504 = tpu.memref_squeeze %dma_start3A_503 : memref<1x1x512xi32, #tpu.memory_space<hbm>> -> memref<512xi32, #tpu.memory_space<hbm>>
      %dma_start3A_505 = arith.constant 2560 : i32
      %dma_start3A_506 = tpu.memref_slice %arg4[%run_scoped3A_355, %add3A, %dma_start3A_505] : memref<2x32x5120xi32, #tpu.memory_space<hbm>> -> memref<1x1x512xi32, #tpu.memory_space<hbm>>
      %dma_start3A_507 = tpu.memref_squeeze %dma_start3A_506 : memref<1x1x512xi32, #tpu.memory_space<hbm>> -> memref<512xi32, #tpu.memory_space<hbm>>
      tpu.enqueue_dma source(%dma_start3A_507 : memref<512xi32, #tpu.memory_space<hbm>>) target(%arg9 : memref<512xi32, #tpu.memory_space<vmem>>) target_semaphore(%run_scoped3A_501 : memref<!tpu.dma_semaphore, #tpu.memory_space<semaphore_mem>>)
      %dma_wait3A_508 = arith.constant 2560 : i32
      %dma_wait3A_509 = tpu.memref_slice %arg4[%run_scoped3A_355, %add3A, %dma_wait3A_508] : memref<2x32x5120xi32, #tpu.memory_space<hbm>> -> memref<1x1x512xi32, #tpu.memory_space<hbm>>
      %dma_wait3A_510 = tpu.memref_squeeze %dma_wait3A_509 : memref<1x1x512xi32, #tpu.memory_space<hbm>> -> memref<512xi32, #tpu.memory_space<hbm>>
      %dma_wait3A_511 = arith.constant 2560 : i32
      %dma_wait3A_512 = tpu.memref_slice %arg4[%run_scoped3A_355, %add3A, %dma_wait3A_511] : memref<2x32x5120xi32, #tpu.memory_space<hbm>> -> memref<1x1x512xi32, #tpu.memory_space<hbm>>
      %dma_wait3A_513 = tpu.memref_squeeze %dma_wait3A_512 : memref<1x1x512xi32, #tpu.memory_space<hbm>> -> memref<512xi32, #tpu.memory_space<hbm>>
      tpu.wait_dma2 semaphore(%run_scoped3A_501 : memref<!tpu.dma_semaphore, #tpu.memory_space<semaphore_mem>>) src(%dma_wait3A_513 : memref<512xi32, #tpu.memory_space<hbm>>) dst(%arg9 : memref<512xi32, #tpu.memory_space<vmem>>)
      tpu.yield
    }) : () -> ()
    %dma_start3A_356 = arith.constant 0 : i32
    %dma_start3A_357 = arith.constant 0 : i32
    %dma_start3A_358 = tpu.memref_slice %arg2[%dma_start3A_356, %dma_start3A_357] : memref<10240x128xf32, #tpu.memory_space<hbm>> -> memref<10240x128xf32, #tpu.memory_space<hbm>>
    tpu.enqueue_indirect_dma source(%dma_start3A_358 : memref<10240x128xf32, #tpu.memory_space<hbm>>) target(%arg10 : memref<512x128xf32, #tpu.memory_space<vmem>>) offsets(%arg8 : memref<512xi32, #tpu.memory_space<vmem>>) semaphore(%arg14 : memref<!tpu.dma_semaphore, #tpu.memory_space<semaphore_mem>>)
    %dma_wait3A_359 = arith.constant 0 : i32
    %dma_wait3A_360 = arith.constant 0 : i32
    %dma_wait3A_361 = tpu.memref_slice %arg2[%dma_wait3A_359, %dma_wait3A_360] : memref<10240x128xf32, #tpu.memory_space<hbm>> -> memref<10240x128xf32, #tpu.memory_space<hbm>>
    tpu.wait_indirect_dma semaphore(%arg14 : memref<!tpu.dma_semaphore, #tpu.memory_space<semaphore_mem>>) src(%dma_wait3A_361 : memref<10240x128xf32, #tpu.memory_space<hbm>>) dst(%arg10 : memref<512x128xf32, #tpu.memory_space<vmem>>)
    "tpu.region"() ({
      %run_scoped3A_501 = tpu.sem_alloc : memref<!tpu.dma_semaphore, #tpu.memory_space<semaphore_mem>>
      %dma_start3A_502 = arith.constant 0 : i32
      %dma_start3A_503 = arith.constant 0 : i32
      %dma_start3A_504 = tpu.memref_slice %arg15[%dma_start3A_502, %dma_start3A_503] : memref<5376x128xf32, #tpu.memory_space<vmem_shared>> -> memref<5376x128xf32, #tpu.memory_space<vmem_shared>>
      tpu.enqueue_indirect_dma source(%arg10 : memref<512x128xf32, #tpu.memory_space<vmem>>) target(%dma_start3A_504 : memref<5376x128xf32, #tpu.memory_space<vmem_shared>>) offsets(%arg9 : memref<512xi32, #tpu.memory_space<vmem>>) semaphore(%run_scoped3A_501 : memref<!tpu.dma_semaphore, #tpu.memory_space<semaphore_mem>>) {add = true}
      %dma_wait3A_505 = arith.constant 0 : i32
      %dma_wait3A_506 = arith.constant 0 : i32
      %dma_wait3A_507 = tpu.memref_slice %arg15[%dma_wait3A_505, %dma_wait3A_506] : memref<5376x128xf32, #tpu.memory_space<vmem_shared>> -> memref<5376x128xf32, #tpu.memory_space<vmem_shared>>
      tpu.wait_indirect_dma semaphore(%run_scoped3A_501 : memref<!tpu.dma_semaphore, #tpu.memory_space<semaphore_mem>>) src(%arg10 : memref<512x128xf32, #tpu.memory_space<vmem>>) dst(%dma_wait3A_507 : memref<5376x128xf32, #tpu.memory_space<vmem_shared>>)
      tpu.yield
    }) : () -> ()
    "tpu.region"() ({
      %run_scoped3A_501 = tpu.sem_alloc : memref<!tpu.dma_semaphore, #tpu.memory_space<semaphore_mem>>
      %dma_start3A_502 = arith.constant 0 : i32
      %dma_start3A_503 = tpu.memref_slice %arg16[%dma_start3A_502] : memref<5376xf32, #tpu.memory_space<vmem_shared>> -> memref<5376xf32, #tpu.memory_space<vmem_shared>>
      tpu.enqueue_indirect_dma source(%arg11 : memref<512xf32, #tpu.memory_space<vmem>>) target(%dma_start3A_503 : memref<5376xf32, #tpu.memory_space<vmem_shared>>) offsets(%arg9 : memref<512xi32, #tpu.memory_space<vmem>>) semaphore(%run_scoped3A_501 : memref<!tpu.dma_semaphore, #tpu.memory_space<semaphore_mem>>) {add = true}
      %dma_wait3A_504 = arith.constant 0 : i32
      %dma_wait3A_505 = tpu.memref_slice %arg16[%dma_wait3A_504] : memref<5376xf32, #tpu.memory_space<vmem_shared>> -> memref<5376xf32, #tpu.memory_space<vmem_shared>>
      tpu.wait_indirect_dma semaphore(%run_scoped3A_501 : memref<!tpu.dma_semaphore, #tpu.memory_space<semaphore_mem>>) src(%arg11 : memref<512xf32, #tpu.memory_space<vmem>>) dst(%dma_wait3A_505 : memref<5376xf32, #tpu.memory_space<vmem_shared>>)
      tpu.yield
    }) : () -> ()
    "tpu.region"() ({
      %run_scoped3A_501 = tpu.sem_alloc : memref<!tpu.dma_semaphore, #tpu.memory_space<semaphore_mem>>
      %dma_start3A_502 = arith.constant 3072 : i32
      %dma_start3A_503 = tpu.memref_slice %arg3[%add3A, %dma_start3A_502] : memref<32x5120xi32, #tpu.memory_space<hbm>> -> memref<1x512xi32, #tpu.memory_space<hbm>>
      %dma_start3A_504 = tpu.memref_squeeze %dma_start3A_503 : memref<1x512xi32, #tpu.memory_space<hbm>> -> memref<512xi32, #tpu.memory_space<hbm>>
      %dma_start3A_505 = arith.constant 3072 : i32
      %dma_start3A_506 = tpu.memref_slice %arg3[%add3A, %dma_start3A_505] : memref<32x5120xi32, #tpu.memory_space<hbm>> -> memref<1x512xi32, #tpu.memory_space<hbm>>
      %dma_start3A_507 = tpu.memref_squeeze %dma_start3A_506 : memref<1x512xi32, #tpu.memory_space<hbm>> -> memref<512xi32, #tpu.memory_space<hbm>>
      tpu.enqueue_dma source(%dma_start3A_507 : memref<512xi32, #tpu.memory_space<hbm>>) target(%arg8 : memref<512xi32, #tpu.memory_space<vmem>>) target_semaphore(%run_scoped3A_501 : memref<!tpu.dma_semaphore, #tpu.memory_space<semaphore_mem>>)
      %dma_wait3A_508 = arith.constant 3072 : i32
      %dma_wait3A_509 = tpu.memref_slice %arg3[%add3A, %dma_wait3A_508] : memref<32x5120xi32, #tpu.memory_space<hbm>> -> memref<1x512xi32, #tpu.memory_space<hbm>>
      %dma_wait3A_510 = tpu.memref_squeeze %dma_wait3A_509 : memref<1x512xi32, #tpu.memory_space<hbm>> -> memref<512xi32, #tpu.memory_space<hbm>>
      %dma_wait3A_511 = arith.constant 3072 : i32
      %dma_wait3A_512 = tpu.memref_slice %arg3[%add3A, %dma_wait3A_511] : memref<32x5120xi32, #tpu.memory_space<hbm>> -> memref<1x512xi32, #tpu.memory_space<hbm>>
      %dma_wait3A_513 = tpu.memref_squeeze %dma_wait3A_512 : memref<1x512xi32, #tpu.memory_space<hbm>> -> memref<512xi32, #tpu.memory_space<hbm>>
      tpu.wait_dma2 semaphore(%run_scoped3A_501 : memref<!tpu.dma_semaphore, #tpu.memory_space<semaphore_mem>>) src(%dma_wait3A_513 : memref<512xi32, #tpu.memory_space<hbm>>) dst(%arg8 : memref<512xi32, #tpu.memory_space<vmem>>)
      tpu.yield
    }) : () -> ()
    %run_scoped3A_362 = arith.constant 0 : i32
    "tpu.region"() ({
      %run_scoped3A_501 = tpu.sem_alloc : memref<!tpu.dma_semaphore, #tpu.memory_space<semaphore_mem>>
      %dma_start3A_502 = arith.constant 3072 : i32
      %dma_start3A_503 = tpu.memref_slice %arg4[%run_scoped3A_362, %add3A, %dma_start3A_502] : memref<2x32x5120xi32, #tpu.memory_space<hbm>> -> memref<1x1x512xi32, #tpu.memory_space<hbm>>
      %dma_start3A_504 = tpu.memref_squeeze %dma_start3A_503 : memref<1x1x512xi32, #tpu.memory_space<hbm>> -> memref<512xi32, #tpu.memory_space<hbm>>
      %dma_start3A_505 = arith.constant 3072 : i32
      %dma_start3A_506 = tpu.memref_slice %arg4[%run_scoped3A_362, %add3A, %dma_start3A_505] : memref<2x32x5120xi32, #tpu.memory_space<hbm>> -> memref<1x1x512xi32, #tpu.memory_space<hbm>>
      %dma_start3A_507 = tpu.memref_squeeze %dma_start3A_506 : memref<1x1x512xi32, #tpu.memory_space<hbm>> -> memref<512xi32, #tpu.memory_space<hbm>>
      tpu.enqueue_dma source(%dma_start3A_507 : memref<512xi32, #tpu.memory_space<hbm>>) target(%arg9 : memref<512xi32, #tpu.memory_space<vmem>>) target_semaphore(%run_scoped3A_501 : memref<!tpu.dma_semaphore, #tpu.memory_space<semaphore_mem>>)
      %dma_wait3A_508 = arith.constant 3072 : i32
      %dma_wait3A_509 = tpu.memref_slice %arg4[%run_scoped3A_362, %add3A, %dma_wait3A_508] : memref<2x32x5120xi32, #tpu.memory_space<hbm>> -> memref<1x1x512xi32, #tpu.memory_space<hbm>>
      %dma_wait3A_510 = tpu.memref_squeeze %dma_wait3A_509 : memref<1x1x512xi32, #tpu.memory_space<hbm>> -> memref<512xi32, #tpu.memory_space<hbm>>
      %dma_wait3A_511 = arith.constant 3072 : i32
      %dma_wait3A_512 = tpu.memref_slice %arg4[%run_scoped3A_362, %add3A, %dma_wait3A_511] : memref<2x32x5120xi32, #tpu.memory_space<hbm>> -> memref<1x1x512xi32, #tpu.memory_space<hbm>>
      %dma_wait3A_513 = tpu.memref_squeeze %dma_wait3A_512 : memref<1x1x512xi32, #tpu.memory_space<hbm>> -> memref<512xi32, #tpu.memory_space<hbm>>
      tpu.wait_dma2 semaphore(%run_scoped3A_501 : memref<!tpu.dma_semaphore, #tpu.memory_space<semaphore_mem>>) src(%dma_wait3A_513 : memref<512xi32, #tpu.memory_space<hbm>>) dst(%arg9 : memref<512xi32, #tpu.memory_space<vmem>>)
      tpu.yield
    }) : () -> ()
    %dma_start3A_363 = arith.constant 0 : i32
    %dma_start3A_364 = arith.constant 0 : i32
    %dma_start3A_365 = tpu.memref_slice %arg2[%dma_start3A_363, %dma_start3A_364] : memref<10240x128xf32, #tpu.memory_space<hbm>> -> memref<10240x128xf32, #tpu.memory_space<hbm>>
    tpu.enqueue_indirect_dma source(%dma_start3A_365 : memref<10240x128xf32, #tpu.memory_space<hbm>>) target(%arg10 : memref<512x128xf32, #tpu.memory_space<vmem>>) offsets(%arg8 : memref<512xi32, #tpu.memory_space<vmem>>) semaphore(%arg14 : memref<!tpu.dma_semaphore, #tpu.memory_space<semaphore_mem>>)
    %dma_wait3A_366 = arith.constant 0 : i32
    %dma_wait3A_367 = arith.constant 0 : i32
    %dma_wait3A_368 = tpu.memref_slice %arg2[%dma_wait3A_366, %dma_wait3A_367] : memref<10240x128xf32, #tpu.memory_space<hbm>> -> memref<10240x128xf32, #tpu.memory_space<hbm>>
    tpu.wait_indirect_dma semaphore(%arg14 : memref<!tpu.dma_semaphore, #tpu.memory_space<semaphore_mem>>) src(%dma_wait3A_368 : memref<10240x128xf32, #tpu.memory_space<hbm>>) dst(%arg10 : memref<512x128xf32, #tpu.memory_space<vmem>>)
    "tpu.region"() ({
      %run_scoped3A_501 = tpu.sem_alloc : memref<!tpu.dma_semaphore, #tpu.memory_space<semaphore_mem>>
      %dma_start3A_502 = arith.constant 0 : i32
      %dma_start3A_503 = arith.constant 0 : i32
      %dma_start3A_504 = tpu.memref_slice %arg15[%dma_start3A_502, %dma_start3A_503] : memref<5376x128xf32, #tpu.memory_space<vmem_shared>> -> memref<5376x128xf32, #tpu.memory_space<vmem_shared>>
      tpu.enqueue_indirect_dma source(%arg10 : memref<512x128xf32, #tpu.memory_space<vmem>>) target(%dma_start3A_504 : memref<5376x128xf32, #tpu.memory_space<vmem_shared>>) offsets(%arg9 : memref<512xi32, #tpu.memory_space<vmem>>) semaphore(%run_scoped3A_501 : memref<!tpu.dma_semaphore, #tpu.memory_space<semaphore_mem>>) {add = true}
      %dma_wait3A_505 = arith.constant 0 : i32
      %dma_wait3A_506 = arith.constant 0 : i32
      %dma_wait3A_507 = tpu.memref_slice %arg15[%dma_wait3A_505, %dma_wait3A_506] : memref<5376x128xf32, #tpu.memory_space<vmem_shared>> -> memref<5376x128xf32, #tpu.memory_space<vmem_shared>>
      tpu.wait_indirect_dma semaphore(%run_scoped3A_501 : memref<!tpu.dma_semaphore, #tpu.memory_space<semaphore_mem>>) src(%arg10 : memref<512x128xf32, #tpu.memory_space<vmem>>) dst(%dma_wait3A_507 : memref<5376x128xf32, #tpu.memory_space<vmem_shared>>)
      tpu.yield
    }) : () -> ()
    "tpu.region"() ({
      %run_scoped3A_501 = tpu.sem_alloc : memref<!tpu.dma_semaphore, #tpu.memory_space<semaphore_mem>>
      %dma_start3A_502 = arith.constant 0 : i32
      %dma_start3A_503 = tpu.memref_slice %arg16[%dma_start3A_502] : memref<5376xf32, #tpu.memory_space<vmem_shared>> -> memref<5376xf32, #tpu.memory_space<vmem_shared>>
      tpu.enqueue_indirect_dma source(%arg11 : memref<512xf32, #tpu.memory_space<vmem>>) target(%dma_start3A_503 : memref<5376xf32, #tpu.memory_space<vmem_shared>>) offsets(%arg9 : memref<512xi32, #tpu.memory_space<vmem>>) semaphore(%run_scoped3A_501 : memref<!tpu.dma_semaphore, #tpu.memory_space<semaphore_mem>>) {add = true}
      %dma_wait3A_504 = arith.constant 0 : i32
      %dma_wait3A_505 = tpu.memref_slice %arg16[%dma_wait3A_504] : memref<5376xf32, #tpu.memory_space<vmem_shared>> -> memref<5376xf32, #tpu.memory_space<vmem_shared>>
      tpu.wait_indirect_dma semaphore(%run_scoped3A_501 : memref<!tpu.dma_semaphore, #tpu.memory_space<semaphore_mem>>) src(%arg11 : memref<512xf32, #tpu.memory_space<vmem>>) dst(%dma_wait3A_505 : memref<5376xf32, #tpu.memory_space<vmem_shared>>)
      tpu.yield
    }) : () -> ()
    "tpu.region"() ({
      %run_scoped3A_501 = tpu.sem_alloc : memref<!tpu.dma_semaphore, #tpu.memory_space<semaphore_mem>>
      %dma_start3A_502 = arith.constant 3584 : i32
      %dma_start3A_503 = tpu.memref_slice %arg3[%add3A, %dma_start3A_502] : memref<32x5120xi32, #tpu.memory_space<hbm>> -> memref<1x512xi32, #tpu.memory_space<hbm>>
      %dma_start3A_504 = tpu.memref_squeeze %dma_start3A_503 : memref<1x512xi32, #tpu.memory_space<hbm>> -> memref<512xi32, #tpu.memory_space<hbm>>
      %dma_start3A_505 = arith.constant 3584 : i32
      %dma_start3A_506 = tpu.memref_slice %arg3[%add3A, %dma_start3A_505] : memref<32x5120xi32, #tpu.memory_space<hbm>> -> memref<1x512xi32, #tpu.memory_space<hbm>>
      %dma_start3A_507 = tpu.memref_squeeze %dma_start3A_506 : memref<1x512xi32, #tpu.memory_space<hbm>> -> memref<512xi32, #tpu.memory_space<hbm>>
      tpu.enqueue_dma source(%dma_start3A_507 : memref<512xi32, #tpu.memory_space<hbm>>) target(%arg8 : memref<512xi32, #tpu.memory_space<vmem>>) target_semaphore(%run_scoped3A_501 : memref<!tpu.dma_semaphore, #tpu.memory_space<semaphore_mem>>)
      %dma_wait3A_508 = arith.constant 3584 : i32
      %dma_wait3A_509 = tpu.memref_slice %arg3[%add3A, %dma_wait3A_508] : memref<32x5120xi32, #tpu.memory_space<hbm>> -> memref<1x512xi32, #tpu.memory_space<hbm>>
      %dma_wait3A_510 = tpu.memref_squeeze %dma_wait3A_509 : memref<1x512xi32, #tpu.memory_space<hbm>> -> memref<512xi32, #tpu.memory_space<hbm>>
      %dma_wait3A_511 = arith.constant 3584 : i32
      %dma_wait3A_512 = tpu.memref_slice %arg3[%add3A, %dma_wait3A_511] : memref<32x5120xi32, #tpu.memory_space<hbm>> -> memref<1x512xi32, #tpu.memory_space<hbm>>
      %dma_wait3A_513 = tpu.memref_squeeze %dma_wait3A_512 : memref<1x512xi32, #tpu.memory_space<hbm>> -> memref<512xi32, #tpu.memory_space<hbm>>
      tpu.wait_dma2 semaphore(%run_scoped3A_501 : memref<!tpu.dma_semaphore, #tpu.memory_space<semaphore_mem>>) src(%dma_wait3A_513 : memref<512xi32, #tpu.memory_space<hbm>>) dst(%arg8 : memref<512xi32, #tpu.memory_space<vmem>>)
      tpu.yield
    }) : () -> ()
    %run_scoped3A_369 = arith.constant 0 : i32
    "tpu.region"() ({
      %run_scoped3A_501 = tpu.sem_alloc : memref<!tpu.dma_semaphore, #tpu.memory_space<semaphore_mem>>
      %dma_start3A_502 = arith.constant 3584 : i32
      %dma_start3A_503 = tpu.memref_slice %arg4[%run_scoped3A_369, %add3A, %dma_start3A_502] : memref<2x32x5120xi32, #tpu.memory_space<hbm>> -> memref<1x1x512xi32, #tpu.memory_space<hbm>>
      %dma_start3A_504 = tpu.memref_squeeze %dma_start3A_503 : memref<1x1x512xi32, #tpu.memory_space<hbm>> -> memref<512xi32, #tpu.memory_space<hbm>>
      %dma_start3A_505 = arith.constant 3584 : i32
      %dma_start3A_506 = tpu.memref_slice %arg4[%run_scoped3A_369, %add3A, %dma_start3A_505] : memref<2x32x5120xi32, #tpu.memory_space<hbm>> -> memref<1x1x512xi32, #tpu.memory_space<hbm>>
      %dma_start3A_507 = tpu.memref_squeeze %dma_start3A_506 : memref<1x1x512xi32, #tpu.memory_space<hbm>> -> memref<512xi32, #tpu.memory_space<hbm>>
      tpu.enqueue_dma source(%dma_start3A_507 : memref<512xi32, #tpu.memory_space<hbm>>) target(%arg9 : memref<512xi32, #tpu.memory_space<vmem>>) target_semaphore(%run_scoped3A_501 : memref<!tpu.dma_semaphore, #tpu.memory_space<semaphore_mem>>)
      %dma_wait3A_508 = arith.constant 3584 : i32
      %dma_wait3A_509 = tpu.memref_slice %arg4[%run_scoped3A_369, %add3A, %dma_wait3A_508] : memref<2x32x5120xi32, #tpu.memory_space<hbm>> -> memref<1x1x512xi32, #tpu.memory_space<hbm>>
      %dma_wait3A_510 = tpu.memref_squeeze %dma_wait3A_509 : memref<1x1x512xi32, #tpu.memory_space<hbm>> -> memref<512xi32, #tpu.memory_space<hbm>>
      %dma_wait3A_511 = arith.constant 3584 : i32
      %dma_wait3A_512 = tpu.memref_slice %arg4[%run_scoped3A_369, %add3A, %dma_wait3A_511] : memref<2x32x5120xi32, #tpu.memory_space<hbm>> -> memref<1x1x512xi32, #tpu.memory_space<hbm>>
      %dma_wait3A_513 = tpu.memref_squeeze %dma_wait3A_512 : memref<1x1x512xi32, #tpu.memory_space<hbm>> -> memref<512xi32, #tpu.memory_space<hbm>>
      tpu.wait_dma2 semaphore(%run_scoped3A_501 : memref<!tpu.dma_semaphore, #tpu.memory_space<semaphore_mem>>) src(%dma_wait3A_513 : memref<512xi32, #tpu.memory_space<hbm>>) dst(%arg9 : memref<512xi32, #tpu.memory_space<vmem>>)
      tpu.yield
    }) : () -> ()
    %dma_start3A_370 = arith.constant 0 : i32
    %dma_start3A_371 = arith.constant 0 : i32
    %dma_start3A_372 = tpu.memref_slice %arg2[%dma_start3A_370, %dma_start3A_371] : memref<10240x128xf32, #tpu.memory_space<hbm>> -> memref<10240x128xf32, #tpu.memory_space<hbm>>
    tpu.enqueue_indirect_dma source(%dma_start3A_372 : memref<10240x128xf32, #tpu.memory_space<hbm>>) target(%arg10 : memref<512x128xf32, #tpu.memory_space<vmem>>) offsets(%arg8 : memref<512xi32, #tpu.memory_space<vmem>>) semaphore(%arg14 : memref<!tpu.dma_semaphore, #tpu.memory_space<semaphore_mem>>)
    %dma_wait3A_373 = arith.constant 0 : i32
    %dma_wait3A_374 = arith.constant 0 : i32
    %dma_wait3A_375 = tpu.memref_slice %arg2[%dma_wait3A_373, %dma_wait3A_374] : memref<10240x128xf32, #tpu.memory_space<hbm>> -> memref<10240x128xf32, #tpu.memory_space<hbm>>
    tpu.wait_indirect_dma semaphore(%arg14 : memref<!tpu.dma_semaphore, #tpu.memory_space<semaphore_mem>>) src(%dma_wait3A_375 : memref<10240x128xf32, #tpu.memory_space<hbm>>) dst(%arg10 : memref<512x128xf32, #tpu.memory_space<vmem>>)
    "tpu.region"() ({
      %run_scoped3A_501 = tpu.sem_alloc : memref<!tpu.dma_semaphore, #tpu.memory_space<semaphore_mem>>
      %dma_start3A_502 = arith.constant 0 : i32
      %dma_start3A_503 = arith.constant 0 : i32
      %dma_start3A_504 = tpu.memref_slice %arg15[%dma_start3A_502, %dma_start3A_503] : memref<5376x128xf32, #tpu.memory_space<vmem_shared>> -> memref<5376x128xf32, #tpu.memory_space<vmem_shared>>
      tpu.enqueue_indirect_dma source(%arg10 : memref<512x128xf32, #tpu.memory_space<vmem>>) target(%dma_start3A_504 : memref<5376x128xf32, #tpu.memory_space<vmem_shared>>) offsets(%arg9 : memref<512xi32, #tpu.memory_space<vmem>>) semaphore(%run_scoped3A_501 : memref<!tpu.dma_semaphore, #tpu.memory_space<semaphore_mem>>) {add = true}
      %dma_wait3A_505 = arith.constant 0 : i32
      %dma_wait3A_506 = arith.constant 0 : i32
      %dma_wait3A_507 = tpu.memref_slice %arg15[%dma_wait3A_505, %dma_wait3A_506] : memref<5376x128xf32, #tpu.memory_space<vmem_shared>> -> memref<5376x128xf32, #tpu.memory_space<vmem_shared>>
      tpu.wait_indirect_dma semaphore(%run_scoped3A_501 : memref<!tpu.dma_semaphore, #tpu.memory_space<semaphore_mem>>) src(%arg10 : memref<512x128xf32, #tpu.memory_space<vmem>>) dst(%dma_wait3A_507 : memref<5376x128xf32, #tpu.memory_space<vmem_shared>>)
      tpu.yield
    }) : () -> ()
    "tpu.region"() ({
      %run_scoped3A_501 = tpu.sem_alloc : memref<!tpu.dma_semaphore, #tpu.memory_space<semaphore_mem>>
      %dma_start3A_502 = arith.constant 0 : i32
      %dma_start3A_503 = tpu.memref_slice %arg16[%dma_start3A_502] : memref<5376xf32, #tpu.memory_space<vmem_shared>> -> memref<5376xf32, #tpu.memory_space<vmem_shared>>
      tpu.enqueue_indirect_dma source(%arg11 : memref<512xf32, #tpu.memory_space<vmem>>) target(%dma_start3A_503 : memref<5376xf32, #tpu.memory_space<vmem_shared>>) offsets(%arg9 : memref<512xi32, #tpu.memory_space<vmem>>) semaphore(%run_scoped3A_501 : memref<!tpu.dma_semaphore, #tpu.memory_space<semaphore_mem>>) {add = true}
      %dma_wait3A_504 = arith.constant 0 : i32
      %dma_wait3A_505 = tpu.memref_slice %arg16[%dma_wait3A_504] : memref<5376xf32, #tpu.memory_space<vmem_shared>> -> memref<5376xf32, #tpu.memory_space<vmem_shared>>
      tpu.wait_indirect_dma semaphore(%run_scoped3A_501 : memref<!tpu.dma_semaphore, #tpu.memory_space<semaphore_mem>>) src(%arg11 : memref<512xf32, #tpu.memory_space<vmem>>) dst(%dma_wait3A_505 : memref<5376xf32, #tpu.memory_space<vmem_shared>>)
      tpu.yield
    }) : () -> ()
    "tpu.region"() ({
      %run_scoped3A_501 = tpu.sem_alloc : memref<!tpu.dma_semaphore, #tpu.memory_space<semaphore_mem>>
      %dma_start3A_502 = arith.constant 4096 : i32
      %dma_start3A_503 = tpu.memref_slice %arg3[%add3A, %dma_start3A_502] : memref<32x5120xi32, #tpu.memory_space<hbm>> -> memref<1x512xi32, #tpu.memory_space<hbm>>
      %dma_start3A_504 = tpu.memref_squeeze %dma_start3A_503 : memref<1x512xi32, #tpu.memory_space<hbm>> -> memref<512xi32, #tpu.memory_space<hbm>>
      %dma_start3A_505 = arith.constant 4096 : i32
      %dma_start3A_506 = tpu.memref_slice %arg3[%add3A, %dma_start3A_505] : memref<32x5120xi32, #tpu.memory_space<hbm>> -> memref<1x512xi32, #tpu.memory_space<hbm>>
      %dma_start3A_507 = tpu.memref_squeeze %dma_start3A_506 : memref<1x512xi32, #tpu.memory_space<hbm>> -> memref<512xi32, #tpu.memory_space<hbm>>
      tpu.enqueue_dma source(%dma_start3A_507 : memref<512xi32, #tpu.memory_space<hbm>>) target(%arg8 : memref<512xi32, #tpu.memory_space<vmem>>) target_semaphore(%run_scoped3A_501 : memref<!tpu.dma_semaphore, #tpu.memory_space<semaphore_mem>>)
      %dma_wait3A_508 = arith.constant 4096 : i32
      %dma_wait3A_509 = tpu.memref_slice %arg3[%add3A, %dma_wait3A_508] : memref<32x5120xi32, #tpu.memory_space<hbm>> -> memref<1x512xi32, #tpu.memory_space<hbm>>
      %dma_wait3A_510 = tpu.memref_squeeze %dma_wait3A_509 : memref<1x512xi32, #tpu.memory_space<hbm>> -> memref<512xi32, #tpu.memory_space<hbm>>
      %dma_wait3A_511 = arith.constant 4096 : i32
      %dma_wait3A_512 = tpu.memref_slice %arg3[%add3A, %dma_wait3A_511] : memref<32x5120xi32, #tpu.memory_space<hbm>> -> memref<1x512xi32, #tpu.memory_space<hbm>>
      %dma_wait3A_513 = tpu.memref_squeeze %dma_wait3A_512 : memref<1x512xi32, #tpu.memory_space<hbm>> -> memref<512xi32, #tpu.memory_space<hbm>>
      tpu.wait_dma2 semaphore(%run_scoped3A_501 : memref<!tpu.dma_semaphore, #tpu.memory_space<semaphore_mem>>) src(%dma_wait3A_513 : memref<512xi32, #tpu.memory_space<hbm>>) dst(%arg8 : memref<512xi32, #tpu.memory_space<vmem>>)
      tpu.yield
    }) : () -> ()
    %run_scoped3A_376 = arith.constant 0 : i32
    "tpu.region"() ({
      %run_scoped3A_501 = tpu.sem_alloc : memref<!tpu.dma_semaphore, #tpu.memory_space<semaphore_mem>>
      %dma_start3A_502 = arith.constant 4096 : i32
      %dma_start3A_503 = tpu.memref_slice %arg4[%run_scoped3A_376, %add3A, %dma_start3A_502] : memref<2x32x5120xi32, #tpu.memory_space<hbm>> -> memref<1x1x512xi32, #tpu.memory_space<hbm>>
      %dma_start3A_504 = tpu.memref_squeeze %dma_start3A_503 : memref<1x1x512xi32, #tpu.memory_space<hbm>> -> memref<512xi32, #tpu.memory_space<hbm>>
      %dma_start3A_505 = arith.constant 4096 : i32
      %dma_start3A_506 = tpu.memref_slice %arg4[%run_scoped3A_376, %add3A, %dma_start3A_505] : memref<2x32x5120xi32, #tpu.memory_space<hbm>> -> memref<1x1x512xi32, #tpu.memory_space<hbm>>
      %dma_start3A_507 = tpu.memref_squeeze %dma_start3A_506 : memref<1x1x512xi32, #tpu.memory_space<hbm>> -> memref<512xi32, #tpu.memory_space<hbm>>
      tpu.enqueue_dma source(%dma_start3A_507 : memref<512xi32, #tpu.memory_space<hbm>>) target(%arg9 : memref<512xi32, #tpu.memory_space<vmem>>) target_semaphore(%run_scoped3A_501 : memref<!tpu.dma_semaphore, #tpu.memory_space<semaphore_mem>>)
      %dma_wait3A_508 = arith.constant 4096 : i32
      %dma_wait3A_509 = tpu.memref_slice %arg4[%run_scoped3A_376, %add3A, %dma_wait3A_508] : memref<2x32x5120xi32, #tpu.memory_space<hbm>> -> memref<1x1x512xi32, #tpu.memory_space<hbm>>
      %dma_wait3A_510 = tpu.memref_squeeze %dma_wait3A_509 : memref<1x1x512xi32, #tpu.memory_space<hbm>> -> memref<512xi32, #tpu.memory_space<hbm>>
      %dma_wait3A_511 = arith.constant 4096 : i32
      %dma_wait3A_512 = tpu.memref_slice %arg4[%run_scoped3A_376, %add3A, %dma_wait3A_511] : memref<2x32x5120xi32, #tpu.memory_space<hbm>> -> memref<1x1x512xi32, #tpu.memory_space<hbm>>
      %dma_wait3A_513 = tpu.memref_squeeze %dma_wait3A_512 : memref<1x1x512xi32, #tpu.memory_space<hbm>> -> memref<512xi32, #tpu.memory_space<hbm>>
      tpu.wait_dma2 semaphore(%run_scoped3A_501 : memref<!tpu.dma_semaphore, #tpu.memory_space<semaphore_mem>>) src(%dma_wait3A_513 : memref<512xi32, #tpu.memory_space<hbm>>) dst(%arg9 : memref<512xi32, #tpu.memory_space<vmem>>)
      tpu.yield
    }) : () -> ()
    %dma_start3A_377 = arith.constant 0 : i32
    %dma_start3A_378 = arith.constant 0 : i32
    %dma_start3A_379 = tpu.memref_slice %arg2[%dma_start3A_377, %dma_start3A_378] : memref<10240x128xf32, #tpu.memory_space<hbm>> -> memref<10240x128xf32, #tpu.memory_space<hbm>>
    tpu.enqueue_indirect_dma source(%dma_start3A_379 : memref<10240x128xf32, #tpu.memory_space<hbm>>) target(%arg10 : memref<512x128xf32, #tpu.memory_space<vmem>>) offsets(%arg8 : memref<512xi32, #tpu.memory_space<vmem>>) semaphore(%arg14 : memref<!tpu.dma_semaphore, #tpu.memory_space<semaphore_mem>>)
    %dma_wait3A_380 = arith.constant 0 : i32
    %dma_wait3A_381 = arith.constant 0 : i32
    %dma_wait3A_382 = tpu.memref_slice %arg2[%dma_wait3A_380, %dma_wait3A_381] : memref<10240x128xf32, #tpu.memory_space<hbm>> -> memref<10240x128xf32, #tpu.memory_space<hbm>>
    tpu.wait_indirect_dma semaphore(%arg14 : memref<!tpu.dma_semaphore, #tpu.memory_space<semaphore_mem>>) src(%dma_wait3A_382 : memref<10240x128xf32, #tpu.memory_space<hbm>>) dst(%arg10 : memref<512x128xf32, #tpu.memory_space<vmem>>)
    "tpu.region"() ({
      %run_scoped3A_501 = tpu.sem_alloc : memref<!tpu.dma_semaphore, #tpu.memory_space<semaphore_mem>>
      %dma_start3A_502 = arith.constant 0 : i32
      %dma_start3A_503 = arith.constant 0 : i32
      %dma_start3A_504 = tpu.memref_slice %arg15[%dma_start3A_502, %dma_start3A_503] : memref<5376x128xf32, #tpu.memory_space<vmem_shared>> -> memref<5376x128xf32, #tpu.memory_space<vmem_shared>>
      tpu.enqueue_indirect_dma source(%arg10 : memref<512x128xf32, #tpu.memory_space<vmem>>) target(%dma_start3A_504 : memref<5376x128xf32, #tpu.memory_space<vmem_shared>>) offsets(%arg9 : memref<512xi32, #tpu.memory_space<vmem>>) semaphore(%run_scoped3A_501 : memref<!tpu.dma_semaphore, #tpu.memory_space<semaphore_mem>>) {add = true}
      %dma_wait3A_505 = arith.constant 0 : i32
      %dma_wait3A_506 = arith.constant 0 : i32
      %dma_wait3A_507 = tpu.memref_slice %arg15[%dma_wait3A_505, %dma_wait3A_506] : memref<5376x128xf32, #tpu.memory_space<vmem_shared>> -> memref<5376x128xf32, #tpu.memory_space<vmem_shared>>
      tpu.wait_indirect_dma semaphore(%run_scoped3A_501 : memref<!tpu.dma_semaphore, #tpu.memory_space<semaphore_mem>>) src(%arg10 : memref<512x128xf32, #tpu.memory_space<vmem>>) dst(%dma_wait3A_507 : memref<5376x128xf32, #tpu.memory_space<vmem_shared>>)
      tpu.yield
    }) : () -> ()
    "tpu.region"() ({
      %run_scoped3A_501 = tpu.sem_alloc : memref<!tpu.dma_semaphore, #tpu.memory_space<semaphore_mem>>
      %dma_start3A_502 = arith.constant 0 : i32
      %dma_start3A_503 = tpu.memref_slice %arg16[%dma_start3A_502] : memref<5376xf32, #tpu.memory_space<vmem_shared>> -> memref<5376xf32, #tpu.memory_space<vmem_shared>>
      tpu.enqueue_indirect_dma source(%arg11 : memref<512xf32, #tpu.memory_space<vmem>>) target(%dma_start3A_503 : memref<5376xf32, #tpu.memory_space<vmem_shared>>) offsets(%arg9 : memref<512xi32, #tpu.memory_space<vmem>>) semaphore(%run_scoped3A_501 : memref<!tpu.dma_semaphore, #tpu.memory_space<semaphore_mem>>) {add = true}
      %dma_wait3A_504 = arith.constant 0 : i32
      %dma_wait3A_505 = tpu.memref_slice %arg16[%dma_wait3A_504] : memref<5376xf32, #tpu.memory_space<vmem_shared>> -> memref<5376xf32, #tpu.memory_space<vmem_shared>>
      tpu.wait_indirect_dma semaphore(%run_scoped3A_501 : memref<!tpu.dma_semaphore, #tpu.memory_space<semaphore_mem>>) src(%arg11 : memref<512xf32, #tpu.memory_space<vmem>>) dst(%dma_wait3A_505 : memref<5376xf32, #tpu.memory_space<vmem_shared>>)
      tpu.yield
    }) : () -> ()
    "tpu.region"() ({
      %run_scoped3A_501 = tpu.sem_alloc : memref<!tpu.dma_semaphore, #tpu.memory_space<semaphore_mem>>
      %dma_start3A_502 = arith.constant 4608 : i32
      %dma_start3A_503 = tpu.memref_slice %arg3[%add3A, %dma_start3A_502] : memref<32x5120xi32, #tpu.memory_space<hbm>> -> memref<1x512xi32, #tpu.memory_space<hbm>>
      %dma_start3A_504 = tpu.memref_squeeze %dma_start3A_503 : memref<1x512xi32, #tpu.memory_space<hbm>> -> memref<512xi32, #tpu.memory_space<hbm>>
      %dma_start3A_505 = arith.constant 4608 : i32
      %dma_start3A_506 = tpu.memref_slice %arg3[%add3A, %dma_start3A_505] : memref<32x5120xi32, #tpu.memory_space<hbm>> -> memref<1x512xi32, #tpu.memory_space<hbm>>
      %dma_start3A_507 = tpu.memref_squeeze %dma_start3A_506 : memref<1x512xi32, #tpu.memory_space<hbm>> -> memref<512xi32, #tpu.memory_space<hbm>>
      tpu.enqueue_dma source(%dma_start3A_507 : memref<512xi32, #tpu.memory_space<hbm>>) target(%arg8 : memref<512xi32, #tpu.memory_space<vmem>>) target_semaphore(%run_scoped3A_501 : memref<!tpu.dma_semaphore, #tpu.memory_space<semaphore_mem>>)
      %dma_wait3A_508 = arith.constant 4608 : i32
      %dma_wait3A_509 = tpu.memref_slice %arg3[%add3A, %dma_wait3A_508] : memref<32x5120xi32, #tpu.memory_space<hbm>> -> memref<1x512xi32, #tpu.memory_space<hbm>>
      %dma_wait3A_510 = tpu.memref_squeeze %dma_wait3A_509 : memref<1x512xi32, #tpu.memory_space<hbm>> -> memref<512xi32, #tpu.memory_space<hbm>>
      %dma_wait3A_511 = arith.constant 4608 : i32
      %dma_wait3A_512 = tpu.memref_slice %arg3[%add3A, %dma_wait3A_511] : memref<32x5120xi32, #tpu.memory_space<hbm>> -> memref<1x512xi32, #tpu.memory_space<hbm>>
      %dma_wait3A_513 = tpu.memref_squeeze %dma_wait3A_512 : memref<1x512xi32, #tpu.memory_space<hbm>> -> memref<512xi32, #tpu.memory_space<hbm>>
      tpu.wait_dma2 semaphore(%run_scoped3A_501 : memref<!tpu.dma_semaphore, #tpu.memory_space<semaphore_mem>>) src(%dma_wait3A_513 : memref<512xi32, #tpu.memory_space<hbm>>) dst(%arg8 : memref<512xi32, #tpu.memory_space<vmem>>)
      tpu.yield
    }) : () -> ()
    %run_scoped3A_383 = arith.constant 0 : i32
    "tpu.region"() ({
      %run_scoped3A_501 = tpu.sem_alloc : memref<!tpu.dma_semaphore, #tpu.memory_space<semaphore_mem>>
      %dma_start3A_502 = arith.constant 4608 : i32
      %dma_start3A_503 = tpu.memref_slice %arg4[%run_scoped3A_383, %add3A, %dma_start3A_502] : memref<2x32x5120xi32, #tpu.memory_space<hbm>> -> memref<1x1x512xi32, #tpu.memory_space<hbm>>
      %dma_start3A_504 = tpu.memref_squeeze %dma_start3A_503 : memref<1x1x512xi32, #tpu.memory_space<hbm>> -> memref<512xi32, #tpu.memory_space<hbm>>
      %dma_start3A_505 = arith.constant 4608 : i32
      %dma_start3A_506 = tpu.memref_slice %arg4[%run_scoped3A_383, %add3A, %dma_start3A_505] : memref<2x32x5120xi32, #tpu.memory_space<hbm>> -> memref<1x1x512xi32, #tpu.memory_space<hbm>>
      %dma_start3A_507 = tpu.memref_squeeze %dma_start3A_506 : memref<1x1x512xi32, #tpu.memory_space<hbm>> -> memref<512xi32, #tpu.memory_space<hbm>>
      tpu.enqueue_dma source(%dma_start3A_507 : memref<512xi32, #tpu.memory_space<hbm>>) target(%arg9 : memref<512xi32, #tpu.memory_space<vmem>>) target_semaphore(%run_scoped3A_501 : memref<!tpu.dma_semaphore, #tpu.memory_space<semaphore_mem>>)
      %dma_wait3A_508 = arith.constant 4608 : i32
      %dma_wait3A_509 = tpu.memref_slice %arg4[%run_scoped3A_383, %add3A, %dma_wait3A_508] : memref<2x32x5120xi32, #tpu.memory_space<hbm>> -> memref<1x1x512xi32, #tpu.memory_space<hbm>>
      %dma_wait3A_510 = tpu.memref_squeeze %dma_wait3A_509 : memref<1x1x512xi32, #tpu.memory_space<hbm>> -> memref<512xi32, #tpu.memory_space<hbm>>
      %dma_wait3A_511 = arith.constant 4608 : i32
      %dma_wait3A_512 = tpu.memref_slice %arg4[%run_scoped3A_383, %add3A, %dma_wait3A_511] : memref<2x32x5120xi32, #tpu.memory_space<hbm>> -> memref<1x1x512xi32, #tpu.memory_space<hbm>>
      %dma_wait3A_513 = tpu.memref_squeeze %dma_wait3A_512 : memref<1x1x512xi32, #tpu.memory_space<hbm>> -> memref<512xi32, #tpu.memory_space<hbm>>
      tpu.wait_dma2 semaphore(%run_scoped3A_501 : memref<!tpu.dma_semaphore, #tpu.memory_space<semaphore_mem>>) src(%dma_wait3A_513 : memref<512xi32, #tpu.memory_space<hbm>>) dst(%arg9 : memref<512xi32, #tpu.memory_space<vmem>>)
      tpu.yield
    }) : () -> ()
    %dma_start3A_384 = arith.constant 0 : i32
    %dma_start3A_385 = arith.constant 0 : i32
    %dma_start3A_386 = tpu.memref_slice %arg2[%dma_start3A_384, %dma_start3A_385] : memref<10240x128xf32, #tpu.memory_space<hbm>> -> memref<10240x128xf32, #tpu.memory_space<hbm>>
    tpu.enqueue_indirect_dma source(%dma_start3A_386 : memref<10240x128xf32, #tpu.memory_space<hbm>>) target(%arg10 : memref<512x128xf32, #tpu.memory_space<vmem>>) offsets(%arg8 : memref<512xi32, #tpu.memory_space<vmem>>) semaphore(%arg14 : memref<!tpu.dma_semaphore, #tpu.memory_space<semaphore_mem>>)
    %dma_wait3A_387 = arith.constant 0 : i32
    %dma_wait3A_388 = arith.constant 0 : i32
    %dma_wait3A_389 = tpu.memref_slice %arg2[%dma_wait3A_387, %dma_wait3A_388] : memref<10240x128xf32, #tpu.memory_space<hbm>> -> memref<10240x128xf32, #tpu.memory_space<hbm>>
    tpu.wait_indirect_dma semaphore(%arg14 : memref<!tpu.dma_semaphore, #tpu.memory_space<semaphore_mem>>) src(%dma_wait3A_389 : memref<10240x128xf32, #tpu.memory_space<hbm>>) dst(%arg10 : memref<512x128xf32, #tpu.memory_space<vmem>>)
    "tpu.region"() ({
      %run_scoped3A_501 = tpu.sem_alloc : memref<!tpu.dma_semaphore, #tpu.memory_space<semaphore_mem>>
      %dma_start3A_502 = arith.constant 0 : i32
      %dma_start3A_503 = arith.constant 0 : i32
      %dma_start3A_504 = tpu.memref_slice %arg15[%dma_start3A_502, %dma_start3A_503] : memref<5376x128xf32, #tpu.memory_space<vmem_shared>> -> memref<5376x128xf32, #tpu.memory_space<vmem_shared>>
      tpu.enqueue_indirect_dma source(%arg10 : memref<512x128xf32, #tpu.memory_space<vmem>>) target(%dma_start3A_504 : memref<5376x128xf32, #tpu.memory_space<vmem_shared>>) offsets(%arg9 : memref<512xi32, #tpu.memory_space<vmem>>) semaphore(%run_scoped3A_501 : memref<!tpu.dma_semaphore, #tpu.memory_space<semaphore_mem>>) {add = true}
      %dma_wait3A_505 = arith.constant 0 : i32
      %dma_wait3A_506 = arith.constant 0 : i32
      %dma_wait3A_507 = tpu.memref_slice %arg15[%dma_wait3A_505, %dma_wait3A_506] : memref<5376x128xf32, #tpu.memory_space<vmem_shared>> -> memref<5376x128xf32, #tpu.memory_space<vmem_shared>>
      tpu.wait_indirect_dma semaphore(%run_scoped3A_501 : memref<!tpu.dma_semaphore, #tpu.memory_space<semaphore_mem>>) src(%arg10 : memref<512x128xf32, #tpu.memory_space<vmem>>) dst(%dma_wait3A_507 : memref<5376x128xf32, #tpu.memory_space<vmem_shared>>)
      tpu.yield
    }) : () -> ()
    "tpu.region"() ({
      %run_scoped3A_501 = tpu.sem_alloc : memref<!tpu.dma_semaphore, #tpu.memory_space<semaphore_mem>>
      %dma_start3A_502 = arith.constant 0 : i32
      %dma_start3A_503 = tpu.memref_slice %arg16[%dma_start3A_502] : memref<5376xf32, #tpu.memory_space<vmem_shared>> -> memref<5376xf32, #tpu.memory_space<vmem_shared>>
      tpu.enqueue_indirect_dma source(%arg11 : memref<512xf32, #tpu.memory_space<vmem>>) target(%dma_start3A_503 : memref<5376xf32, #tpu.memory_space<vmem_shared>>) offsets(%arg9 : memref<512xi32, #tpu.memory_space<vmem>>) semaphore(%run_scoped3A_501 : memref<!tpu.dma_semaphore, #tpu.memory_space<semaphore_mem>>) {add = true}
      %dma_wait3A_504 = arith.constant 0 : i32
      %dma_wait3A_505 = tpu.memref_slice %arg16[%dma_wait3A_504] : memref<5376xf32, #tpu.memory_space<vmem_shared>> -> memref<5376xf32, #tpu.memory_space<vmem_shared>>
      tpu.wait_indirect_dma semaphore(%run_scoped3A_501 : memref<!tpu.dma_semaphore, #tpu.memory_space<semaphore_mem>>) src(%arg11 : memref<512xf32, #tpu.memory_space<vmem>>) dst(%dma_wait3A_505 : memref<5376xf32, #tpu.memory_space<vmem_shared>>)
      tpu.yield
    }) : () -> ()
    %barrier3A_390 = arith.constant 0 : index
    tpu.barrier barrier_id(%barrier3A_390)
    %mul3A_391 = arith.constant 320 : i32
    %mul3A_392 = arith.muli %arg1, %mul3A_391 : i32
    %mul3A_393 = arith.constant 320 : i32
    %mul3A_394 = arith.muli %arg1, %mul3A_393 : i32
    %add3A_395 = arith.constant 0 : i32
    %add3A_396 = arith.addi %add3A_395, %mul3A_394 : i32
    "tpu.region"() ({
      %run_scoped3A_501 = tpu.sem_alloc : memref<!tpu.dma_semaphore, #tpu.memory_space<semaphore_mem>>
      %dma_start3A_502 = arith.constant 0 : i32
      %dma_start3A_503 = tpu.memref_slice %arg6[%arg0, %add3A_396, %dma_start3A_502] : memref<2x10240x128xf32, #tpu.memory_space<hbm>> -> memref<1x320x128xf32, #tpu.memory_space<hbm>>
      %dma_start3A_504 = tpu.memref_squeeze %dma_start3A_503 : memref<1x320x128xf32, #tpu.memory_space<hbm>> -> memref<320x128xf32, #tpu.memory_space<hbm>>
      %dma_start3A_505 = arith.constant 0 : i32
      %dma_start3A_506 = tpu.memref_slice %arg15[%mul3A_392, %dma_start3A_505] : memref<5376x128xf32, #tpu.memory_space<vmem_shared>> -> memref<320x128xf32, #tpu.memory_space<vmem_shared>>
      tpu.enqueue_dma source(%dma_start3A_506 : memref<320x128xf32, #tpu.memory_space<vmem_shared>>) target(%dma_start3A_504 : memref<320x128xf32, #tpu.memory_space<hbm>>) target_semaphore(%run_scoped3A_501 : memref<!tpu.dma_semaphore, #tpu.memory_space<semaphore_mem>>)
      %dma_wait3A_507 = arith.constant 0 : i32
      %dma_wait3A_508 = tpu.memref_slice %arg6[%arg0, %add3A_396, %dma_wait3A_507] : memref<2x10240x128xf32, #tpu.memory_space<hbm>> -> memref<1x320x128xf32, #tpu.memory_space<hbm>>
      %dma_wait3A_509 = tpu.memref_squeeze %dma_wait3A_508 : memref<1x320x128xf32, #tpu.memory_space<hbm>> -> memref<320x128xf32, #tpu.memory_space<hbm>>
      %dma_wait3A_510 = arith.constant 0 : i32
      %dma_wait3A_511 = tpu.memref_slice %arg15[%mul3A_392, %dma_wait3A_510] : memref<5376x128xf32, #tpu.memory_space<vmem_shared>> -> memref<320x128xf32, #tpu.memory_space<vmem_shared>>
      tpu.wait_dma2 semaphore(%run_scoped3A_501 : memref<!tpu.dma_semaphore, #tpu.memory_space<semaphore_mem>>) src(%dma_wait3A_511 : memref<320x128xf32, #tpu.memory_space<vmem_shared>>) dst(%dma_wait3A_509 : memref<320x128xf32, #tpu.memory_space<hbm>>)
      tpu.yield
    }) : () -> ()
    %mul3A_397 = arith.constant 320 : i32
    %mul3A_398 = arith.muli %arg1, %mul3A_397 : i32
    "tpu.region"() ({
      %run_scoped3A_501 = tpu.sem_alloc : memref<!tpu.dma_semaphore, #tpu.memory_space<semaphore_mem>>
      %dma_start3A_502 = arith.constant 0 : i32
      %dma_start3A_503 = tpu.memref_slice %arg13[%dma_start3A_502] : memref<320xf32, #tpu.memory_space<vmem>> -> memref<320xf32, #tpu.memory_space<vmem>>
      %dma_start3A_504 = tpu.memref_slice %arg16[%mul3A_398] : memref<5376xf32, #tpu.memory_space<vmem_shared>> -> memref<320xf32, #tpu.memory_space<vmem_shared>>
      %dma_start3A_505 = arith.constant 0 : i32
      %dma_start3A_506 = tpu.memref_slice %arg13[%dma_start3A_505] : memref<320xf32, #tpu.memory_space<vmem>> -> memref<320xf32, #tpu.memory_space<vmem>>
      %dma_start3A_507 = tpu.memref_slice %arg16[%mul3A_398] : memref<5376xf32, #tpu.memory_space<vmem_shared>> -> memref<320xf32, #tpu.memory_space<vmem_shared>>
      tpu.enqueue_dma source(%dma_start3A_507 : memref<320xf32, #tpu.memory_space<vmem_shared>>) target(%dma_start3A_506 : memref<320xf32, #tpu.memory_space<vmem>>) target_semaphore(%run_scoped3A_501 : memref<!tpu.dma_semaphore, #tpu.memory_space<semaphore_mem>>)
      %dma_wait3A_508 = arith.constant 0 : i32
      %dma_wait3A_509 = tpu.memref_slice %arg13[%dma_wait3A_508] : memref<320xf32, #tpu.memory_space<vmem>> -> memref<320xf32, #tpu.memory_space<vmem>>
      %dma_wait3A_510 = tpu.memref_slice %arg16[%mul3A_398] : memref<5376xf32, #tpu.memory_space<vmem_shared>> -> memref<320xf32, #tpu.memory_space<vmem_shared>>
      %dma_wait3A_511 = arith.constant 0 : i32
      %dma_wait3A_512 = tpu.memref_slice %arg13[%dma_wait3A_511] : memref<320xf32, #tpu.memory_space<vmem>> -> memref<320xf32, #tpu.memory_space<vmem>>
      %dma_wait3A_513 = tpu.memref_slice %arg16[%mul3A_398] : memref<5376xf32, #tpu.memory_space<vmem_shared>> -> memref<320xf32, #tpu.memory_space<vmem_shared>>
      tpu.wait_dma2 semaphore(%run_scoped3A_501 : memref<!tpu.dma_semaphore, #tpu.memory_space<semaphore_mem>>) src(%dma_wait3A_513 : memref<320xf32, #tpu.memory_space<vmem_shared>>) dst(%dma_wait3A_512 : memref<320xf32, #tpu.memory_space<vmem>>)
      tpu.yield
    }) : () -> ()
    %mul3A_399 = arith.constant 10240 : i32
    %mul3A_400 = arith.muli %arg0, %mul3A_399 : i32
    %add3A_401 = arith.constant 0 : i32
    %add3A_402 = arith.addi %mul3A_400, %add3A_401 : i32
    %mul3A_403 = arith.constant 320 : i32
    %mul3A_404 = arith.muli %arg1, %mul3A_403 : i32
    %add3A_405 = arith.addi %add3A_402, %mul3A_404 : i32
    "tpu.region"() ({
      %run_scoped3A_501 = tpu.sem_alloc : memref<!tpu.dma_semaphore, #tpu.memory_space<semaphore_mem>>
      %dma_start3A_502 = arith.constant 0 : i32
      %dma_start3A_503 = tpu.memref_slice %arg13[%dma_start3A_502] : memref<320xf32, #tpu.memory_space<vmem>> -> memref<320xf32, #tpu.memory_space<vmem>>
      %dma_start3A_504 = tpu.memref_slice %arg7[%add3A_405] : memref<20480xf32, #tpu.memory_space<hbm>> -> memref<320xf32, #tpu.memory_space<hbm>>
      %dma_start3A_505 = tpu.memref_slice %arg7[%add3A_405] : memref<20480xf32, #tpu.memory_space<hbm>> -> memref<320xf32, #tpu.memory_space<hbm>>
      %dma_start3A_506 = arith.constant 0 : i32
      %dma_start3A_507 = tpu.memref_slice %arg13[%dma_start3A_506] : memref<320xf32, #tpu.memory_space<vmem>> -> memref<320xf32, #tpu.memory_space<vmem>>
      tpu.enqueue_dma source(%dma_start3A_507 : memref<320xf32, #tpu.memory_space<vmem>>) target(%dma_start3A_505 : memref<320xf32, #tpu.memory_space<hbm>>) target_semaphore(%run_scoped3A_501 : memref<!tpu.dma_semaphore, #tpu.memory_space<semaphore_mem>>)
      %dma_wait3A_508 = arith.constant 0 : i32
      %dma_wait3A_509 = tpu.memref_slice %arg13[%dma_wait3A_508] : memref<320xf32, #tpu.memory_space<vmem>> -> memref<320xf32, #tpu.memory_space<vmem>>
      %dma_wait3A_510 = tpu.memref_slice %arg7[%add3A_405] : memref<20480xf32, #tpu.memory_space<hbm>> -> memref<320xf32, #tpu.memory_space<hbm>>
      %dma_wait3A_511 = tpu.memref_slice %arg7[%add3A_405] : memref<20480xf32, #tpu.memory_space<hbm>> -> memref<320xf32, #tpu.memory_space<hbm>>
      %dma_wait3A_512 = arith.constant 0 : i32
      %dma_wait3A_513 = tpu.memref_slice %arg13[%dma_wait3A_512] : memref<320xf32, #tpu.memory_space<vmem>> -> memref<320xf32, #tpu.memory_space<vmem>>
      tpu.wait_dma2 semaphore(%run_scoped3A_501 : memref<!tpu.dma_semaphore, #tpu.memory_space<semaphore_mem>>) src(%dma_wait3A_513 : memref<320xf32, #tpu.memory_space<vmem>>) dst(%dma_wait3A_511 : memref<320xf32, #tpu.memory_space<hbm>>)
      tpu.yield
    }) : () -> ()
    %barrier3A_406 = arith.constant 0 : index
    tpu.barrier barrier_id(%barrier3A_406)
    %mul3A_407 = arith.constant 336 : i32
    %mul3A_408 = arith.muli %arg1, %mul3A_407 : i32
    %mul3A_409 = arith.constant 336 : i32
    %mul3A_410 = arith.muli %arg1, %mul3A_409 : i32
    "tpu.region"() ({
      %run_scoped3A_501 = tpu.sem_alloc : memref<!tpu.dma_semaphore, #tpu.memory_space<semaphore_mem>>
      %dma_start3A_502 = arith.constant 0 : i32
      %dma_start3A_503 = tpu.memref_slice %arg15[%mul3A_410, %dma_start3A_502] : memref<5376x128xf32, #tpu.memory_space<vmem_shared>> -> memref<336x128xf32, #tpu.memory_space<vmem_shared>>
      %dma_start3A_504 = arith.constant 0 : i32
      %dma_start3A_505 = tpu.memref_slice %arg5[%mul3A_408, %dma_start3A_504] : memref<5376x128xf32, #tpu.memory_space<hbm>> -> memref<336x128xf32, #tpu.memory_space<hbm>>
      tpu.enqueue_dma source(%dma_start3A_505 : memref<336x128xf32, #tpu.memory_space<hbm>>) target(%dma_start3A_503 : memref<336x128xf32, #tpu.memory_space<vmem_shared>>) target_semaphore(%run_scoped3A_501 : memref<!tpu.dma_semaphore, #tpu.memory_space<semaphore_mem>>)
      %dma_wait3A_506 = arith.constant 0 : i32
      %dma_wait3A_507 = tpu.memref_slice %arg15[%mul3A_410, %dma_wait3A_506] : memref<5376x128xf32, #tpu.memory_space<vmem_shared>> -> memref<336x128xf32, #tpu.memory_space<vmem_shared>>
      %dma_wait3A_508 = arith.constant 0 : i32
      %dma_wait3A_509 = tpu.memref_slice %arg5[%mul3A_408, %dma_wait3A_508] : memref<5376x128xf32, #tpu.memory_space<hbm>> -> memref<336x128xf32, #tpu.memory_space<hbm>>
      tpu.wait_dma2 semaphore(%run_scoped3A_501 : memref<!tpu.dma_semaphore, #tpu.memory_space<semaphore_mem>>) src(%dma_wait3A_509 : memref<336x128xf32, #tpu.memory_space<hbm>>) dst(%dma_wait3A_507 : memref<336x128xf32, #tpu.memory_space<vmem_shared>>)
      tpu.yield
    }) : () -> ()
    %mul3A_411 = arith.constant 336 : i32
    %mul3A_412 = arith.muli %arg1, %mul3A_411 : i32
    "tpu.region"() ({
      %run_scoped3A_501 = tpu.sem_alloc : memref<!tpu.dma_semaphore, #tpu.memory_space<semaphore_mem>>
      %dma_start3A_502 = arith.constant 0 : i32
      %dma_start3A_503 = tpu.memref_slice %arg12[%dma_start3A_502] : memref<336xf32, #tpu.memory_space<vmem>> -> memref<336xf32, #tpu.memory_space<vmem>>
      %dma_start3A_504 = tpu.memref_slice %arg16[%mul3A_412] : memref<5376xf32, #tpu.memory_space<vmem_shared>> -> memref<336xf32, #tpu.memory_space<vmem_shared>>
      %dma_start3A_505 = tpu.memref_slice %arg16[%mul3A_412] : memref<5376xf32, #tpu.memory_space<vmem_shared>> -> memref<336xf32, #tpu.memory_space<vmem_shared>>
      %dma_start3A_506 = arith.constant 0 : i32
      %dma_start3A_507 = tpu.memref_slice %arg12[%dma_start3A_506] : memref<336xf32, #tpu.memory_space<vmem>> -> memref<336xf32, #tpu.memory_space<vmem>>
      tpu.enqueue_dma source(%dma_start3A_507 : memref<336xf32, #tpu.memory_space<vmem>>) target(%dma_start3A_505 : memref<336xf32, #tpu.memory_space<vmem_shared>>) target_semaphore(%run_scoped3A_501 : memref<!tpu.dma_semaphore, #tpu.memory_space<semaphore_mem>>)
      %dma_wait3A_508 = arith.constant 0 : i32
      %dma_wait3A_509 = tpu.memref_slice %arg12[%dma_wait3A_508] : memref<336xf32, #tpu.memory_space<vmem>> -> memref<336xf32, #tpu.memory_space<vmem>>
      %dma_wait3A_510 = tpu.memref_slice %arg16[%mul3A_412] : memref<5376xf32, #tpu.memory_space<vmem_shared>> -> memref<336xf32, #tpu.memory_space<vmem_shared>>
      %dma_wait3A_511 = tpu.memref_slice %arg16[%mul3A_412] : memref<5376xf32, #tpu.memory_space<vmem_shared>> -> memref<336xf32, #tpu.memory_space<vmem_shared>>
      %dma_wait3A_512 = arith.constant 0 : i32
      %dma_wait3A_513 = tpu.memref_slice %arg12[%dma_wait3A_512] : memref<336xf32, #tpu.memory_space<vmem>> -> memref<336xf32, #tpu.memory_space<vmem>>
      tpu.wait_dma2 semaphore(%run_scoped3A_501 : memref<!tpu.dma_semaphore, #tpu.memory_space<semaphore_mem>>) src(%dma_wait3A_513 : memref<336xf32, #tpu.memory_space<vmem>>) dst(%dma_wait3A_511 : memref<336xf32, #tpu.memory_space<vmem_shared>>)
      tpu.yield
    }) : () -> ()
    %barrier3A_413 = arith.constant 0 : index
    tpu.barrier barrier_id(%barrier3A_413)
    "tpu.region"() ({
      %run_scoped3A_501 = tpu.sem_alloc : memref<!tpu.dma_semaphore, #tpu.memory_space<semaphore_mem>>
      %dma_start3A_502 = arith.constant 0 : i32
      %dma_start3A_503 = tpu.memref_slice %arg3[%add3A, %dma_start3A_502] : memref<32x5120xi32, #tpu.memory_space<hbm>> -> memref<1x512xi32, #tpu.memory_space<hbm>>
      %dma_start3A_504 = tpu.memref_squeeze %dma_start3A_503 : memref<1x512xi32, #tpu.memory_space<hbm>> -> memref<512xi32, #tpu.memory_space<hbm>>
      %dma_start3A_505 = arith.constant 0 : i32
      %dma_start3A_506 = tpu.memref_slice %arg3[%add3A, %dma_start3A_505] : memref<32x5120xi32, #tpu.memory_space<hbm>> -> memref<1x512xi32, #tpu.memory_space<hbm>>
      %dma_start3A_507 = tpu.memref_squeeze %dma_start3A_506 : memref<1x512xi32, #tpu.memory_space<hbm>> -> memref<512xi32, #tpu.memory_space<hbm>>
      tpu.enqueue_dma source(%dma_start3A_507 : memref<512xi32, #tpu.memory_space<hbm>>) target(%arg8 : memref<512xi32, #tpu.memory_space<vmem>>) target_semaphore(%run_scoped3A_501 : memref<!tpu.dma_semaphore, #tpu.memory_space<semaphore_mem>>)
      %dma_wait3A_508 = arith.constant 0 : i32
      %dma_wait3A_509 = tpu.memref_slice %arg3[%add3A, %dma_wait3A_508] : memref<32x5120xi32, #tpu.memory_space<hbm>> -> memref<1x512xi32, #tpu.memory_space<hbm>>
      %dma_wait3A_510 = tpu.memref_squeeze %dma_wait3A_509 : memref<1x512xi32, #tpu.memory_space<hbm>> -> memref<512xi32, #tpu.memory_space<hbm>>
      %dma_wait3A_511 = arith.constant 0 : i32
      %dma_wait3A_512 = tpu.memref_slice %arg3[%add3A, %dma_wait3A_511] : memref<32x5120xi32, #tpu.memory_space<hbm>> -> memref<1x512xi32, #tpu.memory_space<hbm>>
      %dma_wait3A_513 = tpu.memref_squeeze %dma_wait3A_512 : memref<1x512xi32, #tpu.memory_space<hbm>> -> memref<512xi32, #tpu.memory_space<hbm>>
      tpu.wait_dma2 semaphore(%run_scoped3A_501 : memref<!tpu.dma_semaphore, #tpu.memory_space<semaphore_mem>>) src(%dma_wait3A_513 : memref<512xi32, #tpu.memory_space<hbm>>) dst(%arg8 : memref<512xi32, #tpu.memory_space<vmem>>)
      tpu.yield
    }) : () -> ()
    %run_scoped3A_414 = arith.constant 1 : i32
    "tpu.region"() ({
      %run_scoped3A_501 = tpu.sem_alloc : memref<!tpu.dma_semaphore, #tpu.memory_space<semaphore_mem>>
      %dma_start3A_502 = arith.constant 0 : i32
      %dma_start3A_503 = tpu.memref_slice %arg4[%run_scoped3A_414, %add3A, %dma_start3A_502] : memref<2x32x5120xi32, #tpu.memory_space<hbm>> -> memref<1x1x512xi32, #tpu.memory_space<hbm>>
      %dma_start3A_504 = tpu.memref_squeeze %dma_start3A_503 : memref<1x1x512xi32, #tpu.memory_space<hbm>> -> memref<512xi32, #tpu.memory_space<hbm>>
      %dma_start3A_505 = arith.constant 0 : i32
      %dma_start3A_506 = tpu.memref_slice %arg4[%run_scoped3A_414, %add3A, %dma_start3A_505] : memref<2x32x5120xi32, #tpu.memory_space<hbm>> -> memref<1x1x512xi32, #tpu.memory_space<hbm>>
      %dma_start3A_507 = tpu.memref_squeeze %dma_start3A_506 : memref<1x1x512xi32, #tpu.memory_space<hbm>> -> memref<512xi32, #tpu.memory_space<hbm>>
      tpu.enqueue_dma source(%dma_start3A_507 : memref<512xi32, #tpu.memory_space<hbm>>) target(%arg9 : memref<512xi32, #tpu.memory_space<vmem>>) target_semaphore(%run_scoped3A_501 : memref<!tpu.dma_semaphore, #tpu.memory_space<semaphore_mem>>)
      %dma_wait3A_508 = arith.constant 0 : i32
      %dma_wait3A_509 = tpu.memref_slice %arg4[%run_scoped3A_414, %add3A, %dma_wait3A_508] : memref<2x32x5120xi32, #tpu.memory_space<hbm>> -> memref<1x1x512xi32, #tpu.memory_space<hbm>>
      %dma_wait3A_510 = tpu.memref_squeeze %dma_wait3A_509 : memref<1x1x512xi32, #tpu.memory_space<hbm>> -> memref<512xi32, #tpu.memory_space<hbm>>
      %dma_wait3A_511 = arith.constant 0 : i32
      %dma_wait3A_512 = tpu.memref_slice %arg4[%run_scoped3A_414, %add3A, %dma_wait3A_511] : memref<2x32x5120xi32, #tpu.memory_space<hbm>> -> memref<1x1x512xi32, #tpu.memory_space<hbm>>
      %dma_wait3A_513 = tpu.memref_squeeze %dma_wait3A_512 : memref<1x1x512xi32, #tpu.memory_space<hbm>> -> memref<512xi32, #tpu.memory_space<hbm>>
      tpu.wait_dma2 semaphore(%run_scoped3A_501 : memref<!tpu.dma_semaphore, #tpu.memory_space<semaphore_mem>>) src(%dma_wait3A_513 : memref<512xi32, #tpu.memory_space<hbm>>) dst(%arg9 : memref<512xi32, #tpu.memory_space<vmem>>)
      tpu.yield
    }) : () -> ()
    %dma_start3A_415 = arith.constant 0 : i32
    %dma_start3A_416 = arith.constant 0 : i32
    %dma_start3A_417 = tpu.memref_slice %arg2[%dma_start3A_415, %dma_start3A_416] : memref<10240x128xf32, #tpu.memory_space<hbm>> -> memref<10240x128xf32, #tpu.memory_space<hbm>>
    tpu.enqueue_indirect_dma source(%dma_start3A_417 : memref<10240x128xf32, #tpu.memory_space<hbm>>) target(%arg10 : memref<512x128xf32, #tpu.memory_space<vmem>>) offsets(%arg8 : memref<512xi32, #tpu.memory_space<vmem>>) semaphore(%arg14 : memref<!tpu.dma_semaphore, #tpu.memory_space<semaphore_mem>>)
    %dma_wait3A_418 = arith.constant 0 : i32
    %dma_wait3A_419 = arith.constant 0 : i32
    %dma_wait3A_420 = tpu.memref_slice %arg2[%dma_wait3A_418, %dma_wait3A_419] : memref<10240x128xf32, #tpu.memory_space<hbm>> -> memref<10240x128xf32, #tpu.memory_space<hbm>>
    tpu.wait_indirect_dma semaphore(%arg14 : memref<!tpu.dma_semaphore, #tpu.memory_space<semaphore_mem>>) src(%dma_wait3A_420 : memref<10240x128xf32, #tpu.memory_space<hbm>>) dst(%arg10 : memref<512x128xf32, #tpu.memory_space<vmem>>)
    "tpu.region"() ({
      %run_scoped3A_501 = tpu.sem_alloc : memref<!tpu.dma_semaphore, #tpu.memory_space<semaphore_mem>>
      %dma_start3A_502 = arith.constant 0 : i32
      %dma_start3A_503 = arith.constant 0 : i32
      %dma_start3A_504 = tpu.memref_slice %arg15[%dma_start3A_502, %dma_start3A_503] : memref<5376x128xf32, #tpu.memory_space<vmem_shared>> -> memref<5376x128xf32, #tpu.memory_space<vmem_shared>>
      tpu.enqueue_indirect_dma source(%arg10 : memref<512x128xf32, #tpu.memory_space<vmem>>) target(%dma_start3A_504 : memref<5376x128xf32, #tpu.memory_space<vmem_shared>>) offsets(%arg9 : memref<512xi32, #tpu.memory_space<vmem>>) semaphore(%run_scoped3A_501 : memref<!tpu.dma_semaphore, #tpu.memory_space<semaphore_mem>>) {add = true}
      %dma_wait3A_505 = arith.constant 0 : i32
      %dma_wait3A_506 = arith.constant 0 : i32
      %dma_wait3A_507 = tpu.memref_slice %arg15[%dma_wait3A_505, %dma_wait3A_506] : memref<5376x128xf32, #tpu.memory_space<vmem_shared>> -> memref<5376x128xf32, #tpu.memory_space<vmem_shared>>
      tpu.wait_indirect_dma semaphore(%run_scoped3A_501 : memref<!tpu.dma_semaphore, #tpu.memory_space<semaphore_mem>>) src(%arg10 : memref<512x128xf32, #tpu.memory_space<vmem>>) dst(%dma_wait3A_507 : memref<5376x128xf32, #tpu.memory_space<vmem_shared>>)
      tpu.yield
    }) : () -> ()
    "tpu.region"() ({
      %run_scoped3A_501 = tpu.sem_alloc : memref<!tpu.dma_semaphore, #tpu.memory_space<semaphore_mem>>
      %dma_start3A_502 = arith.constant 0 : i32
      %dma_start3A_503 = tpu.memref_slice %arg16[%dma_start3A_502] : memref<5376xf32, #tpu.memory_space<vmem_shared>> -> memref<5376xf32, #tpu.memory_space<vmem_shared>>
      tpu.enqueue_indirect_dma source(%arg11 : memref<512xf32, #tpu.memory_space<vmem>>) target(%dma_start3A_503 : memref<5376xf32, #tpu.memory_space<vmem_shared>>) offsets(%arg9 : memref<512xi32, #tpu.memory_space<vmem>>) semaphore(%run_scoped3A_501 : memref<!tpu.dma_semaphore, #tpu.memory_space<semaphore_mem>>) {add = true}
      %dma_wait3A_504 = arith.constant 0 : i32
      %dma_wait3A_505 = tpu.memref_slice %arg16[%dma_wait3A_504] : memref<5376xf32, #tpu.memory_space<vmem_shared>> -> memref<5376xf32, #tpu.memory_space<vmem_shared>>
      tpu.wait_indirect_dma semaphore(%run_scoped3A_501 : memref<!tpu.dma_semaphore, #tpu.memory_space<semaphore_mem>>) src(%arg11 : memref<512xf32, #tpu.memory_space<vmem>>) dst(%dma_wait3A_505 : memref<5376xf32, #tpu.memory_space<vmem_shared>>)
      tpu.yield
    }) : () -> ()
    "tpu.region"() ({
      %run_scoped3A_501 = tpu.sem_alloc : memref<!tpu.dma_semaphore, #tpu.memory_space<semaphore_mem>>
      %dma_start3A_502 = arith.constant 512 : i32
      %dma_start3A_503 = tpu.memref_slice %arg3[%add3A, %dma_start3A_502] : memref<32x5120xi32, #tpu.memory_space<hbm>> -> memref<1x512xi32, #tpu.memory_space<hbm>>
      %dma_start3A_504 = tpu.memref_squeeze %dma_start3A_503 : memref<1x512xi32, #tpu.memory_space<hbm>> -> memref<512xi32, #tpu.memory_space<hbm>>
      %dma_start3A_505 = arith.constant 512 : i32
      %dma_start3A_506 = tpu.memref_slice %arg3[%add3A, %dma_start3A_505] : memref<32x5120xi32, #tpu.memory_space<hbm>> -> memref<1x512xi32, #tpu.memory_space<hbm>>
      %dma_start3A_507 = tpu.memref_squeeze %dma_start3A_506 : memref<1x512xi32, #tpu.memory_space<hbm>> -> memref<512xi32, #tpu.memory_space<hbm>>
      tpu.enqueue_dma source(%dma_start3A_507 : memref<512xi32, #tpu.memory_space<hbm>>) target(%arg8 : memref<512xi32, #tpu.memory_space<vmem>>) target_semaphore(%run_scoped3A_501 : memref<!tpu.dma_semaphore, #tpu.memory_space<semaphore_mem>>)
      %dma_wait3A_508 = arith.constant 512 : i32
      %dma_wait3A_509 = tpu.memref_slice %arg3[%add3A, %dma_wait3A_508] : memref<32x5120xi32, #tpu.memory_space<hbm>> -> memref<1x512xi32, #tpu.memory_space<hbm>>
      %dma_wait3A_510 = tpu.memref_squeeze %dma_wait3A_509 : memref<1x512xi32, #tpu.memory_space<hbm>> -> memref<512xi32, #tpu.memory_space<hbm>>
      %dma_wait3A_511 = arith.constant 512 : i32
      %dma_wait3A_512 = tpu.memref_slice %arg3[%add3A, %dma_wait3A_511] : memref<32x5120xi32, #tpu.memory_space<hbm>> -> memref<1x512xi32, #tpu.memory_space<hbm>>
      %dma_wait3A_513 = tpu.memref_squeeze %dma_wait3A_512 : memref<1x512xi32, #tpu.memory_space<hbm>> -> memref<512xi32, #tpu.memory_space<hbm>>
      tpu.wait_dma2 semaphore(%run_scoped3A_501 : memref<!tpu.dma_semaphore, #tpu.memory_space<semaphore_mem>>) src(%dma_wait3A_513 : memref<512xi32, #tpu.memory_space<hbm>>) dst(%arg8 : memref<512xi32, #tpu.memory_space<vmem>>)
      tpu.yield
    }) : () -> ()
    %run_scoped3A_421 = arith.constant 1 : i32
    "tpu.region"() ({
      %run_scoped3A_501 = tpu.sem_alloc : memref<!tpu.dma_semaphore, #tpu.memory_space<semaphore_mem>>
      %dma_start3A_502 = arith.constant 512 : i32
      %dma_start3A_503 = tpu.memref_slice %arg4[%run_scoped3A_421, %add3A, %dma_start3A_502] : memref<2x32x5120xi32, #tpu.memory_space<hbm>> -> memref<1x1x512xi32, #tpu.memory_space<hbm>>
      %dma_start3A_504 = tpu.memref_squeeze %dma_start3A_503 : memref<1x1x512xi32, #tpu.memory_space<hbm>> -> memref<512xi32, #tpu.memory_space<hbm>>
      %dma_start3A_505 = arith.constant 512 : i32
      %dma_start3A_506 = tpu.memref_slice %arg4[%run_scoped3A_421, %add3A, %dma_start3A_505] : memref<2x32x5120xi32, #tpu.memory_space<hbm>> -> memref<1x1x512xi32, #tpu.memory_space<hbm>>
      %dma_start3A_507 = tpu.memref_squeeze %dma_start3A_506 : memref<1x1x512xi32, #tpu.memory_space<hbm>> -> memref<512xi32, #tpu.memory_space<hbm>>
      tpu.enqueue_dma source(%dma_start3A_507 : memref<512xi32, #tpu.memory_space<hbm>>) target(%arg9 : memref<512xi32, #tpu.memory_space<vmem>>) target_semaphore(%run_scoped3A_501 : memref<!tpu.dma_semaphore, #tpu.memory_space<semaphore_mem>>)
      %dma_wait3A_508 = arith.constant 512 : i32
      %dma_wait3A_509 = tpu.memref_slice %arg4[%run_scoped3A_421, %add3A, %dma_wait3A_508] : memref<2x32x5120xi32, #tpu.memory_space<hbm>> -> memref<1x1x512xi32, #tpu.memory_space<hbm>>
      %dma_wait3A_510 = tpu.memref_squeeze %dma_wait3A_509 : memref<1x1x512xi32, #tpu.memory_space<hbm>> -> memref<512xi32, #tpu.memory_space<hbm>>
      %dma_wait3A_511 = arith.constant 512 : i32
      %dma_wait3A_512 = tpu.memref_slice %arg4[%run_scoped3A_421, %add3A, %dma_wait3A_511] : memref<2x32x5120xi32, #tpu.memory_space<hbm>> -> memref<1x1x512xi32, #tpu.memory_space<hbm>>
      %dma_wait3A_513 = tpu.memref_squeeze %dma_wait3A_512 : memref<1x1x512xi32, #tpu.memory_space<hbm>> -> memref<512xi32, #tpu.memory_space<hbm>>
      tpu.wait_dma2 semaphore(%run_scoped3A_501 : memref<!tpu.dma_semaphore, #tpu.memory_space<semaphore_mem>>) src(%dma_wait3A_513 : memref<512xi32, #tpu.memory_space<hbm>>) dst(%arg9 : memref<512xi32, #tpu.memory_space<vmem>>)
      tpu.yield
    }) : () -> ()
    %dma_start3A_422 = arith.constant 0 : i32
    %dma_start3A_423 = arith.constant 0 : i32
    %dma_start3A_424 = tpu.memref_slice %arg2[%dma_start3A_422, %dma_start3A_423] : memref<10240x128xf32, #tpu.memory_space<hbm>> -> memref<10240x128xf32, #tpu.memory_space<hbm>>
    tpu.enqueue_indirect_dma source(%dma_start3A_424 : memref<10240x128xf32, #tpu.memory_space<hbm>>) target(%arg10 : memref<512x128xf32, #tpu.memory_space<vmem>>) offsets(%arg8 : memref<512xi32, #tpu.memory_space<vmem>>) semaphore(%arg14 : memref<!tpu.dma_semaphore, #tpu.memory_space<semaphore_mem>>)
    %dma_wait3A_425 = arith.constant 0 : i32
    %dma_wait3A_426 = arith.constant 0 : i32
    %dma_wait3A_427 = tpu.memref_slice %arg2[%dma_wait3A_425, %dma_wait3A_426] : memref<10240x128xf32, #tpu.memory_space<hbm>> -> memref<10240x128xf32, #tpu.memory_space<hbm>>
    tpu.wait_indirect_dma semaphore(%arg14 : memref<!tpu.dma_semaphore, #tpu.memory_space<semaphore_mem>>) src(%dma_wait3A_427 : memref<10240x128xf32, #tpu.memory_space<hbm>>) dst(%arg10 : memref<512x128xf32, #tpu.memory_space<vmem>>)
    "tpu.region"() ({
      %run_scoped3A_501 = tpu.sem_alloc : memref<!tpu.dma_semaphore, #tpu.memory_space<semaphore_mem>>
      %dma_start3A_502 = arith.constant 0 : i32
      %dma_start3A_503 = arith.constant 0 : i32
      %dma_start3A_504 = tpu.memref_slice %arg15[%dma_start3A_502, %dma_start3A_503] : memref<5376x128xf32, #tpu.memory_space<vmem_shared>> -> memref<5376x128xf32, #tpu.memory_space<vmem_shared>>
      tpu.enqueue_indirect_dma source(%arg10 : memref<512x128xf32, #tpu.memory_space<vmem>>) target(%dma_start3A_504 : memref<5376x128xf32, #tpu.memory_space<vmem_shared>>) offsets(%arg9 : memref<512xi32, #tpu.memory_space<vmem>>) semaphore(%run_scoped3A_501 : memref<!tpu.dma_semaphore, #tpu.memory_space<semaphore_mem>>) {add = true}
      %dma_wait3A_505 = arith.constant 0 : i32
      %dma_wait3A_506 = arith.constant 0 : i32
      %dma_wait3A_507 = tpu.memref_slice %arg15[%dma_wait3A_505, %dma_wait3A_506] : memref<5376x128xf32, #tpu.memory_space<vmem_shared>> -> memref<5376x128xf32, #tpu.memory_space<vmem_shared>>
      tpu.wait_indirect_dma semaphore(%run_scoped3A_501 : memref<!tpu.dma_semaphore, #tpu.memory_space<semaphore_mem>>) src(%arg10 : memref<512x128xf32, #tpu.memory_space<vmem>>) dst(%dma_wait3A_507 : memref<5376x128xf32, #tpu.memory_space<vmem_shared>>)
      tpu.yield
    }) : () -> ()
    "tpu.region"() ({
      %run_scoped3A_501 = tpu.sem_alloc : memref<!tpu.dma_semaphore, #tpu.memory_space<semaphore_mem>>
      %dma_start3A_502 = arith.constant 0 : i32
      %dma_start3A_503 = tpu.memref_slice %arg16[%dma_start3A_502] : memref<5376xf32, #tpu.memory_space<vmem_shared>> -> memref<5376xf32, #tpu.memory_space<vmem_shared>>
      tpu.enqueue_indirect_dma source(%arg11 : memref<512xf32, #tpu.memory_space<vmem>>) target(%dma_start3A_503 : memref<5376xf32, #tpu.memory_space<vmem_shared>>) offsets(%arg9 : memref<512xi32, #tpu.memory_space<vmem>>) semaphore(%run_scoped3A_501 : memref<!tpu.dma_semaphore, #tpu.memory_space<semaphore_mem>>) {add = true}
      %dma_wait3A_504 = arith.constant 0 : i32
      %dma_wait3A_505 = tpu.memref_slice %arg16[%dma_wait3A_504] : memref<5376xf32, #tpu.memory_space<vmem_shared>> -> memref<5376xf32, #tpu.memory_space<vmem_shared>>
      tpu.wait_indirect_dma semaphore(%run_scoped3A_501 : memref<!tpu.dma_semaphore, #tpu.memory_space<semaphore_mem>>) src(%arg11 : memref<512xf32, #tpu.memory_space<vmem>>) dst(%dma_wait3A_505 : memref<5376xf32, #tpu.memory_space<vmem_shared>>)
      tpu.yield
    }) : () -> ()
    "tpu.region"() ({
      %run_scoped3A_501 = tpu.sem_alloc : memref<!tpu.dma_semaphore, #tpu.memory_space<semaphore_mem>>
      %dma_start3A_502 = arith.constant 1024 : i32
      %dma_start3A_503 = tpu.memref_slice %arg3[%add3A, %dma_start3A_502] : memref<32x5120xi32, #tpu.memory_space<hbm>> -> memref<1x512xi32, #tpu.memory_space<hbm>>
      %dma_start3A_504 = tpu.memref_squeeze %dma_start3A_503 : memref<1x512xi32, #tpu.memory_space<hbm>> -> memref<512xi32, #tpu.memory_space<hbm>>
      %dma_start3A_505 = arith.constant 1024 : i32
      %dma_start3A_506 = tpu.memref_slice %arg3[%add3A, %dma_start3A_505] : memref<32x5120xi32, #tpu.memory_space<hbm>> -> memref<1x512xi32, #tpu.memory_space<hbm>>
      %dma_start3A_507 = tpu.memref_squeeze %dma_start3A_506 : memref<1x512xi32, #tpu.memory_space<hbm>> -> memref<512xi32, #tpu.memory_space<hbm>>
      tpu.enqueue_dma source(%dma_start3A_507 : memref<512xi32, #tpu.memory_space<hbm>>) target(%arg8 : memref<512xi32, #tpu.memory_space<vmem>>) target_semaphore(%run_scoped3A_501 : memref<!tpu.dma_semaphore, #tpu.memory_space<semaphore_mem>>)
      %dma_wait3A_508 = arith.constant 1024 : i32
      %dma_wait3A_509 = tpu.memref_slice %arg3[%add3A, %dma_wait3A_508] : memref<32x5120xi32, #tpu.memory_space<hbm>> -> memref<1x512xi32, #tpu.memory_space<hbm>>
      %dma_wait3A_510 = tpu.memref_squeeze %dma_wait3A_509 : memref<1x512xi32, #tpu.memory_space<hbm>> -> memref<512xi32, #tpu.memory_space<hbm>>
      %dma_wait3A_511 = arith.constant 1024 : i32
      %dma_wait3A_512 = tpu.memref_slice %arg3[%add3A, %dma_wait3A_511] : memref<32x5120xi32, #tpu.memory_space<hbm>> -> memref<1x512xi32, #tpu.memory_space<hbm>>
      %dma_wait3A_513 = tpu.memref_squeeze %dma_wait3A_512 : memref<1x512xi32, #tpu.memory_space<hbm>> -> memref<512xi32, #tpu.memory_space<hbm>>
      tpu.wait_dma2 semaphore(%run_scoped3A_501 : memref<!tpu.dma_semaphore, #tpu.memory_space<semaphore_mem>>) src(%dma_wait3A_513 : memref<512xi32, #tpu.memory_space<hbm>>) dst(%arg8 : memref<512xi32, #tpu.memory_space<vmem>>)
      tpu.yield
    }) : () -> ()
    %run_scoped3A_428 = arith.constant 1 : i32
    "tpu.region"() ({
      %run_scoped3A_501 = tpu.sem_alloc : memref<!tpu.dma_semaphore, #tpu.memory_space<semaphore_mem>>
      %dma_start3A_502 = arith.constant 1024 : i32
      %dma_start3A_503 = tpu.memref_slice %arg4[%run_scoped3A_428, %add3A, %dma_start3A_502] : memref<2x32x5120xi32, #tpu.memory_space<hbm>> -> memref<1x1x512xi32, #tpu.memory_space<hbm>>
      %dma_start3A_504 = tpu.memref_squeeze %dma_start3A_503 : memref<1x1x512xi32, #tpu.memory_space<hbm>> -> memref<512xi32, #tpu.memory_space<hbm>>
      %dma_start3A_505 = arith.constant 1024 : i32
      %dma_start3A_506 = tpu.memref_slice %arg4[%run_scoped3A_428, %add3A, %dma_start3A_505] : memref<2x32x5120xi32, #tpu.memory_space<hbm>> -> memref<1x1x512xi32, #tpu.memory_space<hbm>>
      %dma_start3A_507 = tpu.memref_squeeze %dma_start3A_506 : memref<1x1x512xi32, #tpu.memory_space<hbm>> -> memref<512xi32, #tpu.memory_space<hbm>>
      tpu.enqueue_dma source(%dma_start3A_507 : memref<512xi32, #tpu.memory_space<hbm>>) target(%arg9 : memref<512xi32, #tpu.memory_space<vmem>>) target_semaphore(%run_scoped3A_501 : memref<!tpu.dma_semaphore, #tpu.memory_space<semaphore_mem>>)
      %dma_wait3A_508 = arith.constant 1024 : i32
      %dma_wait3A_509 = tpu.memref_slice %arg4[%run_scoped3A_428, %add3A, %dma_wait3A_508] : memref<2x32x5120xi32, #tpu.memory_space<hbm>> -> memref<1x1x512xi32, #tpu.memory_space<hbm>>
      %dma_wait3A_510 = tpu.memref_squeeze %dma_wait3A_509 : memref<1x1x512xi32, #tpu.memory_space<hbm>> -> memref<512xi32, #tpu.memory_space<hbm>>
      %dma_wait3A_511 = arith.constant 1024 : i32
      %dma_wait3A_512 = tpu.memref_slice %arg4[%run_scoped3A_428, %add3A, %dma_wait3A_511] : memref<2x32x5120xi32, #tpu.memory_space<hbm>> -> memref<1x1x512xi32, #tpu.memory_space<hbm>>
      %dma_wait3A_513 = tpu.memref_squeeze %dma_wait3A_512 : memref<1x1x512xi32, #tpu.memory_space<hbm>> -> memref<512xi32, #tpu.memory_space<hbm>>
      tpu.wait_dma2 semaphore(%run_scoped3A_501 : memref<!tpu.dma_semaphore, #tpu.memory_space<semaphore_mem>>) src(%dma_wait3A_513 : memref<512xi32, #tpu.memory_space<hbm>>) dst(%arg9 : memref<512xi32, #tpu.memory_space<vmem>>)
      tpu.yield
    }) : () -> ()
    %dma_start3A_429 = arith.constant 0 : i32
    %dma_start3A_430 = arith.constant 0 : i32
    %dma_start3A_431 = tpu.memref_slice %arg2[%dma_start3A_429, %dma_start3A_430] : memref<10240x128xf32, #tpu.memory_space<hbm>> -> memref<10240x128xf32, #tpu.memory_space<hbm>>
    tpu.enqueue_indirect_dma source(%dma_start3A_431 : memref<10240x128xf32, #tpu.memory_space<hbm>>) target(%arg10 : memref<512x128xf32, #tpu.memory_space<vmem>>) offsets(%arg8 : memref<512xi32, #tpu.memory_space<vmem>>) semaphore(%arg14 : memref<!tpu.dma_semaphore, #tpu.memory_space<semaphore_mem>>)
    %dma_wait3A_432 = arith.constant 0 : i32
    %dma_wait3A_433 = arith.constant 0 : i32
    %dma_wait3A_434 = tpu.memref_slice %arg2[%dma_wait3A_432, %dma_wait3A_433] : memref<10240x128xf32, #tpu.memory_space<hbm>> -> memref<10240x128xf32, #tpu.memory_space<hbm>>
    tpu.wait_indirect_dma semaphore(%arg14 : memref<!tpu.dma_semaphore, #tpu.memory_space<semaphore_mem>>) src(%dma_wait3A_434 : memref<10240x128xf32, #tpu.memory_space<hbm>>) dst(%arg10 : memref<512x128xf32, #tpu.memory_space<vmem>>)
    "tpu.region"() ({
      %run_scoped3A_501 = tpu.sem_alloc : memref<!tpu.dma_semaphore, #tpu.memory_space<semaphore_mem>>
      %dma_start3A_502 = arith.constant 0 : i32
      %dma_start3A_503 = arith.constant 0 : i32
      %dma_start3A_504 = tpu.memref_slice %arg15[%dma_start3A_502, %dma_start3A_503] : memref<5376x128xf32, #tpu.memory_space<vmem_shared>> -> memref<5376x128xf32, #tpu.memory_space<vmem_shared>>
      tpu.enqueue_indirect_dma source(%arg10 : memref<512x128xf32, #tpu.memory_space<vmem>>) target(%dma_start3A_504 : memref<5376x128xf32, #tpu.memory_space<vmem_shared>>) offsets(%arg9 : memref<512xi32, #tpu.memory_space<vmem>>) semaphore(%run_scoped3A_501 : memref<!tpu.dma_semaphore, #tpu.memory_space<semaphore_mem>>) {add = true}
      %dma_wait3A_505 = arith.constant 0 : i32
      %dma_wait3A_506 = arith.constant 0 : i32
      %dma_wait3A_507 = tpu.memref_slice %arg15[%dma_wait3A_505, %dma_wait3A_506] : memref<5376x128xf32, #tpu.memory_space<vmem_shared>> -> memref<5376x128xf32, #tpu.memory_space<vmem_shared>>
      tpu.wait_indirect_dma semaphore(%run_scoped3A_501 : memref<!tpu.dma_semaphore, #tpu.memory_space<semaphore_mem>>) src(%arg10 : memref<512x128xf32, #tpu.memory_space<vmem>>) dst(%dma_wait3A_507 : memref<5376x128xf32, #tpu.memory_space<vmem_shared>>)
      tpu.yield
    }) : () -> ()
    "tpu.region"() ({
      %run_scoped3A_501 = tpu.sem_alloc : memref<!tpu.dma_semaphore, #tpu.memory_space<semaphore_mem>>
      %dma_start3A_502 = arith.constant 0 : i32
      %dma_start3A_503 = tpu.memref_slice %arg16[%dma_start3A_502] : memref<5376xf32, #tpu.memory_space<vmem_shared>> -> memref<5376xf32, #tpu.memory_space<vmem_shared>>
      tpu.enqueue_indirect_dma source(%arg11 : memref<512xf32, #tpu.memory_space<vmem>>) target(%dma_start3A_503 : memref<5376xf32, #tpu.memory_space<vmem_shared>>) offsets(%arg9 : memref<512xi32, #tpu.memory_space<vmem>>) semaphore(%run_scoped3A_501 : memref<!tpu.dma_semaphore, #tpu.memory_space<semaphore_mem>>) {add = true}
      %dma_wait3A_504 = arith.constant 0 : i32
      %dma_wait3A_505 = tpu.memref_slice %arg16[%dma_wait3A_504] : memref<5376xf32, #tpu.memory_space<vmem_shared>> -> memref<5376xf32, #tpu.memory_space<vmem_shared>>
      tpu.wait_indirect_dma semaphore(%run_scoped3A_501 : memref<!tpu.dma_semaphore, #tpu.memory_space<semaphore_mem>>) src(%arg11 : memref<512xf32, #tpu.memory_space<vmem>>) dst(%dma_wait3A_505 : memref<5376xf32, #tpu.memory_space<vmem_shared>>)
      tpu.yield
    }) : () -> ()
    "tpu.region"() ({
      %run_scoped3A_501 = tpu.sem_alloc : memref<!tpu.dma_semaphore, #tpu.memory_space<semaphore_mem>>
      %dma_start3A_502 = arith.constant 1536 : i32
      %dma_start3A_503 = tpu.memref_slice %arg3[%add3A, %dma_start3A_502] : memref<32x5120xi32, #tpu.memory_space<hbm>> -> memref<1x512xi32, #tpu.memory_space<hbm>>
      %dma_start3A_504 = tpu.memref_squeeze %dma_start3A_503 : memref<1x512xi32, #tpu.memory_space<hbm>> -> memref<512xi32, #tpu.memory_space<hbm>>
      %dma_start3A_505 = arith.constant 1536 : i32
      %dma_start3A_506 = tpu.memref_slice %arg3[%add3A, %dma_start3A_505] : memref<32x5120xi32, #tpu.memory_space<hbm>> -> memref<1x512xi32, #tpu.memory_space<hbm>>
      %dma_start3A_507 = tpu.memref_squeeze %dma_start3A_506 : memref<1x512xi32, #tpu.memory_space<hbm>> -> memref<512xi32, #tpu.memory_space<hbm>>
      tpu.enqueue_dma source(%dma_start3A_507 : memref<512xi32, #tpu.memory_space<hbm>>) target(%arg8 : memref<512xi32, #tpu.memory_space<vmem>>) target_semaphore(%run_scoped3A_501 : memref<!tpu.dma_semaphore, #tpu.memory_space<semaphore_mem>>)
      %dma_wait3A_508 = arith.constant 1536 : i32
      %dma_wait3A_509 = tpu.memref_slice %arg3[%add3A, %dma_wait3A_508] : memref<32x5120xi32, #tpu.memory_space<hbm>> -> memref<1x512xi32, #tpu.memory_space<hbm>>
      %dma_wait3A_510 = tpu.memref_squeeze %dma_wait3A_509 : memref<1x512xi32, #tpu.memory_space<hbm>> -> memref<512xi32, #tpu.memory_space<hbm>>
      %dma_wait3A_511 = arith.constant 1536 : i32
      %dma_wait3A_512 = tpu.memref_slice %arg3[%add3A, %dma_wait3A_511] : memref<32x5120xi32, #tpu.memory_space<hbm>> -> memref<1x512xi32, #tpu.memory_space<hbm>>
      %dma_wait3A_513 = tpu.memref_squeeze %dma_wait3A_512 : memref<1x512xi32, #tpu.memory_space<hbm>> -> memref<512xi32, #tpu.memory_space<hbm>>
      tpu.wait_dma2 semaphore(%run_scoped3A_501 : memref<!tpu.dma_semaphore, #tpu.memory_space<semaphore_mem>>) src(%dma_wait3A_513 : memref<512xi32, #tpu.memory_space<hbm>>) dst(%arg8 : memref<512xi32, #tpu.memory_space<vmem>>)
      tpu.yield
    }) : () -> ()
    %run_scoped3A_435 = arith.constant 1 : i32
    "tpu.region"() ({
      %run_scoped3A_501 = tpu.sem_alloc : memref<!tpu.dma_semaphore, #tpu.memory_space<semaphore_mem>>
      %dma_start3A_502 = arith.constant 1536 : i32
      %dma_start3A_503 = tpu.memref_slice %arg4[%run_scoped3A_435, %add3A, %dma_start3A_502] : memref<2x32x5120xi32, #tpu.memory_space<hbm>> -> memref<1x1x512xi32, #tpu.memory_space<hbm>>
      %dma_start3A_504 = tpu.memref_squeeze %dma_start3A_503 : memref<1x1x512xi32, #tpu.memory_space<hbm>> -> memref<512xi32, #tpu.memory_space<hbm>>
      %dma_start3A_505 = arith.constant 1536 : i32
      %dma_start3A_506 = tpu.memref_slice %arg4[%run_scoped3A_435, %add3A, %dma_start3A_505] : memref<2x32x5120xi32, #tpu.memory_space<hbm>> -> memref<1x1x512xi32, #tpu.memory_space<hbm>>
      %dma_start3A_507 = tpu.memref_squeeze %dma_start3A_506 : memref<1x1x512xi32, #tpu.memory_space<hbm>> -> memref<512xi32, #tpu.memory_space<hbm>>
      tpu.enqueue_dma source(%dma_start3A_507 : memref<512xi32, #tpu.memory_space<hbm>>) target(%arg9 : memref<512xi32, #tpu.memory_space<vmem>>) target_semaphore(%run_scoped3A_501 : memref<!tpu.dma_semaphore, #tpu.memory_space<semaphore_mem>>)
      %dma_wait3A_508 = arith.constant 1536 : i32
      %dma_wait3A_509 = tpu.memref_slice %arg4[%run_scoped3A_435, %add3A, %dma_wait3A_508] : memref<2x32x5120xi32, #tpu.memory_space<hbm>> -> memref<1x1x512xi32, #tpu.memory_space<hbm>>
      %dma_wait3A_510 = tpu.memref_squeeze %dma_wait3A_509 : memref<1x1x512xi32, #tpu.memory_space<hbm>> -> memref<512xi32, #tpu.memory_space<hbm>>
      %dma_wait3A_511 = arith.constant 1536 : i32
      %dma_wait3A_512 = tpu.memref_slice %arg4[%run_scoped3A_435, %add3A, %dma_wait3A_511] : memref<2x32x5120xi32, #tpu.memory_space<hbm>> -> memref<1x1x512xi32, #tpu.memory_space<hbm>>
      %dma_wait3A_513 = tpu.memref_squeeze %dma_wait3A_512 : memref<1x1x512xi32, #tpu.memory_space<hbm>> -> memref<512xi32, #tpu.memory_space<hbm>>
      tpu.wait_dma2 semaphore(%run_scoped3A_501 : memref<!tpu.dma_semaphore, #tpu.memory_space<semaphore_mem>>) src(%dma_wait3A_513 : memref<512xi32, #tpu.memory_space<hbm>>) dst(%arg9 : memref<512xi32, #tpu.memory_space<vmem>>)
      tpu.yield
    }) : () -> ()
    %dma_start3A_436 = arith.constant 0 : i32
    %dma_start3A_437 = arith.constant 0 : i32
    %dma_start3A_438 = tpu.memref_slice %arg2[%dma_start3A_436, %dma_start3A_437] : memref<10240x128xf32, #tpu.memory_space<hbm>> -> memref<10240x128xf32, #tpu.memory_space<hbm>>
    tpu.enqueue_indirect_dma source(%dma_start3A_438 : memref<10240x128xf32, #tpu.memory_space<hbm>>) target(%arg10 : memref<512x128xf32, #tpu.memory_space<vmem>>) offsets(%arg8 : memref<512xi32, #tpu.memory_space<vmem>>) semaphore(%arg14 : memref<!tpu.dma_semaphore, #tpu.memory_space<semaphore_mem>>)
    %dma_wait3A_439 = arith.constant 0 : i32
    %dma_wait3A_440 = arith.constant 0 : i32
    %dma_wait3A_441 = tpu.memref_slice %arg2[%dma_wait3A_439, %dma_wait3A_440] : memref<10240x128xf32, #tpu.memory_space<hbm>> -> memref<10240x128xf32, #tpu.memory_space<hbm>>
    tpu.wait_indirect_dma semaphore(%arg14 : memref<!tpu.dma_semaphore, #tpu.memory_space<semaphore_mem>>) src(%dma_wait3A_441 : memref<10240x128xf32, #tpu.memory_space<hbm>>) dst(%arg10 : memref<512x128xf32, #tpu.memory_space<vmem>>)
    "tpu.region"() ({
      %run_scoped3A_501 = tpu.sem_alloc : memref<!tpu.dma_semaphore, #tpu.memory_space<semaphore_mem>>
      %dma_start3A_502 = arith.constant 0 : i32
      %dma_start3A_503 = arith.constant 0 : i32
      %dma_start3A_504 = tpu.memref_slice %arg15[%dma_start3A_502, %dma_start3A_503] : memref<5376x128xf32, #tpu.memory_space<vmem_shared>> -> memref<5376x128xf32, #tpu.memory_space<vmem_shared>>
      tpu.enqueue_indirect_dma source(%arg10 : memref<512x128xf32, #tpu.memory_space<vmem>>) target(%dma_start3A_504 : memref<5376x128xf32, #tpu.memory_space<vmem_shared>>) offsets(%arg9 : memref<512xi32, #tpu.memory_space<vmem>>) semaphore(%run_scoped3A_501 : memref<!tpu.dma_semaphore, #tpu.memory_space<semaphore_mem>>) {add = true}
      %dma_wait3A_505 = arith.constant 0 : i32
      %dma_wait3A_506 = arith.constant 0 : i32
      %dma_wait3A_507 = tpu.memref_slice %arg15[%dma_wait3A_505, %dma_wait3A_506] : memref<5376x128xf32, #tpu.memory_space<vmem_shared>> -> memref<5376x128xf32, #tpu.memory_space<vmem_shared>>
      tpu.wait_indirect_dma semaphore(%run_scoped3A_501 : memref<!tpu.dma_semaphore, #tpu.memory_space<semaphore_mem>>) src(%arg10 : memref<512x128xf32, #tpu.memory_space<vmem>>) dst(%dma_wait3A_507 : memref<5376x128xf32, #tpu.memory_space<vmem_shared>>)
      tpu.yield
    }) : () -> ()
    "tpu.region"() ({
      %run_scoped3A_501 = tpu.sem_alloc : memref<!tpu.dma_semaphore, #tpu.memory_space<semaphore_mem>>
      %dma_start3A_502 = arith.constant 0 : i32
      %dma_start3A_503 = tpu.memref_slice %arg16[%dma_start3A_502] : memref<5376xf32, #tpu.memory_space<vmem_shared>> -> memref<5376xf32, #tpu.memory_space<vmem_shared>>
      tpu.enqueue_indirect_dma source(%arg11 : memref<512xf32, #tpu.memory_space<vmem>>) target(%dma_start3A_503 : memref<5376xf32, #tpu.memory_space<vmem_shared>>) offsets(%arg9 : memref<512xi32, #tpu.memory_space<vmem>>) semaphore(%run_scoped3A_501 : memref<!tpu.dma_semaphore, #tpu.memory_space<semaphore_mem>>) {add = true}
      %dma_wait3A_504 = arith.constant 0 : i32
      %dma_wait3A_505 = tpu.memref_slice %arg16[%dma_wait3A_504] : memref<5376xf32, #tpu.memory_space<vmem_shared>> -> memref<5376xf32, #tpu.memory_space<vmem_shared>>
      tpu.wait_indirect_dma semaphore(%run_scoped3A_501 : memref<!tpu.dma_semaphore, #tpu.memory_space<semaphore_mem>>) src(%arg11 : memref<512xf32, #tpu.memory_space<vmem>>) dst(%dma_wait3A_505 : memref<5376xf32, #tpu.memory_space<vmem_shared>>)
      tpu.yield
    }) : () -> ()
    "tpu.region"() ({
      %run_scoped3A_501 = tpu.sem_alloc : memref<!tpu.dma_semaphore, #tpu.memory_space<semaphore_mem>>
      %dma_start3A_502 = arith.constant 2048 : i32
      %dma_start3A_503 = tpu.memref_slice %arg3[%add3A, %dma_start3A_502] : memref<32x5120xi32, #tpu.memory_space<hbm>> -> memref<1x512xi32, #tpu.memory_space<hbm>>
      %dma_start3A_504 = tpu.memref_squeeze %dma_start3A_503 : memref<1x512xi32, #tpu.memory_space<hbm>> -> memref<512xi32, #tpu.memory_space<hbm>>
      %dma_start3A_505 = arith.constant 2048 : i32
      %dma_start3A_506 = tpu.memref_slice %arg3[%add3A, %dma_start3A_505] : memref<32x5120xi32, #tpu.memory_space<hbm>> -> memref<1x512xi32, #tpu.memory_space<hbm>>
      %dma_start3A_507 = tpu.memref_squeeze %dma_start3A_506 : memref<1x512xi32, #tpu.memory_space<hbm>> -> memref<512xi32, #tpu.memory_space<hbm>>
      tpu.enqueue_dma source(%dma_start3A_507 : memref<512xi32, #tpu.memory_space<hbm>>) target(%arg8 : memref<512xi32, #tpu.memory_space<vmem>>) target_semaphore(%run_scoped3A_501 : memref<!tpu.dma_semaphore, #tpu.memory_space<semaphore_mem>>)
      %dma_wait3A_508 = arith.constant 2048 : i32
      %dma_wait3A_509 = tpu.memref_slice %arg3[%add3A, %dma_wait3A_508] : memref<32x5120xi32, #tpu.memory_space<hbm>> -> memref<1x512xi32, #tpu.memory_space<hbm>>
      %dma_wait3A_510 = tpu.memref_squeeze %dma_wait3A_509 : memref<1x512xi32, #tpu.memory_space<hbm>> -> memref<512xi32, #tpu.memory_space<hbm>>
      %dma_wait3A_511 = arith.constant 2048 : i32
      %dma_wait3A_512 = tpu.memref_slice %arg3[%add3A, %dma_wait3A_511] : memref<32x5120xi32, #tpu.memory_space<hbm>> -> memref<1x512xi32, #tpu.memory_space<hbm>>
      %dma_wait3A_513 = tpu.memref_squeeze %dma_wait3A_512 : memref<1x512xi32, #tpu.memory_space<hbm>> -> memref<512xi32, #tpu.memory_space<hbm>>
      tpu.wait_dma2 semaphore(%run_scoped3A_501 : memref<!tpu.dma_semaphore, #tpu.memory_space<semaphore_mem>>) src(%dma_wait3A_513 : memref<512xi32, #tpu.memory_space<hbm>>) dst(%arg8 : memref<512xi32, #tpu.memory_space<vmem>>)
      tpu.yield
    }) : () -> ()
    %run_scoped3A_442 = arith.constant 1 : i32
    "tpu.region"() ({
      %run_scoped3A_501 = tpu.sem_alloc : memref<!tpu.dma_semaphore, #tpu.memory_space<semaphore_mem>>
      %dma_start3A_502 = arith.constant 2048 : i32
      %dma_start3A_503 = tpu.memref_slice %arg4[%run_scoped3A_442, %add3A, %dma_start3A_502] : memref<2x32x5120xi32, #tpu.memory_space<hbm>> -> memref<1x1x512xi32, #tpu.memory_space<hbm>>
      %dma_start3A_504 = tpu.memref_squeeze %dma_start3A_503 : memref<1x1x512xi32, #tpu.memory_space<hbm>> -> memref<512xi32, #tpu.memory_space<hbm>>
      %dma_start3A_505 = arith.constant 2048 : i32
      %dma_start3A_506 = tpu.memref_slice %arg4[%run_scoped3A_442, %add3A, %dma_start3A_505] : memref<2x32x5120xi32, #tpu.memory_space<hbm>> -> memref<1x1x512xi32, #tpu.memory_space<hbm>>
      %dma_start3A_507 = tpu.memref_squeeze %dma_start3A_506 : memref<1x1x512xi32, #tpu.memory_space<hbm>> -> memref<512xi32, #tpu.memory_space<hbm>>
      tpu.enqueue_dma source(%dma_start3A_507 : memref<512xi32, #tpu.memory_space<hbm>>) target(%arg9 : memref<512xi32, #tpu.memory_space<vmem>>) target_semaphore(%run_scoped3A_501 : memref<!tpu.dma_semaphore, #tpu.memory_space<semaphore_mem>>)
      %dma_wait3A_508 = arith.constant 2048 : i32
      %dma_wait3A_509 = tpu.memref_slice %arg4[%run_scoped3A_442, %add3A, %dma_wait3A_508] : memref<2x32x5120xi32, #tpu.memory_space<hbm>> -> memref<1x1x512xi32, #tpu.memory_space<hbm>>
      %dma_wait3A_510 = tpu.memref_squeeze %dma_wait3A_509 : memref<1x1x512xi32, #tpu.memory_space<hbm>> -> memref<512xi32, #tpu.memory_space<hbm>>
      %dma_wait3A_511 = arith.constant 2048 : i32
      %dma_wait3A_512 = tpu.memref_slice %arg4[%run_scoped3A_442, %add3A, %dma_wait3A_511] : memref<2x32x5120xi32, #tpu.memory_space<hbm>> -> memref<1x1x512xi32, #tpu.memory_space<hbm>>
      %dma_wait3A_513 = tpu.memref_squeeze %dma_wait3A_512 : memref<1x1x512xi32, #tpu.memory_space<hbm>> -> memref<512xi32, #tpu.memory_space<hbm>>
      tpu.wait_dma2 semaphore(%run_scoped3A_501 : memref<!tpu.dma_semaphore, #tpu.memory_space<semaphore_mem>>) src(%dma_wait3A_513 : memref<512xi32, #tpu.memory_space<hbm>>) dst(%arg9 : memref<512xi32, #tpu.memory_space<vmem>>)
      tpu.yield
    }) : () -> ()
    %dma_start3A_443 = arith.constant 0 : i32
    %dma_start3A_444 = arith.constant 0 : i32
    %dma_start3A_445 = tpu.memref_slice %arg2[%dma_start3A_443, %dma_start3A_444] : memref<10240x128xf32, #tpu.memory_space<hbm>> -> memref<10240x128xf32, #tpu.memory_space<hbm>>
    tpu.enqueue_indirect_dma source(%dma_start3A_445 : memref<10240x128xf32, #tpu.memory_space<hbm>>) target(%arg10 : memref<512x128xf32, #tpu.memory_space<vmem>>) offsets(%arg8 : memref<512xi32, #tpu.memory_space<vmem>>) semaphore(%arg14 : memref<!tpu.dma_semaphore, #tpu.memory_space<semaphore_mem>>)
    %dma_wait3A_446 = arith.constant 0 : i32
    %dma_wait3A_447 = arith.constant 0 : i32
    %dma_wait3A_448 = tpu.memref_slice %arg2[%dma_wait3A_446, %dma_wait3A_447] : memref<10240x128xf32, #tpu.memory_space<hbm>> -> memref<10240x128xf32, #tpu.memory_space<hbm>>
    tpu.wait_indirect_dma semaphore(%arg14 : memref<!tpu.dma_semaphore, #tpu.memory_space<semaphore_mem>>) src(%dma_wait3A_448 : memref<10240x128xf32, #tpu.memory_space<hbm>>) dst(%arg10 : memref<512x128xf32, #tpu.memory_space<vmem>>)
    "tpu.region"() ({
      %run_scoped3A_501 = tpu.sem_alloc : memref<!tpu.dma_semaphore, #tpu.memory_space<semaphore_mem>>
      %dma_start3A_502 = arith.constant 0 : i32
      %dma_start3A_503 = arith.constant 0 : i32
      %dma_start3A_504 = tpu.memref_slice %arg15[%dma_start3A_502, %dma_start3A_503] : memref<5376x128xf32, #tpu.memory_space<vmem_shared>> -> memref<5376x128xf32, #tpu.memory_space<vmem_shared>>
      tpu.enqueue_indirect_dma source(%arg10 : memref<512x128xf32, #tpu.memory_space<vmem>>) target(%dma_start3A_504 : memref<5376x128xf32, #tpu.memory_space<vmem_shared>>) offsets(%arg9 : memref<512xi32, #tpu.memory_space<vmem>>) semaphore(%run_scoped3A_501 : memref<!tpu.dma_semaphore, #tpu.memory_space<semaphore_mem>>) {add = true}
      %dma_wait3A_505 = arith.constant 0 : i32
      %dma_wait3A_506 = arith.constant 0 : i32
      %dma_wait3A_507 = tpu.memref_slice %arg15[%dma_wait3A_505, %dma_wait3A_506] : memref<5376x128xf32, #tpu.memory_space<vmem_shared>> -> memref<5376x128xf32, #tpu.memory_space<vmem_shared>>
      tpu.wait_indirect_dma semaphore(%run_scoped3A_501 : memref<!tpu.dma_semaphore, #tpu.memory_space<semaphore_mem>>) src(%arg10 : memref<512x128xf32, #tpu.memory_space<vmem>>) dst(%dma_wait3A_507 : memref<5376x128xf32, #tpu.memory_space<vmem_shared>>)
      tpu.yield
    }) : () -> ()
    "tpu.region"() ({
      %run_scoped3A_501 = tpu.sem_alloc : memref<!tpu.dma_semaphore, #tpu.memory_space<semaphore_mem>>
      %dma_start3A_502 = arith.constant 0 : i32
      %dma_start3A_503 = tpu.memref_slice %arg16[%dma_start3A_502] : memref<5376xf32, #tpu.memory_space<vmem_shared>> -> memref<5376xf32, #tpu.memory_space<vmem_shared>>
      tpu.enqueue_indirect_dma source(%arg11 : memref<512xf32, #tpu.memory_space<vmem>>) target(%dma_start3A_503 : memref<5376xf32, #tpu.memory_space<vmem_shared>>) offsets(%arg9 : memref<512xi32, #tpu.memory_space<vmem>>) semaphore(%run_scoped3A_501 : memref<!tpu.dma_semaphore, #tpu.memory_space<semaphore_mem>>) {add = true}
      %dma_wait3A_504 = arith.constant 0 : i32
      %dma_wait3A_505 = tpu.memref_slice %arg16[%dma_wait3A_504] : memref<5376xf32, #tpu.memory_space<vmem_shared>> -> memref<5376xf32, #tpu.memory_space<vmem_shared>>
      tpu.wait_indirect_dma semaphore(%run_scoped3A_501 : memref<!tpu.dma_semaphore, #tpu.memory_space<semaphore_mem>>) src(%arg11 : memref<512xf32, #tpu.memory_space<vmem>>) dst(%dma_wait3A_505 : memref<5376xf32, #tpu.memory_space<vmem_shared>>)
      tpu.yield
    }) : () -> ()
    "tpu.region"() ({
      %run_scoped3A_501 = tpu.sem_alloc : memref<!tpu.dma_semaphore, #tpu.memory_space<semaphore_mem>>
      %dma_start3A_502 = arith.constant 2560 : i32
      %dma_start3A_503 = tpu.memref_slice %arg3[%add3A, %dma_start3A_502] : memref<32x5120xi32, #tpu.memory_space<hbm>> -> memref<1x512xi32, #tpu.memory_space<hbm>>
      %dma_start3A_504 = tpu.memref_squeeze %dma_start3A_503 : memref<1x512xi32, #tpu.memory_space<hbm>> -> memref<512xi32, #tpu.memory_space<hbm>>
      %dma_start3A_505 = arith.constant 2560 : i32
      %dma_start3A_506 = tpu.memref_slice %arg3[%add3A, %dma_start3A_505] : memref<32x5120xi32, #tpu.memory_space<hbm>> -> memref<1x512xi32, #tpu.memory_space<hbm>>
      %dma_start3A_507 = tpu.memref_squeeze %dma_start3A_506 : memref<1x512xi32, #tpu.memory_space<hbm>> -> memref<512xi32, #tpu.memory_space<hbm>>
      tpu.enqueue_dma source(%dma_start3A_507 : memref<512xi32, #tpu.memory_space<hbm>>) target(%arg8 : memref<512xi32, #tpu.memory_space<vmem>>) target_semaphore(%run_scoped3A_501 : memref<!tpu.dma_semaphore, #tpu.memory_space<semaphore_mem>>)
      %dma_wait3A_508 = arith.constant 2560 : i32
      %dma_wait3A_509 = tpu.memref_slice %arg3[%add3A, %dma_wait3A_508] : memref<32x5120xi32, #tpu.memory_space<hbm>> -> memref<1x512xi32, #tpu.memory_space<hbm>>
      %dma_wait3A_510 = tpu.memref_squeeze %dma_wait3A_509 : memref<1x512xi32, #tpu.memory_space<hbm>> -> memref<512xi32, #tpu.memory_space<hbm>>
      %dma_wait3A_511 = arith.constant 2560 : i32
      %dma_wait3A_512 = tpu.memref_slice %arg3[%add3A, %dma_wait3A_511] : memref<32x5120xi32, #tpu.memory_space<hbm>> -> memref<1x512xi32, #tpu.memory_space<hbm>>
      %dma_wait3A_513 = tpu.memref_squeeze %dma_wait3A_512 : memref<1x512xi32, #tpu.memory_space<hbm>> -> memref<512xi32, #tpu.memory_space<hbm>>
      tpu.wait_dma2 semaphore(%run_scoped3A_501 : memref<!tpu.dma_semaphore, #tpu.memory_space<semaphore_mem>>) src(%dma_wait3A_513 : memref<512xi32, #tpu.memory_space<hbm>>) dst(%arg8 : memref<512xi32, #tpu.memory_space<vmem>>)
      tpu.yield
    }) : () -> ()
    %run_scoped3A_449 = arith.constant 1 : i32
    "tpu.region"() ({
      %run_scoped3A_501 = tpu.sem_alloc : memref<!tpu.dma_semaphore, #tpu.memory_space<semaphore_mem>>
      %dma_start3A_502 = arith.constant 2560 : i32
      %dma_start3A_503 = tpu.memref_slice %arg4[%run_scoped3A_449, %add3A, %dma_start3A_502] : memref<2x32x5120xi32, #tpu.memory_space<hbm>> -> memref<1x1x512xi32, #tpu.memory_space<hbm>>
      %dma_start3A_504 = tpu.memref_squeeze %dma_start3A_503 : memref<1x1x512xi32, #tpu.memory_space<hbm>> -> memref<512xi32, #tpu.memory_space<hbm>>
      %dma_start3A_505 = arith.constant 2560 : i32
      %dma_start3A_506 = tpu.memref_slice %arg4[%run_scoped3A_449, %add3A, %dma_start3A_505] : memref<2x32x5120xi32, #tpu.memory_space<hbm>> -> memref<1x1x512xi32, #tpu.memory_space<hbm>>
      %dma_start3A_507 = tpu.memref_squeeze %dma_start3A_506 : memref<1x1x512xi32, #tpu.memory_space<hbm>> -> memref<512xi32, #tpu.memory_space<hbm>>
      tpu.enqueue_dma source(%dma_start3A_507 : memref<512xi32, #tpu.memory_space<hbm>>) target(%arg9 : memref<512xi32, #tpu.memory_space<vmem>>) target_semaphore(%run_scoped3A_501 : memref<!tpu.dma_semaphore, #tpu.memory_space<semaphore_mem>>)
      %dma_wait3A_508 = arith.constant 2560 : i32
      %dma_wait3A_509 = tpu.memref_slice %arg4[%run_scoped3A_449, %add3A, %dma_wait3A_508] : memref<2x32x5120xi32, #tpu.memory_space<hbm>> -> memref<1x1x512xi32, #tpu.memory_space<hbm>>
      %dma_wait3A_510 = tpu.memref_squeeze %dma_wait3A_509 : memref<1x1x512xi32, #tpu.memory_space<hbm>> -> memref<512xi32, #tpu.memory_space<hbm>>
      %dma_wait3A_511 = arith.constant 2560 : i32
      %dma_wait3A_512 = tpu.memref_slice %arg4[%run_scoped3A_449, %add3A, %dma_wait3A_511] : memref<2x32x5120xi32, #tpu.memory_space<hbm>> -> memref<1x1x512xi32, #tpu.memory_space<hbm>>
      %dma_wait3A_513 = tpu.memref_squeeze %dma_wait3A_512 : memref<1x1x512xi32, #tpu.memory_space<hbm>> -> memref<512xi32, #tpu.memory_space<hbm>>
      tpu.wait_dma2 semaphore(%run_scoped3A_501 : memref<!tpu.dma_semaphore, #tpu.memory_space<semaphore_mem>>) src(%dma_wait3A_513 : memref<512xi32, #tpu.memory_space<hbm>>) dst(%arg9 : memref<512xi32, #tpu.memory_space<vmem>>)
      tpu.yield
    }) : () -> ()
    %dma_start3A_450 = arith.constant 0 : i32
    %dma_start3A_451 = arith.constant 0 : i32
    %dma_start3A_452 = tpu.memref_slice %arg2[%dma_start3A_450, %dma_start3A_451] : memref<10240x128xf32, #tpu.memory_space<hbm>> -> memref<10240x128xf32, #tpu.memory_space<hbm>>
    tpu.enqueue_indirect_dma source(%dma_start3A_452 : memref<10240x128xf32, #tpu.memory_space<hbm>>) target(%arg10 : memref<512x128xf32, #tpu.memory_space<vmem>>) offsets(%arg8 : memref<512xi32, #tpu.memory_space<vmem>>) semaphore(%arg14 : memref<!tpu.dma_semaphore, #tpu.memory_space<semaphore_mem>>)
    %dma_wait3A_453 = arith.constant 0 : i32
    %dma_wait3A_454 = arith.constant 0 : i32
    %dma_wait3A_455 = tpu.memref_slice %arg2[%dma_wait3A_453, %dma_wait3A_454] : memref<10240x128xf32, #tpu.memory_space<hbm>> -> memref<10240x128xf32, #tpu.memory_space<hbm>>
    tpu.wait_indirect_dma semaphore(%arg14 : memref<!tpu.dma_semaphore, #tpu.memory_space<semaphore_mem>>) src(%dma_wait3A_455 : memref<10240x128xf32, #tpu.memory_space<hbm>>) dst(%arg10 : memref<512x128xf32, #tpu.memory_space<vmem>>)
    "tpu.region"() ({
      %run_scoped3A_501 = tpu.sem_alloc : memref<!tpu.dma_semaphore, #tpu.memory_space<semaphore_mem>>
      %dma_start3A_502 = arith.constant 0 : i32
      %dma_start3A_503 = arith.constant 0 : i32
      %dma_start3A_504 = tpu.memref_slice %arg15[%dma_start3A_502, %dma_start3A_503] : memref<5376x128xf32, #tpu.memory_space<vmem_shared>> -> memref<5376x128xf32, #tpu.memory_space<vmem_shared>>
      tpu.enqueue_indirect_dma source(%arg10 : memref<512x128xf32, #tpu.memory_space<vmem>>) target(%dma_start3A_504 : memref<5376x128xf32, #tpu.memory_space<vmem_shared>>) offsets(%arg9 : memref<512xi32, #tpu.memory_space<vmem>>) semaphore(%run_scoped3A_501 : memref<!tpu.dma_semaphore, #tpu.memory_space<semaphore_mem>>) {add = true}
      %dma_wait3A_505 = arith.constant 0 : i32
      %dma_wait3A_506 = arith.constant 0 : i32
      %dma_wait3A_507 = tpu.memref_slice %arg15[%dma_wait3A_505, %dma_wait3A_506] : memref<5376x128xf32, #tpu.memory_space<vmem_shared>> -> memref<5376x128xf32, #tpu.memory_space<vmem_shared>>
      tpu.wait_indirect_dma semaphore(%run_scoped3A_501 : memref<!tpu.dma_semaphore, #tpu.memory_space<semaphore_mem>>) src(%arg10 : memref<512x128xf32, #tpu.memory_space<vmem>>) dst(%dma_wait3A_507 : memref<5376x128xf32, #tpu.memory_space<vmem_shared>>)
      tpu.yield
    }) : () -> ()
    "tpu.region"() ({
      %run_scoped3A_501 = tpu.sem_alloc : memref<!tpu.dma_semaphore, #tpu.memory_space<semaphore_mem>>
      %dma_start3A_502 = arith.constant 0 : i32
      %dma_start3A_503 = tpu.memref_slice %arg16[%dma_start3A_502] : memref<5376xf32, #tpu.memory_space<vmem_shared>> -> memref<5376xf32, #tpu.memory_space<vmem_shared>>
      tpu.enqueue_indirect_dma source(%arg11 : memref<512xf32, #tpu.memory_space<vmem>>) target(%dma_start3A_503 : memref<5376xf32, #tpu.memory_space<vmem_shared>>) offsets(%arg9 : memref<512xi32, #tpu.memory_space<vmem>>) semaphore(%run_scoped3A_501 : memref<!tpu.dma_semaphore, #tpu.memory_space<semaphore_mem>>) {add = true}
      %dma_wait3A_504 = arith.constant 0 : i32
      %dma_wait3A_505 = tpu.memref_slice %arg16[%dma_wait3A_504] : memref<5376xf32, #tpu.memory_space<vmem_shared>> -> memref<5376xf32, #tpu.memory_space<vmem_shared>>
      tpu.wait_indirect_dma semaphore(%run_scoped3A_501 : memref<!tpu.dma_semaphore, #tpu.memory_space<semaphore_mem>>) src(%arg11 : memref<512xf32, #tpu.memory_space<vmem>>) dst(%dma_wait3A_505 : memref<5376xf32, #tpu.memory_space<vmem_shared>>)
      tpu.yield
    }) : () -> ()
    "tpu.region"() ({
      %run_scoped3A_501 = tpu.sem_alloc : memref<!tpu.dma_semaphore, #tpu.memory_space<semaphore_mem>>
      %dma_start3A_502 = arith.constant 3072 : i32
      %dma_start3A_503 = tpu.memref_slice %arg3[%add3A, %dma_start3A_502] : memref<32x5120xi32, #tpu.memory_space<hbm>> -> memref<1x512xi32, #tpu.memory_space<hbm>>
      %dma_start3A_504 = tpu.memref_squeeze %dma_start3A_503 : memref<1x512xi32, #tpu.memory_space<hbm>> -> memref<512xi32, #tpu.memory_space<hbm>>
      %dma_start3A_505 = arith.constant 3072 : i32
      %dma_start3A_506 = tpu.memref_slice %arg3[%add3A, %dma_start3A_505] : memref<32x5120xi32, #tpu.memory_space<hbm>> -> memref<1x512xi32, #tpu.memory_space<hbm>>
      %dma_start3A_507 = tpu.memref_squeeze %dma_start3A_506 : memref<1x512xi32, #tpu.memory_space<hbm>> -> memref<512xi32, #tpu.memory_space<hbm>>
      tpu.enqueue_dma source(%dma_start3A_507 : memref<512xi32, #tpu.memory_space<hbm>>) target(%arg8 : memref<512xi32, #tpu.memory_space<vmem>>) target_semaphore(%run_scoped3A_501 : memref<!tpu.dma_semaphore, #tpu.memory_space<semaphore_mem>>)
      %dma_wait3A_508 = arith.constant 3072 : i32
      %dma_wait3A_509 = tpu.memref_slice %arg3[%add3A, %dma_wait3A_508] : memref<32x5120xi32, #tpu.memory_space<hbm>> -> memref<1x512xi32, #tpu.memory_space<hbm>>
      %dma_wait3A_510 = tpu.memref_squeeze %dma_wait3A_509 : memref<1x512xi32, #tpu.memory_space<hbm>> -> memref<512xi32, #tpu.memory_space<hbm>>
      %dma_wait3A_511 = arith.constant 3072 : i32
      %dma_wait3A_512 = tpu.memref_slice %arg3[%add3A, %dma_wait3A_511] : memref<32x5120xi32, #tpu.memory_space<hbm>> -> memref<1x512xi32, #tpu.memory_space<hbm>>
      %dma_wait3A_513 = tpu.memref_squeeze %dma_wait3A_512 : memref<1x512xi32, #tpu.memory_space<hbm>> -> memref<512xi32, #tpu.memory_space<hbm>>
      tpu.wait_dma2 semaphore(%run_scoped3A_501 : memref<!tpu.dma_semaphore, #tpu.memory_space<semaphore_mem>>) src(%dma_wait3A_513 : memref<512xi32, #tpu.memory_space<hbm>>) dst(%arg8 : memref<512xi32, #tpu.memory_space<vmem>>)
      tpu.yield
    }) : () -> ()
    %run_scoped3A_456 = arith.constant 1 : i32
    "tpu.region"() ({
      %run_scoped3A_501 = tpu.sem_alloc : memref<!tpu.dma_semaphore, #tpu.memory_space<semaphore_mem>>
      %dma_start3A_502 = arith.constant 3072 : i32
      %dma_start3A_503 = tpu.memref_slice %arg4[%run_scoped3A_456, %add3A, %dma_start3A_502] : memref<2x32x5120xi32, #tpu.memory_space<hbm>> -> memref<1x1x512xi32, #tpu.memory_space<hbm>>
      %dma_start3A_504 = tpu.memref_squeeze %dma_start3A_503 : memref<1x1x512xi32, #tpu.memory_space<hbm>> -> memref<512xi32, #tpu.memory_space<hbm>>
      %dma_start3A_505 = arith.constant 3072 : i32
      %dma_start3A_506 = tpu.memref_slice %arg4[%run_scoped3A_456, %add3A, %dma_start3A_505] : memref<2x32x5120xi32, #tpu.memory_space<hbm>> -> memref<1x1x512xi32, #tpu.memory_space<hbm>>
      %dma_start3A_507 = tpu.memref_squeeze %dma_start3A_506 : memref<1x1x512xi32, #tpu.memory_space<hbm>> -> memref<512xi32, #tpu.memory_space<hbm>>
      tpu.enqueue_dma source(%dma_start3A_507 : memref<512xi32, #tpu.memory_space<hbm>>) target(%arg9 : memref<512xi32, #tpu.memory_space<vmem>>) target_semaphore(%run_scoped3A_501 : memref<!tpu.dma_semaphore, #tpu.memory_space<semaphore_mem>>)
      %dma_wait3A_508 = arith.constant 3072 : i32
      %dma_wait3A_509 = tpu.memref_slice %arg4[%run_scoped3A_456, %add3A, %dma_wait3A_508] : memref<2x32x5120xi32, #tpu.memory_space<hbm>> -> memref<1x1x512xi32, #tpu.memory_space<hbm>>
      %dma_wait3A_510 = tpu.memref_squeeze %dma_wait3A_509 : memref<1x1x512xi32, #tpu.memory_space<hbm>> -> memref<512xi32, #tpu.memory_space<hbm>>
      %dma_wait3A_511 = arith.constant 3072 : i32
      %dma_wait3A_512 = tpu.memref_slice %arg4[%run_scoped3A_456, %add3A, %dma_wait3A_511] : memref<2x32x5120xi32, #tpu.memory_space<hbm>> -> memref<1x1x512xi32, #tpu.memory_space<hbm>>
      %dma_wait3A_513 = tpu.memref_squeeze %dma_wait3A_512 : memref<1x1x512xi32, #tpu.memory_space<hbm>> -> memref<512xi32, #tpu.memory_space<hbm>>
      tpu.wait_dma2 semaphore(%run_scoped3A_501 : memref<!tpu.dma_semaphore, #tpu.memory_space<semaphore_mem>>) src(%dma_wait3A_513 : memref<512xi32, #tpu.memory_space<hbm>>) dst(%arg9 : memref<512xi32, #tpu.memory_space<vmem>>)
      tpu.yield
    }) : () -> ()
    %dma_start3A_457 = arith.constant 0 : i32
    %dma_start3A_458 = arith.constant 0 : i32
    %dma_start3A_459 = tpu.memref_slice %arg2[%dma_start3A_457, %dma_start3A_458] : memref<10240x128xf32, #tpu.memory_space<hbm>> -> memref<10240x128xf32, #tpu.memory_space<hbm>>
    tpu.enqueue_indirect_dma source(%dma_start3A_459 : memref<10240x128xf32, #tpu.memory_space<hbm>>) target(%arg10 : memref<512x128xf32, #tpu.memory_space<vmem>>) offsets(%arg8 : memref<512xi32, #tpu.memory_space<vmem>>) semaphore(%arg14 : memref<!tpu.dma_semaphore, #tpu.memory_space<semaphore_mem>>)
    %dma_wait3A_460 = arith.constant 0 : i32
    %dma_wait3A_461 = arith.constant 0 : i32
    %dma_wait3A_462 = tpu.memref_slice %arg2[%dma_wait3A_460, %dma_wait3A_461] : memref<10240x128xf32, #tpu.memory_space<hbm>> -> memref<10240x128xf32, #tpu.memory_space<hbm>>
    tpu.wait_indirect_dma semaphore(%arg14 : memref<!tpu.dma_semaphore, #tpu.memory_space<semaphore_mem>>) src(%dma_wait3A_462 : memref<10240x128xf32, #tpu.memory_space<hbm>>) dst(%arg10 : memref<512x128xf32, #tpu.memory_space<vmem>>)
    "tpu.region"() ({
      %run_scoped3A_501 = tpu.sem_alloc : memref<!tpu.dma_semaphore, #tpu.memory_space<semaphore_mem>>
      %dma_start3A_502 = arith.constant 0 : i32
      %dma_start3A_503 = arith.constant 0 : i32
      %dma_start3A_504 = tpu.memref_slice %arg15[%dma_start3A_502, %dma_start3A_503] : memref<5376x128xf32, #tpu.memory_space<vmem_shared>> -> memref<5376x128xf32, #tpu.memory_space<vmem_shared>>
      tpu.enqueue_indirect_dma source(%arg10 : memref<512x128xf32, #tpu.memory_space<vmem>>) target(%dma_start3A_504 : memref<5376x128xf32, #tpu.memory_space<vmem_shared>>) offsets(%arg9 : memref<512xi32, #tpu.memory_space<vmem>>) semaphore(%run_scoped3A_501 : memref<!tpu.dma_semaphore, #tpu.memory_space<semaphore_mem>>) {add = true}
      %dma_wait3A_505 = arith.constant 0 : i32
      %dma_wait3A_506 = arith.constant 0 : i32
      %dma_wait3A_507 = tpu.memref_slice %arg15[%dma_wait3A_505, %dma_wait3A_506] : memref<5376x128xf32, #tpu.memory_space<vmem_shared>> -> memref<5376x128xf32, #tpu.memory_space<vmem_shared>>
      tpu.wait_indirect_dma semaphore(%run_scoped3A_501 : memref<!tpu.dma_semaphore, #tpu.memory_space<semaphore_mem>>) src(%arg10 : memref<512x128xf32, #tpu.memory_space<vmem>>) dst(%dma_wait3A_507 : memref<5376x128xf32, #tpu.memory_space<vmem_shared>>)
      tpu.yield
    }) : () -> ()
    "tpu.region"() ({
      %run_scoped3A_501 = tpu.sem_alloc : memref<!tpu.dma_semaphore, #tpu.memory_space<semaphore_mem>>
      %dma_start3A_502 = arith.constant 0 : i32
      %dma_start3A_503 = tpu.memref_slice %arg16[%dma_start3A_502] : memref<5376xf32, #tpu.memory_space<vmem_shared>> -> memref<5376xf32, #tpu.memory_space<vmem_shared>>
      tpu.enqueue_indirect_dma source(%arg11 : memref<512xf32, #tpu.memory_space<vmem>>) target(%dma_start3A_503 : memref<5376xf32, #tpu.memory_space<vmem_shared>>) offsets(%arg9 : memref<512xi32, #tpu.memory_space<vmem>>) semaphore(%run_scoped3A_501 : memref<!tpu.dma_semaphore, #tpu.memory_space<semaphore_mem>>) {add = true}
      %dma_wait3A_504 = arith.constant 0 : i32
      %dma_wait3A_505 = tpu.memref_slice %arg16[%dma_wait3A_504] : memref<5376xf32, #tpu.memory_space<vmem_shared>> -> memref<5376xf32, #tpu.memory_space<vmem_shared>>
      tpu.wait_indirect_dma semaphore(%run_scoped3A_501 : memref<!tpu.dma_semaphore, #tpu.memory_space<semaphore_mem>>) src(%arg11 : memref<512xf32, #tpu.memory_space<vmem>>) dst(%dma_wait3A_505 : memref<5376xf32, #tpu.memory_space<vmem_shared>>)
      tpu.yield
    }) : () -> ()
    "tpu.region"() ({
      %run_scoped3A_501 = tpu.sem_alloc : memref<!tpu.dma_semaphore, #tpu.memory_space<semaphore_mem>>
      %dma_start3A_502 = arith.constant 3584 : i32
      %dma_start3A_503 = tpu.memref_slice %arg3[%add3A, %dma_start3A_502] : memref<32x5120xi32, #tpu.memory_space<hbm>> -> memref<1x512xi32, #tpu.memory_space<hbm>>
      %dma_start3A_504 = tpu.memref_squeeze %dma_start3A_503 : memref<1x512xi32, #tpu.memory_space<hbm>> -> memref<512xi32, #tpu.memory_space<hbm>>
      %dma_start3A_505 = arith.constant 3584 : i32
      %dma_start3A_506 = tpu.memref_slice %arg3[%add3A, %dma_start3A_505] : memref<32x5120xi32, #tpu.memory_space<hbm>> -> memref<1x512xi32, #tpu.memory_space<hbm>>
      %dma_start3A_507 = tpu.memref_squeeze %dma_start3A_506 : memref<1x512xi32, #tpu.memory_space<hbm>> -> memref<512xi32, #tpu.memory_space<hbm>>
      tpu.enqueue_dma source(%dma_start3A_507 : memref<512xi32, #tpu.memory_space<hbm>>) target(%arg8 : memref<512xi32, #tpu.memory_space<vmem>>) target_semaphore(%run_scoped3A_501 : memref<!tpu.dma_semaphore, #tpu.memory_space<semaphore_mem>>)
      %dma_wait3A_508 = arith.constant 3584 : i32
      %dma_wait3A_509 = tpu.memref_slice %arg3[%add3A, %dma_wait3A_508] : memref<32x5120xi32, #tpu.memory_space<hbm>> -> memref<1x512xi32, #tpu.memory_space<hbm>>
      %dma_wait3A_510 = tpu.memref_squeeze %dma_wait3A_509 : memref<1x512xi32, #tpu.memory_space<hbm>> -> memref<512xi32, #tpu.memory_space<hbm>>
      %dma_wait3A_511 = arith.constant 3584 : i32
      %dma_wait3A_512 = tpu.memref_slice %arg3[%add3A, %dma_wait3A_511] : memref<32x5120xi32, #tpu.memory_space<hbm>> -> memref<1x512xi32, #tpu.memory_space<hbm>>
      %dma_wait3A_513 = tpu.memref_squeeze %dma_wait3A_512 : memref<1x512xi32, #tpu.memory_space<hbm>> -> memref<512xi32, #tpu.memory_space<hbm>>
      tpu.wait_dma2 semaphore(%run_scoped3A_501 : memref<!tpu.dma_semaphore, #tpu.memory_space<semaphore_mem>>) src(%dma_wait3A_513 : memref<512xi32, #tpu.memory_space<hbm>>) dst(%arg8 : memref<512xi32, #tpu.memory_space<vmem>>)
      tpu.yield
    }) : () -> ()
    %run_scoped3A_463 = arith.constant 1 : i32
    "tpu.region"() ({
      %run_scoped3A_501 = tpu.sem_alloc : memref<!tpu.dma_semaphore, #tpu.memory_space<semaphore_mem>>
      %dma_start3A_502 = arith.constant 3584 : i32
      %dma_start3A_503 = tpu.memref_slice %arg4[%run_scoped3A_463, %add3A, %dma_start3A_502] : memref<2x32x5120xi32, #tpu.memory_space<hbm>> -> memref<1x1x512xi32, #tpu.memory_space<hbm>>
      %dma_start3A_504 = tpu.memref_squeeze %dma_start3A_503 : memref<1x1x512xi32, #tpu.memory_space<hbm>> -> memref<512xi32, #tpu.memory_space<hbm>>
      %dma_start3A_505 = arith.constant 3584 : i32
      %dma_start3A_506 = tpu.memref_slice %arg4[%run_scoped3A_463, %add3A, %dma_start3A_505] : memref<2x32x5120xi32, #tpu.memory_space<hbm>> -> memref<1x1x512xi32, #tpu.memory_space<hbm>>
      %dma_start3A_507 = tpu.memref_squeeze %dma_start3A_506 : memref<1x1x512xi32, #tpu.memory_space<hbm>> -> memref<512xi32, #tpu.memory_space<hbm>>
      tpu.enqueue_dma source(%dma_start3A_507 : memref<512xi32, #tpu.memory_space<hbm>>) target(%arg9 : memref<512xi32, #tpu.memory_space<vmem>>) target_semaphore(%run_scoped3A_501 : memref<!tpu.dma_semaphore, #tpu.memory_space<semaphore_mem>>)
      %dma_wait3A_508 = arith.constant 3584 : i32
      %dma_wait3A_509 = tpu.memref_slice %arg4[%run_scoped3A_463, %add3A, %dma_wait3A_508] : memref<2x32x5120xi32, #tpu.memory_space<hbm>> -> memref<1x1x512xi32, #tpu.memory_space<hbm>>
      %dma_wait3A_510 = tpu.memref_squeeze %dma_wait3A_509 : memref<1x1x512xi32, #tpu.memory_space<hbm>> -> memref<512xi32, #tpu.memory_space<hbm>>
      %dma_wait3A_511 = arith.constant 3584 : i32
      %dma_wait3A_512 = tpu.memref_slice %arg4[%run_scoped3A_463, %add3A, %dma_wait3A_511] : memref<2x32x5120xi32, #tpu.memory_space<hbm>> -> memref<1x1x512xi32, #tpu.memory_space<hbm>>
      %dma_wait3A_513 = tpu.memref_squeeze %dma_wait3A_512 : memref<1x1x512xi32, #tpu.memory_space<hbm>> -> memref<512xi32, #tpu.memory_space<hbm>>
      tpu.wait_dma2 semaphore(%run_scoped3A_501 : memref<!tpu.dma_semaphore, #tpu.memory_space<semaphore_mem>>) src(%dma_wait3A_513 : memref<512xi32, #tpu.memory_space<hbm>>) dst(%arg9 : memref<512xi32, #tpu.memory_space<vmem>>)
      tpu.yield
    }) : () -> ()
    %dma_start3A_464 = arith.constant 0 : i32
    %dma_start3A_465 = arith.constant 0 : i32
    %dma_start3A_466 = tpu.memref_slice %arg2[%dma_start3A_464, %dma_start3A_465] : memref<10240x128xf32, #tpu.memory_space<hbm>> -> memref<10240x128xf32, #tpu.memory_space<hbm>>
    tpu.enqueue_indirect_dma source(%dma_start3A_466 : memref<10240x128xf32, #tpu.memory_space<hbm>>) target(%arg10 : memref<512x128xf32, #tpu.memory_space<vmem>>) offsets(%arg8 : memref<512xi32, #tpu.memory_space<vmem>>) semaphore(%arg14 : memref<!tpu.dma_semaphore, #tpu.memory_space<semaphore_mem>>)
    %dma_wait3A_467 = arith.constant 0 : i32
    %dma_wait3A_468 = arith.constant 0 : i32
    %dma_wait3A_469 = tpu.memref_slice %arg2[%dma_wait3A_467, %dma_wait3A_468] : memref<10240x128xf32, #tpu.memory_space<hbm>> -> memref<10240x128xf32, #tpu.memory_space<hbm>>
    tpu.wait_indirect_dma semaphore(%arg14 : memref<!tpu.dma_semaphore, #tpu.memory_space<semaphore_mem>>) src(%dma_wait3A_469 : memref<10240x128xf32, #tpu.memory_space<hbm>>) dst(%arg10 : memref<512x128xf32, #tpu.memory_space<vmem>>)
    "tpu.region"() ({
      %run_scoped3A_501 = tpu.sem_alloc : memref<!tpu.dma_semaphore, #tpu.memory_space<semaphore_mem>>
      %dma_start3A_502 = arith.constant 0 : i32
      %dma_start3A_503 = arith.constant 0 : i32
      %dma_start3A_504 = tpu.memref_slice %arg15[%dma_start3A_502, %dma_start3A_503] : memref<5376x128xf32, #tpu.memory_space<vmem_shared>> -> memref<5376x128xf32, #tpu.memory_space<vmem_shared>>
      tpu.enqueue_indirect_dma source(%arg10 : memref<512x128xf32, #tpu.memory_space<vmem>>) target(%dma_start3A_504 : memref<5376x128xf32, #tpu.memory_space<vmem_shared>>) offsets(%arg9 : memref<512xi32, #tpu.memory_space<vmem>>) semaphore(%run_scoped3A_501 : memref<!tpu.dma_semaphore, #tpu.memory_space<semaphore_mem>>) {add = true}
      %dma_wait3A_505 = arith.constant 0 : i32
      %dma_wait3A_506 = arith.constant 0 : i32
      %dma_wait3A_507 = tpu.memref_slice %arg15[%dma_wait3A_505, %dma_wait3A_506] : memref<5376x128xf32, #tpu.memory_space<vmem_shared>> -> memref<5376x128xf32, #tpu.memory_space<vmem_shared>>
      tpu.wait_indirect_dma semaphore(%run_scoped3A_501 : memref<!tpu.dma_semaphore, #tpu.memory_space<semaphore_mem>>) src(%arg10 : memref<512x128xf32, #tpu.memory_space<vmem>>) dst(%dma_wait3A_507 : memref<5376x128xf32, #tpu.memory_space<vmem_shared>>)
      tpu.yield
    }) : () -> ()
    "tpu.region"() ({
      %run_scoped3A_501 = tpu.sem_alloc : memref<!tpu.dma_semaphore, #tpu.memory_space<semaphore_mem>>
      %dma_start3A_502 = arith.constant 0 : i32
      %dma_start3A_503 = tpu.memref_slice %arg16[%dma_start3A_502] : memref<5376xf32, #tpu.memory_space<vmem_shared>> -> memref<5376xf32, #tpu.memory_space<vmem_shared>>
      tpu.enqueue_indirect_dma source(%arg11 : memref<512xf32, #tpu.memory_space<vmem>>) target(%dma_start3A_503 : memref<5376xf32, #tpu.memory_space<vmem_shared>>) offsets(%arg9 : memref<512xi32, #tpu.memory_space<vmem>>) semaphore(%run_scoped3A_501 : memref<!tpu.dma_semaphore, #tpu.memory_space<semaphore_mem>>) {add = true}
      %dma_wait3A_504 = arith.constant 0 : i32
      %dma_wait3A_505 = tpu.memref_slice %arg16[%dma_wait3A_504] : memref<5376xf32, #tpu.memory_space<vmem_shared>> -> memref<5376xf32, #tpu.memory_space<vmem_shared>>
      tpu.wait_indirect_dma semaphore(%run_scoped3A_501 : memref<!tpu.dma_semaphore, #tpu.memory_space<semaphore_mem>>) src(%arg11 : memref<512xf32, #tpu.memory_space<vmem>>) dst(%dma_wait3A_505 : memref<5376xf32, #tpu.memory_space<vmem_shared>>)
      tpu.yield
    }) : () -> ()
    "tpu.region"() ({
      %run_scoped3A_501 = tpu.sem_alloc : memref<!tpu.dma_semaphore, #tpu.memory_space<semaphore_mem>>
      %dma_start3A_502 = arith.constant 4096 : i32
      %dma_start3A_503 = tpu.memref_slice %arg3[%add3A, %dma_start3A_502] : memref<32x5120xi32, #tpu.memory_space<hbm>> -> memref<1x512xi32, #tpu.memory_space<hbm>>
      %dma_start3A_504 = tpu.memref_squeeze %dma_start3A_503 : memref<1x512xi32, #tpu.memory_space<hbm>> -> memref<512xi32, #tpu.memory_space<hbm>>
      %dma_start3A_505 = arith.constant 4096 : i32
      %dma_start3A_506 = tpu.memref_slice %arg3[%add3A, %dma_start3A_505] : memref<32x5120xi32, #tpu.memory_space<hbm>> -> memref<1x512xi32, #tpu.memory_space<hbm>>
      %dma_start3A_507 = tpu.memref_squeeze %dma_start3A_506 : memref<1x512xi32, #tpu.memory_space<hbm>> -> memref<512xi32, #tpu.memory_space<hbm>>
      tpu.enqueue_dma source(%dma_start3A_507 : memref<512xi32, #tpu.memory_space<hbm>>) target(%arg8 : memref<512xi32, #tpu.memory_space<vmem>>) target_semaphore(%run_scoped3A_501 : memref<!tpu.dma_semaphore, #tpu.memory_space<semaphore_mem>>)
      %dma_wait3A_508 = arith.constant 4096 : i32
      %dma_wait3A_509 = tpu.memref_slice %arg3[%add3A, %dma_wait3A_508] : memref<32x5120xi32, #tpu.memory_space<hbm>> -> memref<1x512xi32, #tpu.memory_space<hbm>>
      %dma_wait3A_510 = tpu.memref_squeeze %dma_wait3A_509 : memref<1x512xi32, #tpu.memory_space<hbm>> -> memref<512xi32, #tpu.memory_space<hbm>>
      %dma_wait3A_511 = arith.constant 4096 : i32
      %dma_wait3A_512 = tpu.memref_slice %arg3[%add3A, %dma_wait3A_511] : memref<32x5120xi32, #tpu.memory_space<hbm>> -> memref<1x512xi32, #tpu.memory_space<hbm>>
      %dma_wait3A_513 = tpu.memref_squeeze %dma_wait3A_512 : memref<1x512xi32, #tpu.memory_space<hbm>> -> memref<512xi32, #tpu.memory_space<hbm>>
      tpu.wait_dma2 semaphore(%run_scoped3A_501 : memref<!tpu.dma_semaphore, #tpu.memory_space<semaphore_mem>>) src(%dma_wait3A_513 : memref<512xi32, #tpu.memory_space<hbm>>) dst(%arg8 : memref<512xi32, #tpu.memory_space<vmem>>)
      tpu.yield
    }) : () -> ()
    %run_scoped3A_470 = arith.constant 1 : i32
    "tpu.region"() ({
      %run_scoped3A_501 = tpu.sem_alloc : memref<!tpu.dma_semaphore, #tpu.memory_space<semaphore_mem>>
      %dma_start3A_502 = arith.constant 4096 : i32
      %dma_start3A_503 = tpu.memref_slice %arg4[%run_scoped3A_470, %add3A, %dma_start3A_502] : memref<2x32x5120xi32, #tpu.memory_space<hbm>> -> memref<1x1x512xi32, #tpu.memory_space<hbm>>
      %dma_start3A_504 = tpu.memref_squeeze %dma_start3A_503 : memref<1x1x512xi32, #tpu.memory_space<hbm>> -> memref<512xi32, #tpu.memory_space<hbm>>
      %dma_start3A_505 = arith.constant 4096 : i32
      %dma_start3A_506 = tpu.memref_slice %arg4[%run_scoped3A_470, %add3A, %dma_start3A_505] : memref<2x32x5120xi32, #tpu.memory_space<hbm>> -> memref<1x1x512xi32, #tpu.memory_space<hbm>>
      %dma_start3A_507 = tpu.memref_squeeze %dma_start3A_506 : memref<1x1x512xi32, #tpu.memory_space<hbm>> -> memref<512xi32, #tpu.memory_space<hbm>>
      tpu.enqueue_dma source(%dma_start3A_507 : memref<512xi32, #tpu.memory_space<hbm>>) target(%arg9 : memref<512xi32, #tpu.memory_space<vmem>>) target_semaphore(%run_scoped3A_501 : memref<!tpu.dma_semaphore, #tpu.memory_space<semaphore_mem>>)
      %dma_wait3A_508 = arith.constant 4096 : i32
      %dma_wait3A_509 = tpu.memref_slice %arg4[%run_scoped3A_470, %add3A, %dma_wait3A_508] : memref<2x32x5120xi32, #tpu.memory_space<hbm>> -> memref<1x1x512xi32, #tpu.memory_space<hbm>>
      %dma_wait3A_510 = tpu.memref_squeeze %dma_wait3A_509 : memref<1x1x512xi32, #tpu.memory_space<hbm>> -> memref<512xi32, #tpu.memory_space<hbm>>
      %dma_wait3A_511 = arith.constant 4096 : i32
      %dma_wait3A_512 = tpu.memref_slice %arg4[%run_scoped3A_470, %add3A, %dma_wait3A_511] : memref<2x32x5120xi32, #tpu.memory_space<hbm>> -> memref<1x1x512xi32, #tpu.memory_space<hbm>>
      %dma_wait3A_513 = tpu.memref_squeeze %dma_wait3A_512 : memref<1x1x512xi32, #tpu.memory_space<hbm>> -> memref<512xi32, #tpu.memory_space<hbm>>
      tpu.wait_dma2 semaphore(%run_scoped3A_501 : memref<!tpu.dma_semaphore, #tpu.memory_space<semaphore_mem>>) src(%dma_wait3A_513 : memref<512xi32, #tpu.memory_space<hbm>>) dst(%arg9 : memref<512xi32, #tpu.memory_space<vmem>>)
      tpu.yield
    }) : () -> ()
    %dma_start3A_471 = arith.constant 0 : i32
    %dma_start3A_472 = arith.constant 0 : i32
    %dma_start3A_473 = tpu.memref_slice %arg2[%dma_start3A_471, %dma_start3A_472] : memref<10240x128xf32, #tpu.memory_space<hbm>> -> memref<10240x128xf32, #tpu.memory_space<hbm>>
    tpu.enqueue_indirect_dma source(%dma_start3A_473 : memref<10240x128xf32, #tpu.memory_space<hbm>>) target(%arg10 : memref<512x128xf32, #tpu.memory_space<vmem>>) offsets(%arg8 : memref<512xi32, #tpu.memory_space<vmem>>) semaphore(%arg14 : memref<!tpu.dma_semaphore, #tpu.memory_space<semaphore_mem>>)
    %dma_wait3A_474 = arith.constant 0 : i32
    %dma_wait3A_475 = arith.constant 0 : i32
    %dma_wait3A_476 = tpu.memref_slice %arg2[%dma_wait3A_474, %dma_wait3A_475] : memref<10240x128xf32, #tpu.memory_space<hbm>> -> memref<10240x128xf32, #tpu.memory_space<hbm>>
    tpu.wait_indirect_dma semaphore(%arg14 : memref<!tpu.dma_semaphore, #tpu.memory_space<semaphore_mem>>) src(%dma_wait3A_476 : memref<10240x128xf32, #tpu.memory_space<hbm>>) dst(%arg10 : memref<512x128xf32, #tpu.memory_space<vmem>>)
    "tpu.region"() ({
      %run_scoped3A_501 = tpu.sem_alloc : memref<!tpu.dma_semaphore, #tpu.memory_space<semaphore_mem>>
      %dma_start3A_502 = arith.constant 0 : i32
      %dma_start3A_503 = arith.constant 0 : i32
      %dma_start3A_504 = tpu.memref_slice %arg15[%dma_start3A_502, %dma_start3A_503] : memref<5376x128xf32, #tpu.memory_space<vmem_shared>> -> memref<5376x128xf32, #tpu.memory_space<vmem_shared>>
      tpu.enqueue_indirect_dma source(%arg10 : memref<512x128xf32, #tpu.memory_space<vmem>>) target(%dma_start3A_504 : memref<5376x128xf32, #tpu.memory_space<vmem_shared>>) offsets(%arg9 : memref<512xi32, #tpu.memory_space<vmem>>) semaphore(%run_scoped3A_501 : memref<!tpu.dma_semaphore, #tpu.memory_space<semaphore_mem>>) {add = true}
      %dma_wait3A_505 = arith.constant 0 : i32
      %dma_wait3A_506 = arith.constant 0 : i32
      %dma_wait3A_507 = tpu.memref_slice %arg15[%dma_wait3A_505, %dma_wait3A_506] : memref<5376x128xf32, #tpu.memory_space<vmem_shared>> -> memref<5376x128xf32, #tpu.memory_space<vmem_shared>>
      tpu.wait_indirect_dma semaphore(%run_scoped3A_501 : memref<!tpu.dma_semaphore, #tpu.memory_space<semaphore_mem>>) src(%arg10 : memref<512x128xf32, #tpu.memory_space<vmem>>) dst(%dma_wait3A_507 : memref<5376x128xf32, #tpu.memory_space<vmem_shared>>)
      tpu.yield
    }) : () -> ()
    "tpu.region"() ({
      %run_scoped3A_501 = tpu.sem_alloc : memref<!tpu.dma_semaphore, #tpu.memory_space<semaphore_mem>>
      %dma_start3A_502 = arith.constant 0 : i32
      %dma_start3A_503 = tpu.memref_slice %arg16[%dma_start3A_502] : memref<5376xf32, #tpu.memory_space<vmem_shared>> -> memref<5376xf32, #tpu.memory_space<vmem_shared>>
      tpu.enqueue_indirect_dma source(%arg11 : memref<512xf32, #tpu.memory_space<vmem>>) target(%dma_start3A_503 : memref<5376xf32, #tpu.memory_space<vmem_shared>>) offsets(%arg9 : memref<512xi32, #tpu.memory_space<vmem>>) semaphore(%run_scoped3A_501 : memref<!tpu.dma_semaphore, #tpu.memory_space<semaphore_mem>>) {add = true}
      %dma_wait3A_504 = arith.constant 0 : i32
      %dma_wait3A_505 = tpu.memref_slice %arg16[%dma_wait3A_504] : memref<5376xf32, #tpu.memory_space<vmem_shared>> -> memref<5376xf32, #tpu.memory_space<vmem_shared>>
      tpu.wait_indirect_dma semaphore(%run_scoped3A_501 : memref<!tpu.dma_semaphore, #tpu.memory_space<semaphore_mem>>) src(%arg11 : memref<512xf32, #tpu.memory_space<vmem>>) dst(%dma_wait3A_505 : memref<5376xf32, #tpu.memory_space<vmem_shared>>)
      tpu.yield
    }) : () -> ()
    "tpu.region"() ({
      %run_scoped3A_501 = tpu.sem_alloc : memref<!tpu.dma_semaphore, #tpu.memory_space<semaphore_mem>>
      %dma_start3A_502 = arith.constant 4608 : i32
      %dma_start3A_503 = tpu.memref_slice %arg3[%add3A, %dma_start3A_502] : memref<32x5120xi32, #tpu.memory_space<hbm>> -> memref<1x512xi32, #tpu.memory_space<hbm>>
      %dma_start3A_504 = tpu.memref_squeeze %dma_start3A_503 : memref<1x512xi32, #tpu.memory_space<hbm>> -> memref<512xi32, #tpu.memory_space<hbm>>
      %dma_start3A_505 = arith.constant 4608 : i32
      %dma_start3A_506 = tpu.memref_slice %arg3[%add3A, %dma_start3A_505] : memref<32x5120xi32, #tpu.memory_space<hbm>> -> memref<1x512xi32, #tpu.memory_space<hbm>>
      %dma_start3A_507 = tpu.memref_squeeze %dma_start3A_506 : memref<1x512xi32, #tpu.memory_space<hbm>> -> memref<512xi32, #tpu.memory_space<hbm>>
      tpu.enqueue_dma source(%dma_start3A_507 : memref<512xi32, #tpu.memory_space<hbm>>) target(%arg8 : memref<512xi32, #tpu.memory_space<vmem>>) target_semaphore(%run_scoped3A_501 : memref<!tpu.dma_semaphore, #tpu.memory_space<semaphore_mem>>)
      %dma_wait3A_508 = arith.constant 4608 : i32
      %dma_wait3A_509 = tpu.memref_slice %arg3[%add3A, %dma_wait3A_508] : memref<32x5120xi32, #tpu.memory_space<hbm>> -> memref<1x512xi32, #tpu.memory_space<hbm>>
      %dma_wait3A_510 = tpu.memref_squeeze %dma_wait3A_509 : memref<1x512xi32, #tpu.memory_space<hbm>> -> memref<512xi32, #tpu.memory_space<hbm>>
      %dma_wait3A_511 = arith.constant 4608 : i32
      %dma_wait3A_512 = tpu.memref_slice %arg3[%add3A, %dma_wait3A_511] : memref<32x5120xi32, #tpu.memory_space<hbm>> -> memref<1x512xi32, #tpu.memory_space<hbm>>
      %dma_wait3A_513 = tpu.memref_squeeze %dma_wait3A_512 : memref<1x512xi32, #tpu.memory_space<hbm>> -> memref<512xi32, #tpu.memory_space<hbm>>
      tpu.wait_dma2 semaphore(%run_scoped3A_501 : memref<!tpu.dma_semaphore, #tpu.memory_space<semaphore_mem>>) src(%dma_wait3A_513 : memref<512xi32, #tpu.memory_space<hbm>>) dst(%arg8 : memref<512xi32, #tpu.memory_space<vmem>>)
      tpu.yield
    }) : () -> ()
    %run_scoped3A_477 = arith.constant 1 : i32
    "tpu.region"() ({
      %run_scoped3A_501 = tpu.sem_alloc : memref<!tpu.dma_semaphore, #tpu.memory_space<semaphore_mem>>
      %dma_start3A_502 = arith.constant 4608 : i32
      %dma_start3A_503 = tpu.memref_slice %arg4[%run_scoped3A_477, %add3A, %dma_start3A_502] : memref<2x32x5120xi32, #tpu.memory_space<hbm>> -> memref<1x1x512xi32, #tpu.memory_space<hbm>>
      %dma_start3A_504 = tpu.memref_squeeze %dma_start3A_503 : memref<1x1x512xi32, #tpu.memory_space<hbm>> -> memref<512xi32, #tpu.memory_space<hbm>>
      %dma_start3A_505 = arith.constant 4608 : i32
      %dma_start3A_506 = tpu.memref_slice %arg4[%run_scoped3A_477, %add3A, %dma_start3A_505] : memref<2x32x5120xi32, #tpu.memory_space<hbm>> -> memref<1x1x512xi32, #tpu.memory_space<hbm>>
      %dma_start3A_507 = tpu.memref_squeeze %dma_start3A_506 : memref<1x1x512xi32, #tpu.memory_space<hbm>> -> memref<512xi32, #tpu.memory_space<hbm>>
      tpu.enqueue_dma source(%dma_start3A_507 : memref<512xi32, #tpu.memory_space<hbm>>) target(%arg9 : memref<512xi32, #tpu.memory_space<vmem>>) target_semaphore(%run_scoped3A_501 : memref<!tpu.dma_semaphore, #tpu.memory_space<semaphore_mem>>)
      %dma_wait3A_508 = arith.constant 4608 : i32
      %dma_wait3A_509 = tpu.memref_slice %arg4[%run_scoped3A_477, %add3A, %dma_wait3A_508] : memref<2x32x5120xi32, #tpu.memory_space<hbm>> -> memref<1x1x512xi32, #tpu.memory_space<hbm>>
      %dma_wait3A_510 = tpu.memref_squeeze %dma_wait3A_509 : memref<1x1x512xi32, #tpu.memory_space<hbm>> -> memref<512xi32, #tpu.memory_space<hbm>>
      %dma_wait3A_511 = arith.constant 4608 : i32
      %dma_wait3A_512 = tpu.memref_slice %arg4[%run_scoped3A_477, %add3A, %dma_wait3A_511] : memref<2x32x5120xi32, #tpu.memory_space<hbm>> -> memref<1x1x512xi32, #tpu.memory_space<hbm>>
      %dma_wait3A_513 = tpu.memref_squeeze %dma_wait3A_512 : memref<1x1x512xi32, #tpu.memory_space<hbm>> -> memref<512xi32, #tpu.memory_space<hbm>>
      tpu.wait_dma2 semaphore(%run_scoped3A_501 : memref<!tpu.dma_semaphore, #tpu.memory_space<semaphore_mem>>) src(%dma_wait3A_513 : memref<512xi32, #tpu.memory_space<hbm>>) dst(%arg9 : memref<512xi32, #tpu.memory_space<vmem>>)
      tpu.yield
    }) : () -> ()
    %dma_start3A_478 = arith.constant 0 : i32
    %dma_start3A_479 = arith.constant 0 : i32
    %dma_start3A_480 = tpu.memref_slice %arg2[%dma_start3A_478, %dma_start3A_479] : memref<10240x128xf32, #tpu.memory_space<hbm>> -> memref<10240x128xf32, #tpu.memory_space<hbm>>
    tpu.enqueue_indirect_dma source(%dma_start3A_480 : memref<10240x128xf32, #tpu.memory_space<hbm>>) target(%arg10 : memref<512x128xf32, #tpu.memory_space<vmem>>) offsets(%arg8 : memref<512xi32, #tpu.memory_space<vmem>>) semaphore(%arg14 : memref<!tpu.dma_semaphore, #tpu.memory_space<semaphore_mem>>)
    %dma_wait3A_481 = arith.constant 0 : i32
    %dma_wait3A_482 = arith.constant 0 : i32
    %dma_wait3A_483 = tpu.memref_slice %arg2[%dma_wait3A_481, %dma_wait3A_482] : memref<10240x128xf32, #tpu.memory_space<hbm>> -> memref<10240x128xf32, #tpu.memory_space<hbm>>
    tpu.wait_indirect_dma semaphore(%arg14 : memref<!tpu.dma_semaphore, #tpu.memory_space<semaphore_mem>>) src(%dma_wait3A_483 : memref<10240x128xf32, #tpu.memory_space<hbm>>) dst(%arg10 : memref<512x128xf32, #tpu.memory_space<vmem>>)
    "tpu.region"() ({
      %run_scoped3A_501 = tpu.sem_alloc : memref<!tpu.dma_semaphore, #tpu.memory_space<semaphore_mem>>
      %dma_start3A_502 = arith.constant 0 : i32
      %dma_start3A_503 = arith.constant 0 : i32
      %dma_start3A_504 = tpu.memref_slice %arg15[%dma_start3A_502, %dma_start3A_503] : memref<5376x128xf32, #tpu.memory_space<vmem_shared>> -> memref<5376x128xf32, #tpu.memory_space<vmem_shared>>
      tpu.enqueue_indirect_dma source(%arg10 : memref<512x128xf32, #tpu.memory_space<vmem>>) target(%dma_start3A_504 : memref<5376x128xf32, #tpu.memory_space<vmem_shared>>) offsets(%arg9 : memref<512xi32, #tpu.memory_space<vmem>>) semaphore(%run_scoped3A_501 : memref<!tpu.dma_semaphore, #tpu.memory_space<semaphore_mem>>) {add = true}
      %dma_wait3A_505 = arith.constant 0 : i32
      %dma_wait3A_506 = arith.constant 0 : i32
      %dma_wait3A_507 = tpu.memref_slice %arg15[%dma_wait3A_505, %dma_wait3A_506] : memref<5376x128xf32, #tpu.memory_space<vmem_shared>> -> memref<5376x128xf32, #tpu.memory_space<vmem_shared>>
      tpu.wait_indirect_dma semaphore(%run_scoped3A_501 : memref<!tpu.dma_semaphore, #tpu.memory_space<semaphore_mem>>) src(%arg10 : memref<512x128xf32, #tpu.memory_space<vmem>>) dst(%dma_wait3A_507 : memref<5376x128xf32, #tpu.memory_space<vmem_shared>>)
      tpu.yield
    }) : () -> ()
    "tpu.region"() ({
      %run_scoped3A_501 = tpu.sem_alloc : memref<!tpu.dma_semaphore, #tpu.memory_space<semaphore_mem>>
      %dma_start3A_502 = arith.constant 0 : i32
      %dma_start3A_503 = tpu.memref_slice %arg16[%dma_start3A_502] : memref<5376xf32, #tpu.memory_space<vmem_shared>> -> memref<5376xf32, #tpu.memory_space<vmem_shared>>
      tpu.enqueue_indirect_dma source(%arg11 : memref<512xf32, #tpu.memory_space<vmem>>) target(%dma_start3A_503 : memref<5376xf32, #tpu.memory_space<vmem_shared>>) offsets(%arg9 : memref<512xi32, #tpu.memory_space<vmem>>) semaphore(%run_scoped3A_501 : memref<!tpu.dma_semaphore, #tpu.memory_space<semaphore_mem>>) {add = true}
      %dma_wait3A_504 = arith.constant 0 : i32
      %dma_wait3A_505 = tpu.memref_slice %arg16[%dma_wait3A_504] : memref<5376xf32, #tpu.memory_space<vmem_shared>> -> memref<5376xf32, #tpu.memory_space<vmem_shared>>
      tpu.wait_indirect_dma semaphore(%run_scoped3A_501 : memref<!tpu.dma_semaphore, #tpu.memory_space<semaphore_mem>>) src(%arg11 : memref<512xf32, #tpu.memory_space<vmem>>) dst(%dma_wait3A_505 : memref<5376xf32, #tpu.memory_space<vmem_shared>>)
      tpu.yield
    }) : () -> ()
    %barrier3A_484 = arith.constant 0 : index
    tpu.barrier barrier_id(%barrier3A_484)
    %mul3A_485 = arith.constant 320 : i32
    %mul3A_486 = arith.muli %arg1, %mul3A_485 : i32
    %mul3A_487 = arith.constant 320 : i32
    %mul3A_488 = arith.muli %arg1, %mul3A_487 : i32
    %add3A_489 = arith.constant 5120 : i32
    %add3A_490 = arith.addi %add3A_489, %mul3A_488 : i32
    "tpu.region"() ({
      %run_scoped3A_501 = tpu.sem_alloc : memref<!tpu.dma_semaphore, #tpu.memory_space<semaphore_mem>>
      %dma_start3A_502 = arith.constant 0 : i32
      %dma_start3A_503 = tpu.memref_slice %arg6[%arg0, %add3A_490, %dma_start3A_502] : memref<2x10240x128xf32, #tpu.memory_space<hbm>> -> memref<1x320x128xf32, #tpu.memory_space<hbm>>
      %dma_start3A_504 = tpu.memref_squeeze %dma_start3A_503 : memref<1x320x128xf32, #tpu.memory_space<hbm>> -> memref<320x128xf32, #tpu.memory_space<hbm>>
      %dma_start3A_505 = arith.constant 0 : i32
      %dma_start3A_506 = tpu.memref_slice %arg15[%mul3A_486, %dma_start3A_505] : memref<5376x128xf32, #tpu.memory_space<vmem_shared>> -> memref<320x128xf32, #tpu.memory_space<vmem_shared>>
      tpu.enqueue_dma source(%dma_start3A_506 : memref<320x128xf32, #tpu.memory_space<vmem_shared>>) target(%dma_start3A_504 : memref<320x128xf32, #tpu.memory_space<hbm>>) target_semaphore(%run_scoped3A_501 : memref<!tpu.dma_semaphore, #tpu.memory_space<semaphore_mem>>)
      %dma_wait3A_507 = arith.constant 0 : i32
      %dma_wait3A_508 = tpu.memref_slice %arg6[%arg0, %add3A_490, %dma_wait3A_507] : memref<2x10240x128xf32, #tpu.memory_space<hbm>> -> memref<1x320x128xf32, #tpu.memory_space<hbm>>
      %dma_wait3A_509 = tpu.memref_squeeze %dma_wait3A_508 : memref<1x320x128xf32, #tpu.memory_space<hbm>> -> memref<320x128xf32, #tpu.memory_space<hbm>>
      %dma_wait3A_510 = arith.constant 0 : i32
      %dma_wait3A_511 = tpu.memref_slice %arg15[%mul3A_486, %dma_wait3A_510] : memref<5376x128xf32, #tpu.memory_space<vmem_shared>> -> memref<320x128xf32, #tpu.memory_space<vmem_shared>>
      tpu.wait_dma2 semaphore(%run_scoped3A_501 : memref<!tpu.dma_semaphore, #tpu.memory_space<semaphore_mem>>) src(%dma_wait3A_511 : memref<320x128xf32, #tpu.memory_space<vmem_shared>>) dst(%dma_wait3A_509 : memref<320x128xf32, #tpu.memory_space<hbm>>)
      tpu.yield
    }) : () -> ()
    %mul3A_491 = arith.constant 320 : i32
    %mul3A_492 = arith.muli %arg1, %mul3A_491 : i32
    "tpu.region"() ({
      %run_scoped3A_501 = tpu.sem_alloc : memref<!tpu.dma_semaphore, #tpu.memory_space<semaphore_mem>>
      %dma_start3A_502 = arith.constant 0 : i32
      %dma_start3A_503 = tpu.memref_slice %arg13[%dma_start3A_502] : memref<320xf32, #tpu.memory_space<vmem>> -> memref<320xf32, #tpu.memory_space<vmem>>
      %dma_start3A_504 = tpu.memref_slice %arg16[%mul3A_492] : memref<5376xf32, #tpu.memory_space<vmem_shared>> -> memref<320xf32, #tpu.memory_space<vmem_shared>>
      %dma_start3A_505 = arith.constant 0 : i32
      %dma_start3A_506 = tpu.memref_slice %arg13[%dma_start3A_505] : memref<320xf32, #tpu.memory_space<vmem>> -> memref<320xf32, #tpu.memory_space<vmem>>
      %dma_start3A_507 = tpu.memref_slice %arg16[%mul3A_492] : memref<5376xf32, #tpu.memory_space<vmem_shared>> -> memref<320xf32, #tpu.memory_space<vmem_shared>>
      tpu.enqueue_dma source(%dma_start3A_507 : memref<320xf32, #tpu.memory_space<vmem_shared>>) target(%dma_start3A_506 : memref<320xf32, #tpu.memory_space<vmem>>) target_semaphore(%run_scoped3A_501 : memref<!tpu.dma_semaphore, #tpu.memory_space<semaphore_mem>>)
      %dma_wait3A_508 = arith.constant 0 : i32
      %dma_wait3A_509 = tpu.memref_slice %arg13[%dma_wait3A_508] : memref<320xf32, #tpu.memory_space<vmem>> -> memref<320xf32, #tpu.memory_space<vmem>>
      %dma_wait3A_510 = tpu.memref_slice %arg16[%mul3A_492] : memref<5376xf32, #tpu.memory_space<vmem_shared>> -> memref<320xf32, #tpu.memory_space<vmem_shared>>
      %dma_wait3A_511 = arith.constant 0 : i32
      %dma_wait3A_512 = tpu.memref_slice %arg13[%dma_wait3A_511] : memref<320xf32, #tpu.memory_space<vmem>> -> memref<320xf32, #tpu.memory_space<vmem>>
      %dma_wait3A_513 = tpu.memref_slice %arg16[%mul3A_492] : memref<5376xf32, #tpu.memory_space<vmem_shared>> -> memref<320xf32, #tpu.memory_space<vmem_shared>>
      tpu.wait_dma2 semaphore(%run_scoped3A_501 : memref<!tpu.dma_semaphore, #tpu.memory_space<semaphore_mem>>) src(%dma_wait3A_513 : memref<320xf32, #tpu.memory_space<vmem_shared>>) dst(%dma_wait3A_512 : memref<320xf32, #tpu.memory_space<vmem>>)
      tpu.yield
    }) : () -> ()
    %mul3A_493 = arith.constant 10240 : i32
    %mul3A_494 = arith.muli %arg0, %mul3A_493 : i32
    %add3A_495 = arith.constant 5120 : i32
    %add3A_496 = arith.addi %mul3A_494, %add3A_495 : i32
    %mul3A_497 = arith.constant 320 : i32
    %mul3A_498 = arith.muli %arg1, %mul3A_497 : i32
    %add3A_499 = arith.addi %add3A_496, %mul3A_498 : i32
    "tpu.region"() ({
      %run_scoped3A_501 = tpu.sem_alloc : memref<!tpu.dma_semaphore, #tpu.memory_space<semaphore_mem>>
      %dma_start3A_502 = arith.constant 0 : i32
      %dma_start3A_503 = tpu.memref_slice %arg13[%dma_start3A_502] : memref<320xf32, #tpu.memory_space<vmem>> -> memref<320xf32, #tpu.memory_space<vmem>>
      %dma_start3A_504 = tpu.memref_slice %arg7[%add3A_499] : memref<20480xf32, #tpu.memory_space<hbm>> -> memref<320xf32, #tpu.memory_space<hbm>>
      %dma_start3A_505 = tpu.memref_slice %arg7[%add3A_499] : memref<20480xf32, #tpu.memory_space<hbm>> -> memref<320xf32, #tpu.memory_space<hbm>>
      %dma_start3A_506 = arith.constant 0 : i32
      %dma_start3A_507 = tpu.memref_slice %arg13[%dma_start3A_506] : memref<320xf32, #tpu.memory_space<vmem>> -> memref<320xf32, #tpu.memory_space<vmem>>
      tpu.enqueue_dma source(%dma_start3A_507 : memref<320xf32, #tpu.memory_space<vmem>>) target(%dma_start3A_505 : memref<320xf32, #tpu.memory_space<hbm>>) target_semaphore(%run_scoped3A_501 : memref<!tpu.dma_semaphore, #tpu.memory_space<semaphore_mem>>)
      %dma_wait3A_508 = arith.constant 0 : i32
      %dma_wait3A_509 = tpu.memref_slice %arg13[%dma_wait3A_508] : memref<320xf32, #tpu.memory_space<vmem>> -> memref<320xf32, #tpu.memory_space<vmem>>
      %dma_wait3A_510 = tpu.memref_slice %arg7[%add3A_499] : memref<20480xf32, #tpu.memory_space<hbm>> -> memref<320xf32, #tpu.memory_space<hbm>>
      %dma_wait3A_511 = tpu.memref_slice %arg7[%add3A_499] : memref<20480xf32, #tpu.memory_space<hbm>> -> memref<320xf32, #tpu.memory_space<hbm>>
      %dma_wait3A_512 = arith.constant 0 : i32
      %dma_wait3A_513 = tpu.memref_slice %arg13[%dma_wait3A_512] : memref<320xf32, #tpu.memory_space<vmem>> -> memref<320xf32, #tpu.memory_space<vmem>>
      tpu.wait_dma2 semaphore(%run_scoped3A_501 : memref<!tpu.dma_semaphore, #tpu.memory_space<semaphore_mem>>) src(%dma_wait3A_513 : memref<320xf32, #tpu.memory_space<vmem>>) dst(%dma_wait3A_511 : memref<320xf32, #tpu.memory_space<hbm>>)
      tpu.yield
    }) : () -> ()
    %barrier3A_500 = arith.constant 0 : index
    tpu.barrier barrier_id(%barrier3A_500)
    return
  }
}

</mosaic_0001>

<sc_bundles>
// kernel: _sc1.3.cloned.1.call-start
scs
__scs_entry_jumppad:
0x0: {  	(pc) =	sbr.rel $0x88, $3  }
0x1: {  	(tag) =	ssettag $0x0;
	lr =	simm.s32 $0x1  }
0x2: {  	[smem:$0x3F9D] =	sst lr;
	_ =	strace $0xD0000000  }
0x3: {  	_ = 	snop  }
0x4: {  	_ = 	snop  }
0x5: {  	_ = 	snop  }
0x6: {  	_ = 	snop  }
0x7: {  	_ = 	snop  }
__scs_overlays_trampoline_lowered:
0x8: {  	[smem:$0x3FAC] =	sst s0  }
0x9: {  	[smem:$0x3FAD] =	sst s1  }
0xa: {  	[smem:$0x3FAE] =	sst s2  }
0xb: {  	[smem:$0x3FAF] =	sst s3  }
0xc: {  	[smem:$0x3FB0] =	sst s4  }
0xd: {  	[smem:$0x3FB1] =	sst s5  }
0xe: {  	[smem:$0x3FB2] =	sst s6  }
0xf: {  	[smem:$0x3FB3] =	sst s7  }
0x10: {  	[smem:$0x3FB4] =	sst s8  }
0x11: {  	[smem:$0x3FB5] =	sst s9;
	s0 =	simm.s32 @!p0 $0x0  }
0x12: {  	s1 =	sld [smem:$0x3F9B];
	s0 =	simm.s32 @p0 $0x1  }
0x13: {  	[smem:$0x3FB6] =	sst s0;
	s0 =	simm.s32 @!p1 $0x0  }
0x14: {  	s2 =	sld [smem:$0x3F9A];
	s0 =	simm.s32 @p1 $0x1  }
0x15: {  	[smem:$0x3FB7] =	sst s0;
	s0 =	simm.s32 @!p2 $0x0  }
0x16: {  	s3 =	sld [smem:$0x3FDB];
	s0 =	simm.s32 @p2 $0x1  }
0x17: {  	s4 =	simm.s32 $0x1BF5;
	[smem:$0x3FB9] =	sst s0  }
0x18: {  	s0 =	sld [smem:$0x3F9C];
	_ =	swait.ge [sflag:s4], $0x0  }
0x19: {  	s7 =	sld [smem:$0x3F9D]  }
0x1a: {  	s8 =	sadd.s32 $0xFFFFE003, lr  }
0x1b: {  	s9 =	sadd.s32 $0xFFFFFEF7, lr;
	s5 =	simm.s32 $0xFFFFFFFF;
	p2 =	slt.u32 s8, $0xFFFFF086  }
0x1c: {  	p1 =	slt.u32 s9, $0xF7A;
	s5 =	simm.s32 @!p2 $0x0  }
0x1d: {  	s5 =	simm.s32 @p1 $0x1;
	p0 =	seq.s32 s7, s2  }
0x1e: {  	s7 =	smul.u32 @!p0 $0xF7A, s2;
	p2 =	seq.s32 @!p0 s5, $0x0  }
0x1f: {  	s9 =	smul.u32 $0xF7A, s1;
	s8 =	simm.s32 @!p0 $0x1BF5;
	p2 =	por !p2, p0  }
0x20: {  	[sflag:s8] =	ssyncset.s32 @!p0 $0xFFFFF086;
	s6 =	sadd.s32 @!p0 s3, s7;
	s7 =	simm.s32 @!p0 $0x108  }
0x21: {  	s3 =	sadd.s32 s3, s9;
	s6 =	sadd.s32 @!p0 $0x88, s6;
	s7 =	simm.s32 @p2 $0x1082  }
0x22: {  	[simem:s7], [sflag:s8] =	dma.local @!p0 [hbm:s6], $0xF7A  }
0x23: {  	s9 =	sor.u32 $0xD0000000, s2;
	s6 =	simm.s32 $0x108;
	_ =	swait.ge @!p0 [sflag:s8], $0x0  }
0x24: {  	s3 =	sadd.s32 $0x88, s3;
	s6 =	simm.s32 @!p1 $0x1082;
	[sflag:s4] =	ssyncset.s32 $0xFFFFF086  }
0x25: {  	[simem:s6], [sflag:s4] =	dma.local [hbm:s3], $0xF7A  }
0x26: {  	[smem:$0x3F9D] =	sst s1;
	(tag) =	ssettag s2;
	_ =	strace s9  }
0x27: {  	s1 =	sld [smem:$0x3FAD]  }
0x28: {  	s2 =	sld [smem:$0x3FAE]  }
0x29: {  	s4 =	sld [smem:$0x3FB0]  }
0x2a: {  	p0 =	seq.s32 s5, $0x0;
	s5 =	sld [smem:$0x3FB1]  }
0x2b: {  	s6 =	sld [smem:$0x3FB2]  }
0x2c: {  	s7 =	sld [smem:$0x3FB3]  }
0x2d: {  	s3 =	simm.s32 $0x108;
	s8 =	sld [smem:$0x3FB4]  }
0x2e: {  	s3 =	simm.s32 @!p0 $0x1082;
	s9 =	sld [smem:$0x3FB5]  }
0x2f: {  	lr =	sadd.s32 s0, s3;
	s0 =	sld [smem:$0x3FAC]  }
0x30: {  	s3 =	sld [smem:$0x3FAF]  }
0x31: {  	[smem:$0x3FB8] =	sst s10  }
0x32: {  	s10 =	sld [smem:$0x3FB6];
	_ =	sdelay $0x3  }
0x33: {  	p0 =	seq.s32 s10, $0x1;
	s10 =	sld [smem:$0x3FB8];
	_ =	sdelay $0x3  }
0x34: {  	[smem:$0x3FB8] =	sst s10  }
0x35: {  	s10 =	sld [smem:$0x3FB7];
	_ =	sdelay $0x3  }
0x36: {  	p1 =	seq.s32 s10, $0x1;
	s10 =	sld [smem:$0x3FB8];
	_ =	sdelay $0x3  }
0x37: {  	[smem:$0x3FB8] =	sst s10  }
0x38: {  	s10 =	sld [smem:$0x3FB9]  }
0x39: {  	_ = 	snop;
	(pc) =	sbr.ind lr, $3  }
0x3a: {  	_ = 	snop  }
0x3b: {  	_ = 	snop  }
0x3c: {  	p2 =	seq.s32 s10, $0x1;
	s10 =	sld [smem:$0x3FB8]  }
0x3d: {  	_ =	shalt  }
0x3e: {  	_ =	shalt  }
0x3f: {  	_ =	shalt  }
0x40: {  	_ =	shalt  }
0x41: {  	_ =	shalt  }
0x42: {  	_ =	shalt  }
0x43: {  	_ =	shalt  }
0x44: {  	_ =	shalt  }
0x45: {  	_ =	shalt  }
0x46: {  	_ =	shalt  }
0x47: {  	_ =	shalt  }
0x48: {  	_ =	shalt  }
0x49: {  	_ =	shalt  }
0x4a: {  	_ =	shalt  }
0x4b: {  	_ =	shalt  }
0x4c: {  	_ =	shalt  }
0x4d: {  	_ =	shalt  }
0x4e: {  	_ =	shalt  }
0x4f: {  	_ =	shalt  }
0x50: {  	_ =	shalt  }
0x51: {  	_ =	shalt  }
0x52: {  	_ =	shalt  }
0x53: {  	_ =	shalt  }
0x54: {  	_ =	shalt  }
0x55: {  	_ =	shalt  }
0x56: {  	_ =	shalt  }
0x57: {  	_ =	shalt  }
0x58: {  	_ =	shalt  }
0x59: {  	_ =	shalt  }
0x5a: {  	_ =	shalt  }
0x5b: {  	_ =	shalt  }
0x5c: {  	_ =	shalt  }
0x5d: {  	_ =	shalt  }
0x5e: {  	_ =	shalt  }
0x5f: {  	_ =	shalt  }
0x60: {  	_ =	shalt  }
0x61: {  	_ =	shalt  }
0x62: {  	_ =	shalt  }
0x63: {  	_ =	shalt  }
0x64: {  	_ =	shalt  }
0x65: {  	_ =	shalt  }
0x66: {  	_ =	shalt  }
0x67: {  	_ =	shalt  }
0x68: {  	_ =	shalt  }
0x69: {  	_ =	shalt  }
0x6a: {  	_ =	shalt  }
0x6b: {  	_ =	shalt  }
0x6c: {  	_ =	shalt  }
0x6d: {  	_ =	shalt  }
0x6e: {  	_ =	shalt  }
0x6f: {  	_ =	shalt  }
0x70: {  	_ =	shalt  }
0x71: {  	_ =	shalt  }
0x72: {  	_ =	shalt  }
0x73: {  	_ =	shalt  }
0x74: {  	_ =	shalt  }
0x75: {  	_ =	shalt  }
0x76: {  	_ =	shalt  }
0x77: {  	_ =	shalt  }
0x78: {  	_ =	shalt  }
0x79: {  	_ =	shalt  }
0x7a: {  	_ =	shalt  }
0x7b: {  	_ =	shalt  }
0x7c: {  	_ =	shalt  }
0x7d: {  	_ =	shalt  }
0x7e: {  	_ =	shalt  }
0x7f: {  	_ =	shalt  }
0x80: {  	_ =	shalt  }
0x81: {  	_ =	shalt  }
0x82: {  	_ =	shalt  }
0x83: {  	_ =	shalt  }
0x84: {  	_ =	shalt  }
0x85: {  	_ =	shalt  }
0x86: {  	_ =	shalt  }
0x87: {  	_ =	shalt  }
.Lfunc_end0:
.L_simem_size_0:
called_computation_lowered:
.L_overlay_start_0:
0x88: {  	s2 =	sld [smem:$0x3FD9]  }
0x89: {  	s3 =	sld [smem:$0x3FFE];
	_ =	sdelay $0x1  }
0x8a: {  	s1 =	srdreg.scid  }
0x8b: {  	s0 =	sand.u32 $0x1, s1  }
0x8c: {  	s15 =	sshll.u32 s0, $0xA;
	s2 =	sadd.s32 s3, s2  }
0x8d: {  	s2 =	sadd.s32 s2, s15  }
0x8e: {  	[smem:$0x3FC4] =	sst s2  }
0x8f: {  	_ = 	snop  }
0x90: {  	s2 =	sld [smem:$0x3FC9]  }
0x91: {  	s16 =	sld [smem:$0x3FD0]  }
0x92: {  	s4 =	sld [smem:$0x3FC8]  }
0x93: {  	s5 =	sld [smem:$0x3FC7]  }
0x94: {  	s7 =	simm.s32 $0xA;
	s8 =	simm.s32 $0x10;
	s6 =	sld [smem:$0x3FC6]  }
0x95: {  	[smem:s8], [sflag:s7] =	dma.local [hbm:s16], $0x1  }
0x96: {  	_ =	swait.eq [sflag:s7], $0x1  }
0x97: {  	[sflag:s7] =	ssyncset.done $0x0  }
0x98: {  	s17 =	sld [smem:$0x10];
	[sflag:s7] =	ssyncadd.s32 $0xFFFFFFFF  }
0x99: {  	s18 =	sld [smem:$0x11];
	(tm) =	ssettm $0x1  }
0x9a: {  	s19 =	sld [smem:$0x3FFB];
	_ =	sdelay $0x3  }
0x9b: {  	_ =	strace s19  }
0x9c: {  	s8 =	sld [smem:$0x3FFC];
	_ =	sdelay $0x3  }
0x9d: {  	_ =	strace s8  }
0x9e: {  	s8 =	sld [smem:$0x3FFD];
	_ =	sdelay $0x3  }
0x9f: {  	_ =	strace s8  }
0xa0: {  	_ =	strace $0x8FFFFFFF  }
0xa1: {  	s20 =	sld [smem:$0x3FDB];
	_ =	sdelay $0x1  }
0xa2: {  	s9 =	simm.s32 $_scs_section_size  }
0xa3: {  	s10 =	simm.s32 $_size__tile_overlayer_lowered;
	s11 =	simm.s32 $_tile_overlayer_lowered  }
0xa4: {  	s23 =	simm.s32 $0x1BFF;
	s22 =	sshll.u32 s11, $0x1;
	s8 =	sadd.s32 s9, s20  }
0xa5: {  	s12 =	simm.s32 $0x0;
	s21 =	sshll.u32 s10, $0x1;
	s10 =	sadd.s32 s22, s8  }
0xa6: {  	[timem:s12], [sflag:s23] =	dma.local [hbm:s10], s21  }
0xa7: {  	_ =	swait.ge [sflag:s23], s21  }
0xa8: {  	s9 =	ssub.s32 $0x0, s21;
	[sflag:s23] =	ssyncset.done $0x0  }
0xa9: {  	[sflag:s23] =	ssyncadd.s32 s9;
	_ =	sdelay $0x1  }
0xaa: {  	s24 =	simm.s32 $0x1B8B  }
0xab: {  	_ =	swait.ge [sflag:s24], $0x1  }
0xac: {  	[sflag:s24] =	ssyncset.done $0x0  }
0xad: {  	s25 =	simm.s32 $0x1B8E;
	[sflag:s24] =	ssyncadd.s32 $0xFFFFFFFF  }
0xae: {  	s26 =	simm.s32 $execute0_lowered;
	[smem:$0x3FD2] =	sst s25  }
0xaf: {  	s9 =	sshll.u32 s26, $0x1;
	_ =	strace $0x80000046;
	[dreg:$0x1] =	wrdreg $0xFFFFFFFF  }
0xb0: {  	s28 =	simm.s32 $_size_execute0_lowered;
	s8 =	sadd.s32 s8, s9;
	[dreg:$0x0] =	wrdreg $0x0  }
0xb1: {  	s9 =	sshll.u32 s28, $0x1;
	[dreg:$0x2] =	wrdreg s8  }
0xb2: {  	[dreg:$0x3] =	wrdreg s9  }
0xb3: {  	[dreg:$0x4] =	wrdreg $0xC0  }
0xb4: {  	_ =	task [dreg:s12], $0x5FFFF  }
0xb5: {  	[dreg:$0x1] =	wrdreg $0xFFFFFFFF  }
0xb6: {  	[dreg:$0x0] =	wrdreg $0x60  }
0xb7: {  	[dreg:$0x2] =	wrdreg s2  }
0xb8: {  	[dreg:$0x3] =	wrdreg s4  }
0xb9: {  	[dreg:$0x4] =	wrdreg s5  }
0xba: {  	[dreg:$0x5] =	wrdreg s6  }
0xbb: {  	[dreg:$0x6] =	wrdreg s17  }
0xbc: {  	[dreg:$0x7] =	wrdreg s18  }
0xbd: {  	[dreg:$0x8] =	wrdreg $0x109000  }
0xbe: {  	[dreg:$0x9] =	wrdreg $0x1B1000  }
0xbf: {  	[dreg:$0xa] =	wrdreg $0x9  }
0xc0: {  	_ =	task.clear_ibuf [dreg:s12], $0xBFFFF;
	_ =	strace $0x90000046  }
0xc1: {  	s29 =	simm.s32 $0x9;
	_ =	strace $0x80000048  }
0xc2: {  	_ =	swait.ge [sflag:s29], $0x1  }
0xc3: {  	[sflag:s29] =	ssyncadd.s32 $0xFFFFFFFF  }
0xc4: {  	_ =	strace $0x90000048  }
0xc5: {  	_ =	sfence  }
0xc6: {  	s30 =	sld [smem:$0x0];
	_ =	sdelay $0x2  }
0xc7: {  	s31 =	sshll.u32 s1, $0xD;
	s1 =	sshrl.u32 s1, $0x2  }
0xc8: {  	s3 =	sand.u32 $0x4000, s31;
	s1 =	sadd.s32 s1, s30  }
0xc9: {  	s0 =	sor.u32 s3, s0;
	s1 =	sshll.u32 s1, $0x11  }
0xca: {  	s0 =	sor.u32 s1, s0  }
0xcb: {  	s0 =	sadd.s32 $0x8F2B, s0  }
0xcc: {  	[sflag:s0] =	ssyncadd.remote.s32 $0x1  }
0xcd: {  	_ =	sfence.sel $0xFFFF  }
0xce: {  	[dreg:$0x0] =	wrdreg $0xFFFFFFFF;
	(pc) =	sbr.abs _section_cstart, $3  }
0xcf: {  	[dreg:$0x1] =	wrdreg $0xFFFFFFFF  }
0xd0: {  	_ =	task.clear_ibuf [dreg:s12], $0x2FFFF;
	_ =	strace $0x9FFFFFFF  }
0xd1: {  	(tm) =	ssettm $0x7FFFFFFF  }
tec
execute0_lowered:
.L_overlay_start_1:
0x0: {  	(tag) =	ssettag $0x1  }
0x1: {  	s0 =	rddreg [dreg:$0x0]  }
0x2: {  	s1 =	rddreg [dreg:$0x1]  }
0x3: {  	s8 =	rddreg [dreg:$0x2]  }
0x4: {  	s6 =	rddreg [dreg:$0x3]  }
0x5: {  	s7 =	rddreg [dreg:$0x4]  }
0x6: {  	s16 =	rddreg [dreg:$0x5]  }
0x7: {  	s2 =	rddreg [dreg:$0x6];
	s4 =	simm.s32 $0x0  }
0x8: {  	v0 =	vimm.f32 $1.000000000e+00;
	[smem:$0x7FF] =	sst s4  }
0x9: {  	s3 =	rddreg [dreg:$0x7];
	_ =	strace $0x80000047;
	[tilespmem:$0x10420] =	vst v0  }
0xa: {  	[tilespmem:$0x10430] =	vst v0  }
0xb: {  	[tilespmem:$0x10440] =	vst v0  }
0xc: {  	[tilespmem:$0x10450] =	vst v0  }
0xd: {  	[tilespmem:$0x10460] =	vst v0  }
0xe: {  	[tilespmem:$0x10470] =	vst v0  }
0xf: {  	[tilespmem:$0x10480] =	vst v0  }
0x10: {  	[tilespmem:$0x10490] =	vst v0  }
0x11: {  	[tilespmem:$0x104A0] =	vst v0  }
0x12: {  	[tilespmem:$0x104B0] =	vst v0  }
0x13: {  	[tilespmem:$0x104C0] =	vst v0  }
0x14: {  	s5 =	srdreg.scid;
	[tilespmem:$0x104D0] =	vst v0  }
0x15: {  	s5 =	sand.u32 $0x1, s5;
	[tilespmem:$0x104E0] =	vst v0  }
0x16: {  	s9 =	stileid.u32;
	s10 =	sshll.u32 s5, $0x4;
	[tilespmem:$0x104F0] =	vst v0  }
0x17: {  	[tilespmem:$0x10500] =	vst v0;
	s10 =	sor.u32 s9, s10  }
0x18: {  	[tilespmem:$0x10510] =	vst v0;
	s10 =	sshrl.u32 s10, $0x3  }
0x19: {  	s11 =	sshll.u32 s9, $0x7;
	[tilespmem:$0x10520] =	vst v0;
	s10 =	smul.u32 $0xA000, s10  }
0x1a: {  	s11 =	sand.u32 $0x380, s11;
	[tilespmem:$0x10530] =	vst v0  }
0x1b: {  	s31 =	smul.u32 $0x140, s9;
	[tilespmem:$0x10540] =	vst v0;
	s10 =	sor.u32 s11, s10  }
0x1c: {  	[tilespmem:$0x10550] =	vst v0;
	[smem:$0x7FD] =	sst s5;
	s11 =	smul.u32 $0x1500, s9;
	s14 =	sshrl.u32 s10, $0x3  }
0x1d: {  	[tilespmem:$0x10560] =	vst v0;
	s24 =	sadd.s32 $0x2000, s10;
	s25 =	sadd.s32 $0x3000, s10;
	s15 =	sadd.s32 $0x4000, s10  }
0x1e: {  	[tilespmem:$0x10570] =	vst v0;
	s17 =	sadd.s32 $0x5000, s10;
	s18 =	sadd.s32 $0x6000, s10;
	s12 =	sadd.s32 s8, s14  }
0x1f: {  	[tilespmem:$0x10580] =	vst v0;
	s20 =	sor.u32 $0x200, s14;
	s21 =	sshrl.u32 s24, $0x3;
	s22 =	sshrl.u32 s25, $0x3  }
0x20: {  	[tilespmem:$0x10590] =	vst v0;
	s23 =	sshrl.u32 s15, $0x3;
	s24 =	sshrl.u32 s17, $0x3;
	s25 =	sshrl.u32 s18, $0x3  }
0x21: {  	[tilespmem:$0x105A0] =	vst v0;
	s6 =	sadd.s32 s6, s11;
	s15 =	sadd.s32 $0x8000, s10;
	s17 =	smul.u32 $0x140000, s5  }
0x22: {  	v1 =	vimm.f32 $0.0e+00;
	[tilespmem:$0x10400] =	vst v0;
	s18 =	sadd.s32 $0x9000, s10;
	[dreg:$0x9] =	wrdreg s12;
	s13 =	sadd.s32 s8, s20  }
0x23: {  	[tilespmem:$0x10740] =	vst v1;
	s5 =	smul.u32 $0x2800, s5;
	s26 =	sadd.s32 s8, s21;
	[dreg:$0xa] =	wrdreg s13  }
0x24: {  	[tilespmem:$0x10730] =	vst v1;
	s12 =	sadd.s32 s8, s22;
	s19 =	sadd.s32 s8, s24;
	[dreg:$0xb] =	wrdreg s26  }
0x25: {  	[tilespmem:$0x10720] =	vst v1;
	s28 =	sshrl.u32 s15, $0x3;
	s15 =	smul.u32 $0xA000, s9;
	[dreg:$0xc] =	wrdreg s12  }
0x26: {  	[tilespmem:$0x10710] =	vst v1;
	s29 =	sshrl.u32 s18, $0x3;
	s13 =	sadd.s32 s8, s23;
	[dreg:$0xe] =	wrdreg s19  }
0x27: {  	[tilespmem:$0x10700] =	vst v1;
	s12 =	sadd.s32 s8, s25;
	s26 =	sadd.s32 $0x7000, s10;
	[dreg:$0xd] =	wrdreg s13  }
0x28: {  	[tilespmem:$0x106F0] =	vst v1;
	s19 =	sadd.s32 s8, s28;
	[dreg:$0xf] =	wrdreg s12;
	s26 =	sshrl.u32 s26, $0x3  }
0x29: {  	[tilespmem:$0x106E0] =	vst v1;
	[dreg:$0x11] =	wrdreg s19;
	s12 =	sadd.s32 s8, s29;
	s17 =	sadd.s32 s15, s17  }
0x2a: {  	[tilespmem:$0x106D0] =	vst v1;
	s19 =	sadd.s32 $0x28000, s10;
	s15 =	sadd.s32 $0x29000, s10;
	s13 =	sadd.s32 s8, s26  }
0x2b: {  	[tilespmem:$0x106C0] =	vst v1;
	[dreg:$0x12] =	wrdreg s12;
	s18 =	sshrl.u32 s17, $0x3;
	s12 =	sshrl.u32 s15, $0x3  }
0x2c: {  	[tilespmem:$0x106B0] =	vst v1;
	s17 =	sadd.s32 $0x2A000, s10;
	s15 =	sadd.s32 $0x2B000, s10;
	[dreg:$0x10] =	wrdreg s13  }
0x2d: {  	[tilespmem:$0x106A0] =	vst v1;
	s7 =	sadd.s32 s7, s18;
	s13 =	sshrl.u32 s19, $0x3;
	s18 =	sadd.s32 s8, s12  }
0x2e: {  	[tilespmem:$0x10690] =	vst v1;
	s19 =	sshrl.u32 s17, $0x3;
	s11 =	sadd.s32 s8, s13;
	[dreg:$0x14] =	wrdreg s18  }
0x2f: {  	[tilespmem:$0x10680] =	vst v1;
	s17 =	sshrl.u32 s15, $0x3;
	s13 =	sadd.s32 s8, s19;
	[dreg:$0x13] =	wrdreg s11  }
0x30: {  	[tilespmem:$0x10670] =	vst v1;
	s18 =	sadd.s32 $0x2C000, s10;
	s19 =	sadd.s32 $0x2D000, s10;
	[dreg:$0x15] =	wrdreg s13  }
0x31: {  	[tilespmem:$0x10660] =	vst v1;
	s11 =	sadd.s32 s8, s17;
	s12 =	sshrl.u32 s18, $0x3;
	s17 =	sshrl.u32 s19, $0x3  }
0x32: {  	[tilespmem:$0x10650] =	vst v1;
	s19 =	sadd.s32 $0x2E000, s10;
	[dreg:$0x16] =	wrdreg s11;
	s15 =	sadd.s32 s8, s12  }
0x33: {  	[tilespmem:$0x10640] =	vst v1;
	s13 =	sadd.s32 $0x2F000, s10;
	s18 =	sadd.s32 s8, s17;
	[dreg:$0x17] =	wrdreg s15  }
0x34: {  	[tilespmem:$0x10630] =	vst v1;
	s12 =	sshrl.u32 s19, $0x3;
	[dreg:$0x18] =	wrdreg s18;
	s15 =	smul.u32 $0x2A000, s9  }
0x35: {  	[tilespmem:$0x10620] =	vst v1;
	s11 =	sadd.s32 s8, s12;
	s12 =	sshrl.u32 s13, $0x3;
	s18 =	sadd.s32 $0x30000, s10  }
0x36: {  	[tilespmem:$0x10610] =	vst v1;
	s10 =	sadd.s32 $0x31000, s10;
	[dreg:$0x19] =	wrdreg s11;
	s17 =	sadd.s32 s8, s12  }
0x37: {  	[tilespmem:$0x10600] =	vst v1;
	s19 =	sshrl.u32 s18, $0x3;
	s10 =	sshrl.u32 s10, $0x3;
	s12 =	sadd.s32 s31, s5  }
0x38: {  	[tilespmem:$0x105F0] =	vst v0;
	[dreg:$0x1a] =	wrdreg s17;
	s11 =	sadd.s32 s8, s19;
	s13 =	sshrl.u32 s15, $0x2  }
0x39: {  	[tilespmem:$0x105E0] =	vst v0;
	s10 =	sadd.s32 s8, s10;
	s15 =	sshll.u32 s9, $0x6;
	s12 =	sshrl.u32 s12, $0x3  }
0x3a: {  	[tilespmem:$0x105D0] =	vst v0;
	s17 =	smul.u32 $0x540, s9;
	[dreg:$0x1b] =	wrdreg s11;
	s11 =	sadd.s32 s13, s2  }
0x3b: {  	[tilespmem:$0x105C0] =	vst v0;
	s5 =	sadd.s32 s16, s12;
	[dreg:$0x1c] =	wrdreg s10;
	s16 =	sadd.s32 $0x14000, s7  }
0x3c: {  	[tilespmem:$0x105B0] =	vst v0;
	s8 =	sor.u32 $0x1C02, s15;
	[dreg:$0x1d] =	wrdreg s16;
	s18 =	sadd.s32 $0x280, s5  }
0x3d: {  	[tilespmem:$0x10410] =	vst v0;
	s10 =	sshrl.u32 s11, $0x3;
	s11 =	simm.s32 $0x2;
	[dreg:$0x1e] =	wrdreg s18  }
0x3e: {  	[spmem:s10], [sflag:s8] =	dma.local [hbm:s6], $0x1500  }
0x3f: {  	_ =	swait.ge [sflag:s11], $0x1500  }
0x40: {  	s12 =	sshrl.u32 s17, $0x2;
	[sflag:s11] =	ssyncset.done $0x0  }
0x41: {  	s19 =	simm.s32 $0x10600;
	s12 =	sadd.s32 s12, s3;
	[sflag:s11] =	ssyncadd.s32 $0xFFFFEB00  }
0x42: {  	[spmem:s12] =	stream.linear.scatter [tilespmem:s19], [sflag:$0x2], $0x150, $0x38;
	[tilespmem:$0x1B250] =	vst v63  }
0x43: {  	_ =	swait.ge [sflag:s11], $0x150  }
0x44: {  	[sflag:s11] =	ssyncset.done $0x0  }
0x45: {  	s14 =	sadd.s32 s1, s14;
	[sflag:s11] =	ssyncadd.s32 $0xFFFFFEB0  }
0x46: {  	s15 =	simm.s32 $0x80;
	s16 =	simm.s32 $0x400;
	[bflag:$0x0] =	sbarrier.arrive $0xFFFF  }
0x47: {  	[tilespmem:s4], [sflag:$0x2] =	stream.strided.gather [hbm4b:s14+s15], $0x200, s16, s15, $0x38;
	[tilespmem:$0x1B250] =	vst v63  }
0x48: {  	_ =	swait.ge [sflag:s11], $0x200  }
0x49: {  	[sflag:s11] =	ssyncset.done $0x0  }
0x4a: {  	s17 =	simm.s32 $0x200;
	s18 =	rddreg [dreg:$0x9];
	[sflag:s11] =	ssyncadd.s32 $0xFFFFFE00  }
0x4b: {  	[tilespmem:s17], [sflag:$0x2] =	stream.strided.gather [hbm4b:s18+s15], $0x200, s16, s15, $0x38;
	[tilespmem:$0x1B250] =	vst v63  }
0x4c: {  	_ =	swait.ge [sflag:s11], $0x200  }
0x4d: {  	[sflag:s11] =	ssyncset.done $0x0  }
0x4e: {  	s18 =	simm.s32 $0x1;
	[sflag:s11] =	ssyncadd.s32 $0xFFFFFE00  }
0x4f: {  	[tilespmem:s16], [sflag:$0x1] =	stream.indirect.gather [hbm4b:s0+s17], $0x80, s4, s17, $0xb8;
	[tilespmem:$0x1B250] =	vst v63  }
0x50: {  	_ =	swait.ge [sflag:s18], $0x10000  }
0x51: {  	[sflag:s18] =	ssyncset.done $0x0  }
0x52: {  	[sflag:s18] =	ssyncadd.s32 $0xFFFF0000  }
0x53: {  	[spmem:s2] =	stream.indirect.scatter.add.f32 [tilespmem:s16], [sflag:$0x2], $0x80, s17, s17, $0xb8;
	[tilespmem:$0x1B250] =	vst v63  }
0x54: {  	_ =	swait.ge [sflag:s11], $0x10000  }
0x55: {  	[sflag:s11] =	ssyncset.done $0x0  }
0x56: {  	s19 =	simm.s32 $0x10400;
	[sflag:s11] =	ssyncadd.s32 $0xFFFF0000  }
0x57: {  	[spmem:s3] =	stream.indirect.scatter.add.f32 [tilespmem:s19], [sflag:$0x2], $0x1, s17, s17, $0xb8;
	[tilespmem:$0x1B250] =	vst v63  }
0x58: {  	_ =	swait.ge [sflag:s11], $0x200  }
0x59: {  	[sflag:s11] =	ssyncset.done $0x0  }
0x5a: {  	s20 =	sadd.s32 s1, s20;
	[sflag:s11] =	ssyncadd.s32 $0xFFFFFE00  }
0x5b: {  	[tilespmem:s4], [sflag:$0x2] =	stream.strided.gather [hbm4b:s20+s15], $0x200, s16, s15, $0x38;
	[tilespmem:$0x1B250] =	vst v63  }
0x5c: {  	_ =	swait.ge [sflag:s11], $0x200  }
0x5d: {  	[sflag:s11] =	ssyncset.done $0x0  }
0x5e: {  	s30 =	rddreg [dreg:$0xa];
	[sflag:s11] =	ssyncadd.s32 $0xFFFFFE00  }
0x5f: {  	[tilespmem:s17], [sflag:$0x2] =	stream.strided.gather [hbm4b:s30+s15], $0x200, s16, s15, $0x38;
	[tilespmem:$0x1B250] =	vst v63  }
0x60: {  	_ =	swait.ge [sflag:s11], $0x200  }
0x61: {  	[sflag:s11] =	ssyncset.done $0x0  }
0x62: {  	[sflag:s11] =	ssyncadd.s32 $0xFFFFFE00  }
0x63: {  	[tilespmem:s16], [sflag:$0x1] =	stream.indirect.gather [hbm4b:s0+s17], $0x80, s4, s17, $0xb8;
	[tilespmem:$0x1B250] =	vst v63  }
0x64: {  	_ =	swait.ge [sflag:s18], $0x10000  }
0x65: {  	[sflag:s18] =	ssyncset.done $0x0  }
0x66: {  	[sflag:s18] =	ssyncadd.s32 $0xFFFF0000  }
0x67: {  	[spmem:s2] =	stream.indirect.scatter.add.f32 [tilespmem:s16], [sflag:$0x2], $0x80, s17, s17, $0xb8;
	[tilespmem:$0x1B250] =	vst v63  }
0x68: {  	_ =	swait.ge [sflag:s11], $0x10000  }
0x69: {  	[sflag:s11] =	ssyncset.done $0x0  }
0x6a: {  	[sflag:s11] =	ssyncadd.s32 $0xFFFF0000  }
0x6b: {  	[spmem:s3] =	stream.indirect.scatter.add.f32 [tilespmem:s19], [sflag:$0x2], $0x1, s17, s17, $0xb8;
	[tilespmem:$0x1B250] =	vst v63  }
0x6c: {  	_ =	swait.ge [sflag:s11], $0x200  }
0x6d: {  	[sflag:s11] =	ssyncset.done $0x0  }
0x6e: {  	s21 =	sadd.s32 s1, s21;
	[sflag:s11] =	ssyncadd.s32 $0xFFFFFE00  }
0x6f: {  	[tilespmem:s4], [sflag:$0x2] =	stream.strided.gather [hbm4b:s21+s15], $0x200, s16, s15, $0x38;
	[tilespmem:$0x1B250] =	vst v63  }
0x70: {  	_ =	swait.ge [sflag:s11], $0x200  }
0x71: {  	[sflag:s11] =	ssyncset.done $0x0  }
0x72: {  	s30 =	rddreg [dreg:$0xb];
	[sflag:s11] =	ssyncadd.s32 $0xFFFFFE00  }
0x73: {  	[tilespmem:s17], [sflag:$0x2] =	stream.strided.gather [hbm4b:s30+s15], $0x200, s16, s15, $0x38;
	[tilespmem:$0x1B250] =	vst v63  }
0x74: {  	_ =	swait.ge [sflag:s11], $0x200  }
0x75: {  	[sflag:s11] =	ssyncset.done $0x0  }
0x76: {  	[sflag:s11] =	ssyncadd.s32 $0xFFFFFE00  }
0x77: {  	[tilespmem:s16], [sflag:$0x1] =	stream.indirect.gather [hbm4b:s0+s17], $0x80, s4, s17, $0xb8;
	[tilespmem:$0x1B250] =	vst v63  }
0x78: {  	_ =	swait.ge [sflag:s18], $0x10000  }
0x79: {  	[sflag:s18] =	ssyncset.done $0x0  }
0x7a: {  	[sflag:s18] =	ssyncadd.s32 $0xFFFF0000  }
0x7b: {  	[spmem:s2] =	stream.indirect.scatter.add.f32 [tilespmem:s16], [sflag:$0x2], $0x80, s17, s17, $0xb8;
	[tilespmem:$0x1B250] =	vst v63  }
0x7c: {  	_ =	swait.ge [sflag:s11], $0x10000  }
0x7d: {  	[sflag:s11] =	ssyncset.done $0x0  }
0x7e: {  	[sflag:s11] =	ssyncadd.s32 $0xFFFF0000  }
0x7f: {  	[spmem:s3] =	stream.indirect.scatter.add.f32 [tilespmem:s19], [sflag:$0x2], $0x1, s17, s17, $0xb8;
	[tilespmem:$0x1B250] =	vst v63  }
0x80: {  	_ =	swait.ge [sflag:s11], $0x200  }
0x81: {  	[sflag:s11] =	ssyncset.done $0x0  }
0x82: {  	s22 =	sadd.s32 s1, s22;
	[sflag:s11] =	ssyncadd.s32 $0xFFFFFE00  }
0x83: {  	[tilespmem:s4], [sflag:$0x2] =	stream.strided.gather [hbm4b:s22+s15], $0x200, s16, s15, $0x38;
	[tilespmem:$0x1B250] =	vst v63  }
0x84: {  	_ =	swait.ge [sflag:s11], $0x200  }
0x85: {  	[sflag:s11] =	ssyncset.done $0x0  }
0x86: {  	s30 =	rddreg [dreg:$0xc];
	[sflag:s11] =	ssyncadd.s32 $0xFFFFFE00  }
0x87: {  	[tilespmem:s17], [sflag:$0x2] =	stream.strided.gather [hbm4b:s30+s15], $0x200, s16, s15, $0x38;
	[tilespmem:$0x1B250] =	vst v63  }
0x88: {  	_ =	swait.ge [sflag:s11], $0x200  }
0x89: {  	[sflag:s11] =	ssyncset.done $0x0  }
0x8a: {  	[sflag:s11] =	ssyncadd.s32 $0xFFFFFE00  }
0x8b: {  	[tilespmem:s16], [sflag:$0x1] =	stream.indirect.gather [hbm4b:s0+s17], $0x80, s4, s17, $0xb8;
	[tilespmem:$0x1B250] =	vst v63  }
0x8c: {  	_ =	swait.ge [sflag:s18], $0x10000  }
0x8d: {  	[sflag:s18] =	ssyncset.done $0x0  }
0x8e: {  	[sflag:s18] =	ssyncadd.s32 $0xFFFF0000  }
0x8f: {  	[spmem:s2] =	stream.indirect.scatter.add.f32 [tilespmem:s16], [sflag:$0x2], $0x80, s17, s17, $0xb8;
	[tilespmem:$0x1B250] =	vst v63  }
0x90: {  	_ =	swait.ge [sflag:s11], $0x10000  }
0x91: {  	[sflag:s11] =	ssyncset.done $0x0  }
0x92: {  	[sflag:s11] =	ssyncadd.s32 $0xFFFF0000  }
0x93: {  	[spmem:s3] =	stream.indirect.scatter.add.f32 [tilespmem:s19], [sflag:$0x2], $0x1, s17, s17, $0xb8;
	[tilespmem:$0x1B250] =	vst v63  }
0x94: {  	_ =	swait.ge [sflag:s11], $0x200  }
0x95: {  	[sflag:s11] =	ssyncset.done $0x0  }
0x96: {  	s23 =	sadd.s32 s1, s23;
	[sflag:s11] =	ssyncadd.s32 $0xFFFFFE00  }
0x97: {  	[tilespmem:s4], [sflag:$0x2] =	stream.strided.gather [hbm4b:s23+s15], $0x200, s16, s15, $0x38;
	[tilespmem:$0x1B250] =	vst v63  }
0x98: {  	_ =	swait.ge [sflag:s11], $0x200  }
0x99: {  	[sflag:s11] =	ssyncset.done $0x0  }
0x9a: {  	s30 =	rddreg [dreg:$0xd];
	[sflag:s11] =	ssyncadd.s32 $0xFFFFFE00  }
0x9b: {  	[tilespmem:s17], [sflag:$0x2] =	stream.strided.gather [hbm4b:s30+s15], $0x200, s16, s15, $0x38;
	[tilespmem:$0x1B250] =	vst v63  }
0x9c: {  	_ =	swait.ge [sflag:s11], $0x200  }
0x9d: {  	[sflag:s11] =	ssyncset.done $0x0  }
0x9e: {  	[sflag:s11] =	ssyncadd.s32 $0xFFFFFE00  }
0x9f: {  	[tilespmem:s16], [sflag:$0x1] =	stream.indirect.gather [hbm4b:s0+s17], $0x80, s4, s17, $0xb8;
	[tilespmem:$0x1B250] =	vst v63  }
0xa0: {  	_ =	swait.ge [sflag:s18], $0x10000  }
0xa1: {  	[sflag:s18] =	ssyncset.done $0x0  }
0xa2: {  	[sflag:s18] =	ssyncadd.s32 $0xFFFF0000  }
0xa3: {  	[spmem:s2] =	stream.indirect.scatter.add.f32 [tilespmem:s16], [sflag:$0x2], $0x80, s17, s17, $0xb8;
	[tilespmem:$0x1B250] =	vst v63  }
0xa4: {  	_ =	swait.ge [sflag:s11], $0x10000  }
0xa5: {  	[sflag:s11] =	ssyncset.done $0x0  }
0xa6: {  	[sflag:s11] =	ssyncadd.s32 $0xFFFF0000  }
0xa7: {  	[spmem:s3] =	stream.indirect.scatter.add.f32 [tilespmem:s19], [sflag:$0x2], $0x1, s17, s17, $0xb8;
	[tilespmem:$0x1B250] =	vst v63  }
0xa8: {  	_ =	swait.ge [sflag:s11], $0x200  }
0xa9: {  	[sflag:s11] =	ssyncset.done $0x0  }
0xaa: {  	s24 =	sadd.s32 s1, s24;
	[sflag:s11] =	ssyncadd.s32 $0xFFFFFE00  }
0xab: {  	[tilespmem:s4], [sflag:$0x2] =	stream.strided.gather [hbm4b:s24+s15], $0x200, s16, s15, $0x38;
	[tilespmem:$0x1B250] =	vst v63  }
0xac: {  	_ =	swait.ge [sflag:s11], $0x200  }
0xad: {  	[sflag:s11] =	ssyncset.done $0x0  }
0xae: {  	s30 =	rddreg [dreg:$0xe];
	[sflag:s11] =	ssyncadd.s32 $0xFFFFFE00  }
0xaf: {  	[tilespmem:s17], [sflag:$0x2] =	stream.strided.gather [hbm4b:s30+s15], $0x200, s16, s15, $0x38;
	[tilespmem:$0x1B250] =	vst v63  }
0xb0: {  	_ =	swait.ge [sflag:s11], $0x200  }
0xb1: {  	[sflag:s11] =	ssyncset.done $0x0  }
0xb2: {  	[sflag:s11] =	ssyncadd.s32 $0xFFFFFE00  }
0xb3: {  	[tilespmem:s16], [sflag:$0x1] =	stream.indirect.gather [hbm4b:s0+s17], $0x80, s4, s17, $0xb8;
	[tilespmem:$0x1B250] =	vst v63  }
0xb4: {  	_ =	swait.ge [sflag:s18], $0x10000  }
0xb5: {  	[sflag:s18] =	ssyncset.done $0x0  }
0xb6: {  	[sflag:s18] =	ssyncadd.s32 $0xFFFF0000  }
0xb7: {  	[spmem:s2] =	stream.indirect.scatter.add.f32 [tilespmem:s16], [sflag:$0x2], $0x80, s17, s17, $0xb8;
	[tilespmem:$0x1B250] =	vst v63  }
0xb8: {  	_ =	swait.ge [sflag:s11], $0x10000  }
0xb9: {  	[sflag:s11] =	ssyncset.done $0x0  }
0xba: {  	[sflag:s11] =	ssyncadd.s32 $0xFFFF0000  }
0xbb: {  	[spmem:s3] =	stream.indirect.scatter.add.f32 [tilespmem:s19], [sflag:$0x2], $0x1, s17, s17, $0xb8;
	[tilespmem:$0x1B250] =	vst v63  }
0xbc: {  	_ =	swait.ge [sflag:s11], $0x200  }
0xbd: {  	[sflag:s11] =	ssyncset.done $0x0  }
0xbe: {  	s25 =	sadd.s32 s1, s25;
	[sflag:s11] =	ssyncadd.s32 $0xFFFFFE00  }
0xbf: {  	[tilespmem:s4], [sflag:$0x2] =	stream.strided.gather [hbm4b:s25+s15], $0x200, s16, s15, $0x38;
	[tilespmem:$0x1B250] =	vst v63  }
0xc0: {  	_ =	swait.ge [sflag:s11], $0x200  }
0xc1: {  	[sflag:s11] =	ssyncset.done $0x0  }
0xc2: {  	s30 =	rddreg [dreg:$0xf];
	[sflag:s11] =	ssyncadd.s32 $0xFFFFFE00  }
0xc3: {  	[tilespmem:s17], [sflag:$0x2] =	stream.strided.gather [hbm4b:s30+s15], $0x200, s16, s15, $0x38;
	[tilespmem:$0x1B250] =	vst v63  }
0xc4: {  	_ =	swait.ge [sflag:s11], $0x200  }
0xc5: {  	[sflag:s11] =	ssyncset.done $0x0  }
0xc6: {  	[sflag:s11] =	ssyncadd.s32 $0xFFFFFE00  }
0xc7: {  	[tilespmem:s16], [sflag:$0x1] =	stream.indirect.gather [hbm4b:s0+s17], $0x80, s4, s17, $0xb8;
	[tilespmem:$0x1B250] =	vst v63  }
0xc8: {  	_ =	swait.ge [sflag:s18], $0x10000  }
0xc9: {  	[sflag:s18] =	ssyncset.done $0x0  }
0xca: {  	[sflag:s18] =	ssyncadd.s32 $0xFFFF0000  }
0xcb: {  	[spmem:s2] =	stream.indirect.scatter.add.f32 [tilespmem:s16], [sflag:$0x2], $0x80, s17, s17, $0xb8;
	[tilespmem:$0x1B250] =	vst v63  }
0xcc: {  	_ =	swait.ge [sflag:s11], $0x10000  }
0xcd: {  	[sflag:s11] =	ssyncset.done $0x0  }
0xce: {  	[sflag:s11] =	ssyncadd.s32 $0xFFFF0000  }
0xcf: {  	[spmem:s3] =	stream.indirect.scatter.add.f32 [tilespmem:s19], [sflag:$0x2], $0x1, s17, s17, $0xb8;
	[tilespmem:$0x1B250] =	vst v63  }
0xd0: {  	_ =	swait.ge [sflag:s11], $0x200  }
0xd1: {  	[sflag:s11] =	ssyncset.done $0x0  }
0xd2: {  	s26 =	sadd.s32 s1, s26;
	[sflag:s11] =	ssyncadd.s32 $0xFFFFFE00  }
0xd3: {  	[tilespmem:s4], [sflag:$0x2] =	stream.strided.gather [hbm4b:s26+s15], $0x200, s16, s15, $0x38;
	[tilespmem:$0x1B250] =	vst v63  }
0xd4: {  	_ =	swait.ge [sflag:s11], $0x200  }
0xd5: {  	[sflag:s11] =	ssyncset.done $0x0  }
0xd6: {  	s30 =	rddreg [dreg:$0x10];
	[sflag:s11] =	ssyncadd.s32 $0xFFFFFE00  }
0xd7: {  	[tilespmem:s17], [sflag:$0x2] =	stream.strided.gather [hbm4b:s30+s15], $0x200, s16, s15, $0x38;
	[tilespmem:$0x1B250] =	vst v63  }
0xd8: {  	_ =	swait.ge [sflag:s11], $0x200  }
0xd9: {  	[sflag:s11] =	ssyncset.done $0x0  }
0xda: {  	[sflag:s11] =	ssyncadd.s32 $0xFFFFFE00  }
0xdb: {  	[tilespmem:s16], [sflag:$0x1] =	stream.indirect.gather [hbm4b:s0+s17], $0x80, s4, s17, $0xb8;
	[tilespmem:$0x1B250] =	vst v63  }
0xdc: {  	_ =	swait.ge [sflag:s18], $0x10000  }
0xdd: {  	[sflag:s18] =	ssyncset.done $0x0  }
0xde: {  	[sflag:s18] =	ssyncadd.s32 $0xFFFF0000  }
0xdf: {  	[spmem:s2] =	stream.indirect.scatter.add.f32 [tilespmem:s16], [sflag:$0x2], $0x80, s17, s17, $0xb8;
	[tilespmem:$0x1B250] =	vst v63  }
0xe0: {  	_ =	swait.ge [sflag:s11], $0x10000  }
0xe1: {  	[sflag:s11] =	ssyncset.done $0x0  }
0xe2: {  	[sflag:s11] =	ssyncadd.s32 $0xFFFF0000  }
0xe3: {  	[spmem:s3] =	stream.indirect.scatter.add.f32 [tilespmem:s19], [sflag:$0x2], $0x1, s17, s17, $0xb8;
	[tilespmem:$0x1B250] =	vst v63  }
0xe4: {  	_ =	swait.ge [sflag:s11], $0x200  }
0xe5: {  	[sflag:s11] =	ssyncset.done $0x0  }
0xe6: {  	s28 =	sadd.s32 s1, s28;
	[sflag:s11] =	ssyncadd.s32 $0xFFFFFE00  }
0xe7: {  	[tilespmem:s4], [sflag:$0x2] =	stream.strided.gather [hbm4b:s28+s15], $0x200, s16, s15, $0x38;
	[tilespmem:$0x1B250] =	vst v63  }
0xe8: {  	_ =	swait.ge [sflag:s11], $0x200  }
0xe9: {  	[sflag:s11] =	ssyncset.done $0x0  }
0xea: {  	s30 =	rddreg [dreg:$0x11];
	[sflag:s11] =	ssyncadd.s32 $0xFFFFFE00  }
0xeb: {  	[tilespmem:s17], [sflag:$0x2] =	stream.strided.gather [hbm4b:s30+s15], $0x200, s16, s15, $0x38;
	[tilespmem:$0x1B250] =	vst v63  }
0xec: {  	_ =	swait.ge [sflag:s11], $0x200  }
0xed: {  	[sflag:s11] =	ssyncset.done $0x0  }
0xee: {  	[sflag:s11] =	ssyncadd.s32 $0xFFFFFE00  }
0xef: {  	[tilespmem:s16], [sflag:$0x1] =	stream.indirect.gather [hbm4b:s0+s17], $0x80, s4, s17, $0xb8;
	[tilespmem:$0x1B250] =	vst v63  }
0xf0: {  	_ =	swait.ge [sflag:s18], $0x10000  }
0xf1: {  	[sflag:s18] =	ssyncset.done $0x0  }
0xf2: {  	[sflag:s18] =	ssyncadd.s32 $0xFFFF0000  }
0xf3: {  	[spmem:s2] =	stream.indirect.scatter.add.f32 [tilespmem:s16], [sflag:$0x2], $0x80, s17, s17, $0xb8;
	[tilespmem:$0x1B250] =	vst v63  }
0xf4: {  	_ =	swait.ge [sflag:s11], $0x10000  }
0xf5: {  	[sflag:s11] =	ssyncset.done $0x0  }
0xf6: {  	[sflag:s11] =	ssyncadd.s32 $0xFFFF0000  }
0xf7: {  	[spmem:s3] =	stream.indirect.scatter.add.f32 [tilespmem:s19], [sflag:$0x2], $0x1, s17, s17, $0xb8;
	[tilespmem:$0x1B250] =	vst v63  }
0xf8: {  	_ =	swait.ge [sflag:s11], $0x200  }
0xf9: {  	[sflag:s11] =	ssyncset.done $0x0  }
0xfa: {  	s29 =	sadd.s32 s1, s29;
	[sflag:s11] =	ssyncadd.s32 $0xFFFFFE00  }
0xfb: {  	[tilespmem:s4], [sflag:$0x2] =	stream.strided.gather [hbm4b:s29+s15], $0x200, s16, s15, $0x38;
	[tilespmem:$0x1B250] =	vst v63  }
0xfc: {  	_ =	swait.ge [sflag:s11], $0x200  }
0xfd: {  	[sflag:s11] =	ssyncset.done $0x0  }
0xfe: {  	s13 =	rddreg [dreg:$0x12];
	[sflag:s11] =	ssyncadd.s32 $0xFFFFFE00  }
0xff: {  	[tilespmem:s17], [sflag:$0x2] =	stream.strided.gather [hbm4b:s13+s15], $0x200, s16, s15, $0x38;
	[tilespmem:$0x1B250] =	vst v63  }
0x100: {  	_ =	swait.ge [sflag:s11], $0x200  }
0x101: {  	[sflag:s11] =	ssyncset.done $0x0  }
0x102: {  	[sflag:s11] =	ssyncadd.s32 $0xFFFFFE00  }
0x103: {  	[tilespmem:s16], [sflag:$0x1] =	stream.indirect.gather [hbm4b:s0+s17], $0x80, s4, s17, $0xb8;
	[tilespmem:$0x1B250] =	vst v63  }
0x104: {  	_ =	swait.ge [sflag:s18], $0x10000  }
0x105: {  	[sflag:s18] =	ssyncset.done $0x0  }
0x106: {  	[sflag:s18] =	ssyncadd.s32 $0xFFFF0000  }
0x107: {  	[spmem:s2] =	stream.indirect.scatter.add.f32 [tilespmem:s16], [sflag:$0x2], $0x80, s17, s17, $0xb8;
	[tilespmem:$0x1B250] =	vst v63  }
0x108: {  	_ =	swait.ge [sflag:s11], $0x10000  }
0x109: {  	[sflag:s11] =	ssyncset.done $0x0  }
0x10a: {  	[sflag:s11] =	ssyncadd.s32 $0xFFFF0000  }
0x10b: {  	[spmem:s3] =	stream.indirect.scatter.add.f32 [tilespmem:s19], [sflag:$0x2], $0x1, s17, s17, $0xb8;
	[tilespmem:$0x1B250] =	vst v63  }
0x10c: {  	s13 =	smul.u32 $0x28000, s9;
	_ =	swait.ge [sflag:s11], $0x200  }
0x10d: {  	[sflag:s11] =	ssyncset.done $0x0  }
0x10e: {  	s1 =	sshrl.u32 s13, $0x2;
	[sflag:s11] =	ssyncadd.s32 $0xFFFFFE00  }
0x10f: {  	s1 =	sadd.s32 s1, s2;
	[bflag:$0x0] =	sbarrier.arrive $0xFFFF  }
0x110: {  	s30 =	sshrl.u32 s1, $0x3;
	[dreg:$0x1f] =	wrdreg s7  }
0x111: {  	[hbm:s7], [sflag:s8] =	dma.local [spmem:s30], $0x1400  }
0x112: {  	_ =	swait.ge [sflag:s11], $0x1400  }
0x113: {  	[sflag:s11] =	ssyncset.done $0x0  }
0x114: {  	s31 =	sadd.s32 s31, s3;
	s1 =	simm.s32 $0x10780;
	[sflag:s11] =	ssyncadd.s32 $0xFFFFEC00  }
0x115: {  	[tilespmem:s1], [sflag:$0x2] =	stream.linear.gather [spmem:s31], $0x140, $0x38;
	[tilespmem:$0x1B250] =	vst v63  }
0x116: {  	_ =	swait.ge [sflag:s11], $0x140  }
0x117: {  	[sflag:s11] =	ssyncset.done $0x0  }
0x118: {  	[sflag:s11] =	ssyncadd.s32 $0xFFFFFEC0  }
0x119: {  	[hbm4b:s5+s4] =	stream.linear.scatter [tilespmem:s1], [sflag:$0x2], $0x140, $0x38;
	[tilespmem:$0x1B250] =	vst v63  }
0x11a: {  	_ =	swait.ge [sflag:s11], $0x140  }
0x11b: {  	[sflag:s11] =	ssyncset.done $0x0  }
0x11c: {  	[sflag:s11] =	ssyncadd.s32 $0xFFFFFEC0  }
0x11d: {  	[bflag:$0x0] =	sbarrier.arrive $0xFFFF  }
0x11e: {  	[spmem:s10], [sflag:s8] =	dma.local [hbm:s6], $0x1500  }
0x11f: {  	_ =	swait.ge [sflag:s11], $0x1500  }
0x120: {  	[sflag:s11] =	ssyncset.done $0x0  }
0x121: {  	s9 =	simm.s32 $0x10600;
	[sflag:s11] =	ssyncadd.s32 $0xFFFFEB00  }
0x122: {  	[spmem:s12] =	stream.linear.scatter [tilespmem:s9], [sflag:$0x2], $0x150, $0x38;
	[tilespmem:$0x1B250] =	vst v63  }
0x123: {  	_ =	swait.ge [sflag:s11], $0x150  }
0x124: {  	[sflag:s11] =	ssyncset.done $0x0  }
0x125: {  	[sflag:s11] =	ssyncadd.s32 $0xFFFFFEB0  }
0x126: {  	[bflag:$0x0] =	sbarrier.arrive $0xFFFF  }
0x127: {  	[tilespmem:s4], [sflag:$0x2] =	stream.strided.gather [hbm4b:s14+s15], $0x200, s16, s15, $0x38;
	[tilespmem:$0x1B250] =	vst v63  }
0x128: {  	_ =	swait.ge [sflag:s11], $0x200  }
0x129: {  	[sflag:s11] =	ssyncset.done $0x0  }
0x12a: {  	s7 =	rddreg [dreg:$0x13];
	[sflag:s11] =	ssyncadd.s32 $0xFFFFFE00  }
0x12b: {  	[tilespmem:s17], [sflag:$0x2] =	stream.strided.gather [hbm4b:s7+s15], $0x200, s16, s15, $0x38;
	[tilespmem:$0x1B250] =	vst v63  }
0x12c: {  	_ =	swait.ge [sflag:s11], $0x200  }
0x12d: {  	[sflag:s11] =	ssyncset.done $0x0  }
0x12e: {  	[sflag:s11] =	ssyncadd.s32 $0xFFFFFE00  }
0x12f: {  	[tilespmem:s16], [sflag:$0x1] =	stream.indirect.gather [hbm4b:s0+s17], $0x80, s4, s17, $0xb8;
	[tilespmem:$0x1B250] =	vst v63  }
0x130: {  	_ =	swait.ge [sflag:s18], $0x10000  }
0x131: {  	[sflag:s18] =	ssyncset.done $0x0  }
0x132: {  	[sflag:s18] =	ssyncadd.s32 $0xFFFF0000  }
0x133: {  	[spmem:s2] =	stream.indirect.scatter.add.f32 [tilespmem:s16], [sflag:$0x2], $0x80, s17, s17, $0xb8;
	[tilespmem:$0x1B250] =	vst v63  }
0x134: {  	_ =	swait.ge [sflag:s11], $0x10000  }
0x135: {  	[sflag:s11] =	ssyncset.done $0x0  }
0x136: {  	[sflag:s11] =	ssyncadd.s32 $0xFFFF0000  }
0x137: {  	[spmem:s3] =	stream.indirect.scatter.add.f32 [tilespmem:s19], [sflag:$0x2], $0x1, s17, s17, $0xb8;
	[tilespmem:$0x1B250] =	vst v63  }
0x138: {  	_ =	swait.ge [sflag:s11], $0x200  }
0x139: {  	[sflag:s11] =	ssyncset.done $0x0  }
0x13a: {  	[sflag:s11] =	ssyncadd.s32 $0xFFFFFE00  }
0x13b: {  	[tilespmem:s4], [sflag:$0x2] =	stream.strided.gather [hbm4b:s20+s15], $0x200, s16, s15, $0x38;
	[tilespmem:$0x1B250] =	vst v63  }
0x13c: {  	_ =	swait.ge [sflag:s11], $0x200  }
0x13d: {  	[sflag:s11] =	ssyncset.done $0x0  }
0x13e: {  	s9 =	rddreg [dreg:$0x14];
	[sflag:s11] =	ssyncadd.s32 $0xFFFFFE00  }
0x13f: {  	[tilespmem:s17], [sflag:$0x2] =	stream.strided.gather [hbm4b:s9+s15], $0x200, s16, s15, $0x38;
	[tilespmem:$0x1B250] =	vst v63  }
0x140: {  	_ =	swait.ge [sflag:s11], $0x200  }
0x141: {  	[sflag:s11] =	ssyncset.done $0x0  }
0x142: {  	[sflag:s11] =	ssyncadd.s32 $0xFFFFFE00  }
0x143: {  	[tilespmem:s16], [sflag:$0x1] =	stream.indirect.gather [hbm4b:s0+s17], $0x80, s4, s17, $0xb8;
	[tilespmem:$0x1B250] =	vst v63  }
0x144: {  	_ =	swait.ge [sflag:s18], $0x10000  }
0x145: {  	[sflag:s18] =	ssyncset.done $0x0  }
0x146: {  	[sflag:s18] =	ssyncadd.s32 $0xFFFF0000  }
0x147: {  	[spmem:s2] =	stream.indirect.scatter.add.f32 [tilespmem:s16], [sflag:$0x2], $0x80, s17, s17, $0xb8;
	[tilespmem:$0x1B250] =	vst v63  }
0x148: {  	_ =	swait.ge [sflag:s11], $0x10000  }
0x149: {  	[sflag:s11] =	ssyncset.done $0x0  }
0x14a: {  	[sflag:s11] =	ssyncadd.s32 $0xFFFF0000  }
0x14b: {  	[spmem:s3] =	stream.indirect.scatter.add.f32 [tilespmem:s19], [sflag:$0x2], $0x1, s17, s17, $0xb8;
	[tilespmem:$0x1B250] =	vst v63  }
0x14c: {  	_ =	swait.ge [sflag:s11], $0x200  }
0x14d: {  	[sflag:s11] =	ssyncset.done $0x0  }
0x14e: {  	[sflag:s11] =	ssyncadd.s32 $0xFFFFFE00  }
0x14f: {  	[tilespmem:s4], [sflag:$0x2] =	stream.strided.gather [hbm4b:s21+s15], $0x200, s16, s15, $0x38;
	[tilespmem:$0x1B250] =	vst v63  }
0x150: {  	_ =	swait.ge [sflag:s11], $0x200  }
0x151: {  	[sflag:s11] =	ssyncset.done $0x0  }
0x152: {  	s7 =	rddreg [dreg:$0x15];
	[sflag:s11] =	ssyncadd.s32 $0xFFFFFE00  }
0x153: {  	[tilespmem:s17], [sflag:$0x2] =	stream.strided.gather [hbm4b:s7+s15], $0x200, s16, s15, $0x38;
	[tilespmem:$0x1B250] =	vst v63  }
0x154: {  	_ =	swait.ge [sflag:s11], $0x200  }
0x155: {  	[sflag:s11] =	ssyncset.done $0x0  }
0x156: {  	[sflag:s11] =	ssyncadd.s32 $0xFFFFFE00  }
0x157: {  	[tilespmem:s16], [sflag:$0x1] =	stream.indirect.gather [hbm4b:s0+s17], $0x80, s4, s17, $0xb8;
	[tilespmem:$0x1B250] =	vst v63  }
0x158: {  	_ =	swait.ge [sflag:s18], $0x10000  }
0x159: {  	[sflag:s18] =	ssyncset.done $0x0  }
0x15a: {  	[sflag:s18] =	ssyncadd.s32 $0xFFFF0000  }
0x15b: {  	[spmem:s2] =	stream.indirect.scatter.add.f32 [tilespmem:s16], [sflag:$0x2], $0x80, s17, s17, $0xb8;
	[tilespmem:$0x1B250] =	vst v63  }
0x15c: {  	_ =	swait.ge [sflag:s11], $0x10000  }
0x15d: {  	[sflag:s11] =	ssyncset.done $0x0  }
0x15e: {  	[sflag:s11] =	ssyncadd.s32 $0xFFFF0000  }
0x15f: {  	[spmem:s3] =	stream.indirect.scatter.add.f32 [tilespmem:s19], [sflag:$0x2], $0x1, s17, s17, $0xb8;
	[tilespmem:$0x1B250] =	vst v63  }
0x160: {  	_ =	swait.ge [sflag:s11], $0x200  }
0x161: {  	[sflag:s11] =	ssyncset.done $0x0  }
0x162: {  	[sflag:s11] =	ssyncadd.s32 $0xFFFFFE00  }
0x163: {  	[tilespmem:s4], [sflag:$0x2] =	stream.strided.gather [hbm4b:s22+s15], $0x200, s16, s15, $0x38;
	[tilespmem:$0x1B250] =	vst v63  }
0x164: {  	_ =	swait.ge [sflag:s11], $0x200  }
0x165: {  	[sflag:s11] =	ssyncset.done $0x0  }
0x166: {  	s9 =	rddreg [dreg:$0x16];
	[sflag:s11] =	ssyncadd.s32 $0xFFFFFE00  }
0x167: {  	[tilespmem:s17], [sflag:$0x2] =	stream.strided.gather [hbm4b:s9+s15], $0x200, s16, s15, $0x38;
	[tilespmem:$0x1B250] =	vst v63  }
0x168: {  	_ =	swait.ge [sflag:s11], $0x200  }
0x169: {  	[sflag:s11] =	ssyncset.done $0x0  }
0x16a: {  	[sflag:s11] =	ssyncadd.s32 $0xFFFFFE00  }
0x16b: {  	[tilespmem:s16], [sflag:$0x1] =	stream.indirect.gather [hbm4b:s0+s17], $0x80, s4, s17, $0xb8;
	[tilespmem:$0x1B250] =	vst v63  }
0x16c: {  	_ =	swait.ge [sflag:s18], $0x10000  }
0x16d: {  	[sflag:s18] =	ssyncset.done $0x0  }
0x16e: {  	[sflag:s18] =	ssyncadd.s32 $0xFFFF0000  }
0x16f: {  	[spmem:s2] =	stream.indirect.scatter.add.f32 [tilespmem:s16], [sflag:$0x2], $0x80, s17, s17, $0xb8;
	[tilespmem:$0x1B250] =	vst v63  }
0x170: {  	_ =	swait.ge [sflag:s11], $0x10000  }
0x171: {  	[sflag:s11] =	ssyncset.done $0x0  }
0x172: {  	[sflag:s11] =	ssyncadd.s32 $0xFFFF0000  }
0x173: {  	[spmem:s3] =	stream.indirect.scatter.add.f32 [tilespmem:s19], [sflag:$0x2], $0x1, s17, s17, $0xb8;
	[tilespmem:$0x1B250] =	vst v63  }
0x174: {  	_ =	swait.ge [sflag:s11], $0x200  }
0x175: {  	[sflag:s11] =	ssyncset.done $0x0  }
0x176: {  	[sflag:s11] =	ssyncadd.s32 $0xFFFFFE00  }
0x177: {  	[tilespmem:s4], [sflag:$0x2] =	stream.strided.gather [hbm4b:s23+s15], $0x200, s16, s15, $0x38;
	[tilespmem:$0x1B250] =	vst v63  }
0x178: {  	_ =	swait.ge [sflag:s11], $0x200  }
0x179: {  	[sflag:s11] =	ssyncset.done $0x0  }
0x17a: {  	s7 =	rddreg [dreg:$0x17];
	[sflag:s11] =	ssyncadd.s32 $0xFFFFFE00  }
0x17b: {  	[tilespmem:s17], [sflag:$0x2] =	stream.strided.gather [hbm4b:s7+s15], $0x200, s16, s15, $0x38;
	[tilespmem:$0x1B250] =	vst v63  }
0x17c: {  	_ =	swait.ge [sflag:s11], $0x200  }
0x17d: {  	[sflag:s11] =	ssyncset.done $0x0  }
0x17e: {  	[sflag:s11] =	ssyncadd.s32 $0xFFFFFE00  }
0x17f: {  	[tilespmem:s16], [sflag:$0x1] =	stream.indirect.gather [hbm4b:s0+s17], $0x80, s4, s17, $0xb8;
	[tilespmem:$0x1B250] =	vst v63  }
0x180: {  	_ =	swait.ge [sflag:s18], $0x10000  }
0x181: {  	[sflag:s18] =	ssyncset.done $0x0  }
0x182: {  	[sflag:s18] =	ssyncadd.s32 $0xFFFF0000  }
0x183: {  	[spmem:s2] =	stream.indirect.scatter.add.f32 [tilespmem:s16], [sflag:$0x2], $0x80, s17, s17, $0xb8;
	[tilespmem:$0x1B250] =	vst v63  }
0x184: {  	_ =	swait.ge [sflag:s11], $0x10000  }
0x185: {  	[sflag:s11] =	ssyncset.done $0x0  }
0x186: {  	[sflag:s11] =	ssyncadd.s32 $0xFFFF0000  }
0x187: {  	[spmem:s3] =	stream.indirect.scatter.add.f32 [tilespmem:s19], [sflag:$0x2], $0x1, s17, s17, $0xb8;
	[tilespmem:$0x1B250] =	vst v63  }
0x188: {  	_ =	swait.ge [sflag:s11], $0x200  }
0x189: {  	[sflag:s11] =	ssyncset.done $0x0  }
0x18a: {  	[sflag:s11] =	ssyncadd.s32 $0xFFFFFE00  }
0x18b: {  	[tilespmem:s4], [sflag:$0x2] =	stream.strided.gather [hbm4b:s24+s15], $0x200, s16, s15, $0x38;
	[tilespmem:$0x1B250] =	vst v63  }
0x18c: {  	_ =	swait.ge [sflag:s11], $0x200  }
0x18d: {  	[sflag:s11] =	ssyncset.done $0x0  }
0x18e: {  	s9 =	rddreg [dreg:$0x18];
	[sflag:s11] =	ssyncadd.s32 $0xFFFFFE00  }
0x18f: {  	[tilespmem:s17], [sflag:$0x2] =	stream.strided.gather [hbm4b:s9+s15], $0x200, s16, s15, $0x38;
	[tilespmem:$0x1B250] =	vst v63  }
0x190: {  	_ =	swait.ge [sflag:s11], $0x200  }
0x191: {  	[sflag:s11] =	ssyncset.done $0x0  }
0x192: {  	[sflag:s11] =	ssyncadd.s32 $0xFFFFFE00  }
0x193: {  	[tilespmem:s16], [sflag:$0x1] =	stream.indirect.gather [hbm4b:s0+s17], $0x80, s4, s17, $0xb8;
	[tilespmem:$0x1B250] =	vst v63  }
0x194: {  	_ =	swait.ge [sflag:s18], $0x10000  }
0x195: {  	[sflag:s18] =	ssyncset.done $0x0  }
0x196: {  	[sflag:s18] =	ssyncadd.s32 $0xFFFF0000  }
0x197: {  	[spmem:s2] =	stream.indirect.scatter.add.f32 [tilespmem:s16], [sflag:$0x2], $0x80, s17, s17, $0xb8;
	[tilespmem:$0x1B250] =	vst v63  }
0x198: {  	_ =	swait.ge [sflag:s11], $0x10000  }
0x199: {  	[sflag:s11] =	ssyncset.done $0x0  }
0x19a: {  	[sflag:s11] =	ssyncadd.s32 $0xFFFF0000  }
0x19b: {  	[spmem:s3] =	stream.indirect.scatter.add.f32 [tilespmem:s19], [sflag:$0x2], $0x1, s17, s17, $0xb8;
	[tilespmem:$0x1B250] =	vst v63  }
0x19c: {  	_ =	swait.ge [sflag:s11], $0x200  }
0x19d: {  	[sflag:s11] =	ssyncset.done $0x0  }
0x19e: {  	[sflag:s11] =	ssyncadd.s32 $0xFFFFFE00  }
0x19f: {  	[tilespmem:s4], [sflag:$0x2] =	stream.strided.gather [hbm4b:s25+s15], $0x200, s16, s15, $0x38;
	[tilespmem:$0x1B250] =	vst v63  }
0x1a0: {  	_ =	swait.ge [sflag:s11], $0x200  }
0x1a1: {  	[sflag:s11] =	ssyncset.done $0x0  }
0x1a2: {  	s7 =	rddreg [dreg:$0x19];
	[sflag:s11] =	ssyncadd.s32 $0xFFFFFE00  }
0x1a3: {  	[tilespmem:s17], [sflag:$0x2] =	stream.strided.gather [hbm4b:s7+s15], $0x200, s16, s15, $0x38;
	[tilespmem:$0x1B250] =	vst v63  }
0x1a4: {  	_ =	swait.ge [sflag:s11], $0x200  }
0x1a5: {  	[sflag:s11] =	ssyncset.done $0x0  }
0x1a6: {  	[sflag:s11] =	ssyncadd.s32 $0xFFFFFE00  }
0x1a7: {  	[tilespmem:s16], [sflag:$0x1] =	stream.indirect.gather [hbm4b:s0+s17], $0x80, s4, s17, $0xb8;
	[tilespmem:$0x1B250] =	vst v63  }
0x1a8: {  	_ =	swait.ge [sflag:s18], $0x10000  }
0x1a9: {  	[sflag:s18] =	ssyncset.done $0x0  }
0x1aa: {  	[sflag:s18] =	ssyncadd.s32 $0xFFFF0000  }
0x1ab: {  	[spmem:s2] =	stream.indirect.scatter.add.f32 [tilespmem:s16], [sflag:$0x2], $0x80, s17, s17, $0xb8;
	[tilespmem:$0x1B250] =	vst v63  }
0x1ac: {  	_ =	swait.ge [sflag:s11], $0x10000  }
0x1ad: {  	[sflag:s11] =	ssyncset.done $0x0  }
0x1ae: {  	[sflag:s11] =	ssyncadd.s32 $0xFFFF0000  }
0x1af: {  	[spmem:s3] =	stream.indirect.scatter.add.f32 [tilespmem:s19], [sflag:$0x2], $0x1, s17, s17, $0xb8;
	[tilespmem:$0x1B250] =	vst v63  }
0x1b0: {  	_ =	swait.ge [sflag:s11], $0x200  }
0x1b1: {  	[sflag:s11] =	ssyncset.done $0x0  }
0x1b2: {  	[sflag:s11] =	ssyncadd.s32 $0xFFFFFE00  }
0x1b3: {  	[tilespmem:s4], [sflag:$0x2] =	stream.strided.gather [hbm4b:s26+s15], $0x200, s16, s15, $0x38;
	[tilespmem:$0x1B250] =	vst v63  }
0x1b4: {  	_ =	swait.ge [sflag:s11], $0x200  }
0x1b5: {  	[sflag:s11] =	ssyncset.done $0x0  }
0x1b6: {  	s9 =	rddreg [dreg:$0x1a];
	[sflag:s11] =	ssyncadd.s32 $0xFFFFFE00  }
0x1b7: {  	[tilespmem:s17], [sflag:$0x2] =	stream.strided.gather [hbm4b:s9+s15], $0x200, s16, s15, $0x38;
	[tilespmem:$0x1B250] =	vst v63  }
0x1b8: {  	_ =	swait.ge [sflag:s11], $0x200  }
0x1b9: {  	[sflag:s11] =	ssyncset.done $0x0  }
0x1ba: {  	[sflag:s11] =	ssyncadd.s32 $0xFFFFFE00  }
0x1bb: {  	[tilespmem:s16], [sflag:$0x1] =	stream.indirect.gather [hbm4b:s0+s17], $0x80, s4, s17, $0xb8;
	[tilespmem:$0x1B250] =	vst v63  }
0x1bc: {  	_ =	swait.ge [sflag:s18], $0x10000  }
0x1bd: {  	[sflag:s18] =	ssyncset.done $0x0  }
0x1be: {  	[sflag:s18] =	ssyncadd.s32 $0xFFFF0000  }
0x1bf: {  	[spmem:s2] =	stream.indirect.scatter.add.f32 [tilespmem:s16], [sflag:$0x2], $0x80, s17, s17, $0xb8;
	[tilespmem:$0x1B250] =	vst v63  }
0x1c0: {  	_ =	swait.ge [sflag:s11], $0x10000  }
0x1c1: {  	[sflag:s11] =	ssyncset.done $0x0  }
0x1c2: {  	[sflag:s11] =	ssyncadd.s32 $0xFFFF0000  }
0x1c3: {  	[spmem:s3] =	stream.indirect.scatter.add.f32 [tilespmem:s19], [sflag:$0x2], $0x1, s17, s17, $0xb8;
	[tilespmem:$0x1B250] =	vst v63  }
0x1c4: {  	_ =	swait.ge [sflag:s11], $0x200  }
0x1c5: {  	[sflag:s11] =	ssyncset.done $0x0  }
0x1c6: {  	[sflag:s11] =	ssyncadd.s32 $0xFFFFFE00  }
0x1c7: {  	[tilespmem:s4], [sflag:$0x2] =	stream.strided.gather [hbm4b:s28+s15], $0x200, s16, s15, $0x38;
	[tilespmem:$0x1B250] =	vst v63  }
0x1c8: {  	_ =	swait.ge [sflag:s11], $0x200  }
0x1c9: {  	[sflag:s11] =	ssyncset.done $0x0  }
0x1ca: {  	s7 =	rddreg [dreg:$0x1b];
	[sflag:s11] =	ssyncadd.s32 $0xFFFFFE00  }
0x1cb: {  	[tilespmem:s17], [sflag:$0x2] =	stream.strided.gather [hbm4b:s7+s15], $0x200, s16, s15, $0x38;
	[tilespmem:$0x1B250] =	vst v63  }
0x1cc: {  	_ =	swait.ge [sflag:s11], $0x200  }
0x1cd: {  	[sflag:s11] =	ssyncset.done $0x0  }
0x1ce: {  	[sflag:s11] =	ssyncadd.s32 $0xFFFFFE00  }
0x1cf: {  	[tilespmem:s16], [sflag:$0x1] =	stream.indirect.gather [hbm4b:s0+s17], $0x80, s4, s17, $0xb8;
	[tilespmem:$0x1B250] =	vst v63  }
0x1d0: {  	_ =	swait.ge [sflag:s18], $0x10000  }
0x1d1: {  	[sflag:s18] =	ssyncset.done $0x0  }
0x1d2: {  	[sflag:s18] =	ssyncadd.s32 $0xFFFF0000  }
0x1d3: {  	[spmem:s2] =	stream.indirect.scatter.add.f32 [tilespmem:s16], [sflag:$0x2], $0x80, s17, s17, $0xb8;
	[tilespmem:$0x1B250] =	vst v63  }
0x1d4: {  	_ =	swait.ge [sflag:s11], $0x10000  }
0x1d5: {  	[sflag:s11] =	ssyncset.done $0x0  }
0x1d6: {  	[sflag:s11] =	ssyncadd.s32 $0xFFFF0000  }
0x1d7: {  	[spmem:s3] =	stream.indirect.scatter.add.f32 [tilespmem:s19], [sflag:$0x2], $0x1, s17, s17, $0xb8;
	[tilespmem:$0x1B250] =	vst v63  }
0x1d8: {  	_ =	swait.ge [sflag:s11], $0x200  }
0x1d9: {  	[sflag:s11] =	ssyncset.done $0x0  }
0x1da: {  	[sflag:s11] =	ssyncadd.s32 $0xFFFFFE00  }
0x1db: {  	[tilespmem:s4], [sflag:$0x2] =	stream.strided.gather [hbm4b:s29+s15], $0x200, s16, s15, $0x38;
	[tilespmem:$0x1B250] =	vst v63  }
0x1dc: {  	_ =	swait.ge [sflag:s11], $0x200  }
0x1dd: {  	[sflag:s11] =	ssyncset.done $0x0  }
0x1de: {  	s9 =	rddreg [dreg:$0x1c];
	[sflag:s11] =	ssyncadd.s32 $0xFFFFFE00  }
0x1df: {  	[tilespmem:s17], [sflag:$0x2] =	stream.strided.gather [hbm4b:s9+s15], $0x200, s16, s15, $0x38;
	[tilespmem:$0x1B250] =	vst v63  }
0x1e0: {  	_ =	swait.ge [sflag:s11], $0x200  }
0x1e1: {  	[sflag:s11] =	ssyncset.done $0x0  }
0x1e2: {  	[sflag:s11] =	ssyncadd.s32 $0xFFFFFE00  }
0x1e3: {  	[tilespmem:s16], [sflag:$0x1] =	stream.indirect.gather [hbm4b:s0+s17], $0x80, s4, s17, $0xb8;
	[tilespmem:$0x1B250] =	vst v63  }
0x1e4: {  	_ =	swait.ge [sflag:s18], $0x10000  }
0x1e5: {  	[sflag:s18] =	ssyncset.done $0x0  }
0x1e6: {  	[sflag:s18] =	ssyncadd.s32 $0xFFFF0000  }
0x1e7: {  	[spmem:s2] =	stream.indirect.scatter.add.f32 [tilespmem:s16], [sflag:$0x2], $0x80, s17, s17, $0xb8;
	[tilespmem:$0x1B250] =	vst v63  }
0x1e8: {  	_ =	swait.ge [sflag:s11], $0x10000  }
0x1e9: {  	[sflag:s11] =	ssyncset.done $0x0  }
0x1ea: {  	[sflag:s11] =	ssyncadd.s32 $0xFFFF0000  }
0x1eb: {  	[spmem:s3] =	stream.indirect.scatter.add.f32 [tilespmem:s19], [sflag:$0x2], $0x1, s17, s17, $0xb8;
	[tilespmem:$0x1B250] =	vst v63  }
0x1ec: {  	_ =	swait.ge [sflag:s11], $0x200  }
0x1ed: {  	[sflag:s11] =	ssyncset.done $0x0  }
0x1ee: {  	[sflag:s11] =	ssyncadd.s32 $0xFFFFFE00  }
0x1ef: {  	[bflag:$0x0] =	sbarrier.arrive $0xFFFF  }
0x1f0: {  	s7 =	rddreg [dreg:$0x1d]  }
0x1f1: {  	[hbm:s7], [sflag:s8] =	dma.local [spmem:s30], $0x1400  }
0x1f2: {  	_ =	swait.ge [sflag:s11], $0x1400  }
0x1f3: {  	[sflag:s11] =	ssyncset.done $0x0  }
0x1f4: {  	[sflag:s11] =	ssyncadd.s32 $0xFFFFEC00  }
0x1f5: {  	[tilespmem:s1], [sflag:$0x2] =	stream.linear.gather [spmem:s31], $0x140, $0x38;
	[tilespmem:$0x1B250] =	vst v63  }
0x1f6: {  	_ =	swait.ge [sflag:s11], $0x140  }
0x1f7: {  	s9 =	sld [smem:$0x7FD];
	_ =	sdelay $0x2  }
0x1f8: {  	s9 =	ssub.s32 $0x2, s9  }
0x1f9: {  	s13 =	smov.u32 s5;
	s5 =	sshrl.u32 s9, $0x1  }
0x1fa: {  	s5 =	ssub.s32 s9, s5  }
0x1fb: {  	s5 =	smax.u32 s5, $0x1  }
0x1fc: {  	[sflag:s11] =	ssyncset.done $0x0;
	p0 =	sne.s32 s5, $0x1  }
.Ltmp0:
0x1fd: {  	s7 =	rddreg [dreg:$0x1e];
	[sflag:s11] =	ssyncadd.s32 $0xFFFFFEC0;
	(pc) =	sbr.rel @!p0 .LBB2_3-.Ltmp0, $4  }
0x1fe: {  	[hbm4b:s7+s4] =	stream.linear.scatter [tilespmem:s1], [sflag:$0x2], $0x140, $0x38;
	[tilespmem:$0x1B250] =	vst v63  }
0x1ff: {  	_ =	swait.ge [sflag:s11], $0x140  }
0x200: {  	[sflag:s11] =	ssyncset.done $0x0  }
0x201: {  	[sflag:s11] =	ssyncadd.s32 $0xFFFFFEC0;
	s5 =	sadd.s32 $0xFFFFFFFF, s5  }
0x202: {  	s9 =	simm.s32 $0x10600  }
.LBB2_2:
0x203: {  	[bflag:$0x0] =	sbarrier.arrive $0xFFFF  }
0x204: {  	[tilespmem:$0x10420] =	vst v0  }
0x205: {  	[tilespmem:$0x10430] =	vst v0  }
0x206: {  	[tilespmem:$0x10440] =	vst v0  }
0x207: {  	[tilespmem:$0x10450] =	vst v0  }
0x208: {  	[tilespmem:$0x10460] =	vst v0  }
0x209: {  	[tilespmem:$0x10470] =	vst v0  }
0x20a: {  	[tilespmem:$0x10480] =	vst v0  }
0x20b: {  	[tilespmem:$0x10490] =	vst v0  }
0x20c: {  	[tilespmem:$0x104A0] =	vst v0  }
0x20d: {  	[tilespmem:$0x104B0] =	vst v0  }
0x20e: {  	[tilespmem:$0x104C0] =	vst v0  }
0x20f: {  	[tilespmem:$0x104D0] =	vst v0  }
0x210: {  	[tilespmem:$0x104E0] =	vst v0  }
0x211: {  	[tilespmem:$0x104F0] =	vst v0  }
0x212: {  	[tilespmem:$0x10500] =	vst v0  }
0x213: {  	[tilespmem:$0x10510] =	vst v0  }
0x214: {  	[tilespmem:$0x10520] =	vst v0  }
0x215: {  	[tilespmem:$0x10530] =	vst v0  }
0x216: {  	[tilespmem:$0x10540] =	vst v0  }
0x217: {  	[tilespmem:$0x10550] =	vst v0  }
0x218: {  	[tilespmem:$0x10560] =	vst v0  }
0x219: {  	[tilespmem:$0x10570] =	vst v0  }
0x21a: {  	[tilespmem:$0x10580] =	vst v0  }
0x21b: {  	[tilespmem:$0x10590] =	vst v0  }
0x21c: {  	[tilespmem:$0x105A0] =	vst v0  }
0x21d: {  	[tilespmem:$0x10400] =	vst v0  }
0x21e: {  	[tilespmem:$0x10740] =	vst v1  }
0x21f: {  	[tilespmem:$0x10730] =	vst v1  }
0x220: {  	[tilespmem:$0x10720] =	vst v1  }
0x221: {  	[tilespmem:$0x10710] =	vst v1  }
0x222: {  	[tilespmem:$0x10700] =	vst v1  }
0x223: {  	[tilespmem:$0x106F0] =	vst v1  }
0x224: {  	[tilespmem:$0x106E0] =	vst v1  }
0x225: {  	[tilespmem:$0x106D0] =	vst v1  }
0x226: {  	[tilespmem:$0x106C0] =	vst v1  }
0x227: {  	[tilespmem:$0x106B0] =	vst v1  }
0x228: {  	[tilespmem:$0x106A0] =	vst v1  }
0x229: {  	[tilespmem:$0x10690] =	vst v1  }
0x22a: {  	[tilespmem:$0x10680] =	vst v1  }
0x22b: {  	[tilespmem:$0x10670] =	vst v1  }
0x22c: {  	[tilespmem:$0x10660] =	vst v1  }
0x22d: {  	[tilespmem:$0x10650] =	vst v1  }
0x22e: {  	[tilespmem:$0x10640] =	vst v1  }
0x22f: {  	[tilespmem:$0x10630] =	vst v1  }
0x230: {  	[tilespmem:$0x10620] =	vst v1  }
0x231: {  	[tilespmem:$0x10610] =	vst v1  }
0x232: {  	[tilespmem:$0x10600] =	vst v1  }
0x233: {  	[tilespmem:$0x105F0] =	vst v0  }
0x234: {  	[tilespmem:$0x105E0] =	vst v0  }
0x235: {  	[tilespmem:$0x105D0] =	vst v0  }
0x236: {  	[tilespmem:$0x105C0] =	vst v0  }
0x237: {  	[tilespmem:$0x105B0] =	vst v0  }
0x238: {  	[tilespmem:$0x10410] =	vst v0  }
0x239: {  	[spmem:s10], [sflag:s8] =	dma.local [hbm:s6], $0x1500  }
0x23a: {  	_ =	swait.ge [sflag:s11], $0x1500  }
0x23b: {  	[sflag:s11] =	ssyncset.done $0x0  }
0x23c: {  	[sflag:s11] =	ssyncadd.s32 $0xFFFFEB00  }
0x23d: {  	[spmem:s12] =	stream.linear.scatter [tilespmem:s9], [sflag:$0x2], $0x150, $0x38;
	[tilespmem:$0x1B250] =	vst v63  }
0x23e: {  	_ =	swait.ge [sflag:s11], $0x150  }
0x23f: {  	[sflag:s11] =	ssyncset.done $0x0  }
0x240: {  	[sflag:s11] =	ssyncadd.s32 $0xFFFFFEB0  }
0x241: {  	[bflag:$0x0] =	sbarrier.arrive $0xFFFF  }
0x242: {  	[tilespmem:s4], [sflag:$0x2] =	stream.strided.gather [hbm4b:s14+s15], $0x200, s16, s15, $0x38;
	[tilespmem:$0x1B250] =	vst v63  }
0x243: {  	_ =	swait.ge [sflag:s11], $0x200  }
0x244: {  	[sflag:s11] =	ssyncset.done $0x0  }
0x245: {  	s7 =	rddreg [dreg:$0x9];
	[sflag:s11] =	ssyncadd.s32 $0xFFFFFE00  }
0x246: {  	[tilespmem:s17], [sflag:$0x2] =	stream.strided.gather [hbm4b:s7+s15], $0x200, s16, s15, $0x38;
	[tilespmem:$0x1B250] =	vst v63  }
0x247: {  	_ =	swait.ge [sflag:s11], $0x200  }
0x248: {  	[sflag:s11] =	ssyncset.done $0x0  }
0x249: {  	[sflag:s11] =	ssyncadd.s32 $0xFFFFFE00  }
0x24a: {  	[tilespmem:s16], [sflag:$0x1] =	stream.indirect.gather [hbm4b:s0+s17], $0x80, s4, s17, $0xb8;
	[tilespmem:$0x1B250] =	vst v63  }
0x24b: {  	_ =	swait.ge [sflag:s18], $0x10000  }
0x24c: {  	[sflag:s18] =	ssyncset.done $0x0  }
0x24d: {  	[sflag:s18] =	ssyncadd.s32 $0xFFFF0000  }
0x24e: {  	[spmem:s2] =	stream.indirect.scatter.add.f32 [tilespmem:s16], [sflag:$0x2], $0x80, s17, s17, $0xb8;
	[tilespmem:$0x1B250] =	vst v63  }
0x24f: {  	_ =	swait.ge [sflag:s11], $0x10000  }
0x250: {  	[sflag:s11] =	ssyncset.done $0x0  }
0x251: {  	[sflag:s11] =	ssyncadd.s32 $0xFFFF0000  }
0x252: {  	[spmem:s3] =	stream.indirect.scatter.add.f32 [tilespmem:s19], [sflag:$0x2], $0x1, s17, s17, $0xb8;
	[tilespmem:$0x1B250] =	vst v63  }
0x253: {  	_ =	swait.ge [sflag:s11], $0x200  }
0x254: {  	[sflag:s11] =	ssyncset.done $0x0  }
0x255: {  	[sflag:s11] =	ssyncadd.s32 $0xFFFFFE00  }
0x256: {  	[tilespmem:s4], [sflag:$0x2] =	stream.strided.gather [hbm4b:s20+s15], $0x200, s16, s15, $0x38;
	[tilespmem:$0x1B250] =	vst v63  }
0x257: {  	_ =	swait.ge [sflag:s11], $0x200  }
0x258: {  	[sflag:s11] =	ssyncset.done $0x0  }
0x259: {  	s7 =	rddreg [dreg:$0xa];
	[sflag:s11] =	ssyncadd.s32 $0xFFFFFE00  }
0x25a: {  	[tilespmem:s17], [sflag:$0x2] =	stream.strided.gather [hbm4b:s7+s15], $0x200, s16, s15, $0x38;
	[tilespmem:$0x1B250] =	vst v63  }
0x25b: {  	_ =	swait.ge [sflag:s11], $0x200  }
0x25c: {  	[sflag:s11] =	ssyncset.done $0x0  }
0x25d: {  	[sflag:s11] =	ssyncadd.s32 $0xFFFFFE00  }
0x25e: {  	[tilespmem:s16], [sflag:$0x1] =	stream.indirect.gather [hbm4b:s0+s17], $0x80, s4, s17, $0xb8;
	[tilespmem:$0x1B250] =	vst v63  }
0x25f: {  	_ =	swait.ge [sflag:s18], $0x10000  }
0x260: {  	[sflag:s18] =	ssyncset.done $0x0  }
0x261: {  	[sflag:s18] =	ssyncadd.s32 $0xFFFF0000  }
0x262: {  	[spmem:s2] =	stream.indirect.scatter.add.f32 [tilespmem:s16], [sflag:$0x2], $0x80, s17, s17, $0xb8;
	[tilespmem:$0x1B250] =	vst v63  }
0x263: {  	_ =	swait.ge [sflag:s11], $0x10000  }
0x264: {  	[sflag:s11] =	ssyncset.done $0x0  }
0x265: {  	[sflag:s11] =	ssyncadd.s32 $0xFFFF0000  }
0x266: {  	[spmem:s3] =	stream.indirect.scatter.add.f32 [tilespmem:s19], [sflag:$0x2], $0x1, s17, s17, $0xb8;
	[tilespmem:$0x1B250] =	vst v63  }
0x267: {  	_ =	swait.ge [sflag:s11], $0x200  }
0x268: {  	[sflag:s11] =	ssyncset.done $0x0  }
0x269: {  	[sflag:s11] =	ssyncadd.s32 $0xFFFFFE00  }
0x26a: {  	[tilespmem:s4], [sflag:$0x2] =	stream.strided.gather [hbm4b:s21+s15], $0x200, s16, s15, $0x38;
	[tilespmem:$0x1B250] =	vst v63  }
0x26b: {  	_ =	swait.ge [sflag:s11], $0x200  }
0x26c: {  	[sflag:s11] =	ssyncset.done $0x0  }
0x26d: {  	s7 =	rddreg [dreg:$0xb];
	[sflag:s11] =	ssyncadd.s32 $0xFFFFFE00  }
0x26e: {  	[tilespmem:s17], [sflag:$0x2] =	stream.strided.gather [hbm4b:s7+s15], $0x200, s16, s15, $0x38;
	[tilespmem:$0x1B250] =	vst v63  }
0x26f: {  	_ =	swait.ge [sflag:s11], $0x200  }
0x270: {  	[sflag:s11] =	ssyncset.done $0x0  }
0x271: {  	[sflag:s11] =	ssyncadd.s32 $0xFFFFFE00  }
0x272: {  	[tilespmem:s16], [sflag:$0x1] =	stream.indirect.gather [hbm4b:s0+s17], $0x80, s4, s17, $0xb8;
	[tilespmem:$0x1B250] =	vst v63  }
0x273: {  	_ =	swait.ge [sflag:s18], $0x10000  }
0x274: {  	[sflag:s18] =	ssyncset.done $0x0  }
0x275: {  	[sflag:s18] =	ssyncadd.s32 $0xFFFF0000  }
0x276: {  	[spmem:s2] =	stream.indirect.scatter.add.f32 [tilespmem:s16], [sflag:$0x2], $0x80, s17, s17, $0xb8;
	[tilespmem:$0x1B250] =	vst v63  }
0x277: {  	_ =	swait.ge [sflag:s11], $0x10000  }
0x278: {  	[sflag:s11] =	ssyncset.done $0x0  }
0x279: {  	[sflag:s11] =	ssyncadd.s32 $0xFFFF0000  }
0x27a: {  	[spmem:s3] =	stream.indirect.scatter.add.f32 [tilespmem:s19], [sflag:$0x2], $0x1, s17, s17, $0xb8;
	[tilespmem:$0x1B250] =	vst v63  }
0x27b: {  	_ =	swait.ge [sflag:s11], $0x200  }
0x27c: {  	[sflag:s11] =	ssyncset.done $0x0  }
0x27d: {  	[sflag:s11] =	ssyncadd.s32 $0xFFFFFE00  }
0x27e: {  	[tilespmem:s4], [sflag:$0x2] =	stream.strided.gather [hbm4b:s22+s15], $0x200, s16, s15, $0x38;
	[tilespmem:$0x1B250] =	vst v63  }
0x27f: {  	_ =	swait.ge [sflag:s11], $0x200  }
0x280: {  	[sflag:s11] =	ssyncset.done $0x0  }
0x281: {  	s7 =	rddreg [dreg:$0xc];
	[sflag:s11] =	ssyncadd.s32 $0xFFFFFE00  }
0x282: {  	[tilespmem:s17], [sflag:$0x2] =	stream.strided.gather [hbm4b:s7+s15], $0x200, s16, s15, $0x38;
	[tilespmem:$0x1B250] =	vst v63  }
0x283: {  	_ =	swait.ge [sflag:s11], $0x200  }
0x284: {  	[sflag:s11] =	ssyncset.done $0x0  }
0x285: {  	[sflag:s11] =	ssyncadd.s32 $0xFFFFFE00  }
0x286: {  	[tilespmem:s16], [sflag:$0x1] =	stream.indirect.gather [hbm4b:s0+s17], $0x80, s4, s17, $0xb8;
	[tilespmem:$0x1B250] =	vst v63  }
0x287: {  	_ =	swait.ge [sflag:s18], $0x10000  }
0x288: {  	[sflag:s18] =	ssyncset.done $0x0  }
0x289: {  	[sflag:s18] =	ssyncadd.s32 $0xFFFF0000  }
0x28a: {  	[spmem:s2] =	stream.indirect.scatter.add.f32 [tilespmem:s16], [sflag:$0x2], $0x80, s17, s17, $0xb8;
	[tilespmem:$0x1B250] =	vst v63  }
0x28b: {  	_ =	swait.ge [sflag:s11], $0x10000  }
0x28c: {  	[sflag:s11] =	ssyncset.done $0x0  }
0x28d: {  	[sflag:s11] =	ssyncadd.s32 $0xFFFF0000  }
0x28e: {  	[spmem:s3] =	stream.indirect.scatter.add.f32 [tilespmem:s19], [sflag:$0x2], $0x1, s17, s17, $0xb8;
	[tilespmem:$0x1B250] =	vst v63  }
0x28f: {  	_ =	swait.ge [sflag:s11], $0x200  }
0x290: {  	[sflag:s11] =	ssyncset.done $0x0  }
0x291: {  	[sflag:s11] =	ssyncadd.s32 $0xFFFFFE00  }
0x292: {  	[tilespmem:s4], [sflag:$0x2] =	stream.strided.gather [hbm4b:s23+s15], $0x200, s16, s15, $0x38;
	[tilespmem:$0x1B250] =	vst v63  }
0x293: {  	_ =	swait.ge [sflag:s11], $0x200  }
0x294: {  	[sflag:s11] =	ssyncset.done $0x0  }
0x295: {  	s7 =	rddreg [dreg:$0xd];
	[sflag:s11] =	ssyncadd.s32 $0xFFFFFE00  }
0x296: {  	[tilespmem:s17], [sflag:$0x2] =	stream.strided.gather [hbm4b:s7+s15], $0x200, s16, s15, $0x38;
	[tilespmem:$0x1B250] =	vst v63  }
0x297: {  	_ =	swait.ge [sflag:s11], $0x200  }
0x298: {  	[sflag:s11] =	ssyncset.done $0x0  }
0x299: {  	[sflag:s11] =	ssyncadd.s32 $0xFFFFFE00  }
0x29a: {  	[tilespmem:s16], [sflag:$0x1] =	stream.indirect.gather [hbm4b:s0+s17], $0x80, s4, s17, $0xb8;
	[tilespmem:$0x1B250] =	vst v63  }
0x29b: {  	_ =	swait.ge [sflag:s18], $0x10000  }
0x29c: {  	[sflag:s18] =	ssyncset.done $0x0  }
0x29d: {  	[sflag:s18] =	ssyncadd.s32 $0xFFFF0000  }
0x29e: {  	[spmem:s2] =	stream.indirect.scatter.add.f32 [tilespmem:s16], [sflag:$0x2], $0x80, s17, s17, $0xb8;
	[tilespmem:$0x1B250] =	vst v63  }
0x29f: {  	_ =	swait.ge [sflag:s11], $0x10000  }
0x2a0: {  	[sflag:s11] =	ssyncset.done $0x0  }
0x2a1: {  	[sflag:s11] =	ssyncadd.s32 $0xFFFF0000  }
0x2a2: {  	[spmem:s3] =	stream.indirect.scatter.add.f32 [tilespmem:s19], [sflag:$0x2], $0x1, s17, s17, $0xb8;
	[tilespmem:$0x1B250] =	vst v63  }
0x2a3: {  	_ =	swait.ge [sflag:s11], $0x200  }
0x2a4: {  	[sflag:s11] =	ssyncset.done $0x0  }
0x2a5: {  	[sflag:s11] =	ssyncadd.s32 $0xFFFFFE00  }
0x2a6: {  	[tilespmem:s4], [sflag:$0x2] =	stream.strided.gather [hbm4b:s24+s15], $0x200, s16, s15, $0x38;
	[tilespmem:$0x1B250] =	vst v63  }
0x2a7: {  	_ =	swait.ge [sflag:s11], $0x200  }
0x2a8: {  	[sflag:s11] =	ssyncset.done $0x0  }
0x2a9: {  	s7 =	rddreg [dreg:$0xe];
	[sflag:s11] =	ssyncadd.s32 $0xFFFFFE00  }
0x2aa: {  	[tilespmem:s17], [sflag:$0x2] =	stream.strided.gather [hbm4b:s7+s15], $0x200, s16, s15, $0x38;
	[tilespmem:$0x1B250] =	vst v63  }
0x2ab: {  	_ =	swait.ge [sflag:s11], $0x200  }
0x2ac: {  	[sflag:s11] =	ssyncset.done $0x0  }
0x2ad: {  	[sflag:s11] =	ssyncadd.s32 $0xFFFFFE00  }
0x2ae: {  	[tilespmem:s16], [sflag:$0x1] =	stream.indirect.gather [hbm4b:s0+s17], $0x80, s4, s17, $0xb8;
	[tilespmem:$0x1B250] =	vst v63  }
0x2af: {  	_ =	swait.ge [sflag:s18], $0x10000  }
0x2b0: {  	[sflag:s18] =	ssyncset.done $0x0  }
0x2b1: {  	[sflag:s18] =	ssyncadd.s32 $0xFFFF0000  }
0x2b2: {  	[spmem:s2] =	stream.indirect.scatter.add.f32 [tilespmem:s16], [sflag:$0x2], $0x80, s17, s17, $0xb8;
	[tilespmem:$0x1B250] =	vst v63  }
0x2b3: {  	_ =	swait.ge [sflag:s11], $0x10000  }
0x2b4: {  	[sflag:s11] =	ssyncset.done $0x0  }
0x2b5: {  	[sflag:s11] =	ssyncadd.s32 $0xFFFF0000  }
0x2b6: {  	[spmem:s3] =	stream.indirect.scatter.add.f32 [tilespmem:s19], [sflag:$0x2], $0x1, s17, s17, $0xb8;
	[tilespmem:$0x1B250] =	vst v63  }
0x2b7: {  	_ =	swait.ge [sflag:s11], $0x200  }
0x2b8: {  	[sflag:s11] =	ssyncset.done $0x0  }
0x2b9: {  	[sflag:s11] =	ssyncadd.s32 $0xFFFFFE00  }
0x2ba: {  	[tilespmem:s4], [sflag:$0x2] =	stream.strided.gather [hbm4b:s25+s15], $0x200, s16, s15, $0x38;
	[tilespmem:$0x1B250] =	vst v63  }
0x2bb: {  	_ =	swait.ge [sflag:s11], $0x200  }
0x2bc: {  	[sflag:s11] =	ssyncset.done $0x0  }
0x2bd: {  	s7 =	rddreg [dreg:$0xf];
	[sflag:s11] =	ssyncadd.s32 $0xFFFFFE00  }
0x2be: {  	[tilespmem:s17], [sflag:$0x2] =	stream.strided.gather [hbm4b:s7+s15], $0x200, s16, s15, $0x38;
	[tilespmem:$0x1B250] =	vst v63  }
0x2bf: {  	_ =	swait.ge [sflag:s11], $0x200  }
0x2c0: {  	[sflag:s11] =	ssyncset.done $0x0  }
0x2c1: {  	[sflag:s11] =	ssyncadd.s32 $0xFFFFFE00  }
0x2c2: {  	[tilespmem:s16], [sflag:$0x1] =	stream.indirect.gather [hbm4b:s0+s17], $0x80, s4, s17, $0xb8;
	[tilespmem:$0x1B250] =	vst v63  }
0x2c3: {  	_ =	swait.ge [sflag:s18], $0x10000  }
0x2c4: {  	[sflag:s18] =	ssyncset.done $0x0  }
0x2c5: {  	[sflag:s18] =	ssyncadd.s32 $0xFFFF0000  }
0x2c6: {  	[spmem:s2] =	stream.indirect.scatter.add.f32 [tilespmem:s16], [sflag:$0x2], $0x80, s17, s17, $0xb8;
	[tilespmem:$0x1B250] =	vst v63  }
0x2c7: {  	_ =	swait.ge [sflag:s11], $0x10000  }
0x2c8: {  	[sflag:s11] =	ssyncset.done $0x0  }
0x2c9: {  	[sflag:s11] =	ssyncadd.s32 $0xFFFF0000  }
0x2ca: {  	[spmem:s3] =	stream.indirect.scatter.add.f32 [tilespmem:s19], [sflag:$0x2], $0x1, s17, s17, $0xb8;
	[tilespmem:$0x1B250] =	vst v63  }
0x2cb: {  	_ =	swait.ge [sflag:s11], $0x200  }
0x2cc: {  	[sflag:s11] =	ssyncset.done $0x0  }
0x2cd: {  	[sflag:s11] =	ssyncadd.s32 $0xFFFFFE00  }
0x2ce: {  	[tilespmem:s4], [sflag:$0x2] =	stream.strided.gather [hbm4b:s26+s15], $0x200, s16, s15, $0x38;
	[tilespmem:$0x1B250] =	vst v63  }
0x2cf: {  	_ =	swait.ge [sflag:s11], $0x200  }
0x2d0: {  	[sflag:s11] =	ssyncset.done $0x0  }
0x2d1: {  	s7 =	rddreg [dreg:$0x10];
	[sflag:s11] =	ssyncadd.s32 $0xFFFFFE00  }
0x2d2: {  	[tilespmem:s17], [sflag:$0x2] =	stream.strided.gather [hbm4b:s7+s15], $0x200, s16, s15, $0x38;
	[tilespmem:$0x1B250] =	vst v63  }
0x2d3: {  	_ =	swait.ge [sflag:s11], $0x200  }
0x2d4: {  	[sflag:s11] =	ssyncset.done $0x0  }
0x2d5: {  	[sflag:s11] =	ssyncadd.s32 $0xFFFFFE00  }
0x2d6: {  	[tilespmem:s16], [sflag:$0x1] =	stream.indirect.gather [hbm4b:s0+s17], $0x80, s4, s17, $0xb8;
	[tilespmem:$0x1B250] =	vst v63  }
0x2d7: {  	_ =	swait.ge [sflag:s18], $0x10000  }
0x2d8: {  	[sflag:s18] =	ssyncset.done $0x0  }
0x2d9: {  	[sflag:s18] =	ssyncadd.s32 $0xFFFF0000  }
0x2da: {  	[spmem:s2] =	stream.indirect.scatter.add.f32 [tilespmem:s16], [sflag:$0x2], $0x80, s17, s17, $0xb8;
	[tilespmem:$0x1B250] =	vst v63  }
0x2db: {  	_ =	swait.ge [sflag:s11], $0x10000  }
0x2dc: {  	[sflag:s11] =	ssyncset.done $0x0  }
0x2dd: {  	[sflag:s11] =	ssyncadd.s32 $0xFFFF0000  }
0x2de: {  	[spmem:s3] =	stream.indirect.scatter.add.f32 [tilespmem:s19], [sflag:$0x2], $0x1, s17, s17, $0xb8;
	[tilespmem:$0x1B250] =	vst v63  }
0x2df: {  	_ =	swait.ge [sflag:s11], $0x200  }
0x2e0: {  	[sflag:s11] =	ssyncset.done $0x0  }
0x2e1: {  	[sflag:s11] =	ssyncadd.s32 $0xFFFFFE00  }
0x2e2: {  	[tilespmem:s4], [sflag:$0x2] =	stream.strided.gather [hbm4b:s28+s15], $0x200, s16, s15, $0x38;
	[tilespmem:$0x1B250] =	vst v63  }
0x2e3: {  	_ =	swait.ge [sflag:s11], $0x200  }
0x2e4: {  	[sflag:s11] =	ssyncset.done $0x0  }
0x2e5: {  	s7 =	rddreg [dreg:$0x11];
	[sflag:s11] =	ssyncadd.s32 $0xFFFFFE00  }
0x2e6: {  	[tilespmem:s17], [sflag:$0x2] =	stream.strided.gather [hbm4b:s7+s15], $0x200, s16, s15, $0x38;
	[tilespmem:$0x1B250] =	vst v63  }
0x2e7: {  	_ =	swait.ge [sflag:s11], $0x200  }
0x2e8: {  	[sflag:s11] =	ssyncset.done $0x0  }
0x2e9: {  	[sflag:s11] =	ssyncadd.s32 $0xFFFFFE00  }
0x2ea: {  	[tilespmem:s16], [sflag:$0x1] =	stream.indirect.gather [hbm4b:s0+s17], $0x80, s4, s17, $0xb8;
	[tilespmem:$0x1B250] =	vst v63  }
0x2eb: {  	_ =	swait.ge [sflag:s18], $0x10000  }
0x2ec: {  	[sflag:s18] =	ssyncset.done $0x0  }
0x2ed: {  	[sflag:s18] =	ssyncadd.s32 $0xFFFF0000  }
0x2ee: {  	[spmem:s2] =	stream.indirect.scatter.add.f32 [tilespmem:s16], [sflag:$0x2], $0x80, s17, s17, $0xb8;
	[tilespmem:$0x1B250] =	vst v63  }
0x2ef: {  	_ =	swait.ge [sflag:s11], $0x10000  }
0x2f0: {  	[sflag:s11] =	ssyncset.done $0x0  }
0x2f1: {  	[sflag:s11] =	ssyncadd.s32 $0xFFFF0000  }
0x2f2: {  	[spmem:s3] =	stream.indirect.scatter.add.f32 [tilespmem:s19], [sflag:$0x2], $0x1, s17, s17, $0xb8;
	[tilespmem:$0x1B250] =	vst v63  }
0x2f3: {  	_ =	swait.ge [sflag:s11], $0x200  }
0x2f4: {  	[sflag:s11] =	ssyncset.done $0x0  }
0x2f5: {  	[sflag:s11] =	ssyncadd.s32 $0xFFFFFE00  }
0x2f6: {  	[tilespmem:s4], [sflag:$0x2] =	stream.strided.gather [hbm4b:s29+s15], $0x200, s16, s15, $0x38;
	[tilespmem:$0x1B250] =	vst v63  }
0x2f7: {  	_ =	swait.ge [sflag:s11], $0x200  }
0x2f8: {  	[sflag:s11] =	ssyncset.done $0x0  }
0x2f9: {  	s7 =	rddreg [dreg:$0x12];
	[sflag:s11] =	ssyncadd.s32 $0xFFFFFE00  }
0x2fa: {  	[tilespmem:s17], [sflag:$0x2] =	stream.strided.gather [hbm4b:s7+s15], $0x200, s16, s15, $0x38;
	[tilespmem:$0x1B250] =	vst v63  }
0x2fb: {  	_ =	swait.ge [sflag:s11], $0x200  }
0x2fc: {  	[sflag:s11] =	ssyncset.done $0x0  }
0x2fd: {  	[sflag:s11] =	ssyncadd.s32 $0xFFFFFE00  }
0x2fe: {  	[tilespmem:s16], [sflag:$0x1] =	stream.indirect.gather [hbm4b:s0+s17], $0x80, s4, s17, $0xb8;
	[tilespmem:$0x1B250] =	vst v63  }
0x2ff: {  	_ =	swait.ge [sflag:s18], $0x10000  }
0x300: {  	[sflag:s18] =	ssyncset.done $0x0  }
0x301: {  	[sflag:s18] =	ssyncadd.s32 $0xFFFF0000  }
0x302: {  	[spmem:s2] =	stream.indirect.scatter.add.f32 [tilespmem:s16], [sflag:$0x2], $0x80, s17, s17, $0xb8;
	[tilespmem:$0x1B250] =	vst v63  }
0x303: {  	_ =	swait.ge [sflag:s11], $0x10000  }
0x304: {  	[sflag:s11] =	ssyncset.done $0x0  }
0x305: {  	[sflag:s11] =	ssyncadd.s32 $0xFFFF0000  }
0x306: {  	[spmem:s3] =	stream.indirect.scatter.add.f32 [tilespmem:s19], [sflag:$0x2], $0x1, s17, s17, $0xb8;
	[tilespmem:$0x1B250] =	vst v63  }
0x307: {  	_ =	swait.ge [sflag:s11], $0x200  }
0x308: {  	[sflag:s11] =	ssyncset.done $0x0  }
0x309: {  	[sflag:s11] =	ssyncadd.s32 $0xFFFFFE00  }
0x30a: {  	[bflag:$0x0] =	sbarrier.arrive $0xFFFF  }
0x30b: {  	s7 =	rddreg [dreg:$0x1f]  }
0x30c: {  	[hbm:s7], [sflag:s8] =	dma.local [spmem:s30], $0x1400  }
0x30d: {  	_ =	swait.ge [sflag:s11], $0x1400  }
0x30e: {  	[sflag:s11] =	ssyncset.done $0x0  }
0x30f: {  	[sflag:s11] =	ssyncadd.s32 $0xFFFFEC00  }
0x310: {  	[tilespmem:s1], [sflag:$0x2] =	stream.linear.gather [spmem:s31], $0x140, $0x38;
	[tilespmem:$0x1B250] =	vst v63  }
0x311: {  	_ =	swait.ge [sflag:s11], $0x140  }
0x312: {  	[sflag:s11] =	ssyncset.done $0x0  }
0x313: {  	[sflag:s11] =	ssyncadd.s32 $0xFFFFFEC0  }
0x314: {  	[hbm4b:s13+s4] =	stream.linear.scatter [tilespmem:s1], [sflag:$0x2], $0x140, $0x38;
	[tilespmem:$0x1B250] =	vst v63  }
0x315: {  	_ =	swait.ge [sflag:s11], $0x140  }
0x316: {  	[sflag:s11] =	ssyncset.done $0x0  }
0x317: {  	[sflag:s11] =	ssyncadd.s32 $0xFFFFFEC0  }
0x318: {  	[bflag:$0x0] =	sbarrier.arrive $0xFFFF  }
0x319: {  	[spmem:s10], [sflag:s8] =	dma.local [hbm:s6], $0x1500  }
0x31a: {  	_ =	swait.ge [sflag:s11], $0x1500  }
0x31b: {  	[sflag:s11] =	ssyncset.done $0x0  }
0x31c: {  	[sflag:s11] =	ssyncadd.s32 $0xFFFFEB00  }
0x31d: {  	[spmem:s12] =	stream.linear.scatter [tilespmem:s9], [sflag:$0x2], $0x150, $0x38;
	[tilespmem:$0x1B250] =	vst v63  }
0x31e: {  	_ =	swait.ge [sflag:s11], $0x150  }
0x31f: {  	[sflag:s11] =	ssyncset.done $0x0  }
0x320: {  	[sflag:s11] =	ssyncadd.s32 $0xFFFFFEB0  }
0x321: {  	[bflag:$0x0] =	sbarrier.arrive $0xFFFF  }
0x322: {  	[tilespmem:s4], [sflag:$0x2] =	stream.strided.gather [hbm4b:s14+s15], $0x200, s16, s15, $0x38;
	[tilespmem:$0x1B250] =	vst v63  }
0x323: {  	_ =	swait.ge [sflag:s11], $0x200  }
0x324: {  	[sflag:s11] =	ssyncset.done $0x0  }
0x325: {  	s7 =	rddreg [dreg:$0x13];
	[sflag:s11] =	ssyncadd.s32 $0xFFFFFE00  }
0x326: {  	[tilespmem:s17], [sflag:$0x2] =	stream.strided.gather [hbm4b:s7+s15], $0x200, s16, s15, $0x38;
	[tilespmem:$0x1B250] =	vst v63  }
0x327: {  	_ =	swait.ge [sflag:s11], $0x200  }
0x328: {  	[sflag:s11] =	ssyncset.done $0x0  }
0x329: {  	[sflag:s11] =	ssyncadd.s32 $0xFFFFFE00  }
0x32a: {  	[tilespmem:s16], [sflag:$0x1] =	stream.indirect.gather [hbm4b:s0+s17], $0x80, s4, s17, $0xb8;
	[tilespmem:$0x1B250] =	vst v63  }
0x32b: {  	_ =	swait.ge [sflag:s18], $0x10000  }
0x32c: {  	[sflag:s18] =	ssyncset.done $0x0  }
0x32d: {  	[sflag:s18] =	ssyncadd.s32 $0xFFFF0000  }
0x32e: {  	[spmem:s2] =	stream.indirect.scatter.add.f32 [tilespmem:s16], [sflag:$0x2], $0x80, s17, s17, $0xb8;
	[tilespmem:$0x1B250] =	vst v63  }
0x32f: {  	_ =	swait.ge [sflag:s11], $0x10000  }
0x330: {  	[sflag:s11] =	ssyncset.done $0x0  }
0x331: {  	[sflag:s11] =	ssyncadd.s32 $0xFFFF0000  }
0x332: {  	[spmem:s3] =	stream.indirect.scatter.add.f32 [tilespmem:s19], [sflag:$0x2], $0x1, s17, s17, $0xb8;
	[tilespmem:$0x1B250] =	vst v63  }
0x333: {  	_ =	swait.ge [sflag:s11], $0x200  }
0x334: {  	[sflag:s11] =	ssyncset.done $0x0  }
0x335: {  	[sflag:s11] =	ssyncadd.s32 $0xFFFFFE00  }
0x336: {  	[tilespmem:s4], [sflag:$0x2] =	stream.strided.gather [hbm4b:s20+s15], $0x200, s16, s15, $0x38;
	[tilespmem:$0x1B250] =	vst v63  }
0x337: {  	_ =	swait.ge [sflag:s11], $0x200  }
0x338: {  	[sflag:s11] =	ssyncset.done $0x0  }
0x339: {  	s7 =	rddreg [dreg:$0x14];
	[sflag:s11] =	ssyncadd.s32 $0xFFFFFE00  }
0x33a: {  	[tilespmem:s17], [sflag:$0x2] =	stream.strided.gather [hbm4b:s7+s15], $0x200, s16, s15, $0x38;
	[tilespmem:$0x1B250] =	vst v63  }
0x33b: {  	_ =	swait.ge [sflag:s11], $0x200  }
0x33c: {  	[sflag:s11] =	ssyncset.done $0x0  }
0x33d: {  	[sflag:s11] =	ssyncadd.s32 $0xFFFFFE00  }
0x33e: {  	[tilespmem:s16], [sflag:$0x1] =	stream.indirect.gather [hbm4b:s0+s17], $0x80, s4, s17, $0xb8;
	[tilespmem:$0x1B250] =	vst v63  }
0x33f: {  	_ =	swait.ge [sflag:s18], $0x10000  }
0x340: {  	[sflag:s18] =	ssyncset.done $0x0  }
0x341: {  	[sflag:s18] =	ssyncadd.s32 $0xFFFF0000  }
0x342: {  	[spmem:s2] =	stream.indirect.scatter.add.f32 [tilespmem:s16], [sflag:$0x2], $0x80, s17, s17, $0xb8;
	[tilespmem:$0x1B250] =	vst v63  }
0x343: {  	_ =	swait.ge [sflag:s11], $0x10000  }
0x344: {  	[sflag:s11] =	ssyncset.done $0x0  }
0x345: {  	[sflag:s11] =	ssyncadd.s32 $0xFFFF0000  }
0x346: {  	[spmem:s3] =	stream.indirect.scatter.add.f32 [tilespmem:s19], [sflag:$0x2], $0x1, s17, s17, $0xb8;
	[tilespmem:$0x1B250] =	vst v63  }
0x347: {  	_ =	swait.ge [sflag:s11], $0x200  }
0x348: {  	[sflag:s11] =	ssyncset.done $0x0  }
0x349: {  	[sflag:s11] =	ssyncadd.s32 $0xFFFFFE00  }
0x34a: {  	[tilespmem:s4], [sflag:$0x2] =	stream.strided.gather [hbm4b:s21+s15], $0x200, s16, s15, $0x38;
	[tilespmem:$0x1B250] =	vst v63  }
0x34b: {  	_ =	swait.ge [sflag:s11], $0x200  }
0x34c: {  	[sflag:s11] =	ssyncset.done $0x0  }
0x34d: {  	s7 =	rddreg [dreg:$0x15];
	[sflag:s11] =	ssyncadd.s32 $0xFFFFFE00  }
0x34e: {  	[tilespmem:s17], [sflag:$0x2] =	stream.strided.gather [hbm4b:s7+s15], $0x200, s16, s15, $0x38;
	[tilespmem:$0x1B250] =	vst v63  }
0x34f: {  	_ =	swait.ge [sflag:s11], $0x200  }
0x350: {  	[sflag:s11] =	ssyncset.done $0x0  }
0x351: {  	[sflag:s11] =	ssyncadd.s32 $0xFFFFFE00  }
0x352: {  	[tilespmem:s16], [sflag:$0x1] =	stream.indirect.gather [hbm4b:s0+s17], $0x80, s4, s17, $0xb8;
	[tilespmem:$0x1B250] =	vst v63  }
0x353: {  	_ =	swait.ge [sflag:s18], $0x10000  }
0x354: {  	[sflag:s18] =	ssyncset.done $0x0  }
0x355: {  	[sflag:s18] =	ssyncadd.s32 $0xFFFF0000  }
0x356: {  	[spmem:s2] =	stream.indirect.scatter.add.f32 [tilespmem:s16], [sflag:$0x2], $0x80, s17, s17, $0xb8;
	[tilespmem:$0x1B250] =	vst v63  }
0x357: {  	_ =	swait.ge [sflag:s11], $0x10000  }
0x358: {  	[sflag:s11] =	ssyncset.done $0x0  }
0x359: {  	[sflag:s11] =	ssyncadd.s32 $0xFFFF0000  }
0x35a: {  	[spmem:s3] =	stream.indirect.scatter.add.f32 [tilespmem:s19], [sflag:$0x2], $0x1, s17, s17, $0xb8;
	[tilespmem:$0x1B250] =	vst v63  }
0x35b: {  	_ =	swait.ge [sflag:s11], $0x200  }
0x35c: {  	[sflag:s11] =	ssyncset.done $0x0  }
0x35d: {  	[sflag:s11] =	ssyncadd.s32 $0xFFFFFE00  }
0x35e: {  	[tilespmem:s4], [sflag:$0x2] =	stream.strided.gather [hbm4b:s22+s15], $0x200, s16, s15, $0x38;
	[tilespmem:$0x1B250] =	vst v63  }
0x35f: {  	_ =	swait.ge [sflag:s11], $0x200  }
0x360: {  	[sflag:s11] =	ssyncset.done $0x0  }
0x361: {  	s7 =	rddreg [dreg:$0x16];
	[sflag:s11] =	ssyncadd.s32 $0xFFFFFE00  }
0x362: {  	[tilespmem:s17], [sflag:$0x2] =	stream.strided.gather [hbm4b:s7+s15], $0x200, s16, s15, $0x38;
	[tilespmem:$0x1B250] =	vst v63  }
0x363: {  	_ =	swait.ge [sflag:s11], $0x200  }
0x364: {  	[sflag:s11] =	ssyncset.done $0x0  }
0x365: {  	[sflag:s11] =	ssyncadd.s32 $0xFFFFFE00  }
0x366: {  	[tilespmem:s16], [sflag:$0x1] =	stream.indirect.gather [hbm4b:s0+s17], $0x80, s4, s17, $0xb8;
	[tilespmem:$0x1B250] =	vst v63  }
0x367: {  	_ =	swait.ge [sflag:s18], $0x10000  }
0x368: {  	[sflag:s18] =	ssyncset.done $0x0  }
0x369: {  	[sflag:s18] =	ssyncadd.s32 $0xFFFF0000  }
0x36a: {  	[spmem:s2] =	stream.indirect.scatter.add.f32 [tilespmem:s16], [sflag:$0x2], $0x80, s17, s17, $0xb8;
	[tilespmem:$0x1B250] =	vst v63  }
0x36b: {  	_ =	swait.ge [sflag:s11], $0x10000  }
0x36c: {  	[sflag:s11] =	ssyncset.done $0x0  }
0x36d: {  	[sflag:s11] =	ssyncadd.s32 $0xFFFF0000  }
0x36e: {  	[spmem:s3] =	stream.indirect.scatter.add.f32 [tilespmem:s19], [sflag:$0x2], $0x1, s17, s17, $0xb8;
	[tilespmem:$0x1B250] =	vst v63  }
0x36f: {  	_ =	swait.ge [sflag:s11], $0x200  }
0x370: {  	[sflag:s11] =	ssyncset.done $0x0  }
0x371: {  	[sflag:s11] =	ssyncadd.s32 $0xFFFFFE00  }
0x372: {  	[tilespmem:s4], [sflag:$0x2] =	stream.strided.gather [hbm4b:s23+s15], $0x200, s16, s15, $0x38;
	[tilespmem:$0x1B250] =	vst v63  }
0x373: {  	_ =	swait.ge [sflag:s11], $0x200  }
0x374: {  	[sflag:s11] =	ssyncset.done $0x0  }
0x375: {  	s7 =	rddreg [dreg:$0x17];
	[sflag:s11] =	ssyncadd.s32 $0xFFFFFE00  }
0x376: {  	[tilespmem:s17], [sflag:$0x2] =	stream.strided.gather [hbm4b:s7+s15], $0x200, s16, s15, $0x38;
	[tilespmem:$0x1B250] =	vst v63  }
0x377: {  	_ =	swait.ge [sflag:s11], $0x200  }
0x378: {  	[sflag:s11] =	ssyncset.done $0x0  }
0x379: {  	[sflag:s11] =	ssyncadd.s32 $0xFFFFFE00  }
0x37a: {  	[tilespmem:s16], [sflag:$0x1] =	stream.indirect.gather [hbm4b:s0+s17], $0x80, s4, s17, $0xb8;
	[tilespmem:$0x1B250] =	vst v63  }
0x37b: {  	_ =	swait.ge [sflag:s18], $0x10000  }
0x37c: {  	[sflag:s18] =	ssyncset.done $0x0  }
0x37d: {  	[sflag:s18] =	ssyncadd.s32 $0xFFFF0000  }
0x37e: {  	[spmem:s2] =	stream.indirect.scatter.add.f32 [tilespmem:s16], [sflag:$0x2], $0x80, s17, s17, $0xb8;
	[tilespmem:$0x1B250] =	vst v63  }
0x37f: {  	_ =	swait.ge [sflag:s11], $0x10000  }
0x380: {  	[sflag:s11] =	ssyncset.done $0x0  }
0x381: {  	[sflag:s11] =	ssyncadd.s32 $0xFFFF0000  }
0x382: {  	[spmem:s3] =	stream.indirect.scatter.add.f32 [tilespmem:s19], [sflag:$0x2], $0x1, s17, s17, $0xb8;
	[tilespmem:$0x1B250] =	vst v63  }
0x383: {  	_ =	swait.ge [sflag:s11], $0x200  }
0x384: {  	[sflag:s11] =	ssyncset.done $0x0  }
0x385: {  	[sflag:s11] =	ssyncadd.s32 $0xFFFFFE00  }
0x386: {  	[tilespmem:s4], [sflag:$0x2] =	stream.strided.gather [hbm4b:s24+s15], $0x200, s16, s15, $0x38;
	[tilespmem:$0x1B250] =	vst v63  }
0x387: {  	_ =	swait.ge [sflag:s11], $0x200  }
0x388: {  	[sflag:s11] =	ssyncset.done $0x0  }
0x389: {  	s7 =	rddreg [dreg:$0x18];
	[sflag:s11] =	ssyncadd.s32 $0xFFFFFE00  }
0x38a: {  	[tilespmem:s17], [sflag:$0x2] =	stream.strided.gather [hbm4b:s7+s15], $0x200, s16, s15, $0x38;
	[tilespmem:$0x1B250] =	vst v63  }
0x38b: {  	_ =	swait.ge [sflag:s11], $0x200  }
0x38c: {  	[sflag:s11] =	ssyncset.done $0x0  }
0x38d: {  	[sflag:s11] =	ssyncadd.s32 $0xFFFFFE00  }
0x38e: {  	[tilespmem:s16], [sflag:$0x1] =	stream.indirect.gather [hbm4b:s0+s17], $0x80, s4, s17, $0xb8;
	[tilespmem:$0x1B250] =	vst v63  }
0x38f: {  	_ =	swait.ge [sflag:s18], $0x10000  }
0x390: {  	[sflag:s18] =	ssyncset.done $0x0  }
0x391: {  	[sflag:s18] =	ssyncadd.s32 $0xFFFF0000  }
0x392: {  	[spmem:s2] =	stream.indirect.scatter.add.f32 [tilespmem:s16], [sflag:$0x2], $0x80, s17, s17, $0xb8;
	[tilespmem:$0x1B250] =	vst v63  }
0x393: {  	_ =	swait.ge [sflag:s11], $0x10000  }
0x394: {  	[sflag:s11] =	ssyncset.done $0x0  }
0x395: {  	[sflag:s11] =	ssyncadd.s32 $0xFFFF0000  }
0x396: {  	[spmem:s3] =	stream.indirect.scatter.add.f32 [tilespmem:s19], [sflag:$0x2], $0x1, s17, s17, $0xb8;
	[tilespmem:$0x1B250] =	vst v63  }
0x397: {  	_ =	swait.ge [sflag:s11], $0x200  }
0x398: {  	[sflag:s11] =	ssyncset.done $0x0  }
0x399: {  	[sflag:s11] =	ssyncadd.s32 $0xFFFFFE00  }
0x39a: {  	[tilespmem:s4], [sflag:$0x2] =	stream.strided.gather [hbm4b:s25+s15], $0x200, s16, s15, $0x38;
	[tilespmem:$0x1B250] =	vst v63  }
0x39b: {  	_ =	swait.ge [sflag:s11], $0x200  }
0x39c: {  	[sflag:s11] =	ssyncset.done $0x0  }
0x39d: {  	s7 =	rddreg [dreg:$0x19];
	[sflag:s11] =	ssyncadd.s32 $0xFFFFFE00  }
0x39e: {  	[tilespmem:s17], [sflag:$0x2] =	stream.strided.gather [hbm4b:s7+s15], $0x200, s16, s15, $0x38;
	[tilespmem:$0x1B250] =	vst v63  }
0x39f: {  	_ =	swait.ge [sflag:s11], $0x200  }
0x3a0: {  	[sflag:s11] =	ssyncset.done $0x0  }
0x3a1: {  	[sflag:s11] =	ssyncadd.s32 $0xFFFFFE00  }
0x3a2: {  	[tilespmem:s16], [sflag:$0x1] =	stream.indirect.gather [hbm4b:s0+s17], $0x80, s4, s17, $0xb8;
	[tilespmem:$0x1B250] =	vst v63  }
0x3a3: {  	_ =	swait.ge [sflag:s18], $0x10000  }
0x3a4: {  	[sflag:s18] =	ssyncset.done $0x0  }
0x3a5: {  	[sflag:s18] =	ssyncadd.s32 $0xFFFF0000  }
0x3a6: {  	[spmem:s2] =	stream.indirect.scatter.add.f32 [tilespmem:s16], [sflag:$0x2], $0x80, s17, s17, $0xb8;
	[tilespmem:$0x1B250] =	vst v63  }
0x3a7: {  	_ =	swait.ge [sflag:s11], $0x10000  }
0x3a8: {  	[sflag:s11] =	ssyncset.done $0x0  }
0x3a9: {  	[sflag:s11] =	ssyncadd.s32 $0xFFFF0000  }
0x3aa: {  	[spmem:s3] =	stream.indirect.scatter.add.f32 [tilespmem:s19], [sflag:$0x2], $0x1, s17, s17, $0xb8;
	[tilespmem:$0x1B250] =	vst v63  }
0x3ab: {  	_ =	swait.ge [sflag:s11], $0x200  }
0x3ac: {  	[sflag:s11] =	ssyncset.done $0x0  }
0x3ad: {  	[sflag:s11] =	ssyncadd.s32 $0xFFFFFE00  }
0x3ae: {  	[tilespmem:s4], [sflag:$0x2] =	stream.strided.gather [hbm4b:s26+s15], $0x200, s16, s15, $0x38;
	[tilespmem:$0x1B250] =	vst v63  }
0x3af: {  	_ =	swait.ge [sflag:s11], $0x200  }
0x3b0: {  	[sflag:s11] =	ssyncset.done $0x0  }
0x3b1: {  	s7 =	rddreg [dreg:$0x1a];
	[sflag:s11] =	ssyncadd.s32 $0xFFFFFE00  }
0x3b2: {  	[tilespmem:s17], [sflag:$0x2] =	stream.strided.gather [hbm4b:s7+s15], $0x200, s16, s15, $0x38;
	[tilespmem:$0x1B250] =	vst v63  }
0x3b3: {  	_ =	swait.ge [sflag:s11], $0x200  }
0x3b4: {  	[sflag:s11] =	ssyncset.done $0x0  }
0x3b5: {  	[sflag:s11] =	ssyncadd.s32 $0xFFFFFE00  }
0x3b6: {  	[tilespmem:s16], [sflag:$0x1] =	stream.indirect.gather [hbm4b:s0+s17], $0x80, s4, s17, $0xb8;
	[tilespmem:$0x1B250] =	vst v63  }
0x3b7: {  	_ =	swait.ge [sflag:s18], $0x10000  }
0x3b8: {  	[sflag:s18] =	ssyncset.done $0x0  }
0x3b9: {  	[sflag:s18] =	ssyncadd.s32 $0xFFFF0000  }
0x3ba: {  	[spmem:s2] =	stream.indirect.scatter.add.f32 [tilespmem:s16], [sflag:$0x2], $0x80, s17, s17, $0xb8;
	[tilespmem:$0x1B250] =	vst v63  }
0x3bb: {  	_ =	swait.ge [sflag:s11], $0x10000  }
0x3bc: {  	[sflag:s11] =	ssyncset.done $0x0  }
0x3bd: {  	[sflag:s11] =	ssyncadd.s32 $0xFFFF0000  }
0x3be: {  	[spmem:s3] =	stream.indirect.scatter.add.f32 [tilespmem:s19], [sflag:$0x2], $0x1, s17, s17, $0xb8;
	[tilespmem:$0x1B250] =	vst v63  }
0x3bf: {  	_ =	swait.ge [sflag:s11], $0x200  }
0x3c0: {  	[sflag:s11] =	ssyncset.done $0x0  }
0x3c1: {  	[sflag:s11] =	ssyncadd.s32 $0xFFFFFE00  }
0x3c2: {  	[tilespmem:s4], [sflag:$0x2] =	stream.strided.gather [hbm4b:s28+s15], $0x200, s16, s15, $0x38;
	[tilespmem:$0x1B250] =	vst v63  }
0x3c3: {  	_ =	swait.ge [sflag:s11], $0x200  }
0x3c4: {  	[sflag:s11] =	ssyncset.done $0x0  }
0x3c5: {  	s7 =	rddreg [dreg:$0x1b];
	[sflag:s11] =	ssyncadd.s32 $0xFFFFFE00  }
0x3c6: {  	[tilespmem:s17], [sflag:$0x2] =	stream.strided.gather [hbm4b:s7+s15], $0x200, s16, s15, $0x38;
	[tilespmem:$0x1B250] =	vst v63  }
0x3c7: {  	_ =	swait.ge [sflag:s11], $0x200  }
0x3c8: {  	[sflag:s11] =	ssyncset.done $0x0  }
0x3c9: {  	[sflag:s11] =	ssyncadd.s32 $0xFFFFFE00  }
0x3ca: {  	[tilespmem:s16], [sflag:$0x1] =	stream.indirect.gather [hbm4b:s0+s17], $0x80, s4, s17, $0xb8;
	[tilespmem:$0x1B250] =	vst v63  }
0x3cb: {  	_ =	swait.ge [sflag:s18], $0x10000  }
0x3cc: {  	[sflag:s18] =	ssyncset.done $0x0  }
0x3cd: {  	[sflag:s18] =	ssyncadd.s32 $0xFFFF0000  }
0x3ce: {  	[spmem:s2] =	stream.indirect.scatter.add.f32 [tilespmem:s16], [sflag:$0x2], $0x80, s17, s17, $0xb8;
	[tilespmem:$0x1B250] =	vst v63  }
0x3cf: {  	_ =	swait.ge [sflag:s11], $0x10000  }
0x3d0: {  	[sflag:s11] =	ssyncset.done $0x0  }
0x3d1: {  	[sflag:s11] =	ssyncadd.s32 $0xFFFF0000  }
0x3d2: {  	[spmem:s3] =	stream.indirect.scatter.add.f32 [tilespmem:s19], [sflag:$0x2], $0x1, s17, s17, $0xb8;
	[tilespmem:$0x1B250] =	vst v63  }
0x3d3: {  	_ =	swait.ge [sflag:s11], $0x200  }
0x3d4: {  	[sflag:s11] =	ssyncset.done $0x0  }
0x3d5: {  	[sflag:s11] =	ssyncadd.s32 $0xFFFFFE00  }
0x3d6: {  	[tilespmem:s4], [sflag:$0x2] =	stream.strided.gather [hbm4b:s29+s15], $0x200, s16, s15, $0x38;
	[tilespmem:$0x1B250] =	vst v63  }
0x3d7: {  	_ =	swait.ge [sflag:s11], $0x200  }
0x3d8: {  	[sflag:s11] =	ssyncset.done $0x0  }
0x3d9: {  	s7 =	rddreg [dreg:$0x1c];
	[sflag:s11] =	ssyncadd.s32 $0xFFFFFE00  }
0x3da: {  	[tilespmem:s17], [sflag:$0x2] =	stream.strided.gather [hbm4b:s7+s15], $0x200, s16, s15, $0x38;
	[tilespmem:$0x1B250] =	vst v63  }
0x3db: {  	_ =	swait.ge [sflag:s11], $0x200  }
0x3dc: {  	[sflag:s11] =	ssyncset.done $0x0  }
0x3dd: {  	[sflag:s11] =	ssyncadd.s32 $0xFFFFFE00  }
0x3de: {  	[tilespmem:s16], [sflag:$0x1] =	stream.indirect.gather [hbm4b:s0+s17], $0x80, s4, s17, $0xb8;
	[tilespmem:$0x1B250] =	vst v63  }
0x3df: {  	_ =	swait.ge [sflag:s18], $0x10000  }
0x3e0: {  	[sflag:s18] =	ssyncset.done $0x0  }
0x3e1: {  	[sflag:s18] =	ssyncadd.s32 $0xFFFF0000  }
0x3e2: {  	[spmem:s2] =	stream.indirect.scatter.add.f32 [tilespmem:s16], [sflag:$0x2], $0x80, s17, s17, $0xb8;
	[tilespmem:$0x1B250] =	vst v63  }
0x3e3: {  	_ =	swait.ge [sflag:s11], $0x10000  }
0x3e4: {  	[sflag:s11] =	ssyncset.done $0x0  }
0x3e5: {  	[sflag:s11] =	ssyncadd.s32 $0xFFFF0000  }
0x3e6: {  	[spmem:s3] =	stream.indirect.scatter.add.f32 [tilespmem:s19], [sflag:$0x2], $0x1, s17, s17, $0xb8;
	[tilespmem:$0x1B250] =	vst v63  }
0x3e7: {  	_ =	swait.ge [sflag:s11], $0x200  }
0x3e8: {  	[sflag:s11] =	ssyncset.done $0x0  }
0x3e9: {  	[sflag:s11] =	ssyncadd.s32 $0xFFFFFE00  }
0x3ea: {  	[bflag:$0x0] =	sbarrier.arrive $0xFFFF  }
0x3eb: {  	s7 =	rddreg [dreg:$0x1d]  }
0x3ec: {  	[hbm:s7], [sflag:s8] =	dma.local [spmem:s30], $0x1400  }
0x3ed: {  	_ =	swait.ge [sflag:s11], $0x1400  }
0x3ee: {  	[sflag:s11] =	ssyncset.done $0x0  }
0x3ef: {  	[sflag:s11] =	ssyncadd.s32 $0xFFFFEC00  }
0x3f0: {  	[tilespmem:s1], [sflag:$0x2] =	stream.linear.gather [spmem:s31], $0x140, $0x38;
	[tilespmem:$0x1B250] =	vst v63  }
0x3f1: {  	_ =	swait.ge [sflag:s11], $0x140  }
0x3f2: {  	p0 =	sne.s32 s5, $0x1;
	[sflag:s11] =	ssyncset.done $0x0  }
.Ltmp1:
0x3f3: {  	s7 =	rddreg [dreg:$0x1e];
	[sflag:s11] =	ssyncadd.s32 $0xFFFFFEC0;
	(pc) =	sbr.rel @p0 .LBB2_2-.Ltmp1, $4  }
0x3f4: {  	[hbm4b:s7+s4] =	stream.linear.scatter [tilespmem:s1], [sflag:$0x2], $0x140, $0x38;
	[tilespmem:$0x1B250] =	vst v63  }
0x3f5: {  	_ =	swait.ge [sflag:s11], $0x140  }
0x3f6: {  	[sflag:s11] =	ssyncset.done $0x0  }
0x3f7: {  	s5 =	sadd.s32 $0xFFFFFFFF, s5;
	[sflag:s11] =	ssyncadd.s32 $0xFFFFFEC0  }
.LBB2_3:
0x3f8: {  	[bflag:$0x0] =	sbarrier.arrive $0xFFFF  }
0x3f9: {  	_ =	sfence.sel $0x180000  }
0x3fa: {  	[bflag:$0x0] =	sbarrier.arrive $0xFFFF  }
0x3fb: {  	_ =	strace $0x90000047  }
0x3fc: {  	s0 =	stileid.u32;
	[bflag:$0x2] =	sbarrier.arrive $0xFFFF  }
0x3fd: {  	p0 =	sne.s32 s0, $0x0;
	s0 =	rddreg [dreg:$0x8]  }
0x3fe: {  	s0 =	sadd.s32 @!p0 $0x100000, s0  }
0x3ff: {  	[sflag:s0] =	ssyncadd.tile.s32 @!p0 $0x1;
	_ =	shalt  }
.Lfunc_end2:
_tile_overlayer_lowered:
.L_overlay_start_2:
0x400: {  	(tag) =	ssettag $0x2  }
0x401: {  	s0 =	rddreg [dreg:$0x0];
	s2 =	stileid.u32  }
0x402: {  	s1 =	rddreg [dreg:$0x1];
	p0 =	sne.s32 s2, $0x0  }
0x403: {  	s3 =	rddreg [dreg:$0x2];
	[bflag:$0x3] =	sbarrier.arrive $0xFFFF;
	s2 =	simm.s32 @!p0 $0x1C02  }
0x404: {  	[timem:s3], [sflag:s2] =	dma.local @!p0 [hbm:s0], s1  }
0x405: {  	s0 =	simm.s32 @!p0 $0x2  }
0x406: {  	_ =	swait.ge @!p0 [sflag:s0], s1  }
0x407: {  	s1 =	ssub.s32 @!p0 $0x0, s1;
	[sflag:s0] =	ssyncset.done @!p0 $0x0  }
0x408: {  	[sflag:s0] =	ssyncadd.s32 @!p0 s1  }
0x409: {  	[bflag:$0x3] =	sbarrier.arrive $0xFFFF  }
0x40a: {  	_ =	shalt  }

</sc_bundles>
